<compile_context>
chip_gen: v7x
topology: tpu7x:2x2x1
jax: 0.10.2.dev20260603
libtpu: 0.0.44.dev20260713+nightly
codegen_flags: <defaults>
</compile_context>

<pallas_src>
import functools

import jax
import jax.numpy as jnp
from jax import lax
from jax.experimental import pallas as pl
from jax.experimental.pallas import tpu as pltpu
from jax.experimental.pallas import tpu_sc as plsc

_CH = 1600
_NBUF = 2


@functools.lru_cache(maxsize=None)
def _make_gather(B, S, V, D):
    info = plsc.get_sparse_core_info()
    nw = info.num_cores * info.num_subcores
    b_per_w = B // nw
    n_steps = b_per_w // _CH
    n_super = n_steps // _NBUF
    seq_per_ch = _CH // S
    mesh = plsc.VectorSubcoreMesh(core_axis_name="c", subcore_axis_name="s")

    @functools.partial(
        pl.kernel,
        mesh=mesh,
        out_type=jax.ShapeDtypeStruct((B // S, S, D), jnp.float32),
        scratch_types=[
            pltpu.VMEM((b_per_w,), jnp.int32),
            *[pltpu.VMEM((_CH, D), jnp.float32) for _ in range(_NBUF)],
            *[pltpu.SemaphoreType.DMA for _ in range(2 * _NBUF)],
        ],
        compiler_params=pltpu.CompilerParams(use_tc_tiling_on_sc=False),
    )
    def gather_kernel(idx_hbm, table_hbm, out_hbm, idx_all, *rest):
        rows = rest[:_NBUF]
        sems_g = rest[_NBUF:2 * _NBUF]
        sems_o = rest[2 * _NBUF:]
        wid = lax.axis_index("s") * info.num_cores + lax.axis_index("c")
        base = wid * b_per_w
        seq0 = wid * (b_per_w // S)
        first = _NBUF * _CH
        pltpu.sync_copy(idx_hbm.at[pl.ds(base, first)],
                        idx_all.at[pl.ds(0, first)])

        def g_start(s, j):
            pltpu.async_copy(
                table_hbm.at[idx_all.at[pl.ds(s * _CH, _CH)]],
                rows[j], sems_g[j])

        def g_wait(j):
            pltpu.make_async_copy(
                table_hbm.at[pl.ds(0, _CH)], rows[j], sems_g[j]).wait()

        def o_start(s, j):
            for t in range(seq_per_ch):
                pltpu.async_copy(
                    rows[j].at[pl.ds(t * S, S)],
                    out_hbm.at[seq0 + s * seq_per_ch + t], sems_o[j])

        def o_wait(j):
            for t in range(seq_per_ch):
                pltpu.make_async_copy(
                    rows[j].at[pl.ds(0, S)], out_hbm.at[0],
                    sems_o[j]).wait()

        for j in range(_NBUF):
            g_start(j, j)
        pltpu.sync_copy(idx_hbm.at[pl.ds(base + first, b_per_w - first)],
                        idx_all.at[pl.ds(first, b_per_w - first)])

        def body(ss, carry):
            for j in range(_NBUF):
                g_wait(j)
                o_start(ss * _NBUF + j, j)

            @pl.when(ss + 1 < n_super)
            def _():
                for j in range(_NBUF):
                    o_wait(j)
                    g_start((ss + 1) * _NBUF + j, j)

            return carry

        lax.fori_loop(0, n_super, body, 0)
        for j in range(_NBUF):
            o_wait(j)

    return gather_kernel


def kernel(token_ids, weight):
    idx = token_ids.reshape(-1).astype(jnp.int32)
    n_seq, seq_len = token_ids.shape
    out = _make_gather(idx.shape[0], seq_len, weight.shape[0],
                       weight.shape[1])(idx, weight)
    return out

# --- scband reference (transcript-rebuilt; emitter-appended) ---
"""Pipeline reference for scband-embedding-59785944761229 (READ-ONLY COPY).

The authoritative reference and input builder live on the scoring server;
editing this copy changes nothing except your own understanding.
"""

import jax, jax.numpy as jnp
import numpy as np

NUM_EMBEDDINGS = 1000000
EMBEDDING_DIM = 32

def setup_inputs(seed: int = 0) -> dict:
    key = jax.random.key(seed)
    k1, k2 = jax.random.split(key)
    token_ids = jax.random.randint(k1, (16384, 50), 0, NUM_EMBEDDINGS, dtype=jnp.int64 if jax.config.jax_enable_x64 else jnp.int32)
    std = (2.0 / (NUM_EMBEDDINGS + EMBEDDING_DIM)) ** 0.5
    weight = jax.random.truncated_normal(k2, -1.0, 1.0, (NUM_EMBEDDINGS, EMBEDDING_DIM), dtype=jnp.float32) * std
    return {"token_ids": token_ids, "weight": weight}

def reference(token_ids, weight):
    # Faithful translation of Embedding.forward: self.weight[token_ids]
    return jnp.take(weight, token_ids, axis=0)

if __name__ == "__main__":
    import jax
    _d = setup_inputs()
    print(jax.jit(kernel)(*tuple(_d.values())))

</pallas_src>

<mosaic_0001>
#map = affine_map<(d0, d1) -> (0)>
#map1 = affine_map<(d0, d1) -> (0, 0)>
#map2 = affine_map<(d0, d1) -> (0, 0, 0)>
module attributes {stable_mosaic.version = 14 : i64} {
  func.func @gather_kernel(%arg0: i32, %arg1: i32, %arg2: memref<819200xi32, #tpu.memory_space<hbm>>, %arg3: memref<1000000x32xf32, #tpu.memory_space<hbm>>, %arg4: memref<16384x50x32xf32, #tpu.memory_space<hbm>>, %arg5: memref<25600xi32, #tpu.memory_space<vmem>>, %arg6: memref<1600x32xf32, #tpu.memory_space<vmem>>, %arg7: memref<1600x32xf32, #tpu.memory_space<vmem>>, %arg8: memref<!tpu.dma_semaphore, #tpu.memory_space<semaphore_mem>>, %arg9: memref<!tpu.dma_semaphore, #tpu.memory_space<semaphore_mem>>, %arg10: memref<!tpu.dma_semaphore, #tpu.memory_space<semaphore_mem>>, %arg11: memref<!tpu.dma_semaphore, #tpu.memory_space<semaphore_mem>>) attributes {dimension_semantics = [#tpu.dimension_semantics<core_parallel>, #tpu.dimension_semantics<subcore_parallel>], iteration_bounds = array<i64: 2, 16>, scalar_prefetch = 0 : i64, scratch_operands = 7 : i64, tpu.core_type = #tpu.core_type<sc_vector_subcore>, window_params = [{transform_indices = #map}, {transform_indices = #map1}, {transform_indices = #map2}]} {
    %mul3A = arith.constant 2 : i32
    %mul3A_0 = arith.muli %arg1, %mul3A : i32
    %add3A = arith.addi %mul3A_0, %arg0 : i32
    %mul3A_1 = arith.constant 25600 : i32
    %mul3A_2 = arith.muli %add3A, %mul3A_1 : i32
    %mul3A_3 = arith.constant 512 : i32
    %mul3A_4 = arith.muli %add3A, %mul3A_3 : i32
    "tpu.region"() ({
      %run_scoped3A = tpu.sem_alloc : memref<!tpu.dma_semaphore, #tpu.memory_space<semaphore_mem>>
      %dma_start3A_980 = arith.constant 0 : i32
      %dma_start3A_981 = tpu.memref_slice %arg5[%dma_start3A_980] : memref<25600xi32, #tpu.memory_space<vmem>> -> memref<3200xi32, #tpu.memory_space<vmem>>
      %dma_start3A_982 = tpu.memref_slice %arg2[%mul3A_2] : memref<819200xi32, #tpu.memory_space<hbm>> -> memref<3200xi32, #tpu.memory_space<hbm>>
      %dma_start3A_983 = arith.constant 0 : i32
      %dma_start3A_984 = tpu.memref_slice %arg5[%dma_start3A_983] : memref<25600xi32, #tpu.memory_space<vmem>> -> memref<3200xi32, #tpu.memory_space<vmem>>
      %dma_start3A_985 = tpu.memref_slice %arg2[%mul3A_2] : memref<819200xi32, #tpu.memory_space<hbm>> -> memref<3200xi32, #tpu.memory_space<hbm>>
      tpu.enqueue_dma source(%dma_start3A_985 : memref<3200xi32, #tpu.memory_space<hbm>>) target(%dma_start3A_984 : memref<3200xi32, #tpu.memory_space<vmem>>) target_semaphore(%run_scoped3A : memref<!tpu.dma_semaphore, #tpu.memory_space<semaphore_mem>>)
      %dma_wait3A_986 = arith.constant 0 : i32
      %dma_wait3A_987 = tpu.memref_slice %arg5[%dma_wait3A_986] : memref<25600xi32, #tpu.memory_space<vmem>> -> memref<3200xi32, #tpu.memory_space<vmem>>
      %dma_wait3A_988 = tpu.memref_slice %arg2[%mul3A_2] : memref<819200xi32, #tpu.memory_space<hbm>> -> memref<3200xi32, #tpu.memory_space<hbm>>
      %dma_wait3A_989 = arith.constant 0 : i32
      %dma_wait3A_990 = tpu.memref_slice %arg5[%dma_wait3A_989] : memref<25600xi32, #tpu.memory_space<vmem>> -> memref<3200xi32, #tpu.memory_space<vmem>>
      %dma_wait3A_991 = tpu.memref_slice %arg2[%mul3A_2] : memref<819200xi32, #tpu.memory_space<hbm>> -> memref<3200xi32, #tpu.memory_space<hbm>>
      tpu.wait_dma2 semaphore(%run_scoped3A : memref<!tpu.dma_semaphore, #tpu.memory_space<semaphore_mem>>) src(%dma_wait3A_991 : memref<3200xi32, #tpu.memory_space<hbm>>) dst(%dma_wait3A_990 : memref<3200xi32, #tpu.memory_space<vmem>>)
      tpu.yield
    }) : () -> ()
    %dma_start3A = arith.constant 0 : i32
    %dma_start3A_5 = tpu.memref_slice %arg5[%dma_start3A] : memref<25600xi32, #tpu.memory_space<vmem>> -> memref<1600xi32, #tpu.memory_space<vmem>>
    %dma_start3A_6 = arith.constant 0 : i32
    %dma_start3A_7 = arith.constant 0 : i32
    %dma_start3A_8 = tpu.memref_slice %arg3[%dma_start3A_6, %dma_start3A_7] : memref<1000000x32xf32, #tpu.memory_space<hbm>> -> memref<1000000x32xf32, #tpu.memory_space<hbm>>
    tpu.enqueue_indirect_dma source(%dma_start3A_8 : memref<1000000x32xf32, #tpu.memory_space<hbm>>) target(%arg6 : memref<1600x32xf32, #tpu.memory_space<vmem>>) offsets(%dma_start3A_5 : memref<1600xi32, #tpu.memory_space<vmem>>) semaphore(%arg8 : memref<!tpu.dma_semaphore, #tpu.memory_space<semaphore_mem>>)
    %dma_start3A_9 = arith.constant 1600 : i32
    %dma_start3A_10 = tpu.memref_slice %arg5[%dma_start3A_9] : memref<25600xi32, #tpu.memory_space<vmem>> -> memref<1600xi32, #tpu.memory_space<vmem>>
    %dma_start3A_11 = arith.constant 0 : i32
    %dma_start3A_12 = arith.constant 0 : i32
    %dma_start3A_13 = tpu.memref_slice %arg3[%dma_start3A_11, %dma_start3A_12] : memref<1000000x32xf32, #tpu.memory_space<hbm>> -> memref<1000000x32xf32, #tpu.memory_space<hbm>>
    tpu.enqueue_indirect_dma source(%dma_start3A_13 : memref<1000000x32xf32, #tpu.memory_space<hbm>>) target(%arg7 : memref<1600x32xf32, #tpu.memory_space<vmem>>) offsets(%dma_start3A_10 : memref<1600xi32, #tpu.memory_space<vmem>>) semaphore(%arg9 : memref<!tpu.dma_semaphore, #tpu.memory_space<semaphore_mem>>)
    %add3A_14 = arith.constant 3200 : i32
    %add3A_15 = arith.addi %mul3A_2, %add3A_14 : i32
    "tpu.region"() ({
      %run_scoped3A = tpu.sem_alloc : memref<!tpu.dma_semaphore, #tpu.memory_space<semaphore_mem>>
      %dma_start3A_980 = arith.constant 3200 : i32
      %dma_start3A_981 = tpu.memref_slice %arg5[%dma_start3A_980] : memref<25600xi32, #tpu.memory_space<vmem>> -> memref<22400xi32, #tpu.memory_space<vmem>>
      %dma_start3A_982 = tpu.memref_slice %arg2[%add3A_15] : memref<819200xi32, #tpu.memory_space<hbm>> -> memref<22400xi32, #tpu.memory_space<hbm>>
      %dma_start3A_983 = arith.constant 3200 : i32
      %dma_start3A_984 = tpu.memref_slice %arg5[%dma_start3A_983] : memref<25600xi32, #tpu.memory_space<vmem>> -> memref<22400xi32, #tpu.memory_space<vmem>>
      %dma_start3A_985 = tpu.memref_slice %arg2[%add3A_15] : memref<819200xi32, #tpu.memory_space<hbm>> -> memref<22400xi32, #tpu.memory_space<hbm>>
      tpu.enqueue_dma source(%dma_start3A_985 : memref<22400xi32, #tpu.memory_space<hbm>>) target(%dma_start3A_984 : memref<22400xi32, #tpu.memory_space<vmem>>) target_semaphore(%run_scoped3A : memref<!tpu.dma_semaphore, #tpu.memory_space<semaphore_mem>>)
      %dma_wait3A_986 = arith.constant 3200 : i32
      %dma_wait3A_987 = tpu.memref_slice %arg5[%dma_wait3A_986] : memref<25600xi32, #tpu.memory_space<vmem>> -> memref<22400xi32, #tpu.memory_space<vmem>>
      %dma_wait3A_988 = tpu.memref_slice %arg2[%add3A_15] : memref<819200xi32, #tpu.memory_space<hbm>> -> memref<22400xi32, #tpu.memory_space<hbm>>
      %dma_wait3A_989 = arith.constant 3200 : i32
      %dma_wait3A_990 = tpu.memref_slice %arg5[%dma_wait3A_989] : memref<25600xi32, #tpu.memory_space<vmem>> -> memref<22400xi32, #tpu.memory_space<vmem>>
      %dma_wait3A_991 = tpu.memref_slice %arg2[%add3A_15] : memref<819200xi32, #tpu.memory_space<hbm>> -> memref<22400xi32, #tpu.memory_space<hbm>>
      tpu.wait_dma2 semaphore(%run_scoped3A : memref<!tpu.dma_semaphore, #tpu.memory_space<semaphore_mem>>) src(%dma_wait3A_991 : memref<22400xi32, #tpu.memory_space<hbm>>) dst(%dma_wait3A_990 : memref<22400xi32, #tpu.memory_space<vmem>>)
      tpu.yield
    }) : () -> ()
    %scan3A = arith.constant 0 : i32
    %scan3A_16 = arith.constant 0 : i32
    %scan3A_17 = arith.constant 8 : i32
    %scan3A_18 = arith.addi %scan3A_16, %scan3A_17 : i32
    %scan3A_19 = arith.constant 1 : i32
    scf.for %scan3A_980 = %scan3A_16 to %scan3A_18 step %scan3A_19  : i32 {
      %dma_wait3A_981 = arith.constant 0 : i32
      %dma_wait3A_982 = arith.constant 0 : i32
      %dma_wait3A_983 = tpu.memref_slice %arg3[%dma_wait3A_981, %dma_wait3A_982] : memref<1000000x32xf32, #tpu.memory_space<hbm>> -> memref<1600x32xf32, #tpu.memory_space<hbm>>
      %dma_wait3A_984 = arith.constant 0 : i32
      %dma_wait3A_985 = arith.constant 0 : i32
      %dma_wait3A_986 = tpu.memref_slice %arg3[%dma_wait3A_984, %dma_wait3A_985] : memref<1000000x32xf32, #tpu.memory_space<hbm>> -> memref<1600x32xf32, #tpu.memory_space<hbm>>
      tpu.wait_dma2 semaphore(%arg8 : memref<!tpu.dma_semaphore, #tpu.memory_space<semaphore_mem>>) src(%dma_wait3A_986 : memref<1600x32xf32, #tpu.memory_space<hbm>>) dst(%arg6 : memref<1600x32xf32, #tpu.memory_space<vmem>>)
      %mul3A_987 = arith.constant 2 : i32
      %mul3A_988 = arith.muli %scan3A_980, %mul3A_987 : i32
      %add3A_989 = arith.constant 0 : i32
      %add3A_990 = arith.addi %mul3A_988, %add3A_989 : i32
      %mul3A_991 = arith.constant 32 : i32
      %mul3A_992 = arith.muli %add3A_990, %mul3A_991 : i32
      %add3A_993 = arith.addi %mul3A_4, %mul3A_992 : i32
      %add3A_994 = arith.constant 0 : i32
      %add3A_995 = arith.addi %add3A_993, %add3A_994 : i32
      %dma_start3A_996 = arith.constant 0 : i32
      %dma_start3A_997 = arith.constant 0 : i32
      %dma_start3A_998 = tpu.memref_slice %arg6[%dma_start3A_996, %dma_start3A_997] : memref<1600x32xf32, #tpu.memory_space<vmem>> -> memref<50x32xf32, #tpu.memory_space<vmem>>
      %dma_start3A_999 = arith.constant 0 : i32
      %dma_start3A_1000 = arith.constant 0 : i32
      %dma_start3A_1001 = tpu.memref_slice %arg4[%add3A_995, %dma_start3A_999, %dma_start3A_1000] : memref<16384x50x32xf32, #tpu.memory_space<hbm>> -> memref<1x50x32xf32, #tpu.memory_space<hbm>>
      %dma_start3A_1002 = tpu.memref_squeeze %dma_start3A_1001 : memref<1x50x32xf32, #tpu.memory_space<hbm>> -> memref<50x32xf32, #tpu.memory_space<hbm>>
      %dma_start3A_1003 = arith.constant 0 : i32
      %dma_start3A_1004 = arith.constant 0 : i32
      %dma_start3A_1005 = tpu.memref_slice %arg4[%add3A_995, %dma_start3A_1003, %dma_start3A_1004] : memref<16384x50x32xf32, #tpu.memory_space<hbm>> -> memref<1x50x32xf32, #tpu.memory_space<hbm>>
      %dma_start3A_1006 = tpu.memref_squeeze %dma_start3A_1005 : memref<1x50x32xf32, #tpu.memory_space<hbm>> -> memref<50x32xf32, #tpu.memory_space<hbm>>
      %dma_start3A_1007 = arith.constant 0 : i32
      %dma_start3A_1008 = arith.constant 0 : i32
      %dma_start3A_1009 = tpu.memref_slice %arg6[%dma_start3A_1007, %dma_start3A_1008] : memref<1600x32xf32, #tpu.memory_space<vmem>> -> memref<50x32xf32, #tpu.memory_space<vmem>>
      tpu.enqueue_dma source(%dma_start3A_1009 : memref<50x32xf32, #tpu.memory_space<vmem>>) target(%dma_start3A_1006 : memref<50x32xf32, #tpu.memory_space<hbm>>) target_semaphore(%arg10 : memref<!tpu.dma_semaphore, #tpu.memory_space<semaphore_mem>>)
      %mul3A_1010 = arith.constant 32 : i32
      %mul3A_1011 = arith.muli %add3A_990, %mul3A_1010 : i32
      %add3A_1012 = arith.addi %mul3A_4, %mul3A_1011 : i32
      %add3A_1013 = arith.constant 1 : i32
      %add3A_1014 = arith.addi %add3A_1012, %add3A_1013 : i32
      %dma_start3A_1015 = arith.constant 50 : i32
      %dma_start3A_1016 = arith.constant 0 : i32
      %dma_start3A_1017 = tpu.memref_slice %arg6[%dma_start3A_1015, %dma_start3A_1016] : memref<1600x32xf32, #tpu.memory_space<vmem>> -> memref<50x32xf32, #tpu.memory_space<vmem>>
      %dma_start3A_1018 = arith.constant 0 : i32
      %dma_start3A_1019 = arith.constant 0 : i32
      %dma_start3A_1020 = tpu.memref_slice %arg4[%add3A_1014, %dma_start3A_1018, %dma_start3A_1019] : memref<16384x50x32xf32, #tpu.memory_space<hbm>> -> memref<1x50x32xf32, #tpu.memory_space<hbm>>
      %dma_start3A_1021 = tpu.memref_squeeze %dma_start3A_1020 : memref<1x50x32xf32, #tpu.memory_space<hbm>> -> memref<50x32xf32, #tpu.memory_space<hbm>>
      %dma_start3A_1022 = arith.constant 0 : i32
      %dma_start3A_1023 = arith.constant 0 : i32
      %dma_start3A_1024 = tpu.memref_slice %arg4[%add3A_1014, %dma_start3A_1022, %dma_start3A_1023] : memref<16384x50x32xf32, #tpu.memory_space<hbm>> -> memref<1x50x32xf32, #tpu.memory_space<hbm>>
      %dma_start3A_1025 = tpu.memref_squeeze %dma_start3A_1024 : memref<1x50x32xf32, #tpu.memory_space<hbm>> -> memref<50x32xf32, #tpu.memory_space<hbm>>
      %dma_start3A_1026 = arith.constant 50 : i32
      %dma_start3A_1027 = arith.constant 0 : i32
      %dma_start3A_1028 = tpu.memref_slice %arg6[%dma_start3A_1026, %dma_start3A_1027] : memref<1600x32xf32, #tpu.memory_space<vmem>> -> memref<50x32xf32, #tpu.memory_space<vmem>>
      tpu.enqueue_dma source(%dma_start3A_1028 : memref<50x32xf32, #tpu.memory_space<vmem>>) target(%dma_start3A_1025 : memref<50x32xf32, #tpu.memory_space<hbm>>) target_semaphore(%arg10 : memref<!tpu.dma_semaphore, #tpu.memory_space<semaphore_mem>>)
      %mul3A_1029 = arith.constant 32 : i32
      %mul3A_1030 = arith.muli %add3A_990, %mul3A_1029 : i32
      %add3A_1031 = arith.addi %mul3A_4, %mul3A_1030 : i32
      %add3A_1032 = arith.constant 2 : i32
      %add3A_1033 = arith.addi %add3A_1031, %add3A_1032 : i32
      %dma_start3A_1034 = arith.constant 100 : i32
      %dma_start3A_1035 = arith.constant 0 : i32
      %dma_start3A_1036 = tpu.memref_slice %arg6[%dma_start3A_1034, %dma_start3A_1035] : memref<1600x32xf32, #tpu.memory_space<vmem>> -> memref<50x32xf32, #tpu.memory_space<vmem>>
      %dma_start3A_1037 = arith.constant 0 : i32
      %dma_start3A_1038 = arith.constant 0 : i32
      %dma_start3A_1039 = tpu.memref_slice %arg4[%add3A_1033, %dma_start3A_1037, %dma_start3A_1038] : memref<16384x50x32xf32, #tpu.memory_space<hbm>> -> memref<1x50x32xf32, #tpu.memory_space<hbm>>
      %dma_start3A_1040 = tpu.memref_squeeze %dma_start3A_1039 : memref<1x50x32xf32, #tpu.memory_space<hbm>> -> memref<50x32xf32, #tpu.memory_space<hbm>>
      %dma_start3A_1041 = arith.constant 0 : i32
      %dma_start3A_1042 = arith.constant 0 : i32
      %dma_start3A_1043 = tpu.memref_slice %arg4[%add3A_1033, %dma_start3A_1041, %dma_start3A_1042] : memref<16384x50x32xf32, #tpu.memory_space<hbm>> -> memref<1x50x32xf32, #tpu.memory_space<hbm>>
      %dma_start3A_1044 = tpu.memref_squeeze %dma_start3A_1043 : memref<1x50x32xf32, #tpu.memory_space<hbm>> -> memref<50x32xf32, #tpu.memory_space<hbm>>
      %dma_start3A_1045 = arith.constant 100 : i32
      %dma_start3A_1046 = arith.constant 0 : i32
      %dma_start3A_1047 = tpu.memref_slice %arg6[%dma_start3A_1045, %dma_start3A_1046] : memref<1600x32xf32, #tpu.memory_space<vmem>> -> memref<50x32xf32, #tpu.memory_space<vmem>>
      tpu.enqueue_dma source(%dma_start3A_1047 : memref<50x32xf32, #tpu.memory_space<vmem>>) target(%dma_start3A_1044 : memref<50x32xf32, #tpu.memory_space<hbm>>) target_semaphore(%arg10 : memref<!tpu.dma_semaphore, #tpu.memory_space<semaphore_mem>>)
      %mul3A_1048 = arith.constant 32 : i32
      %mul3A_1049 = arith.muli %add3A_990, %mul3A_1048 : i32
      %add3A_1050 = arith.addi %mul3A_4, %mul3A_1049 : i32
      %add3A_1051 = arith.constant 3 : i32
      %add3A_1052 = arith.addi %add3A_1050, %add3A_1051 : i32
      %dma_start3A_1053 = arith.constant 150 : i32
      %dma_start3A_1054 = arith.constant 0 : i32
      %dma_start3A_1055 = tpu.memref_slice %arg6[%dma_start3A_1053, %dma_start3A_1054] : memref<1600x32xf32, #tpu.memory_space<vmem>> -> memref<50x32xf32, #tpu.memory_space<vmem>>
      %dma_start3A_1056 = arith.constant 0 : i32
      %dma_start3A_1057 = arith.constant 0 : i32
      %dma_start3A_1058 = tpu.memref_slice %arg4[%add3A_1052, %dma_start3A_1056, %dma_start3A_1057] : memref<16384x50x32xf32, #tpu.memory_space<hbm>> -> memref<1x50x32xf32, #tpu.memory_space<hbm>>
      %dma_start3A_1059 = tpu.memref_squeeze %dma_start3A_1058 : memref<1x50x32xf32, #tpu.memory_space<hbm>> -> memref<50x32xf32, #tpu.memory_space<hbm>>
      %dma_start3A_1060 = arith.constant 0 : i32
      %dma_start3A_1061 = arith.constant 0 : i32
      %dma_start3A_1062 = tpu.memref_slice %arg4[%add3A_1052, %dma_start3A_1060, %dma_start3A_1061] : memref<16384x50x32xf32, #tpu.memory_space<hbm>> -> memref<1x50x32xf32, #tpu.memory_space<hbm>>
      %dma_start3A_1063 = tpu.memref_squeeze %dma_start3A_1062 : memref<1x50x32xf32, #tpu.memory_space<hbm>> -> memref<50x32xf32, #tpu.memory_space<hbm>>
      %dma_start3A_1064 = arith.constant 150 : i32
      %dma_start3A_1065 = arith.constant 0 : i32
      %dma_start3A_1066 = tpu.memref_slice %arg6[%dma_start3A_1064, %dma_start3A_1065] : memref<1600x32xf32, #tpu.memory_space<vmem>> -> memref<50x32xf32, #tpu.memory_space<vmem>>
      tpu.enqueue_dma source(%dma_start3A_1066 : memref<50x32xf32, #tpu.memory_space<vmem>>) target(%dma_start3A_1063 : memref<50x32xf32, #tpu.memory_space<hbm>>) target_semaphore(%arg10 : memref<!tpu.dma_semaphore, #tpu.memory_space<semaphore_mem>>)
      %mul3A_1067 = arith.constant 32 : i32
      %mul3A_1068 = arith.muli %add3A_990, %mul3A_1067 : i32
      %add3A_1069 = arith.addi %mul3A_4, %mul3A_1068 : i32
      %add3A_1070 = arith.constant 4 : i32
      %add3A_1071 = arith.addi %add3A_1069, %add3A_1070 : i32
      %dma_start3A_1072 = arith.constant 200 : i32
      %dma_start3A_1073 = arith.constant 0 : i32
      %dma_start3A_1074 = tpu.memref_slice %arg6[%dma_start3A_1072, %dma_start3A_1073] : memref<1600x32xf32, #tpu.memory_space<vmem>> -> memref<50x32xf32, #tpu.memory_space<vmem>>
      %dma_start3A_1075 = arith.constant 0 : i32
      %dma_start3A_1076 = arith.constant 0 : i32
      %dma_start3A_1077 = tpu.memref_slice %arg4[%add3A_1071, %dma_start3A_1075, %dma_start3A_1076] : memref<16384x50x32xf32, #tpu.memory_space<hbm>> -> memref<1x50x32xf32, #tpu.memory_space<hbm>>
      %dma_start3A_1078 = tpu.memref_squeeze %dma_start3A_1077 : memref<1x50x32xf32, #tpu.memory_space<hbm>> -> memref<50x32xf32, #tpu.memory_space<hbm>>
      %dma_start3A_1079 = arith.constant 0 : i32
      %dma_start3A_1080 = arith.constant 0 : i32
      %dma_start3A_1081 = tpu.memref_slice %arg4[%add3A_1071, %dma_start3A_1079, %dma_start3A_1080] : memref<16384x50x32xf32, #tpu.memory_space<hbm>> -> memref<1x50x32xf32, #tpu.memory_space<hbm>>
      %dma_start3A_1082 = tpu.memref_squeeze %dma_start3A_1081 : memref<1x50x32xf32, #tpu.memory_space<hbm>> -> memref<50x32xf32, #tpu.memory_space<hbm>>
      %dma_start3A_1083 = arith.constant 200 : i32
      %dma_start3A_1084 = arith.constant 0 : i32
      %dma_start3A_1085 = tpu.memref_slice %arg6[%dma_start3A_1083, %dma_start3A_1084] : memref<1600x32xf32, #tpu.memory_space<vmem>> -> memref<50x32xf32, #tpu.memory_space<vmem>>
      tpu.enqueue_dma source(%dma_start3A_1085 : memref<50x32xf32, #tpu.memory_space<vmem>>) target(%dma_start3A_1082 : memref<50x32xf32, #tpu.memory_space<hbm>>) target_semaphore(%arg10 : memref<!tpu.dma_semaphore, #tpu.memory_space<semaphore_mem>>)
      %mul3A_1086 = arith.constant 32 : i32
      %mul3A_1087 = arith.muli %add3A_990, %mul3A_1086 : i32
      %add3A_1088 = arith.addi %mul3A_4, %mul3A_1087 : i32
      %add3A_1089 = arith.constant 5 : i32
      %add3A_1090 = arith.addi %add3A_1088, %add3A_1089 : i32
      %dma_start3A_1091 = arith.constant 250 : i32
      %dma_start3A_1092 = arith.constant 0 : i32
      %dma_start3A_1093 = tpu.memref_slice %arg6[%dma_start3A_1091, %dma_start3A_1092] : memref<1600x32xf32, #tpu.memory_space<vmem>> -> memref<50x32xf32, #tpu.memory_space<vmem>>
      %dma_start3A_1094 = arith.constant 0 : i32
      %dma_start3A_1095 = arith.constant 0 : i32
      %dma_start3A_1096 = tpu.memref_slice %arg4[%add3A_1090, %dma_start3A_1094, %dma_start3A_1095] : memref<16384x50x32xf32, #tpu.memory_space<hbm>> -> memref<1x50x32xf32, #tpu.memory_space<hbm>>
      %dma_start3A_1097 = tpu.memref_squeeze %dma_start3A_1096 : memref<1x50x32xf32, #tpu.memory_space<hbm>> -> memref<50x32xf32, #tpu.memory_space<hbm>>
      %dma_start3A_1098 = arith.constant 0 : i32
      %dma_start3A_1099 = arith.constant 0 : i32
      %dma_start3A_1100 = tpu.memref_slice %arg4[%add3A_1090, %dma_start3A_1098, %dma_start3A_1099] : memref<16384x50x32xf32, #tpu.memory_space<hbm>> -> memref<1x50x32xf32, #tpu.memory_space<hbm>>
      %dma_start3A_1101 = tpu.memref_squeeze %dma_start3A_1100 : memref<1x50x32xf32, #tpu.memory_space<hbm>> -> memref<50x32xf32, #tpu.memory_space<hbm>>
      %dma_start3A_1102 = arith.constant 250 : i32
      %dma_start3A_1103 = arith.constant 0 : i32
      %dma_start3A_1104 = tpu.memref_slice %arg6[%dma_start3A_1102, %dma_start3A_1103] : memref<1600x32xf32, #tpu.memory_space<vmem>> -> memref<50x32xf32, #tpu.memory_space<vmem>>
      tpu.enqueue_dma source(%dma_start3A_1104 : memref<50x32xf32, #tpu.memory_space<vmem>>) target(%dma_start3A_1101 : memref<50x32xf32, #tpu.memory_space<hbm>>) target_semaphore(%arg10 : memref<!tpu.dma_semaphore, #tpu.memory_space<semaphore_mem>>)
      %mul3A_1105 = arith.constant 32 : i32
      %mul3A_1106 = arith.muli %add3A_990, %mul3A_1105 : i32
      %add3A_1107 = arith.addi %mul3A_4, %mul3A_1106 : i32
      %add3A_1108 = arith.constant 6 : i32
      %add3A_1109 = arith.addi %add3A_1107, %add3A_1108 : i32
      %dma_start3A_1110 = arith.constant 300 : i32
      %dma_start3A_1111 = arith.constant 0 : i32
      %dma_start3A_1112 = tpu.memref_slice %arg6[%dma_start3A_1110, %dma_start3A_1111] : memref<1600x32xf32, #tpu.memory_space<vmem>> -> memref<50x32xf32, #tpu.memory_space<vmem>>
      %dma_start3A_1113 = arith.constant 0 : i32
      %dma_start3A_1114 = arith.constant 0 : i32
      %dma_start3A_1115 = tpu.memref_slice %arg4[%add3A_1109, %dma_start3A_1113, %dma_start3A_1114] : memref<16384x50x32xf32, #tpu.memory_space<hbm>> -> memref<1x50x32xf32, #tpu.memory_space<hbm>>
      %dma_start3A_1116 = tpu.memref_squeeze %dma_start3A_1115 : memref<1x50x32xf32, #tpu.memory_space<hbm>> -> memref<50x32xf32, #tpu.memory_space<hbm>>
      %dma_start3A_1117 = arith.constant 0 : i32
      %dma_start3A_1118 = arith.constant 0 : i32
      %dma_start3A_1119 = tpu.memref_slice %arg4[%add3A_1109, %dma_start3A_1117, %dma_start3A_1118] : memref<16384x50x32xf32, #tpu.memory_space<hbm>> -> memref<1x50x32xf32, #tpu.memory_space<hbm>>
      %dma_start3A_1120 = tpu.memref_squeeze %dma_start3A_1119 : memref<1x50x32xf32, #tpu.memory_space<hbm>> -> memref<50x32xf32, #tpu.memory_space<hbm>>
      %dma_start3A_1121 = arith.constant 300 : i32
      %dma_start3A_1122 = arith.constant 0 : i32
      %dma_start3A_1123 = tpu.memref_slice %arg6[%dma_start3A_1121, %dma_start3A_1122] : memref<1600x32xf32, #tpu.memory_space<vmem>> -> memref<50x32xf32, #tpu.memory_space<vmem>>
      tpu.enqueue_dma source(%dma_start3A_1123 : memref<50x32xf32, #tpu.memory_space<vmem>>) target(%dma_start3A_1120 : memref<50x32xf32, #tpu.memory_space<hbm>>) target_semaphore(%arg10 : memref<!tpu.dma_semaphore, #tpu.memory_space<semaphore_mem>>)
      %mul3A_1124 = arith.constant 32 : i32
      %mul3A_1125 = arith.muli %add3A_990, %mul3A_1124 : i32
      %add3A_1126 = arith.addi %mul3A_4, %mul3A_1125 : i32
      %add3A_1127 = arith.constant 7 : i32
      %add3A_1128 = arith.addi %add3A_1126, %add3A_1127 : i32
      %dma_start3A_1129 = arith.constant 350 : i32
      %dma_start3A_1130 = arith.constant 0 : i32
      %dma_start3A_1131 = tpu.memref_slice %arg6[%dma_start3A_1129, %dma_start3A_1130] : memref<1600x32xf32, #tpu.memory_space<vmem>> -> memref<50x32xf32, #tpu.memory_space<vmem>>
      %dma_start3A_1132 = arith.constant 0 : i32
      %dma_start3A_1133 = arith.constant 0 : i32
      %dma_start3A_1134 = tpu.memref_slice %arg4[%add3A_1128, %dma_start3A_1132, %dma_start3A_1133] : memref<16384x50x32xf32, #tpu.memory_space<hbm>> -> memref<1x50x32xf32, #tpu.memory_space<hbm>>
      %dma_start3A_1135 = tpu.memref_squeeze %dma_start3A_1134 : memref<1x50x32xf32, #tpu.memory_space<hbm>> -> memref<50x32xf32, #tpu.memory_space<hbm>>
      %dma_start3A_1136 = arith.constant 0 : i32
      %dma_start3A_1137 = arith.constant 0 : i32
      %dma_start3A_1138 = tpu.memref_slice %arg4[%add3A_1128, %dma_start3A_1136, %dma_start3A_1137] : memref<16384x50x32xf32, #tpu.memory_space<hbm>> -> memref<1x50x32xf32, #tpu.memory_space<hbm>>
      %dma_start3A_1139 = tpu.memref_squeeze %dma_start3A_1138 : memref<1x50x32xf32, #tpu.memory_space<hbm>> -> memref<50x32xf32, #tpu.memory_space<hbm>>
      %dma_start3A_1140 = arith.constant 350 : i32
      %dma_start3A_1141 = arith.constant 0 : i32
      %dma_start3A_1142 = tpu.memref_slice %arg6[%dma_start3A_1140, %dma_start3A_1141] : memref<1600x32xf32, #tpu.memory_space<vmem>> -> memref<50x32xf32, #tpu.memory_space<vmem>>
      tpu.enqueue_dma source(%dma_start3A_1142 : memref<50x32xf32, #tpu.memory_space<vmem>>) target(%dma_start3A_1139 : memref<50x32xf32, #tpu.memory_space<hbm>>) target_semaphore(%arg10 : memref<!tpu.dma_semaphore, #tpu.memory_space<semaphore_mem>>)
      %mul3A_1143 = arith.constant 32 : i32
      %mul3A_1144 = arith.muli %add3A_990, %mul3A_1143 : i32
      %add3A_1145 = arith.addi %mul3A_4, %mul3A_1144 : i32
      %add3A_1146 = arith.constant 8 : i32
      %add3A_1147 = arith.addi %add3A_1145, %add3A_1146 : i32
      %dma_start3A_1148 = arith.constant 400 : i32
      %dma_start3A_1149 = arith.constant 0 : i32
      %dma_start3A_1150 = tpu.memref_slice %arg6[%dma_start3A_1148, %dma_start3A_1149] : memref<1600x32xf32, #tpu.memory_space<vmem>> -> memref<50x32xf32, #tpu.memory_space<vmem>>
      %dma_start3A_1151 = arith.constant 0 : i32
      %dma_start3A_1152 = arith.constant 0 : i32
      %dma_start3A_1153 = tpu.memref_slice %arg4[%add3A_1147, %dma_start3A_1151, %dma_start3A_1152] : memref<16384x50x32xf32, #tpu.memory_space<hbm>> -> memref<1x50x32xf32, #tpu.memory_space<hbm>>
      %dma_start3A_1154 = tpu.memref_squeeze %dma_start3A_1153 : memref<1x50x32xf32, #tpu.memory_space<hbm>> -> memref<50x32xf32, #tpu.memory_space<hbm>>
      %dma_start3A_1155 = arith.constant 0 : i32
      %dma_start3A_1156 = arith.constant 0 : i32
      %dma_start3A_1157 = tpu.memref_slice %arg4[%add3A_1147, %dma_start3A_1155, %dma_start3A_1156] : memref<16384x50x32xf32, #tpu.memory_space<hbm>> -> memref<1x50x32xf32, #tpu.memory_space<hbm>>
      %dma_start3A_1158 = tpu.memref_squeeze %dma_start3A_1157 : memref<1x50x32xf32, #tpu.memory_space<hbm>> -> memref<50x32xf32, #tpu.memory_space<hbm>>
      %dma_start3A_1159 = arith.constant 400 : i32
      %dma_start3A_1160 = arith.constant 0 : i32
      %dma_start3A_1161 = tpu.memref_slice %arg6[%dma_start3A_1159, %dma_start3A_1160] : memref<1600x32xf32, #tpu.memory_space<vmem>> -> memref<50x32xf32, #tpu.memory_space<vmem>>
      tpu.enqueue_dma source(%dma_start3A_1161 : memref<50x32xf32, #tpu.memory_space<vmem>>) target(%dma_start3A_1158 : memref<50x32xf32, #tpu.memory_space<hbm>>) target_semaphore(%arg10 : memref<!tpu.dma_semaphore, #tpu.memory_space<semaphore_mem>>)
      %mul3A_1162 = arith.constant 32 : i32
      %mul3A_1163 = arith.muli %add3A_990, %mul3A_1162 : i32
      %add3A_1164 = arith.addi %mul3A_4, %mul3A_1163 : i32
      %add3A_1165 = arith.constant 9 : i32
      %add3A_1166 = arith.addi %add3A_1164, %add3A_1165 : i32
      %dma_start3A_1167 = arith.constant 450 : i32
      %dma_start3A_1168 = arith.constant 0 : i32
      %dma_start3A_1169 = tpu.memref_slice %arg6[%dma_start3A_1167, %dma_start3A_1168] : memref<1600x32xf32, #tpu.memory_space<vmem>> -> memref<50x32xf32, #tpu.memory_space<vmem>>
      %dma_start3A_1170 = arith.constant 0 : i32
      %dma_start3A_1171 = arith.constant 0 : i32
      %dma_start3A_1172 = tpu.memref_slice %arg4[%add3A_1166, %dma_start3A_1170, %dma_start3A_1171] : memref<16384x50x32xf32, #tpu.memory_space<hbm>> -> memref<1x50x32xf32, #tpu.memory_space<hbm>>
      %dma_start3A_1173 = tpu.memref_squeeze %dma_start3A_1172 : memref<1x50x32xf32, #tpu.memory_space<hbm>> -> memref<50x32xf32, #tpu.memory_space<hbm>>
      %dma_start3A_1174 = arith.constant 0 : i32
      %dma_start3A_1175 = arith.constant 0 : i32
      %dma_start3A_1176 = tpu.memref_slice %arg4[%add3A_1166, %dma_start3A_1174, %dma_start3A_1175] : memref<16384x50x32xf32, #tpu.memory_space<hbm>> -> memref<1x50x32xf32, #tpu.memory_space<hbm>>
      %dma_start3A_1177 = tpu.memref_squeeze %dma_start3A_1176 : memref<1x50x32xf32, #tpu.memory_space<hbm>> -> memref<50x32xf32, #tpu.memory_space<hbm>>
      %dma_start3A_1178 = arith.constant 450 : i32
      %dma_start3A_1179 = arith.constant 0 : i32
      %dma_start3A_1180 = tpu.memref_slice %arg6[%dma_start3A_1178, %dma_start3A_1179] : memref<1600x32xf32, #tpu.memory_space<vmem>> -> memref<50x32xf32, #tpu.memory_space<vmem>>
      tpu.enqueue_dma source(%dma_start3A_1180 : memref<50x32xf32, #tpu.memory_space<vmem>>) target(%dma_start3A_1177 : memref<50x32xf32, #tpu.memory_space<hbm>>) target_semaphore(%arg10 : memref<!tpu.dma_semaphore, #tpu.memory_space<semaphore_mem>>)
      %mul3A_1181 = arith.constant 32 : i32
      %mul3A_1182 = arith.muli %add3A_990, %mul3A_1181 : i32
      %add3A_1183 = arith.addi %mul3A_4, %mul3A_1182 : i32
      %add3A_1184 = arith.constant 10 : i32
      %add3A_1185 = arith.addi %add3A_1183, %add3A_1184 : i32
      %dma_start3A_1186 = arith.constant 500 : i32
      %dma_start3A_1187 = arith.constant 0 : i32
      %dma_start3A_1188 = tpu.memref_slice %arg6[%dma_start3A_1186, %dma_start3A_1187] : memref<1600x32xf32, #tpu.memory_space<vmem>> -> memref<50x32xf32, #tpu.memory_space<vmem>>
      %dma_start3A_1189 = arith.constant 0 : i32
      %dma_start3A_1190 = arith.constant 0 : i32
      %dma_start3A_1191 = tpu.memref_slice %arg4[%add3A_1185, %dma_start3A_1189, %dma_start3A_1190] : memref<16384x50x32xf32, #tpu.memory_space<hbm>> -> memref<1x50x32xf32, #tpu.memory_space<hbm>>
      %dma_start3A_1192 = tpu.memref_squeeze %dma_start3A_1191 : memref<1x50x32xf32, #tpu.memory_space<hbm>> -> memref<50x32xf32, #tpu.memory_space<hbm>>
      %dma_start3A_1193 = arith.constant 0 : i32
      %dma_start3A_1194 = arith.constant 0 : i32
      %dma_start3A_1195 = tpu.memref_slice %arg4[%add3A_1185, %dma_start3A_1193, %dma_start3A_1194] : memref<16384x50x32xf32, #tpu.memory_space<hbm>> -> memref<1x50x32xf32, #tpu.memory_space<hbm>>
      %dma_start3A_1196 = tpu.memref_squeeze %dma_start3A_1195 : memref<1x50x32xf32, #tpu.memory_space<hbm>> -> memref<50x32xf32, #tpu.memory_space<hbm>>
      %dma_start3A_1197 = arith.constant 500 : i32
      %dma_start3A_1198 = arith.constant 0 : i32
      %dma_start3A_1199 = tpu.memref_slice %arg6[%dma_start3A_1197, %dma_start3A_1198] : memref<1600x32xf32, #tpu.memory_space<vmem>> -> memref<50x32xf32, #tpu.memory_space<vmem>>
      tpu.enqueue_dma source(%dma_start3A_1199 : memref<50x32xf32, #tpu.memory_space<vmem>>) target(%dma_start3A_1196 : memref<50x32xf32, #tpu.memory_space<hbm>>) target_semaphore(%arg10 : memref<!tpu.dma_semaphore, #tpu.memory_space<semaphore_mem>>)
      %mul3A_1200 = arith.constant 32 : i32
      %mul3A_1201 = arith.muli %add3A_990, %mul3A_1200 : i32
      %add3A_1202 = arith.addi %mul3A_4, %mul3A_1201 : i32
      %add3A_1203 = arith.constant 11 : i32
      %add3A_1204 = arith.addi %add3A_1202, %add3A_1203 : i32
      %dma_start3A_1205 = arith.constant 550 : i32
      %dma_start3A_1206 = arith.constant 0 : i32
      %dma_start3A_1207 = tpu.memref_slice %arg6[%dma_start3A_1205, %dma_start3A_1206] : memref<1600x32xf32, #tpu.memory_space<vmem>> -> memref<50x32xf32, #tpu.memory_space<vmem>>
      %dma_start3A_1208 = arith.constant 0 : i32
      %dma_start3A_1209 = arith.constant 0 : i32
      %dma_start3A_1210 = tpu.memref_slice %arg4[%add3A_1204, %dma_start3A_1208, %dma_start3A_1209] : memref<16384x50x32xf32, #tpu.memory_space<hbm>> -> memref<1x50x32xf32, #tpu.memory_space<hbm>>
      %dma_start3A_1211 = tpu.memref_squeeze %dma_start3A_1210 : memref<1x50x32xf32, #tpu.memory_space<hbm>> -> memref<50x32xf32, #tpu.memory_space<hbm>>
      %dma_start3A_1212 = arith.constant 0 : i32
      %dma_start3A_1213 = arith.constant 0 : i32
      %dma_start3A_1214 = tpu.memref_slice %arg4[%add3A_1204, %dma_start3A_1212, %dma_start3A_1213] : memref<16384x50x32xf32, #tpu.memory_space<hbm>> -> memref<1x50x32xf32, #tpu.memory_space<hbm>>
      %dma_start3A_1215 = tpu.memref_squeeze %dma_start3A_1214 : memref<1x50x32xf32, #tpu.memory_space<hbm>> -> memref<50x32xf32, #tpu.memory_space<hbm>>
      %dma_start3A_1216 = arith.constant 550 : i32
      %dma_start3A_1217 = arith.constant 0 : i32
      %dma_start3A_1218 = tpu.memref_slice %arg6[%dma_start3A_1216, %dma_start3A_1217] : memref<1600x32xf32, #tpu.memory_space<vmem>> -> memref<50x32xf32, #tpu.memory_space<vmem>>
      tpu.enqueue_dma source(%dma_start3A_1218 : memref<50x32xf32, #tpu.memory_space<vmem>>) target(%dma_start3A_1215 : memref<50x32xf32, #tpu.memory_space<hbm>>) target_semaphore(%arg10 : memref<!tpu.dma_semaphore, #tpu.memory_space<semaphore_mem>>)
      %mul3A_1219 = arith.constant 32 : i32
      %mul3A_1220 = arith.muli %add3A_990, %mul3A_1219 : i32
      %add3A_1221 = arith.addi %mul3A_4, %mul3A_1220 : i32
      %add3A_1222 = arith.constant 12 : i32
      %add3A_1223 = arith.addi %add3A_1221, %add3A_1222 : i32
      %dma_start3A_1224 = arith.constant 600 : i32
      %dma_start3A_1225 = arith.constant 0 : i32
      %dma_start3A_1226 = tpu.memref_slice %arg6[%dma_start3A_1224, %dma_start3A_1225] : memref<1600x32xf32, #tpu.memory_space<vmem>> -> memref<50x32xf32, #tpu.memory_space<vmem>>
      %dma_start3A_1227 = arith.constant 0 : i32
      %dma_start3A_1228 = arith.constant 0 : i32
      %dma_start3A_1229 = tpu.memref_slice %arg4[%add3A_1223, %dma_start3A_1227, %dma_start3A_1228] : memref<16384x50x32xf32, #tpu.memory_space<hbm>> -> memref<1x50x32xf32, #tpu.memory_space<hbm>>
      %dma_start3A_1230 = tpu.memref_squeeze %dma_start3A_1229 : memref<1x50x32xf32, #tpu.memory_space<hbm>> -> memref<50x32xf32, #tpu.memory_space<hbm>>
      %dma_start3A_1231 = arith.constant 0 : i32
      %dma_start3A_1232 = arith.constant 0 : i32
      %dma_start3A_1233 = tpu.memref_slice %arg4[%add3A_1223, %dma_start3A_1231, %dma_start3A_1232] : memref<16384x50x32xf32, #tpu.memory_space<hbm>> -> memref<1x50x32xf32, #tpu.memory_space<hbm>>
      %dma_start3A_1234 = tpu.memref_squeeze %dma_start3A_1233 : memref<1x50x32xf32, #tpu.memory_space<hbm>> -> memref<50x32xf32, #tpu.memory_space<hbm>>
      %dma_start3A_1235 = arith.constant 600 : i32
      %dma_start3A_1236 = arith.constant 0 : i32
      %dma_start3A_1237 = tpu.memref_slice %arg6[%dma_start3A_1235, %dma_start3A_1236] : memref<1600x32xf32, #tpu.memory_space<vmem>> -> memref<50x32xf32, #tpu.memory_space<vmem>>
      tpu.enqueue_dma source(%dma_start3A_1237 : memref<50x32xf32, #tpu.memory_space<vmem>>) target(%dma_start3A_1234 : memref<50x32xf32, #tpu.memory_space<hbm>>) target_semaphore(%arg10 : memref<!tpu.dma_semaphore, #tpu.memory_space<semaphore_mem>>)
      %mul3A_1238 = arith.constant 32 : i32
      %mul3A_1239 = arith.muli %add3A_990, %mul3A_1238 : i32
      %add3A_1240 = arith.addi %mul3A_4, %mul3A_1239 : i32
      %add3A_1241 = arith.constant 13 : i32
      %add3A_1242 = arith.addi %add3A_1240, %add3A_1241 : i32
      %dma_start3A_1243 = arith.constant 650 : i32
      %dma_start3A_1244 = arith.constant 0 : i32
      %dma_start3A_1245 = tpu.memref_slice %arg6[%dma_start3A_1243, %dma_start3A_1244] : memref<1600x32xf32, #tpu.memory_space<vmem>> -> memref<50x32xf32, #tpu.memory_space<vmem>>
      %dma_start3A_1246 = arith.constant 0 : i32
      %dma_start3A_1247 = arith.constant 0 : i32
      %dma_start3A_1248 = tpu.memref_slice %arg4[%add3A_1242, %dma_start3A_1246, %dma_start3A_1247] : memref<16384x50x32xf32, #tpu.memory_space<hbm>> -> memref<1x50x32xf32, #tpu.memory_space<hbm>>
      %dma_start3A_1249 = tpu.memref_squeeze %dma_start3A_1248 : memref<1x50x32xf32, #tpu.memory_space<hbm>> -> memref<50x32xf32, #tpu.memory_space<hbm>>
      %dma_start3A_1250 = arith.constant 0 : i32
      %dma_start3A_1251 = arith.constant 0 : i32
      %dma_start3A_1252 = tpu.memref_slice %arg4[%add3A_1242, %dma_start3A_1250, %dma_start3A_1251] : memref<16384x50x32xf32, #tpu.memory_space<hbm>> -> memref<1x50x32xf32, #tpu.memory_space<hbm>>
      %dma_start3A_1253 = tpu.memref_squeeze %dma_start3A_1252 : memref<1x50x32xf32, #tpu.memory_space<hbm>> -> memref<50x32xf32, #tpu.memory_space<hbm>>
      %dma_start3A_1254 = arith.constant 650 : i32
      %dma_start3A_1255 = arith.constant 0 : i32
      %dma_start3A_1256 = tpu.memref_slice %arg6[%dma_start3A_1254, %dma_start3A_1255] : memref<1600x32xf32, #tpu.memory_space<vmem>> -> memref<50x32xf32, #tpu.memory_space<vmem>>
      tpu.enqueue_dma source(%dma_start3A_1256 : memref<50x32xf32, #tpu.memory_space<vmem>>) target(%dma_start3A_1253 : memref<50x32xf32, #tpu.memory_space<hbm>>) target_semaphore(%arg10 : memref<!tpu.dma_semaphore, #tpu.memory_space<semaphore_mem>>)
      %mul3A_1257 = arith.constant 32 : i32
      %mul3A_1258 = arith.muli %add3A_990, %mul3A_1257 : i32
      %add3A_1259 = arith.addi %mul3A_4, %mul3A_1258 : i32
      %add3A_1260 = arith.constant 14 : i32
      %add3A_1261 = arith.addi %add3A_1259, %add3A_1260 : i32
      %dma_start3A_1262 = arith.constant 700 : i32
      %dma_start3A_1263 = arith.constant 0 : i32
      %dma_start3A_1264 = tpu.memref_slice %arg6[%dma_start3A_1262, %dma_start3A_1263] : memref<1600x32xf32, #tpu.memory_space<vmem>> -> memref<50x32xf32, #tpu.memory_space<vmem>>
      %dma_start3A_1265 = arith.constant 0 : i32
      %dma_start3A_1266 = arith.constant 0 : i32
      %dma_start3A_1267 = tpu.memref_slice %arg4[%add3A_1261, %dma_start3A_1265, %dma_start3A_1266] : memref<16384x50x32xf32, #tpu.memory_space<hbm>> -> memref<1x50x32xf32, #tpu.memory_space<hbm>>
      %dma_start3A_1268 = tpu.memref_squeeze %dma_start3A_1267 : memref<1x50x32xf32, #tpu.memory_space<hbm>> -> memref<50x32xf32, #tpu.memory_space<hbm>>
      %dma_start3A_1269 = arith.constant 0 : i32
      %dma_start3A_1270 = arith.constant 0 : i32
      %dma_start3A_1271 = tpu.memref_slice %arg4[%add3A_1261, %dma_start3A_1269, %dma_start3A_1270] : memref<16384x50x32xf32, #tpu.memory_space<hbm>> -> memref<1x50x32xf32, #tpu.memory_space<hbm>>
      %dma_start3A_1272 = tpu.memref_squeeze %dma_start3A_1271 : memref<1x50x32xf32, #tpu.memory_space<hbm>> -> memref<50x32xf32, #tpu.memory_space<hbm>>
      %dma_start3A_1273 = arith.constant 700 : i32
      %dma_start3A_1274 = arith.constant 0 : i32
      %dma_start3A_1275 = tpu.memref_slice %arg6[%dma_start3A_1273, %dma_start3A_1274] : memref<1600x32xf32, #tpu.memory_space<vmem>> -> memref<50x32xf32, #tpu.memory_space<vmem>>
      tpu.enqueue_dma source(%dma_start3A_1275 : memref<50x32xf32, #tpu.memory_space<vmem>>) target(%dma_start3A_1272 : memref<50x32xf32, #tpu.memory_space<hbm>>) target_semaphore(%arg10 : memref<!tpu.dma_semaphore, #tpu.memory_space<semaphore_mem>>)
      %mul3A_1276 = arith.constant 32 : i32
      %mul3A_1277 = arith.muli %add3A_990, %mul3A_1276 : i32
      %add3A_1278 = arith.addi %mul3A_4, %mul3A_1277 : i32
      %add3A_1279 = arith.constant 15 : i32
      %add3A_1280 = arith.addi %add3A_1278, %add3A_1279 : i32
      %dma_start3A_1281 = arith.constant 750 : i32
      %dma_start3A_1282 = arith.constant 0 : i32
      %dma_start3A_1283 = tpu.memref_slice %arg6[%dma_start3A_1281, %dma_start3A_1282] : memref<1600x32xf32, #tpu.memory_space<vmem>> -> memref<50x32xf32, #tpu.memory_space<vmem>>
      %dma_start3A_1284 = arith.constant 0 : i32
      %dma_start3A_1285 = arith.constant 0 : i32
      %dma_start3A_1286 = tpu.memref_slice %arg4[%add3A_1280, %dma_start3A_1284, %dma_start3A_1285] : memref<16384x50x32xf32, #tpu.memory_space<hbm>> -> memref<1x50x32xf32, #tpu.memory_space<hbm>>
      %dma_start3A_1287 = tpu.memref_squeeze %dma_start3A_1286 : memref<1x50x32xf32, #tpu.memory_space<hbm>> -> memref<50x32xf32, #tpu.memory_space<hbm>>
      %dma_start3A_1288 = arith.constant 0 : i32
      %dma_start3A_1289 = arith.constant 0 : i32
      %dma_start3A_1290 = tpu.memref_slice %arg4[%add3A_1280, %dma_start3A_1288, %dma_start3A_1289] : memref<16384x50x32xf32, #tpu.memory_space<hbm>> -> memref<1x50x32xf32, #tpu.memory_space<hbm>>
      %dma_start3A_1291 = tpu.memref_squeeze %dma_start3A_1290 : memref<1x50x32xf32, #tpu.memory_space<hbm>> -> memref<50x32xf32, #tpu.memory_space<hbm>>
      %dma_start3A_1292 = arith.constant 750 : i32
      %dma_start3A_1293 = arith.constant 0 : i32
      %dma_start3A_1294 = tpu.memref_slice %arg6[%dma_start3A_1292, %dma_start3A_1293] : memref<1600x32xf32, #tpu.memory_space<vmem>> -> memref<50x32xf32, #tpu.memory_space<vmem>>
      tpu.enqueue_dma source(%dma_start3A_1294 : memref<50x32xf32, #tpu.memory_space<vmem>>) target(%dma_start3A_1291 : memref<50x32xf32, #tpu.memory_space<hbm>>) target_semaphore(%arg10 : memref<!tpu.dma_semaphore, #tpu.memory_space<semaphore_mem>>)
      %mul3A_1295 = arith.constant 32 : i32
      %mul3A_1296 = arith.muli %add3A_990, %mul3A_1295 : i32
      %add3A_1297 = arith.addi %mul3A_4, %mul3A_1296 : i32
      %add3A_1298 = arith.constant 16 : i32
      %add3A_1299 = arith.addi %add3A_1297, %add3A_1298 : i32
      %dma_start3A_1300 = arith.constant 800 : i32
      %dma_start3A_1301 = arith.constant 0 : i32
      %dma_start3A_1302 = tpu.memref_slice %arg6[%dma_start3A_1300, %dma_start3A_1301] : memref<1600x32xf32, #tpu.memory_space<vmem>> -> memref<50x32xf32, #tpu.memory_space<vmem>>
      %dma_start3A_1303 = arith.constant 0 : i32
      %dma_start3A_1304 = arith.constant 0 : i32
      %dma_start3A_1305 = tpu.memref_slice %arg4[%add3A_1299, %dma_start3A_1303, %dma_start3A_1304] : memref<16384x50x32xf32, #tpu.memory_space<hbm>> -> memref<1x50x32xf32, #tpu.memory_space<hbm>>
      %dma_start3A_1306 = tpu.memref_squeeze %dma_start3A_1305 : memref<1x50x32xf32, #tpu.memory_space<hbm>> -> memref<50x32xf32, #tpu.memory_space<hbm>>
      %dma_start3A_1307 = arith.constant 0 : i32
      %dma_start3A_1308 = arith.constant 0 : i32
      %dma_start3A_1309 = tpu.memref_slice %arg4[%add3A_1299, %dma_start3A_1307, %dma_start3A_1308] : memref<16384x50x32xf32, #tpu.memory_space<hbm>> -> memref<1x50x32xf32, #tpu.memory_space<hbm>>
      %dma_start3A_1310 = tpu.memref_squeeze %dma_start3A_1309 : memref<1x50x32xf32, #tpu.memory_space<hbm>> -> memref<50x32xf32, #tpu.memory_space<hbm>>
      %dma_start3A_1311 = arith.constant 800 : i32
      %dma_start3A_1312 = arith.constant 0 : i32
      %dma_start3A_1313 = tpu.memref_slice %arg6[%dma_start3A_1311, %dma_start3A_1312] : memref<1600x32xf32, #tpu.memory_space<vmem>> -> memref<50x32xf32, #tpu.memory_space<vmem>>
      tpu.enqueue_dma source(%dma_start3A_1313 : memref<50x32xf32, #tpu.memory_space<vmem>>) target(%dma_start3A_1310 : memref<50x32xf32, #tpu.memory_space<hbm>>) target_semaphore(%arg10 : memref<!tpu.dma_semaphore, #tpu.memory_space<semaphore_mem>>)
      %mul3A_1314 = arith.constant 32 : i32
      %mul3A_1315 = arith.muli %add3A_990, %mul3A_1314 : i32
      %add3A_1316 = arith.addi %mul3A_4, %mul3A_1315 : i32
      %add3A_1317 = arith.constant 17 : i32
      %add3A_1318 = arith.addi %add3A_1316, %add3A_1317 : i32
      %dma_start3A_1319 = arith.constant 850 : i32
      %dma_start3A_1320 = arith.constant 0 : i32
      %dma_start3A_1321 = tpu.memref_slice %arg6[%dma_start3A_1319, %dma_start3A_1320] : memref<1600x32xf32, #tpu.memory_space<vmem>> -> memref<50x32xf32, #tpu.memory_space<vmem>>
      %dma_start3A_1322 = arith.constant 0 : i32
      %dma_start3A_1323 = arith.constant 0 : i32
      %dma_start3A_1324 = tpu.memref_slice %arg4[%add3A_1318, %dma_start3A_1322, %dma_start3A_1323] : memref<16384x50x32xf32, #tpu.memory_space<hbm>> -> memref<1x50x32xf32, #tpu.memory_space<hbm>>
      %dma_start3A_1325 = tpu.memref_squeeze %dma_start3A_1324 : memref<1x50x32xf32, #tpu.memory_space<hbm>> -> memref<50x32xf32, #tpu.memory_space<hbm>>
      %dma_start3A_1326 = arith.constant 0 : i32
      %dma_start3A_1327 = arith.constant 0 : i32
      %dma_start3A_1328 = tpu.memref_slice %arg4[%add3A_1318, %dma_start3A_1326, %dma_start3A_1327] : memref<16384x50x32xf32, #tpu.memory_space<hbm>> -> memref<1x50x32xf32, #tpu.memory_space<hbm>>
      %dma_start3A_1329 = tpu.memref_squeeze %dma_start3A_1328 : memref<1x50x32xf32, #tpu.memory_space<hbm>> -> memref<50x32xf32, #tpu.memory_space<hbm>>
      %dma_start3A_1330 = arith.constant 850 : i32
      %dma_start3A_1331 = arith.constant 0 : i32
      %dma_start3A_1332 = tpu.memref_slice %arg6[%dma_start3A_1330, %dma_start3A_1331] : memref<1600x32xf32, #tpu.memory_space<vmem>> -> memref<50x32xf32, #tpu.memory_space<vmem>>
      tpu.enqueue_dma source(%dma_start3A_1332 : memref<50x32xf32, #tpu.memory_space<vmem>>) target(%dma_start3A_1329 : memref<50x32xf32, #tpu.memory_space<hbm>>) target_semaphore(%arg10 : memref<!tpu.dma_semaphore, #tpu.memory_space<semaphore_mem>>)
      %mul3A_1333 = arith.constant 32 : i32
      %mul3A_1334 = arith.muli %add3A_990, %mul3A_1333 : i32
      %add3A_1335 = arith.addi %mul3A_4, %mul3A_1334 : i32
      %add3A_1336 = arith.constant 18 : i32
      %add3A_1337 = arith.addi %add3A_1335, %add3A_1336 : i32
      %dma_start3A_1338 = arith.constant 900 : i32
      %dma_start3A_1339 = arith.constant 0 : i32
      %dma_start3A_1340 = tpu.memref_slice %arg6[%dma_start3A_1338, %dma_start3A_1339] : memref<1600x32xf32, #tpu.memory_space<vmem>> -> memref<50x32xf32, #tpu.memory_space<vmem>>
      %dma_start3A_1341 = arith.constant 0 : i32
      %dma_start3A_1342 = arith.constant 0 : i32
      %dma_start3A_1343 = tpu.memref_slice %arg4[%add3A_1337, %dma_start3A_1341, %dma_start3A_1342] : memref<16384x50x32xf32, #tpu.memory_space<hbm>> -> memref<1x50x32xf32, #tpu.memory_space<hbm>>
      %dma_start3A_1344 = tpu.memref_squeeze %dma_start3A_1343 : memref<1x50x32xf32, #tpu.memory_space<hbm>> -> memref<50x32xf32, #tpu.memory_space<hbm>>
      %dma_start3A_1345 = arith.constant 0 : i32
      %dma_start3A_1346 = arith.constant 0 : i32
      %dma_start3A_1347 = tpu.memref_slice %arg4[%add3A_1337, %dma_start3A_1345, %dma_start3A_1346] : memref<16384x50x32xf32, #tpu.memory_space<hbm>> -> memref<1x50x32xf32, #tpu.memory_space<hbm>>
      %dma_start3A_1348 = tpu.memref_squeeze %dma_start3A_1347 : memref<1x50x32xf32, #tpu.memory_space<hbm>> -> memref<50x32xf32, #tpu.memory_space<hbm>>
      %dma_start3A_1349 = arith.constant 900 : i32
      %dma_start3A_1350 = arith.constant 0 : i32
      %dma_start3A_1351 = tpu.memref_slice %arg6[%dma_start3A_1349, %dma_start3A_1350] : memref<1600x32xf32, #tpu.memory_space<vmem>> -> memref<50x32xf32, #tpu.memory_space<vmem>>
      tpu.enqueue_dma source(%dma_start3A_1351 : memref<50x32xf32, #tpu.memory_space<vmem>>) target(%dma_start3A_1348 : memref<50x32xf32, #tpu.memory_space<hbm>>) target_semaphore(%arg10 : memref<!tpu.dma_semaphore, #tpu.memory_space<semaphore_mem>>)
      %mul3A_1352 = arith.constant 32 : i32
      %mul3A_1353 = arith.muli %add3A_990, %mul3A_1352 : i32
      %add3A_1354 = arith.addi %mul3A_4, %mul3A_1353 : i32
      %add3A_1355 = arith.constant 19 : i32
      %add3A_1356 = arith.addi %add3A_1354, %add3A_1355 : i32
      %dma_start3A_1357 = arith.constant 950 : i32
      %dma_start3A_1358 = arith.constant 0 : i32
      %dma_start3A_1359 = tpu.memref_slice %arg6[%dma_start3A_1357, %dma_start3A_1358] : memref<1600x32xf32, #tpu.memory_space<vmem>> -> memref<50x32xf32, #tpu.memory_space<vmem>>
      %dma_start3A_1360 = arith.constant 0 : i32
      %dma_start3A_1361 = arith.constant 0 : i32
      %dma_start3A_1362 = tpu.memref_slice %arg4[%add3A_1356, %dma_start3A_1360, %dma_start3A_1361] : memref<16384x50x32xf32, #tpu.memory_space<hbm>> -> memref<1x50x32xf32, #tpu.memory_space<hbm>>
      %dma_start3A_1363 = tpu.memref_squeeze %dma_start3A_1362 : memref<1x50x32xf32, #tpu.memory_space<hbm>> -> memref<50x32xf32, #tpu.memory_space<hbm>>
      %dma_start3A_1364 = arith.constant 0 : i32
      %dma_start3A_1365 = arith.constant 0 : i32
      %dma_start3A_1366 = tpu.memref_slice %arg4[%add3A_1356, %dma_start3A_1364, %dma_start3A_1365] : memref<16384x50x32xf32, #tpu.memory_space<hbm>> -> memref<1x50x32xf32, #tpu.memory_space<hbm>>
      %dma_start3A_1367 = tpu.memref_squeeze %dma_start3A_1366 : memref<1x50x32xf32, #tpu.memory_space<hbm>> -> memref<50x32xf32, #tpu.memory_space<hbm>>
      %dma_start3A_1368 = arith.constant 950 : i32
      %dma_start3A_1369 = arith.constant 0 : i32
      %dma_start3A_1370 = tpu.memref_slice %arg6[%dma_start3A_1368, %dma_start3A_1369] : memref<1600x32xf32, #tpu.memory_space<vmem>> -> memref<50x32xf32, #tpu.memory_space<vmem>>
      tpu.enqueue_dma source(%dma_start3A_1370 : memref<50x32xf32, #tpu.memory_space<vmem>>) target(%dma_start3A_1367 : memref<50x32xf32, #tpu.memory_space<hbm>>) target_semaphore(%arg10 : memref<!tpu.dma_semaphore, #tpu.memory_space<semaphore_mem>>)
      %mul3A_1371 = arith.constant 32 : i32
      %mul3A_1372 = arith.muli %add3A_990, %mul3A_1371 : i32
      %add3A_1373 = arith.addi %mul3A_4, %mul3A_1372 : i32
      %add3A_1374 = arith.constant 20 : i32
      %add3A_1375 = arith.addi %add3A_1373, %add3A_1374 : i32
      %dma_start3A_1376 = arith.constant 1000 : i32
      %dma_start3A_1377 = arith.constant 0 : i32
      %dma_start3A_1378 = tpu.memref_slice %arg6[%dma_start3A_1376, %dma_start3A_1377] : memref<1600x32xf32, #tpu.memory_space<vmem>> -> memref<50x32xf32, #tpu.memory_space<vmem>>
      %dma_start3A_1379 = arith.constant 0 : i32
      %dma_start3A_1380 = arith.constant 0 : i32
      %dma_start3A_1381 = tpu.memref_slice %arg4[%add3A_1375, %dma_start3A_1379, %dma_start3A_1380] : memref<16384x50x32xf32, #tpu.memory_space<hbm>> -> memref<1x50x32xf32, #tpu.memory_space<hbm>>
      %dma_start3A_1382 = tpu.memref_squeeze %dma_start3A_1381 : memref<1x50x32xf32, #tpu.memory_space<hbm>> -> memref<50x32xf32, #tpu.memory_space<hbm>>
      %dma_start3A_1383 = arith.constant 0 : i32
      %dma_start3A_1384 = arith.constant 0 : i32
      %dma_start3A_1385 = tpu.memref_slice %arg4[%add3A_1375, %dma_start3A_1383, %dma_start3A_1384] : memref<16384x50x32xf32, #tpu.memory_space<hbm>> -> memref<1x50x32xf32, #tpu.memory_space<hbm>>
      %dma_start3A_1386 = tpu.memref_squeeze %dma_start3A_1385 : memref<1x50x32xf32, #tpu.memory_space<hbm>> -> memref<50x32xf32, #tpu.memory_space<hbm>>
      %dma_start3A_1387 = arith.constant 1000 : i32
      %dma_start3A_1388 = arith.constant 0 : i32
      %dma_start3A_1389 = tpu.memref_slice %arg6[%dma_start3A_1387, %dma_start3A_1388] : memref<1600x32xf32, #tpu.memory_space<vmem>> -> memref<50x32xf32, #tpu.memory_space<vmem>>
      tpu.enqueue_dma source(%dma_start3A_1389 : memref<50x32xf32, #tpu.memory_space<vmem>>) target(%dma_start3A_1386 : memref<50x32xf32, #tpu.memory_space<hbm>>) target_semaphore(%arg10 : memref<!tpu.dma_semaphore, #tpu.memory_space<semaphore_mem>>)
      %mul3A_1390 = arith.constant 32 : i32
      %mul3A_1391 = arith.muli %add3A_990, %mul3A_1390 : i32
      %add3A_1392 = arith.addi %mul3A_4, %mul3A_1391 : i32
      %add3A_1393 = arith.constant 21 : i32
      %add3A_1394 = arith.addi %add3A_1392, %add3A_1393 : i32
      %dma_start3A_1395 = arith.constant 1050 : i32
      %dma_start3A_1396 = arith.constant 0 : i32
      %dma_start3A_1397 = tpu.memref_slice %arg6[%dma_start3A_1395, %dma_start3A_1396] : memref<1600x32xf32, #tpu.memory_space<vmem>> -> memref<50x32xf32, #tpu.memory_space<vmem>>
      %dma_start3A_1398 = arith.constant 0 : i32
      %dma_start3A_1399 = arith.constant 0 : i32
      %dma_start3A_1400 = tpu.memref_slice %arg4[%add3A_1394, %dma_start3A_1398, %dma_start3A_1399] : memref<16384x50x32xf32, #tpu.memory_space<hbm>> -> memref<1x50x32xf32, #tpu.memory_space<hbm>>
      %dma_start3A_1401 = tpu.memref_squeeze %dma_start3A_1400 : memref<1x50x32xf32, #tpu.memory_space<hbm>> -> memref<50x32xf32, #tpu.memory_space<hbm>>
      %dma_start3A_1402 = arith.constant 0 : i32
      %dma_start3A_1403 = arith.constant 0 : i32
      %dma_start3A_1404 = tpu.memref_slice %arg4[%add3A_1394, %dma_start3A_1402, %dma_start3A_1403] : memref<16384x50x32xf32, #tpu.memory_space<hbm>> -> memref<1x50x32xf32, #tpu.memory_space<hbm>>
      %dma_start3A_1405 = tpu.memref_squeeze %dma_start3A_1404 : memref<1x50x32xf32, #tpu.memory_space<hbm>> -> memref<50x32xf32, #tpu.memory_space<hbm>>
      %dma_start3A_1406 = arith.constant 1050 : i32
      %dma_start3A_1407 = arith.constant 0 : i32
      %dma_start3A_1408 = tpu.memref_slice %arg6[%dma_start3A_1406, %dma_start3A_1407] : memref<1600x32xf32, #tpu.memory_space<vmem>> -> memref<50x32xf32, #tpu.memory_space<vmem>>
      tpu.enqueue_dma source(%dma_start3A_1408 : memref<50x32xf32, #tpu.memory_space<vmem>>) target(%dma_start3A_1405 : memref<50x32xf32, #tpu.memory_space<hbm>>) target_semaphore(%arg10 : memref<!tpu.dma_semaphore, #tpu.memory_space<semaphore_mem>>)
      %mul3A_1409 = arith.constant 32 : i32
      %mul3A_1410 = arith.muli %add3A_990, %mul3A_1409 : i32
      %add3A_1411 = arith.addi %mul3A_4, %mul3A_1410 : i32
      %add3A_1412 = arith.constant 22 : i32
      %add3A_1413 = arith.addi %add3A_1411, %add3A_1412 : i32
      %dma_start3A_1414 = arith.constant 1100 : i32
      %dma_start3A_1415 = arith.constant 0 : i32
      %dma_start3A_1416 = tpu.memref_slice %arg6[%dma_start3A_1414, %dma_start3A_1415] : memref<1600x32xf32, #tpu.memory_space<vmem>> -> memref<50x32xf32, #tpu.memory_space<vmem>>
      %dma_start3A_1417 = arith.constant 0 : i32
      %dma_start3A_1418 = arith.constant 0 : i32
      %dma_start3A_1419 = tpu.memref_slice %arg4[%add3A_1413, %dma_start3A_1417, %dma_start3A_1418] : memref<16384x50x32xf32, #tpu.memory_space<hbm>> -> memref<1x50x32xf32, #tpu.memory_space<hbm>>
      %dma_start3A_1420 = tpu.memref_squeeze %dma_start3A_1419 : memref<1x50x32xf32, #tpu.memory_space<hbm>> -> memref<50x32xf32, #tpu.memory_space<hbm>>
      %dma_start3A_1421 = arith.constant 0 : i32
      %dma_start3A_1422 = arith.constant 0 : i32
      %dma_start3A_1423 = tpu.memref_slice %arg4[%add3A_1413, %dma_start3A_1421, %dma_start3A_1422] : memref<16384x50x32xf32, #tpu.memory_space<hbm>> -> memref<1x50x32xf32, #tpu.memory_space<hbm>>
      %dma_start3A_1424 = tpu.memref_squeeze %dma_start3A_1423 : memref<1x50x32xf32, #tpu.memory_space<hbm>> -> memref<50x32xf32, #tpu.memory_space<hbm>>
      %dma_start3A_1425 = arith.constant 1100 : i32
      %dma_start3A_1426 = arith.constant 0 : i32
      %dma_start3A_1427 = tpu.memref_slice %arg6[%dma_start3A_1425, %dma_start3A_1426] : memref<1600x32xf32, #tpu.memory_space<vmem>> -> memref<50x32xf32, #tpu.memory_space<vmem>>
      tpu.enqueue_dma source(%dma_start3A_1427 : memref<50x32xf32, #tpu.memory_space<vmem>>) target(%dma_start3A_1424 : memref<50x32xf32, #tpu.memory_space<hbm>>) target_semaphore(%arg10 : memref<!tpu.dma_semaphore, #tpu.memory_space<semaphore_mem>>)
      %mul3A_1428 = arith.constant 32 : i32
      %mul3A_1429 = arith.muli %add3A_990, %mul3A_1428 : i32
      %add3A_1430 = arith.addi %mul3A_4, %mul3A_1429 : i32
      %add3A_1431 = arith.constant 23 : i32
      %add3A_1432 = arith.addi %add3A_1430, %add3A_1431 : i32
      %dma_start3A_1433 = arith.constant 1150 : i32
      %dma_start3A_1434 = arith.constant 0 : i32
      %dma_start3A_1435 = tpu.memref_slice %arg6[%dma_start3A_1433, %dma_start3A_1434] : memref<1600x32xf32, #tpu.memory_space<vmem>> -> memref<50x32xf32, #tpu.memory_space<vmem>>
      %dma_start3A_1436 = arith.constant 0 : i32
      %dma_start3A_1437 = arith.constant 0 : i32
      %dma_start3A_1438 = tpu.memref_slice %arg4[%add3A_1432, %dma_start3A_1436, %dma_start3A_1437] : memref<16384x50x32xf32, #tpu.memory_space<hbm>> -> memref<1x50x32xf32, #tpu.memory_space<hbm>>
      %dma_start3A_1439 = tpu.memref_squeeze %dma_start3A_1438 : memref<1x50x32xf32, #tpu.memory_space<hbm>> -> memref<50x32xf32, #tpu.memory_space<hbm>>
      %dma_start3A_1440 = arith.constant 0 : i32
      %dma_start3A_1441 = arith.constant 0 : i32
      %dma_start3A_1442 = tpu.memref_slice %arg4[%add3A_1432, %dma_start3A_1440, %dma_start3A_1441] : memref<16384x50x32xf32, #tpu.memory_space<hbm>> -> memref<1x50x32xf32, #tpu.memory_space<hbm>>
      %dma_start3A_1443 = tpu.memref_squeeze %dma_start3A_1442 : memref<1x50x32xf32, #tpu.memory_space<hbm>> -> memref<50x32xf32, #tpu.memory_space<hbm>>
      %dma_start3A_1444 = arith.constant 1150 : i32
      %dma_start3A_1445 = arith.constant 0 : i32
      %dma_start3A_1446 = tpu.memref_slice %arg6[%dma_start3A_1444, %dma_start3A_1445] : memref<1600x32xf32, #tpu.memory_space<vmem>> -> memref<50x32xf32, #tpu.memory_space<vmem>>
      tpu.enqueue_dma source(%dma_start3A_1446 : memref<50x32xf32, #tpu.memory_space<vmem>>) target(%dma_start3A_1443 : memref<50x32xf32, #tpu.memory_space<hbm>>) target_semaphore(%arg10 : memref<!tpu.dma_semaphore, #tpu.memory_space<semaphore_mem>>)
      %mul3A_1447 = arith.constant 32 : i32
      %mul3A_1448 = arith.muli %add3A_990, %mul3A_1447 : i32
      %add3A_1449 = arith.addi %mul3A_4, %mul3A_1448 : i32
      %add3A_1450 = arith.constant 24 : i32
      %add3A_1451 = arith.addi %add3A_1449, %add3A_1450 : i32
      %dma_start3A_1452 = arith.constant 1200 : i32
      %dma_start3A_1453 = arith.constant 0 : i32
      %dma_start3A_1454 = tpu.memref_slice %arg6[%dma_start3A_1452, %dma_start3A_1453] : memref<1600x32xf32, #tpu.memory_space<vmem>> -> memref<50x32xf32, #tpu.memory_space<vmem>>
      %dma_start3A_1455 = arith.constant 0 : i32
      %dma_start3A_1456 = arith.constant 0 : i32
      %dma_start3A_1457 = tpu.memref_slice %arg4[%add3A_1451, %dma_start3A_1455, %dma_start3A_1456] : memref<16384x50x32xf32, #tpu.memory_space<hbm>> -> memref<1x50x32xf32, #tpu.memory_space<hbm>>
      %dma_start3A_1458 = tpu.memref_squeeze %dma_start3A_1457 : memref<1x50x32xf32, #tpu.memory_space<hbm>> -> memref<50x32xf32, #tpu.memory_space<hbm>>
      %dma_start3A_1459 = arith.constant 0 : i32
      %dma_start3A_1460 = arith.constant 0 : i32
      %dma_start3A_1461 = tpu.memref_slice %arg4[%add3A_1451, %dma_start3A_1459, %dma_start3A_1460] : memref<16384x50x32xf32, #tpu.memory_space<hbm>> -> memref<1x50x32xf32, #tpu.memory_space<hbm>>
      %dma_start3A_1462 = tpu.memref_squeeze %dma_start3A_1461 : memref<1x50x32xf32, #tpu.memory_space<hbm>> -> memref<50x32xf32, #tpu.memory_space<hbm>>
      %dma_start3A_1463 = arith.constant 1200 : i32
      %dma_start3A_1464 = arith.constant 0 : i32
      %dma_start3A_1465 = tpu.memref_slice %arg6[%dma_start3A_1463, %dma_start3A_1464] : memref<1600x32xf32, #tpu.memory_space<vmem>> -> memref<50x32xf32, #tpu.memory_space<vmem>>
      tpu.enqueue_dma source(%dma_start3A_1465 : memref<50x32xf32, #tpu.memory_space<vmem>>) target(%dma_start3A_1462 : memref<50x32xf32, #tpu.memory_space<hbm>>) target_semaphore(%arg10 : memref<!tpu.dma_semaphore, #tpu.memory_space<semaphore_mem>>)
      %mul3A_1466 = arith.constant 32 : i32
      %mul3A_1467 = arith.muli %add3A_990, %mul3A_1466 : i32
      %add3A_1468 = arith.addi %mul3A_4, %mul3A_1467 : i32
      %add3A_1469 = arith.constant 25 : i32
      %add3A_1470 = arith.addi %add3A_1468, %add3A_1469 : i32
      %dma_start3A_1471 = arith.constant 1250 : i32
      %dma_start3A_1472 = arith.constant 0 : i32
      %dma_start3A_1473 = tpu.memref_slice %arg6[%dma_start3A_1471, %dma_start3A_1472] : memref<1600x32xf32, #tpu.memory_space<vmem>> -> memref<50x32xf32, #tpu.memory_space<vmem>>
      %dma_start3A_1474 = arith.constant 0 : i32
      %dma_start3A_1475 = arith.constant 0 : i32
      %dma_start3A_1476 = tpu.memref_slice %arg4[%add3A_1470, %dma_start3A_1474, %dma_start3A_1475] : memref<16384x50x32xf32, #tpu.memory_space<hbm>> -> memref<1x50x32xf32, #tpu.memory_space<hbm>>
      %dma_start3A_1477 = tpu.memref_squeeze %dma_start3A_1476 : memref<1x50x32xf32, #tpu.memory_space<hbm>> -> memref<50x32xf32, #tpu.memory_space<hbm>>
      %dma_start3A_1478 = arith.constant 0 : i32
      %dma_start3A_1479 = arith.constant 0 : i32
      %dma_start3A_1480 = tpu.memref_slice %arg4[%add3A_1470, %dma_start3A_1478, %dma_start3A_1479] : memref<16384x50x32xf32, #tpu.memory_space<hbm>> -> memref<1x50x32xf32, #tpu.memory_space<hbm>>
      %dma_start3A_1481 = tpu.memref_squeeze %dma_start3A_1480 : memref<1x50x32xf32, #tpu.memory_space<hbm>> -> memref<50x32xf32, #tpu.memory_space<hbm>>
      %dma_start3A_1482 = arith.constant 1250 : i32
      %dma_start3A_1483 = arith.constant 0 : i32
      %dma_start3A_1484 = tpu.memref_slice %arg6[%dma_start3A_1482, %dma_start3A_1483] : memref<1600x32xf32, #tpu.memory_space<vmem>> -> memref<50x32xf32, #tpu.memory_space<vmem>>
      tpu.enqueue_dma source(%dma_start3A_1484 : memref<50x32xf32, #tpu.memory_space<vmem>>) target(%dma_start3A_1481 : memref<50x32xf32, #tpu.memory_space<hbm>>) target_semaphore(%arg10 : memref<!tpu.dma_semaphore, #tpu.memory_space<semaphore_mem>>)
      %mul3A_1485 = arith.constant 32 : i32
      %mul3A_1486 = arith.muli %add3A_990, %mul3A_1485 : i32
      %add3A_1487 = arith.addi %mul3A_4, %mul3A_1486 : i32
      %add3A_1488 = arith.constant 26 : i32
      %add3A_1489 = arith.addi %add3A_1487, %add3A_1488 : i32
      %dma_start3A_1490 = arith.constant 1300 : i32
      %dma_start3A_1491 = arith.constant 0 : i32
      %dma_start3A_1492 = tpu.memref_slice %arg6[%dma_start3A_1490, %dma_start3A_1491] : memref<1600x32xf32, #tpu.memory_space<vmem>> -> memref<50x32xf32, #tpu.memory_space<vmem>>
      %dma_start3A_1493 = arith.constant 0 : i32
      %dma_start3A_1494 = arith.constant 0 : i32
      %dma_start3A_1495 = tpu.memref_slice %arg4[%add3A_1489, %dma_start3A_1493, %dma_start3A_1494] : memref<16384x50x32xf32, #tpu.memory_space<hbm>> -> memref<1x50x32xf32, #tpu.memory_space<hbm>>
      %dma_start3A_1496 = tpu.memref_squeeze %dma_start3A_1495 : memref<1x50x32xf32, #tpu.memory_space<hbm>> -> memref<50x32xf32, #tpu.memory_space<hbm>>
      %dma_start3A_1497 = arith.constant 0 : i32
      %dma_start3A_1498 = arith.constant 0 : i32
      %dma_start3A_1499 = tpu.memref_slice %arg4[%add3A_1489, %dma_start3A_1497, %dma_start3A_1498] : memref<16384x50x32xf32, #tpu.memory_space<hbm>> -> memref<1x50x32xf32, #tpu.memory_space<hbm>>
      %dma_start3A_1500 = tpu.memref_squeeze %dma_start3A_1499 : memref<1x50x32xf32, #tpu.memory_space<hbm>> -> memref<50x32xf32, #tpu.memory_space<hbm>>
      %dma_start3A_1501 = arith.constant 1300 : i32
      %dma_start3A_1502 = arith.constant 0 : i32
      %dma_start3A_1503 = tpu.memref_slice %arg6[%dma_start3A_1501, %dma_start3A_1502] : memref<1600x32xf32, #tpu.memory_space<vmem>> -> memref<50x32xf32, #tpu.memory_space<vmem>>
      tpu.enqueue_dma source(%dma_start3A_1503 : memref<50x32xf32, #tpu.memory_space<vmem>>) target(%dma_start3A_1500 : memref<50x32xf32, #tpu.memory_space<hbm>>) target_semaphore(%arg10 : memref<!tpu.dma_semaphore, #tpu.memory_space<semaphore_mem>>)
      %mul3A_1504 = arith.constant 32 : i32
      %mul3A_1505 = arith.muli %add3A_990, %mul3A_1504 : i32
      %add3A_1506 = arith.addi %mul3A_4, %mul3A_1505 : i32
      %add3A_1507 = arith.constant 27 : i32
      %add3A_1508 = arith.addi %add3A_1506, %add3A_1507 : i32
      %dma_start3A_1509 = arith.constant 1350 : i32
      %dma_start3A_1510 = arith.constant 0 : i32
      %dma_start3A_1511 = tpu.memref_slice %arg6[%dma_start3A_1509, %dma_start3A_1510] : memref<1600x32xf32, #tpu.memory_space<vmem>> -> memref<50x32xf32, #tpu.memory_space<vmem>>
      %dma_start3A_1512 = arith.constant 0 : i32
      %dma_start3A_1513 = arith.constant 0 : i32
      %dma_start3A_1514 = tpu.memref_slice %arg4[%add3A_1508, %dma_start3A_1512, %dma_start3A_1513] : memref<16384x50x32xf32, #tpu.memory_space<hbm>> -> memref<1x50x32xf32, #tpu.memory_space<hbm>>
      %dma_start3A_1515 = tpu.memref_squeeze %dma_start3A_1514 : memref<1x50x32xf32, #tpu.memory_space<hbm>> -> memref<50x32xf32, #tpu.memory_space<hbm>>
      %dma_start3A_1516 = arith.constant 0 : i32
      %dma_start3A_1517 = arith.constant 0 : i32
      %dma_start3A_1518 = tpu.memref_slice %arg4[%add3A_1508, %dma_start3A_1516, %dma_start3A_1517] : memref<16384x50x32xf32, #tpu.memory_space<hbm>> -> memref<1x50x32xf32, #tpu.memory_space<hbm>>
      %dma_start3A_1519 = tpu.memref_squeeze %dma_start3A_1518 : memref<1x50x32xf32, #tpu.memory_space<hbm>> -> memref<50x32xf32, #tpu.memory_space<hbm>>
      %dma_start3A_1520 = arith.constant 1350 : i32
      %dma_start3A_1521 = arith.constant 0 : i32
      %dma_start3A_1522 = tpu.memref_slice %arg6[%dma_start3A_1520, %dma_start3A_1521] : memref<1600x32xf32, #tpu.memory_space<vmem>> -> memref<50x32xf32, #tpu.memory_space<vmem>>
      tpu.enqueue_dma source(%dma_start3A_1522 : memref<50x32xf32, #tpu.memory_space<vmem>>) target(%dma_start3A_1519 : memref<50x32xf32, #tpu.memory_space<hbm>>) target_semaphore(%arg10 : memref<!tpu.dma_semaphore, #tpu.memory_space<semaphore_mem>>)
      %mul3A_1523 = arith.constant 32 : i32
      %mul3A_1524 = arith.muli %add3A_990, %mul3A_1523 : i32
      %add3A_1525 = arith.addi %mul3A_4, %mul3A_1524 : i32
      %add3A_1526 = arith.constant 28 : i32
      %add3A_1527 = arith.addi %add3A_1525, %add3A_1526 : i32
      %dma_start3A_1528 = arith.constant 1400 : i32
      %dma_start3A_1529 = arith.constant 0 : i32
      %dma_start3A_1530 = tpu.memref_slice %arg6[%dma_start3A_1528, %dma_start3A_1529] : memref<1600x32xf32, #tpu.memory_space<vmem>> -> memref<50x32xf32, #tpu.memory_space<vmem>>
      %dma_start3A_1531 = arith.constant 0 : i32
      %dma_start3A_1532 = arith.constant 0 : i32
      %dma_start3A_1533 = tpu.memref_slice %arg4[%add3A_1527, %dma_start3A_1531, %dma_start3A_1532] : memref<16384x50x32xf32, #tpu.memory_space<hbm>> -> memref<1x50x32xf32, #tpu.memory_space<hbm>>
      %dma_start3A_1534 = tpu.memref_squeeze %dma_start3A_1533 : memref<1x50x32xf32, #tpu.memory_space<hbm>> -> memref<50x32xf32, #tpu.memory_space<hbm>>
      %dma_start3A_1535 = arith.constant 0 : i32
      %dma_start3A_1536 = arith.constant 0 : i32
      %dma_start3A_1537 = tpu.memref_slice %arg4[%add3A_1527, %dma_start3A_1535, %dma_start3A_1536] : memref<16384x50x32xf32, #tpu.memory_space<hbm>> -> memref<1x50x32xf32, #tpu.memory_space<hbm>>
      %dma_start3A_1538 = tpu.memref_squeeze %dma_start3A_1537 : memref<1x50x32xf32, #tpu.memory_space<hbm>> -> memref<50x32xf32, #tpu.memory_space<hbm>>
      %dma_start3A_1539 = arith.constant 1400 : i32
      %dma_start3A_1540 = arith.constant 0 : i32
      %dma_start3A_1541 = tpu.memref_slice %arg6[%dma_start3A_1539, %dma_start3A_1540] : memref<1600x32xf32, #tpu.memory_space<vmem>> -> memref<50x32xf32, #tpu.memory_space<vmem>>
      tpu.enqueue_dma source(%dma_start3A_1541 : memref<50x32xf32, #tpu.memory_space<vmem>>) target(%dma_start3A_1538 : memref<50x32xf32, #tpu.memory_space<hbm>>) target_semaphore(%arg10 : memref<!tpu.dma_semaphore, #tpu.memory_space<semaphore_mem>>)
      %mul3A_1542 = arith.constant 32 : i32
      %mul3A_1543 = arith.muli %add3A_990, %mul3A_1542 : i32
      %add3A_1544 = arith.addi %mul3A_4, %mul3A_1543 : i32
      %add3A_1545 = arith.constant 29 : i32
      %add3A_1546 = arith.addi %add3A_1544, %add3A_1545 : i32
      %dma_start3A_1547 = arith.constant 1450 : i32
      %dma_start3A_1548 = arith.constant 0 : i32
      %dma_start3A_1549 = tpu.memref_slice %arg6[%dma_start3A_1547, %dma_start3A_1548] : memref<1600x32xf32, #tpu.memory_space<vmem>> -> memref<50x32xf32, #tpu.memory_space<vmem>>
      %dma_start3A_1550 = arith.constant 0 : i32
      %dma_start3A_1551 = arith.constant 0 : i32
      %dma_start3A_1552 = tpu.memref_slice %arg4[%add3A_1546, %dma_start3A_1550, %dma_start3A_1551] : memref<16384x50x32xf32, #tpu.memory_space<hbm>> -> memref<1x50x32xf32, #tpu.memory_space<hbm>>
      %dma_start3A_1553 = tpu.memref_squeeze %dma_start3A_1552 : memref<1x50x32xf32, #tpu.memory_space<hbm>> -> memref<50x32xf32, #tpu.memory_space<hbm>>
      %dma_start3A_1554 = arith.constant 0 : i32
      %dma_start3A_1555 = arith.constant 0 : i32
      %dma_start3A_1556 = tpu.memref_slice %arg4[%add3A_1546, %dma_start3A_1554, %dma_start3A_1555] : memref<16384x50x32xf32, #tpu.memory_space<hbm>> -> memref<1x50x32xf32, #tpu.memory_space<hbm>>
      %dma_start3A_1557 = tpu.memref_squeeze %dma_start3A_1556 : memref<1x50x32xf32, #tpu.memory_space<hbm>> -> memref<50x32xf32, #tpu.memory_space<hbm>>
      %dma_start3A_1558 = arith.constant 1450 : i32
      %dma_start3A_1559 = arith.constant 0 : i32
      %dma_start3A_1560 = tpu.memref_slice %arg6[%dma_start3A_1558, %dma_start3A_1559] : memref<1600x32xf32, #tpu.memory_space<vmem>> -> memref<50x32xf32, #tpu.memory_space<vmem>>
      tpu.enqueue_dma source(%dma_start3A_1560 : memref<50x32xf32, #tpu.memory_space<vmem>>) target(%dma_start3A_1557 : memref<50x32xf32, #tpu.memory_space<hbm>>) target_semaphore(%arg10 : memref<!tpu.dma_semaphore, #tpu.memory_space<semaphore_mem>>)
      %mul3A_1561 = arith.constant 32 : i32
      %mul3A_1562 = arith.muli %add3A_990, %mul3A_1561 : i32
      %add3A_1563 = arith.addi %mul3A_4, %mul3A_1562 : i32
      %add3A_1564 = arith.constant 30 : i32
      %add3A_1565 = arith.addi %add3A_1563, %add3A_1564 : i32
      %dma_start3A_1566 = arith.constant 1500 : i32
      %dma_start3A_1567 = arith.constant 0 : i32
      %dma_start3A_1568 = tpu.memref_slice %arg6[%dma_start3A_1566, %dma_start3A_1567] : memref<1600x32xf32, #tpu.memory_space<vmem>> -> memref<50x32xf32, #tpu.memory_space<vmem>>
      %dma_start3A_1569 = arith.constant 0 : i32
      %dma_start3A_1570 = arith.constant 0 : i32
      %dma_start3A_1571 = tpu.memref_slice %arg4[%add3A_1565, %dma_start3A_1569, %dma_start3A_1570] : memref<16384x50x32xf32, #tpu.memory_space<hbm>> -> memref<1x50x32xf32, #tpu.memory_space<hbm>>
      %dma_start3A_1572 = tpu.memref_squeeze %dma_start3A_1571 : memref<1x50x32xf32, #tpu.memory_space<hbm>> -> memref<50x32xf32, #tpu.memory_space<hbm>>
      %dma_start3A_1573 = arith.constant 0 : i32
      %dma_start3A_1574 = arith.constant 0 : i32
      %dma_start3A_1575 = tpu.memref_slice %arg4[%add3A_1565, %dma_start3A_1573, %dma_start3A_1574] : memref<16384x50x32xf32, #tpu.memory_space<hbm>> -> memref<1x50x32xf32, #tpu.memory_space<hbm>>
      %dma_start3A_1576 = tpu.memref_squeeze %dma_start3A_1575 : memref<1x50x32xf32, #tpu.memory_space<hbm>> -> memref<50x32xf32, #tpu.memory_space<hbm>>
      %dma_start3A_1577 = arith.constant 1500 : i32
      %dma_start3A_1578 = arith.constant 0 : i32
      %dma_start3A_1579 = tpu.memref_slice %arg6[%dma_start3A_1577, %dma_start3A_1578] : memref<1600x32xf32, #tpu.memory_space<vmem>> -> memref<50x32xf32, #tpu.memory_space<vmem>>
      tpu.enqueue_dma source(%dma_start3A_1579 : memref<50x32xf32, #tpu.memory_space<vmem>>) target(%dma_start3A_1576 : memref<50x32xf32, #tpu.memory_space<hbm>>) target_semaphore(%arg10 : memref<!tpu.dma_semaphore, #tpu.memory_space<semaphore_mem>>)
      %mul3A_1580 = arith.constant 32 : i32
      %mul3A_1581 = arith.muli %add3A_990, %mul3A_1580 : i32
      %add3A_1582 = arith.addi %mul3A_4, %mul3A_1581 : i32
      %add3A_1583 = arith.constant 31 : i32
      %add3A_1584 = arith.addi %add3A_1582, %add3A_1583 : i32
      %dma_start3A_1585 = arith.constant 1550 : i32
      %dma_start3A_1586 = arith.constant 0 : i32
      %dma_start3A_1587 = tpu.memref_slice %arg6[%dma_start3A_1585, %dma_start3A_1586] : memref<1600x32xf32, #tpu.memory_space<vmem>> -> memref<50x32xf32, #tpu.memory_space<vmem>>
      %dma_start3A_1588 = arith.constant 0 : i32
      %dma_start3A_1589 = arith.constant 0 : i32
      %dma_start3A_1590 = tpu.memref_slice %arg4[%add3A_1584, %dma_start3A_1588, %dma_start3A_1589] : memref<16384x50x32xf32, #tpu.memory_space<hbm>> -> memref<1x50x32xf32, #tpu.memory_space<hbm>>
      %dma_start3A_1591 = tpu.memref_squeeze %dma_start3A_1590 : memref<1x50x32xf32, #tpu.memory_space<hbm>> -> memref<50x32xf32, #tpu.memory_space<hbm>>
      %dma_start3A_1592 = arith.constant 0 : i32
      %dma_start3A_1593 = arith.constant 0 : i32
      %dma_start3A_1594 = tpu.memref_slice %arg4[%add3A_1584, %dma_start3A_1592, %dma_start3A_1593] : memref<16384x50x32xf32, #tpu.memory_space<hbm>> -> memref<1x50x32xf32, #tpu.memory_space<hbm>>
      %dma_start3A_1595 = tpu.memref_squeeze %dma_start3A_1594 : memref<1x50x32xf32, #tpu.memory_space<hbm>> -> memref<50x32xf32, #tpu.memory_space<hbm>>
      %dma_start3A_1596 = arith.constant 1550 : i32
      %dma_start3A_1597 = arith.constant 0 : i32
      %dma_start3A_1598 = tpu.memref_slice %arg6[%dma_start3A_1596, %dma_start3A_1597] : memref<1600x32xf32, #tpu.memory_space<vmem>> -> memref<50x32xf32, #tpu.memory_space<vmem>>
      tpu.enqueue_dma source(%dma_start3A_1598 : memref<50x32xf32, #tpu.memory_space<vmem>>) target(%dma_start3A_1595 : memref<50x32xf32, #tpu.memory_space<hbm>>) target_semaphore(%arg10 : memref<!tpu.dma_semaphore, #tpu.memory_space<semaphore_mem>>)
      %dma_wait3A_1599 = arith.constant 0 : i32
      %dma_wait3A_1600 = arith.constant 0 : i32
      %dma_wait3A_1601 = tpu.memref_slice %arg3[%dma_wait3A_1599, %dma_wait3A_1600] : memref<1000000x32xf32, #tpu.memory_space<hbm>> -> memref<1600x32xf32, #tpu.memory_space<hbm>>
      %dma_wait3A_1602 = arith.constant 0 : i32
      %dma_wait3A_1603 = arith.constant 0 : i32
      %dma_wait3A_1604 = tpu.memref_slice %arg3[%dma_wait3A_1602, %dma_wait3A_1603] : memref<1000000x32xf32, #tpu.memory_space<hbm>> -> memref<1600x32xf32, #tpu.memory_space<hbm>>
      tpu.wait_dma2 semaphore(%arg9 : memref<!tpu.dma_semaphore, #tpu.memory_space<semaphore_mem>>) src(%dma_wait3A_1604 : memref<1600x32xf32, #tpu.memory_space<hbm>>) dst(%arg7 : memref<1600x32xf32, #tpu.memory_space<vmem>>)
      %mul3A_1605 = arith.constant 2 : i32
      %mul3A_1606 = arith.muli %scan3A_980, %mul3A_1605 : i32
      %add3A_1607 = arith.constant 1 : i32
      %add3A_1608 = arith.addi %mul3A_1606, %add3A_1607 : i32
      %mul3A_1609 = arith.constant 32 : i32
      %mul3A_1610 = arith.muli %add3A_1608, %mul3A_1609 : i32
      %add3A_1611 = arith.addi %mul3A_4, %mul3A_1610 : i32
      %add3A_1612 = arith.constant 0 : i32
      %add3A_1613 = arith.addi %add3A_1611, %add3A_1612 : i32
      %dma_start3A_1614 = arith.constant 0 : i32
      %dma_start3A_1615 = arith.constant 0 : i32
      %dma_start3A_1616 = tpu.memref_slice %arg7[%dma_start3A_1614, %dma_start3A_1615] : memref<1600x32xf32, #tpu.memory_space<vmem>> -> memref<50x32xf32, #tpu.memory_space<vmem>>
      %dma_start3A_1617 = arith.constant 0 : i32
      %dma_start3A_1618 = arith.constant 0 : i32
      %dma_start3A_1619 = tpu.memref_slice %arg4[%add3A_1613, %dma_start3A_1617, %dma_start3A_1618] : memref<16384x50x32xf32, #tpu.memory_space<hbm>> -> memref<1x50x32xf32, #tpu.memory_space<hbm>>
      %dma_start3A_1620 = tpu.memref_squeeze %dma_start3A_1619 : memref<1x50x32xf32, #tpu.memory_space<hbm>> -> memref<50x32xf32, #tpu.memory_space<hbm>>
      %dma_start3A_1621 = arith.constant 0 : i32
      %dma_start3A_1622 = arith.constant 0 : i32
      %dma_start3A_1623 = tpu.memref_slice %arg4[%add3A_1613, %dma_start3A_1621, %dma_start3A_1622] : memref<16384x50x32xf32, #tpu.memory_space<hbm>> -> memref<1x50x32xf32, #tpu.memory_space<hbm>>
      %dma_start3A_1624 = tpu.memref_squeeze %dma_start3A_1623 : memref<1x50x32xf32, #tpu.memory_space<hbm>> -> memref<50x32xf32, #tpu.memory_space<hbm>>
      %dma_start3A_1625 = arith.constant 0 : i32
      %dma_start3A_1626 = arith.constant 0 : i32
      %dma_start3A_1627 = tpu.memref_slice %arg7[%dma_start3A_1625, %dma_start3A_1626] : memref<1600x32xf32, #tpu.memory_space<vmem>> -> memref<50x32xf32, #tpu.memory_space<vmem>>
      tpu.enqueue_dma source(%dma_start3A_1627 : memref<50x32xf32, #tpu.memory_space<vmem>>) target(%dma_start3A_1624 : memref<50x32xf32, #tpu.memory_space<hbm>>) target_semaphore(%arg11 : memref<!tpu.dma_semaphore, #tpu.memory_space<semaphore_mem>>)
      %mul3A_1628 = arith.constant 32 : i32
      %mul3A_1629 = arith.muli %add3A_1608, %mul3A_1628 : i32
      %add3A_1630 = arith.addi %mul3A_4, %mul3A_1629 : i32
      %add3A_1631 = arith.constant 1 : i32
      %add3A_1632 = arith.addi %add3A_1630, %add3A_1631 : i32
      %dma_start3A_1633 = arith.constant 50 : i32
      %dma_start3A_1634 = arith.constant 0 : i32
      %dma_start3A_1635 = tpu.memref_slice %arg7[%dma_start3A_1633, %dma_start3A_1634] : memref<1600x32xf32, #tpu.memory_space<vmem>> -> memref<50x32xf32, #tpu.memory_space<vmem>>
      %dma_start3A_1636 = arith.constant 0 : i32
      %dma_start3A_1637 = arith.constant 0 : i32
      %dma_start3A_1638 = tpu.memref_slice %arg4[%add3A_1632, %dma_start3A_1636, %dma_start3A_1637] : memref<16384x50x32xf32, #tpu.memory_space<hbm>> -> memref<1x50x32xf32, #tpu.memory_space<hbm>>
      %dma_start3A_1639 = tpu.memref_squeeze %dma_start3A_1638 : memref<1x50x32xf32, #tpu.memory_space<hbm>> -> memref<50x32xf32, #tpu.memory_space<hbm>>
      %dma_start3A_1640 = arith.constant 0 : i32
      %dma_start3A_1641 = arith.constant 0 : i32
      %dma_start3A_1642 = tpu.memref_slice %arg4[%add3A_1632, %dma_start3A_1640, %dma_start3A_1641] : memref<16384x50x32xf32, #tpu.memory_space<hbm>> -> memref<1x50x32xf32, #tpu.memory_space<hbm>>
      %dma_start3A_1643 = tpu.memref_squeeze %dma_start3A_1642 : memref<1x50x32xf32, #tpu.memory_space<hbm>> -> memref<50x32xf32, #tpu.memory_space<hbm>>
      %dma_start3A_1644 = arith.constant 50 : i32
      %dma_start3A_1645 = arith.constant 0 : i32
      %dma_start3A_1646 = tpu.memref_slice %arg7[%dma_start3A_1644, %dma_start3A_1645] : memref<1600x32xf32, #tpu.memory_space<vmem>> -> memref<50x32xf32, #tpu.memory_space<vmem>>
      tpu.enqueue_dma source(%dma_start3A_1646 : memref<50x32xf32, #tpu.memory_space<vmem>>) target(%dma_start3A_1643 : memref<50x32xf32, #tpu.memory_space<hbm>>) target_semaphore(%arg11 : memref<!tpu.dma_semaphore, #tpu.memory_space<semaphore_mem>>)
      %mul3A_1647 = arith.constant 32 : i32
      %mul3A_1648 = arith.muli %add3A_1608, %mul3A_1647 : i32
      %add3A_1649 = arith.addi %mul3A_4, %mul3A_1648 : i32
      %add3A_1650 = arith.constant 2 : i32
      %add3A_1651 = arith.addi %add3A_1649, %add3A_1650 : i32
      %dma_start3A_1652 = arith.constant 100 : i32
      %dma_start3A_1653 = arith.constant 0 : i32
      %dma_start3A_1654 = tpu.memref_slice %arg7[%dma_start3A_1652, %dma_start3A_1653] : memref<1600x32xf32, #tpu.memory_space<vmem>> -> memref<50x32xf32, #tpu.memory_space<vmem>>
      %dma_start3A_1655 = arith.constant 0 : i32
      %dma_start3A_1656 = arith.constant 0 : i32
      %dma_start3A_1657 = tpu.memref_slice %arg4[%add3A_1651, %dma_start3A_1655, %dma_start3A_1656] : memref<16384x50x32xf32, #tpu.memory_space<hbm>> -> memref<1x50x32xf32, #tpu.memory_space<hbm>>
      %dma_start3A_1658 = tpu.memref_squeeze %dma_start3A_1657 : memref<1x50x32xf32, #tpu.memory_space<hbm>> -> memref<50x32xf32, #tpu.memory_space<hbm>>
      %dma_start3A_1659 = arith.constant 0 : i32
      %dma_start3A_1660 = arith.constant 0 : i32
      %dma_start3A_1661 = tpu.memref_slice %arg4[%add3A_1651, %dma_start3A_1659, %dma_start3A_1660] : memref<16384x50x32xf32, #tpu.memory_space<hbm>> -> memref<1x50x32xf32, #tpu.memory_space<hbm>>
      %dma_start3A_1662 = tpu.memref_squeeze %dma_start3A_1661 : memref<1x50x32xf32, #tpu.memory_space<hbm>> -> memref<50x32xf32, #tpu.memory_space<hbm>>
      %dma_start3A_1663 = arith.constant 100 : i32
      %dma_start3A_1664 = arith.constant 0 : i32
      %dma_start3A_1665 = tpu.memref_slice %arg7[%dma_start3A_1663, %dma_start3A_1664] : memref<1600x32xf32, #tpu.memory_space<vmem>> -> memref<50x32xf32, #tpu.memory_space<vmem>>
      tpu.enqueue_dma source(%dma_start3A_1665 : memref<50x32xf32, #tpu.memory_space<vmem>>) target(%dma_start3A_1662 : memref<50x32xf32, #tpu.memory_space<hbm>>) target_semaphore(%arg11 : memref<!tpu.dma_semaphore, #tpu.memory_space<semaphore_mem>>)
      %mul3A_1666 = arith.constant 32 : i32
      %mul3A_1667 = arith.muli %add3A_1608, %mul3A_1666 : i32
      %add3A_1668 = arith.addi %mul3A_4, %mul3A_1667 : i32
      %add3A_1669 = arith.constant 3 : i32
      %add3A_1670 = arith.addi %add3A_1668, %add3A_1669 : i32
      %dma_start3A_1671 = arith.constant 150 : i32
      %dma_start3A_1672 = arith.constant 0 : i32
      %dma_start3A_1673 = tpu.memref_slice %arg7[%dma_start3A_1671, %dma_start3A_1672] : memref<1600x32xf32, #tpu.memory_space<vmem>> -> memref<50x32xf32, #tpu.memory_space<vmem>>
      %dma_start3A_1674 = arith.constant 0 : i32
      %dma_start3A_1675 = arith.constant 0 : i32
      %dma_start3A_1676 = tpu.memref_slice %arg4[%add3A_1670, %dma_start3A_1674, %dma_start3A_1675] : memref<16384x50x32xf32, #tpu.memory_space<hbm>> -> memref<1x50x32xf32, #tpu.memory_space<hbm>>
      %dma_start3A_1677 = tpu.memref_squeeze %dma_start3A_1676 : memref<1x50x32xf32, #tpu.memory_space<hbm>> -> memref<50x32xf32, #tpu.memory_space<hbm>>
      %dma_start3A_1678 = arith.constant 0 : i32
      %dma_start3A_1679 = arith.constant 0 : i32
      %dma_start3A_1680 = tpu.memref_slice %arg4[%add3A_1670, %dma_start3A_1678, %dma_start3A_1679] : memref<16384x50x32xf32, #tpu.memory_space<hbm>> -> memref<1x50x32xf32, #tpu.memory_space<hbm>>
      %dma_start3A_1681 = tpu.memref_squeeze %dma_start3A_1680 : memref<1x50x32xf32, #tpu.memory_space<hbm>> -> memref<50x32xf32, #tpu.memory_space<hbm>>
      %dma_start3A_1682 = arith.constant 150 : i32
      %dma_start3A_1683 = arith.constant 0 : i32
      %dma_start3A_1684 = tpu.memref_slice %arg7[%dma_start3A_1682, %dma_start3A_1683] : memref<1600x32xf32, #tpu.memory_space<vmem>> -> memref<50x32xf32, #tpu.memory_space<vmem>>
      tpu.enqueue_dma source(%dma_start3A_1684 : memref<50x32xf32, #tpu.memory_space<vmem>>) target(%dma_start3A_1681 : memref<50x32xf32, #tpu.memory_space<hbm>>) target_semaphore(%arg11 : memref<!tpu.dma_semaphore, #tpu.memory_space<semaphore_mem>>)
      %mul3A_1685 = arith.constant 32 : i32
      %mul3A_1686 = arith.muli %add3A_1608, %mul3A_1685 : i32
      %add3A_1687 = arith.addi %mul3A_4, %mul3A_1686 : i32
      %add3A_1688 = arith.constant 4 : i32
      %add3A_1689 = arith.addi %add3A_1687, %add3A_1688 : i32
      %dma_start3A_1690 = arith.constant 200 : i32
      %dma_start3A_1691 = arith.constant 0 : i32
      %dma_start3A_1692 = tpu.memref_slice %arg7[%dma_start3A_1690, %dma_start3A_1691] : memref<1600x32xf32, #tpu.memory_space<vmem>> -> memref<50x32xf32, #tpu.memory_space<vmem>>
      %dma_start3A_1693 = arith.constant 0 : i32
      %dma_start3A_1694 = arith.constant 0 : i32
      %dma_start3A_1695 = tpu.memref_slice %arg4[%add3A_1689, %dma_start3A_1693, %dma_start3A_1694] : memref<16384x50x32xf32, #tpu.memory_space<hbm>> -> memref<1x50x32xf32, #tpu.memory_space<hbm>>
      %dma_start3A_1696 = tpu.memref_squeeze %dma_start3A_1695 : memref<1x50x32xf32, #tpu.memory_space<hbm>> -> memref<50x32xf32, #tpu.memory_space<hbm>>
      %dma_start3A_1697 = arith.constant 0 : i32
      %dma_start3A_1698 = arith.constant 0 : i32
      %dma_start3A_1699 = tpu.memref_slice %arg4[%add3A_1689, %dma_start3A_1697, %dma_start3A_1698] : memref<16384x50x32xf32, #tpu.memory_space<hbm>> -> memref<1x50x32xf32, #tpu.memory_space<hbm>>
      %dma_start3A_1700 = tpu.memref_squeeze %dma_start3A_1699 : memref<1x50x32xf32, #tpu.memory_space<hbm>> -> memref<50x32xf32, #tpu.memory_space<hbm>>
      %dma_start3A_1701 = arith.constant 200 : i32
      %dma_start3A_1702 = arith.constant 0 : i32
      %dma_start3A_1703 = tpu.memref_slice %arg7[%dma_start3A_1701, %dma_start3A_1702] : memref<1600x32xf32, #tpu.memory_space<vmem>> -> memref<50x32xf32, #tpu.memory_space<vmem>>
      tpu.enqueue_dma source(%dma_start3A_1703 : memref<50x32xf32, #tpu.memory_space<vmem>>) target(%dma_start3A_1700 : memref<50x32xf32, #tpu.memory_space<hbm>>) target_semaphore(%arg11 : memref<!tpu.dma_semaphore, #tpu.memory_space<semaphore_mem>>)
      %mul3A_1704 = arith.constant 32 : i32
      %mul3A_1705 = arith.muli %add3A_1608, %mul3A_1704 : i32
      %add3A_1706 = arith.addi %mul3A_4, %mul3A_1705 : i32
      %add3A_1707 = arith.constant 5 : i32
      %add3A_1708 = arith.addi %add3A_1706, %add3A_1707 : i32
      %dma_start3A_1709 = arith.constant 250 : i32
      %dma_start3A_1710 = arith.constant 0 : i32
      %dma_start3A_1711 = tpu.memref_slice %arg7[%dma_start3A_1709, %dma_start3A_1710] : memref<1600x32xf32, #tpu.memory_space<vmem>> -> memref<50x32xf32, #tpu.memory_space<vmem>>
      %dma_start3A_1712 = arith.constant 0 : i32
      %dma_start3A_1713 = arith.constant 0 : i32
      %dma_start3A_1714 = tpu.memref_slice %arg4[%add3A_1708, %dma_start3A_1712, %dma_start3A_1713] : memref<16384x50x32xf32, #tpu.memory_space<hbm>> -> memref<1x50x32xf32, #tpu.memory_space<hbm>>
      %dma_start3A_1715 = tpu.memref_squeeze %dma_start3A_1714 : memref<1x50x32xf32, #tpu.memory_space<hbm>> -> memref<50x32xf32, #tpu.memory_space<hbm>>
      %dma_start3A_1716 = arith.constant 0 : i32
      %dma_start3A_1717 = arith.constant 0 : i32
      %dma_start3A_1718 = tpu.memref_slice %arg4[%add3A_1708, %dma_start3A_1716, %dma_start3A_1717] : memref<16384x50x32xf32, #tpu.memory_space<hbm>> -> memref<1x50x32xf32, #tpu.memory_space<hbm>>
      %dma_start3A_1719 = tpu.memref_squeeze %dma_start3A_1718 : memref<1x50x32xf32, #tpu.memory_space<hbm>> -> memref<50x32xf32, #tpu.memory_space<hbm>>
      %dma_start3A_1720 = arith.constant 250 : i32
      %dma_start3A_1721 = arith.constant 0 : i32
      %dma_start3A_1722 = tpu.memref_slice %arg7[%dma_start3A_1720, %dma_start3A_1721] : memref<1600x32xf32, #tpu.memory_space<vmem>> -> memref<50x32xf32, #tpu.memory_space<vmem>>
      tpu.enqueue_dma source(%dma_start3A_1722 : memref<50x32xf32, #tpu.memory_space<vmem>>) target(%dma_start3A_1719 : memref<50x32xf32, #tpu.memory_space<hbm>>) target_semaphore(%arg11 : memref<!tpu.dma_semaphore, #tpu.memory_space<semaphore_mem>>)
      %mul3A_1723 = arith.constant 32 : i32
      %mul3A_1724 = arith.muli %add3A_1608, %mul3A_1723 : i32
      %add3A_1725 = arith.addi %mul3A_4, %mul3A_1724 : i32
      %add3A_1726 = arith.constant 6 : i32
      %add3A_1727 = arith.addi %add3A_1725, %add3A_1726 : i32
      %dma_start3A_1728 = arith.constant 300 : i32
      %dma_start3A_1729 = arith.constant 0 : i32
      %dma_start3A_1730 = tpu.memref_slice %arg7[%dma_start3A_1728, %dma_start3A_1729] : memref<1600x32xf32, #tpu.memory_space<vmem>> -> memref<50x32xf32, #tpu.memory_space<vmem>>
      %dma_start3A_1731 = arith.constant 0 : i32
      %dma_start3A_1732 = arith.constant 0 : i32
      %dma_start3A_1733 = tpu.memref_slice %arg4[%add3A_1727, %dma_start3A_1731, %dma_start3A_1732] : memref<16384x50x32xf32, #tpu.memory_space<hbm>> -> memref<1x50x32xf32, #tpu.memory_space<hbm>>
      %dma_start3A_1734 = tpu.memref_squeeze %dma_start3A_1733 : memref<1x50x32xf32, #tpu.memory_space<hbm>> -> memref<50x32xf32, #tpu.memory_space<hbm>>
      %dma_start3A_1735 = arith.constant 0 : i32
      %dma_start3A_1736 = arith.constant 0 : i32
      %dma_start3A_1737 = tpu.memref_slice %arg4[%add3A_1727, %dma_start3A_1735, %dma_start3A_1736] : memref<16384x50x32xf32, #tpu.memory_space<hbm>> -> memref<1x50x32xf32, #tpu.memory_space<hbm>>
      %dma_start3A_1738 = tpu.memref_squeeze %dma_start3A_1737 : memref<1x50x32xf32, #tpu.memory_space<hbm>> -> memref<50x32xf32, #tpu.memory_space<hbm>>
      %dma_start3A_1739 = arith.constant 300 : i32
      %dma_start3A_1740 = arith.constant 0 : i32
      %dma_start3A_1741 = tpu.memref_slice %arg7[%dma_start3A_1739, %dma_start3A_1740] : memref<1600x32xf32, #tpu.memory_space<vmem>> -> memref<50x32xf32, #tpu.memory_space<vmem>>
      tpu.enqueue_dma source(%dma_start3A_1741 : memref<50x32xf32, #tpu.memory_space<vmem>>) target(%dma_start3A_1738 : memref<50x32xf32, #tpu.memory_space<hbm>>) target_semaphore(%arg11 : memref<!tpu.dma_semaphore, #tpu.memory_space<semaphore_mem>>)
      %mul3A_1742 = arith.constant 32 : i32
      %mul3A_1743 = arith.muli %add3A_1608, %mul3A_1742 : i32
      %add3A_1744 = arith.addi %mul3A_4, %mul3A_1743 : i32
      %add3A_1745 = arith.constant 7 : i32
      %add3A_1746 = arith.addi %add3A_1744, %add3A_1745 : i32
      %dma_start3A_1747 = arith.constant 350 : i32
      %dma_start3A_1748 = arith.constant 0 : i32
      %dma_start3A_1749 = tpu.memref_slice %arg7[%dma_start3A_1747, %dma_start3A_1748] : memref<1600x32xf32, #tpu.memory_space<vmem>> -> memref<50x32xf32, #tpu.memory_space<vmem>>
      %dma_start3A_1750 = arith.constant 0 : i32
      %dma_start3A_1751 = arith.constant 0 : i32
      %dma_start3A_1752 = tpu.memref_slice %arg4[%add3A_1746, %dma_start3A_1750, %dma_start3A_1751] : memref<16384x50x32xf32, #tpu.memory_space<hbm>> -> memref<1x50x32xf32, #tpu.memory_space<hbm>>
      %dma_start3A_1753 = tpu.memref_squeeze %dma_start3A_1752 : memref<1x50x32xf32, #tpu.memory_space<hbm>> -> memref<50x32xf32, #tpu.memory_space<hbm>>
      %dma_start3A_1754 = arith.constant 0 : i32
      %dma_start3A_1755 = arith.constant 0 : i32
      %dma_start3A_1756 = tpu.memref_slice %arg4[%add3A_1746, %dma_start3A_1754, %dma_start3A_1755] : memref<16384x50x32xf32, #tpu.memory_space<hbm>> -> memref<1x50x32xf32, #tpu.memory_space<hbm>>
      %dma_start3A_1757 = tpu.memref_squeeze %dma_start3A_1756 : memref<1x50x32xf32, #tpu.memory_space<hbm>> -> memref<50x32xf32, #tpu.memory_space<hbm>>
      %dma_start3A_1758 = arith.constant 350 : i32
      %dma_start3A_1759 = arith.constant 0 : i32
      %dma_start3A_1760 = tpu.memref_slice %arg7[%dma_start3A_1758, %dma_start3A_1759] : memref<1600x32xf32, #tpu.memory_space<vmem>> -> memref<50x32xf32, #tpu.memory_space<vmem>>
      tpu.enqueue_dma source(%dma_start3A_1760 : memref<50x32xf32, #tpu.memory_space<vmem>>) target(%dma_start3A_1757 : memref<50x32xf32, #tpu.memory_space<hbm>>) target_semaphore(%arg11 : memref<!tpu.dma_semaphore, #tpu.memory_space<semaphore_mem>>)
      %mul3A_1761 = arith.constant 32 : i32
      %mul3A_1762 = arith.muli %add3A_1608, %mul3A_1761 : i32
      %add3A_1763 = arith.addi %mul3A_4, %mul3A_1762 : i32
      %add3A_1764 = arith.constant 8 : i32
      %add3A_1765 = arith.addi %add3A_1763, %add3A_1764 : i32
      %dma_start3A_1766 = arith.constant 400 : i32
      %dma_start3A_1767 = arith.constant 0 : i32
      %dma_start3A_1768 = tpu.memref_slice %arg7[%dma_start3A_1766, %dma_start3A_1767] : memref<1600x32xf32, #tpu.memory_space<vmem>> -> memref<50x32xf32, #tpu.memory_space<vmem>>
      %dma_start3A_1769 = arith.constant 0 : i32
      %dma_start3A_1770 = arith.constant 0 : i32
      %dma_start3A_1771 = tpu.memref_slice %arg4[%add3A_1765, %dma_start3A_1769, %dma_start3A_1770] : memref<16384x50x32xf32, #tpu.memory_space<hbm>> -> memref<1x50x32xf32, #tpu.memory_space<hbm>>
      %dma_start3A_1772 = tpu.memref_squeeze %dma_start3A_1771 : memref<1x50x32xf32, #tpu.memory_space<hbm>> -> memref<50x32xf32, #tpu.memory_space<hbm>>
      %dma_start3A_1773 = arith.constant 0 : i32
      %dma_start3A_1774 = arith.constant 0 : i32
      %dma_start3A_1775 = tpu.memref_slice %arg4[%add3A_1765, %dma_start3A_1773, %dma_start3A_1774] : memref<16384x50x32xf32, #tpu.memory_space<hbm>> -> memref<1x50x32xf32, #tpu.memory_space<hbm>>
      %dma_start3A_1776 = tpu.memref_squeeze %dma_start3A_1775 : memref<1x50x32xf32, #tpu.memory_space<hbm>> -> memref<50x32xf32, #tpu.memory_space<hbm>>
      %dma_start3A_1777 = arith.constant 400 : i32
      %dma_start3A_1778 = arith.constant 0 : i32
      %dma_start3A_1779 = tpu.memref_slice %arg7[%dma_start3A_1777, %dma_start3A_1778] : memref<1600x32xf32, #tpu.memory_space<vmem>> -> memref<50x32xf32, #tpu.memory_space<vmem>>
      tpu.enqueue_dma source(%dma_start3A_1779 : memref<50x32xf32, #tpu.memory_space<vmem>>) target(%dma_start3A_1776 : memref<50x32xf32, #tpu.memory_space<hbm>>) target_semaphore(%arg11 : memref<!tpu.dma_semaphore, #tpu.memory_space<semaphore_mem>>)
      %mul3A_1780 = arith.constant 32 : i32
      %mul3A_1781 = arith.muli %add3A_1608, %mul3A_1780 : i32
      %add3A_1782 = arith.addi %mul3A_4, %mul3A_1781 : i32
      %add3A_1783 = arith.constant 9 : i32
      %add3A_1784 = arith.addi %add3A_1782, %add3A_1783 : i32
      %dma_start3A_1785 = arith.constant 450 : i32
      %dma_start3A_1786 = arith.constant 0 : i32
      %dma_start3A_1787 = tpu.memref_slice %arg7[%dma_start3A_1785, %dma_start3A_1786] : memref<1600x32xf32, #tpu.memory_space<vmem>> -> memref<50x32xf32, #tpu.memory_space<vmem>>
      %dma_start3A_1788 = arith.constant 0 : i32
      %dma_start3A_1789 = arith.constant 0 : i32
      %dma_start3A_1790 = tpu.memref_slice %arg4[%add3A_1784, %dma_start3A_1788, %dma_start3A_1789] : memref<16384x50x32xf32, #tpu.memory_space<hbm>> -> memref<1x50x32xf32, #tpu.memory_space<hbm>>
      %dma_start3A_1791 = tpu.memref_squeeze %dma_start3A_1790 : memref<1x50x32xf32, #tpu.memory_space<hbm>> -> memref<50x32xf32, #tpu.memory_space<hbm>>
      %dma_start3A_1792 = arith.constant 0 : i32
      %dma_start3A_1793 = arith.constant 0 : i32
      %dma_start3A_1794 = tpu.memref_slice %arg4[%add3A_1784, %dma_start3A_1792, %dma_start3A_1793] : memref<16384x50x32xf32, #tpu.memory_space<hbm>> -> memref<1x50x32xf32, #tpu.memory_space<hbm>>
      %dma_start3A_1795 = tpu.memref_squeeze %dma_start3A_1794 : memref<1x50x32xf32, #tpu.memory_space<hbm>> -> memref<50x32xf32, #tpu.memory_space<hbm>>
      %dma_start3A_1796 = arith.constant 450 : i32
      %dma_start3A_1797 = arith.constant 0 : i32
      %dma_start3A_1798 = tpu.memref_slice %arg7[%dma_start3A_1796, %dma_start3A_1797] : memref<1600x32xf32, #tpu.memory_space<vmem>> -> memref<50x32xf32, #tpu.memory_space<vmem>>
      tpu.enqueue_dma source(%dma_start3A_1798 : memref<50x32xf32, #tpu.memory_space<vmem>>) target(%dma_start3A_1795 : memref<50x32xf32, #tpu.memory_space<hbm>>) target_semaphore(%arg11 : memref<!tpu.dma_semaphore, #tpu.memory_space<semaphore_mem>>)
      %mul3A_1799 = arith.constant 32 : i32
      %mul3A_1800 = arith.muli %add3A_1608, %mul3A_1799 : i32
      %add3A_1801 = arith.addi %mul3A_4, %mul3A_1800 : i32
      %add3A_1802 = arith.constant 10 : i32
      %add3A_1803 = arith.addi %add3A_1801, %add3A_1802 : i32
      %dma_start3A_1804 = arith.constant 500 : i32
      %dma_start3A_1805 = arith.constant 0 : i32
      %dma_start3A_1806 = tpu.memref_slice %arg7[%dma_start3A_1804, %dma_start3A_1805] : memref<1600x32xf32, #tpu.memory_space<vmem>> -> memref<50x32xf32, #tpu.memory_space<vmem>>
      %dma_start3A_1807 = arith.constant 0 : i32
      %dma_start3A_1808 = arith.constant 0 : i32
      %dma_start3A_1809 = tpu.memref_slice %arg4[%add3A_1803, %dma_start3A_1807, %dma_start3A_1808] : memref<16384x50x32xf32, #tpu.memory_space<hbm>> -> memref<1x50x32xf32, #tpu.memory_space<hbm>>
      %dma_start3A_1810 = tpu.memref_squeeze %dma_start3A_1809 : memref<1x50x32xf32, #tpu.memory_space<hbm>> -> memref<50x32xf32, #tpu.memory_space<hbm>>
      %dma_start3A_1811 = arith.constant 0 : i32
      %dma_start3A_1812 = arith.constant 0 : i32
      %dma_start3A_1813 = tpu.memref_slice %arg4[%add3A_1803, %dma_start3A_1811, %dma_start3A_1812] : memref<16384x50x32xf32, #tpu.memory_space<hbm>> -> memref<1x50x32xf32, #tpu.memory_space<hbm>>
      %dma_start3A_1814 = tpu.memref_squeeze %dma_start3A_1813 : memref<1x50x32xf32, #tpu.memory_space<hbm>> -> memref<50x32xf32, #tpu.memory_space<hbm>>
      %dma_start3A_1815 = arith.constant 500 : i32
      %dma_start3A_1816 = arith.constant 0 : i32
      %dma_start3A_1817 = tpu.memref_slice %arg7[%dma_start3A_1815, %dma_start3A_1816] : memref<1600x32xf32, #tpu.memory_space<vmem>> -> memref<50x32xf32, #tpu.memory_space<vmem>>
      tpu.enqueue_dma source(%dma_start3A_1817 : memref<50x32xf32, #tpu.memory_space<vmem>>) target(%dma_start3A_1814 : memref<50x32xf32, #tpu.memory_space<hbm>>) target_semaphore(%arg11 : memref<!tpu.dma_semaphore, #tpu.memory_space<semaphore_mem>>)
      %mul3A_1818 = arith.constant 32 : i32
      %mul3A_1819 = arith.muli %add3A_1608, %mul3A_1818 : i32
      %add3A_1820 = arith.addi %mul3A_4, %mul3A_1819 : i32
      %add3A_1821 = arith.constant 11 : i32
      %add3A_1822 = arith.addi %add3A_1820, %add3A_1821 : i32
      %dma_start3A_1823 = arith.constant 550 : i32
      %dma_start3A_1824 = arith.constant 0 : i32
      %dma_start3A_1825 = tpu.memref_slice %arg7[%dma_start3A_1823, %dma_start3A_1824] : memref<1600x32xf32, #tpu.memory_space<vmem>> -> memref<50x32xf32, #tpu.memory_space<vmem>>
      %dma_start3A_1826 = arith.constant 0 : i32
      %dma_start3A_1827 = arith.constant 0 : i32
      %dma_start3A_1828 = tpu.memref_slice %arg4[%add3A_1822, %dma_start3A_1826, %dma_start3A_1827] : memref<16384x50x32xf32, #tpu.memory_space<hbm>> -> memref<1x50x32xf32, #tpu.memory_space<hbm>>
      %dma_start3A_1829 = tpu.memref_squeeze %dma_start3A_1828 : memref<1x50x32xf32, #tpu.memory_space<hbm>> -> memref<50x32xf32, #tpu.memory_space<hbm>>
      %dma_start3A_1830 = arith.constant 0 : i32
      %dma_start3A_1831 = arith.constant 0 : i32
      %dma_start3A_1832 = tpu.memref_slice %arg4[%add3A_1822, %dma_start3A_1830, %dma_start3A_1831] : memref<16384x50x32xf32, #tpu.memory_space<hbm>> -> memref<1x50x32xf32, #tpu.memory_space<hbm>>
      %dma_start3A_1833 = tpu.memref_squeeze %dma_start3A_1832 : memref<1x50x32xf32, #tpu.memory_space<hbm>> -> memref<50x32xf32, #tpu.memory_space<hbm>>
      %dma_start3A_1834 = arith.constant 550 : i32
      %dma_start3A_1835 = arith.constant 0 : i32
      %dma_start3A_1836 = tpu.memref_slice %arg7[%dma_start3A_1834, %dma_start3A_1835] : memref<1600x32xf32, #tpu.memory_space<vmem>> -> memref<50x32xf32, #tpu.memory_space<vmem>>
      tpu.enqueue_dma source(%dma_start3A_1836 : memref<50x32xf32, #tpu.memory_space<vmem>>) target(%dma_start3A_1833 : memref<50x32xf32, #tpu.memory_space<hbm>>) target_semaphore(%arg11 : memref<!tpu.dma_semaphore, #tpu.memory_space<semaphore_mem>>)
      %mul3A_1837 = arith.constant 32 : i32
      %mul3A_1838 = arith.muli %add3A_1608, %mul3A_1837 : i32
      %add3A_1839 = arith.addi %mul3A_4, %mul3A_1838 : i32
      %add3A_1840 = arith.constant 12 : i32
      %add3A_1841 = arith.addi %add3A_1839, %add3A_1840 : i32
      %dma_start3A_1842 = arith.constant 600 : i32
      %dma_start3A_1843 = arith.constant 0 : i32
      %dma_start3A_1844 = tpu.memref_slice %arg7[%dma_start3A_1842, %dma_start3A_1843] : memref<1600x32xf32, #tpu.memory_space<vmem>> -> memref<50x32xf32, #tpu.memory_space<vmem>>
      %dma_start3A_1845 = arith.constant 0 : i32
      %dma_start3A_1846 = arith.constant 0 : i32
      %dma_start3A_1847 = tpu.memref_slice %arg4[%add3A_1841, %dma_start3A_1845, %dma_start3A_1846] : memref<16384x50x32xf32, #tpu.memory_space<hbm>> -> memref<1x50x32xf32, #tpu.memory_space<hbm>>
      %dma_start3A_1848 = tpu.memref_squeeze %dma_start3A_1847 : memref<1x50x32xf32, #tpu.memory_space<hbm>> -> memref<50x32xf32, #tpu.memory_space<hbm>>
      %dma_start3A_1849 = arith.constant 0 : i32
      %dma_start3A_1850 = arith.constant 0 : i32
      %dma_start3A_1851 = tpu.memref_slice %arg4[%add3A_1841, %dma_start3A_1849, %dma_start3A_1850] : memref<16384x50x32xf32, #tpu.memory_space<hbm>> -> memref<1x50x32xf32, #tpu.memory_space<hbm>>
      %dma_start3A_1852 = tpu.memref_squeeze %dma_start3A_1851 : memref<1x50x32xf32, #tpu.memory_space<hbm>> -> memref<50x32xf32, #tpu.memory_space<hbm>>
      %dma_start3A_1853 = arith.constant 600 : i32
      %dma_start3A_1854 = arith.constant 0 : i32
      %dma_start3A_1855 = tpu.memref_slice %arg7[%dma_start3A_1853, %dma_start3A_1854] : memref<1600x32xf32, #tpu.memory_space<vmem>> -> memref<50x32xf32, #tpu.memory_space<vmem>>
      tpu.enqueue_dma source(%dma_start3A_1855 : memref<50x32xf32, #tpu.memory_space<vmem>>) target(%dma_start3A_1852 : memref<50x32xf32, #tpu.memory_space<hbm>>) target_semaphore(%arg11 : memref<!tpu.dma_semaphore, #tpu.memory_space<semaphore_mem>>)
      %mul3A_1856 = arith.constant 32 : i32
      %mul3A_1857 = arith.muli %add3A_1608, %mul3A_1856 : i32
      %add3A_1858 = arith.addi %mul3A_4, %mul3A_1857 : i32
      %add3A_1859 = arith.constant 13 : i32
      %add3A_1860 = arith.addi %add3A_1858, %add3A_1859 : i32
      %dma_start3A_1861 = arith.constant 650 : i32
      %dma_start3A_1862 = arith.constant 0 : i32
      %dma_start3A_1863 = tpu.memref_slice %arg7[%dma_start3A_1861, %dma_start3A_1862] : memref<1600x32xf32, #tpu.memory_space<vmem>> -> memref<50x32xf32, #tpu.memory_space<vmem>>
      %dma_start3A_1864 = arith.constant 0 : i32
      %dma_start3A_1865 = arith.constant 0 : i32
      %dma_start3A_1866 = tpu.memref_slice %arg4[%add3A_1860, %dma_start3A_1864, %dma_start3A_1865] : memref<16384x50x32xf32, #tpu.memory_space<hbm>> -> memref<1x50x32xf32, #tpu.memory_space<hbm>>
      %dma_start3A_1867 = tpu.memref_squeeze %dma_start3A_1866 : memref<1x50x32xf32, #tpu.memory_space<hbm>> -> memref<50x32xf32, #tpu.memory_space<hbm>>
      %dma_start3A_1868 = arith.constant 0 : i32
      %dma_start3A_1869 = arith.constant 0 : i32
      %dma_start3A_1870 = tpu.memref_slice %arg4[%add3A_1860, %dma_start3A_1868, %dma_start3A_1869] : memref<16384x50x32xf32, #tpu.memory_space<hbm>> -> memref<1x50x32xf32, #tpu.memory_space<hbm>>
      %dma_start3A_1871 = tpu.memref_squeeze %dma_start3A_1870 : memref<1x50x32xf32, #tpu.memory_space<hbm>> -> memref<50x32xf32, #tpu.memory_space<hbm>>
      %dma_start3A_1872 = arith.constant 650 : i32
      %dma_start3A_1873 = arith.constant 0 : i32
      %dma_start3A_1874 = tpu.memref_slice %arg7[%dma_start3A_1872, %dma_start3A_1873] : memref<1600x32xf32, #tpu.memory_space<vmem>> -> memref<50x32xf32, #tpu.memory_space<vmem>>
      tpu.enqueue_dma source(%dma_start3A_1874 : memref<50x32xf32, #tpu.memory_space<vmem>>) target(%dma_start3A_1871 : memref<50x32xf32, #tpu.memory_space<hbm>>) target_semaphore(%arg11 : memref<!tpu.dma_semaphore, #tpu.memory_space<semaphore_mem>>)
      %mul3A_1875 = arith.constant 32 : i32
      %mul3A_1876 = arith.muli %add3A_1608, %mul3A_1875 : i32
      %add3A_1877 = arith.addi %mul3A_4, %mul3A_1876 : i32
      %add3A_1878 = arith.constant 14 : i32
      %add3A_1879 = arith.addi %add3A_1877, %add3A_1878 : i32
      %dma_start3A_1880 = arith.constant 700 : i32
      %dma_start3A_1881 = arith.constant 0 : i32
      %dma_start3A_1882 = tpu.memref_slice %arg7[%dma_start3A_1880, %dma_start3A_1881] : memref<1600x32xf32, #tpu.memory_space<vmem>> -> memref<50x32xf32, #tpu.memory_space<vmem>>
      %dma_start3A_1883 = arith.constant 0 : i32
      %dma_start3A_1884 = arith.constant 0 : i32
      %dma_start3A_1885 = tpu.memref_slice %arg4[%add3A_1879, %dma_start3A_1883, %dma_start3A_1884] : memref<16384x50x32xf32, #tpu.memory_space<hbm>> -> memref<1x50x32xf32, #tpu.memory_space<hbm>>
      %dma_start3A_1886 = tpu.memref_squeeze %dma_start3A_1885 : memref<1x50x32xf32, #tpu.memory_space<hbm>> -> memref<50x32xf32, #tpu.memory_space<hbm>>
      %dma_start3A_1887 = arith.constant 0 : i32
      %dma_start3A_1888 = arith.constant 0 : i32
      %dma_start3A_1889 = tpu.memref_slice %arg4[%add3A_1879, %dma_start3A_1887, %dma_start3A_1888] : memref<16384x50x32xf32, #tpu.memory_space<hbm>> -> memref<1x50x32xf32, #tpu.memory_space<hbm>>
      %dma_start3A_1890 = tpu.memref_squeeze %dma_start3A_1889 : memref<1x50x32xf32, #tpu.memory_space<hbm>> -> memref<50x32xf32, #tpu.memory_space<hbm>>
      %dma_start3A_1891 = arith.constant 700 : i32
      %dma_start3A_1892 = arith.constant 0 : i32
      %dma_start3A_1893 = tpu.memref_slice %arg7[%dma_start3A_1891, %dma_start3A_1892] : memref<1600x32xf32, #tpu.memory_space<vmem>> -> memref<50x32xf32, #tpu.memory_space<vmem>>
      tpu.enqueue_dma source(%dma_start3A_1893 : memref<50x32xf32, #tpu.memory_space<vmem>>) target(%dma_start3A_1890 : memref<50x32xf32, #tpu.memory_space<hbm>>) target_semaphore(%arg11 : memref<!tpu.dma_semaphore, #tpu.memory_space<semaphore_mem>>)
      %mul3A_1894 = arith.constant 32 : i32
      %mul3A_1895 = arith.muli %add3A_1608, %mul3A_1894 : i32
      %add3A_1896 = arith.addi %mul3A_4, %mul3A_1895 : i32
      %add3A_1897 = arith.constant 15 : i32
      %add3A_1898 = arith.addi %add3A_1896, %add3A_1897 : i32
      %dma_start3A_1899 = arith.constant 750 : i32
      %dma_start3A_1900 = arith.constant 0 : i32
      %dma_start3A_1901 = tpu.memref_slice %arg7[%dma_start3A_1899, %dma_start3A_1900] : memref<1600x32xf32, #tpu.memory_space<vmem>> -> memref<50x32xf32, #tpu.memory_space<vmem>>
      %dma_start3A_1902 = arith.constant 0 : i32
      %dma_start3A_1903 = arith.constant 0 : i32
      %dma_start3A_1904 = tpu.memref_slice %arg4[%add3A_1898, %dma_start3A_1902, %dma_start3A_1903] : memref<16384x50x32xf32, #tpu.memory_space<hbm>> -> memref<1x50x32xf32, #tpu.memory_space<hbm>>
      %dma_start3A_1905 = tpu.memref_squeeze %dma_start3A_1904 : memref<1x50x32xf32, #tpu.memory_space<hbm>> -> memref<50x32xf32, #tpu.memory_space<hbm>>
      %dma_start3A_1906 = arith.constant 0 : i32
      %dma_start3A_1907 = arith.constant 0 : i32
      %dma_start3A_1908 = tpu.memref_slice %arg4[%add3A_1898, %dma_start3A_1906, %dma_start3A_1907] : memref<16384x50x32xf32, #tpu.memory_space<hbm>> -> memref<1x50x32xf32, #tpu.memory_space<hbm>>
      %dma_start3A_1909 = tpu.memref_squeeze %dma_start3A_1908 : memref<1x50x32xf32, #tpu.memory_space<hbm>> -> memref<50x32xf32, #tpu.memory_space<hbm>>
      %dma_start3A_1910 = arith.constant 750 : i32
      %dma_start3A_1911 = arith.constant 0 : i32
      %dma_start3A_1912 = tpu.memref_slice %arg7[%dma_start3A_1910, %dma_start3A_1911] : memref<1600x32xf32, #tpu.memory_space<vmem>> -> memref<50x32xf32, #tpu.memory_space<vmem>>
      tpu.enqueue_dma source(%dma_start3A_1912 : memref<50x32xf32, #tpu.memory_space<vmem>>) target(%dma_start3A_1909 : memref<50x32xf32, #tpu.memory_space<hbm>>) target_semaphore(%arg11 : memref<!tpu.dma_semaphore, #tpu.memory_space<semaphore_mem>>)
      %mul3A_1913 = arith.constant 32 : i32
      %mul3A_1914 = arith.muli %add3A_1608, %mul3A_1913 : i32
      %add3A_1915 = arith.addi %mul3A_4, %mul3A_1914 : i32
      %add3A_1916 = arith.constant 16 : i32
      %add3A_1917 = arith.addi %add3A_1915, %add3A_1916 : i32
      %dma_start3A_1918 = arith.constant 800 : i32
      %dma_start3A_1919 = arith.constant 0 : i32
      %dma_start3A_1920 = tpu.memref_slice %arg7[%dma_start3A_1918, %dma_start3A_1919] : memref<1600x32xf32, #tpu.memory_space<vmem>> -> memref<50x32xf32, #tpu.memory_space<vmem>>
      %dma_start3A_1921 = arith.constant 0 : i32
      %dma_start3A_1922 = arith.constant 0 : i32
      %dma_start3A_1923 = tpu.memref_slice %arg4[%add3A_1917, %dma_start3A_1921, %dma_start3A_1922] : memref<16384x50x32xf32, #tpu.memory_space<hbm>> -> memref<1x50x32xf32, #tpu.memory_space<hbm>>
      %dma_start3A_1924 = tpu.memref_squeeze %dma_start3A_1923 : memref<1x50x32xf32, #tpu.memory_space<hbm>> -> memref<50x32xf32, #tpu.memory_space<hbm>>
      %dma_start3A_1925 = arith.constant 0 : i32
      %dma_start3A_1926 = arith.constant 0 : i32
      %dma_start3A_1927 = tpu.memref_slice %arg4[%add3A_1917, %dma_start3A_1925, %dma_start3A_1926] : memref<16384x50x32xf32, #tpu.memory_space<hbm>> -> memref<1x50x32xf32, #tpu.memory_space<hbm>>
      %dma_start3A_1928 = tpu.memref_squeeze %dma_start3A_1927 : memref<1x50x32xf32, #tpu.memory_space<hbm>> -> memref<50x32xf32, #tpu.memory_space<hbm>>
      %dma_start3A_1929 = arith.constant 800 : i32
      %dma_start3A_1930 = arith.constant 0 : i32
      %dma_start3A_1931 = tpu.memref_slice %arg7[%dma_start3A_1929, %dma_start3A_1930] : memref<1600x32xf32, #tpu.memory_space<vmem>> -> memref<50x32xf32, #tpu.memory_space<vmem>>
      tpu.enqueue_dma source(%dma_start3A_1931 : memref<50x32xf32, #tpu.memory_space<vmem>>) target(%dma_start3A_1928 : memref<50x32xf32, #tpu.memory_space<hbm>>) target_semaphore(%arg11 : memref<!tpu.dma_semaphore, #tpu.memory_space<semaphore_mem>>)
      %mul3A_1932 = arith.constant 32 : i32
      %mul3A_1933 = arith.muli %add3A_1608, %mul3A_1932 : i32
      %add3A_1934 = arith.addi %mul3A_4, %mul3A_1933 : i32
      %add3A_1935 = arith.constant 17 : i32
      %add3A_1936 = arith.addi %add3A_1934, %add3A_1935 : i32
      %dma_start3A_1937 = arith.constant 850 : i32
      %dma_start3A_1938 = arith.constant 0 : i32
      %dma_start3A_1939 = tpu.memref_slice %arg7[%dma_start3A_1937, %dma_start3A_1938] : memref<1600x32xf32, #tpu.memory_space<vmem>> -> memref<50x32xf32, #tpu.memory_space<vmem>>
      %dma_start3A_1940 = arith.constant 0 : i32
      %dma_start3A_1941 = arith.constant 0 : i32
      %dma_start3A_1942 = tpu.memref_slice %arg4[%add3A_1936, %dma_start3A_1940, %dma_start3A_1941] : memref<16384x50x32xf32, #tpu.memory_space<hbm>> -> memref<1x50x32xf32, #tpu.memory_space<hbm>>
      %dma_start3A_1943 = tpu.memref_squeeze %dma_start3A_1942 : memref<1x50x32xf32, #tpu.memory_space<hbm>> -> memref<50x32xf32, #tpu.memory_space<hbm>>
      %dma_start3A_1944 = arith.constant 0 : i32
      %dma_start3A_1945 = arith.constant 0 : i32
      %dma_start3A_1946 = tpu.memref_slice %arg4[%add3A_1936, %dma_start3A_1944, %dma_start3A_1945] : memref<16384x50x32xf32, #tpu.memory_space<hbm>> -> memref<1x50x32xf32, #tpu.memory_space<hbm>>
      %dma_start3A_1947 = tpu.memref_squeeze %dma_start3A_1946 : memref<1x50x32xf32, #tpu.memory_space<hbm>> -> memref<50x32xf32, #tpu.memory_space<hbm>>
      %dma_start3A_1948 = arith.constant 850 : i32
      %dma_start3A_1949 = arith.constant 0 : i32
      %dma_start3A_1950 = tpu.memref_slice %arg7[%dma_start3A_1948, %dma_start3A_1949] : memref<1600x32xf32, #tpu.memory_space<vmem>> -> memref<50x32xf32, #tpu.memory_space<vmem>>
      tpu.enqueue_dma source(%dma_start3A_1950 : memref<50x32xf32, #tpu.memory_space<vmem>>) target(%dma_start3A_1947 : memref<50x32xf32, #tpu.memory_space<hbm>>) target_semaphore(%arg11 : memref<!tpu.dma_semaphore, #tpu.memory_space<semaphore_mem>>)
      %mul3A_1951 = arith.constant 32 : i32
      %mul3A_1952 = arith.muli %add3A_1608, %mul3A_1951 : i32
      %add3A_1953 = arith.addi %mul3A_4, %mul3A_1952 : i32
      %add3A_1954 = arith.constant 18 : i32
      %add3A_1955 = arith.addi %add3A_1953, %add3A_1954 : i32
      %dma_start3A_1956 = arith.constant 900 : i32
      %dma_start3A_1957 = arith.constant 0 : i32
      %dma_start3A_1958 = tpu.memref_slice %arg7[%dma_start3A_1956, %dma_start3A_1957] : memref<1600x32xf32, #tpu.memory_space<vmem>> -> memref<50x32xf32, #tpu.memory_space<vmem>>
      %dma_start3A_1959 = arith.constant 0 : i32
      %dma_start3A_1960 = arith.constant 0 : i32
      %dma_start3A_1961 = tpu.memref_slice %arg4[%add3A_1955, %dma_start3A_1959, %dma_start3A_1960] : memref<16384x50x32xf32, #tpu.memory_space<hbm>> -> memref<1x50x32xf32, #tpu.memory_space<hbm>>
      %dma_start3A_1962 = tpu.memref_squeeze %dma_start3A_1961 : memref<1x50x32xf32, #tpu.memory_space<hbm>> -> memref<50x32xf32, #tpu.memory_space<hbm>>
      %dma_start3A_1963 = arith.constant 0 : i32
      %dma_start3A_1964 = arith.constant 0 : i32
      %dma_start3A_1965 = tpu.memref_slice %arg4[%add3A_1955, %dma_start3A_1963, %dma_start3A_1964] : memref<16384x50x32xf32, #tpu.memory_space<hbm>> -> memref<1x50x32xf32, #tpu.memory_space<hbm>>
      %dma_start3A_1966 = tpu.memref_squeeze %dma_start3A_1965 : memref<1x50x32xf32, #tpu.memory_space<hbm>> -> memref<50x32xf32, #tpu.memory_space<hbm>>
      %dma_start3A_1967 = arith.constant 900 : i32
      %dma_start3A_1968 = arith.constant 0 : i32
      %dma_start3A_1969 = tpu.memref_slice %arg7[%dma_start3A_1967, %dma_start3A_1968] : memref<1600x32xf32, #tpu.memory_space<vmem>> -> memref<50x32xf32, #tpu.memory_space<vmem>>
      tpu.enqueue_dma source(%dma_start3A_1969 : memref<50x32xf32, #tpu.memory_space<vmem>>) target(%dma_start3A_1966 : memref<50x32xf32, #tpu.memory_space<hbm>>) target_semaphore(%arg11 : memref<!tpu.dma_semaphore, #tpu.memory_space<semaphore_mem>>)
      %mul3A_1970 = arith.constant 32 : i32
      %mul3A_1971 = arith.muli %add3A_1608, %mul3A_1970 : i32
      %add3A_1972 = arith.addi %mul3A_4, %mul3A_1971 : i32
      %add3A_1973 = arith.constant 19 : i32
      %add3A_1974 = arith.addi %add3A_1972, %add3A_1973 : i32
      %dma_start3A_1975 = arith.constant 950 : i32
      %dma_start3A_1976 = arith.constant 0 : i32
      %dma_start3A_1977 = tpu.memref_slice %arg7[%dma_start3A_1975, %dma_start3A_1976] : memref<1600x32xf32, #tpu.memory_space<vmem>> -> memref<50x32xf32, #tpu.memory_space<vmem>>
      %dma_start3A_1978 = arith.constant 0 : i32
      %dma_start3A_1979 = arith.constant 0 : i32
      %dma_start3A_1980 = tpu.memref_slice %arg4[%add3A_1974, %dma_start3A_1978, %dma_start3A_1979] : memref<16384x50x32xf32, #tpu.memory_space<hbm>> -> memref<1x50x32xf32, #tpu.memory_space<hbm>>
      %dma_start3A_1981 = tpu.memref_squeeze %dma_start3A_1980 : memref<1x50x32xf32, #tpu.memory_space<hbm>> -> memref<50x32xf32, #tpu.memory_space<hbm>>
      %dma_start3A_1982 = arith.constant 0 : i32
      %dma_start3A_1983 = arith.constant 0 : i32
      %dma_start3A_1984 = tpu.memref_slice %arg4[%add3A_1974, %dma_start3A_1982, %dma_start3A_1983] : memref<16384x50x32xf32, #tpu.memory_space<hbm>> -> memref<1x50x32xf32, #tpu.memory_space<hbm>>
      %dma_start3A_1985 = tpu.memref_squeeze %dma_start3A_1984 : memref<1x50x32xf32, #tpu.memory_space<hbm>> -> memref<50x32xf32, #tpu.memory_space<hbm>>
      %dma_start3A_1986 = arith.constant 950 : i32
      %dma_start3A_1987 = arith.constant 0 : i32
      %dma_start3A_1988 = tpu.memref_slice %arg7[%dma_start3A_1986, %dma_start3A_1987] : memref<1600x32xf32, #tpu.memory_space<vmem>> -> memref<50x32xf32, #tpu.memory_space<vmem>>
      tpu.enqueue_dma source(%dma_start3A_1988 : memref<50x32xf32, #tpu.memory_space<vmem>>) target(%dma_start3A_1985 : memref<50x32xf32, #tpu.memory_space<hbm>>) target_semaphore(%arg11 : memref<!tpu.dma_semaphore, #tpu.memory_space<semaphore_mem>>)
      %mul3A_1989 = arith.constant 32 : i32
      %mul3A_1990 = arith.muli %add3A_1608, %mul3A_1989 : i32
      %add3A_1991 = arith.addi %mul3A_4, %mul3A_1990 : i32
      %add3A_1992 = arith.constant 20 : i32
      %add3A_1993 = arith.addi %add3A_1991, %add3A_1992 : i32
      %dma_start3A_1994 = arith.constant 1000 : i32
      %dma_start3A_1995 = arith.constant 0 : i32
      %dma_start3A_1996 = tpu.memref_slice %arg7[%dma_start3A_1994, %dma_start3A_1995] : memref<1600x32xf32, #tpu.memory_space<vmem>> -> memref<50x32xf32, #tpu.memory_space<vmem>>
      %dma_start3A_1997 = arith.constant 0 : i32
      %dma_start3A_1998 = arith.constant 0 : i32
      %dma_start3A_1999 = tpu.memref_slice %arg4[%add3A_1993, %dma_start3A_1997, %dma_start3A_1998] : memref<16384x50x32xf32, #tpu.memory_space<hbm>> -> memref<1x50x32xf32, #tpu.memory_space<hbm>>
      %dma_start3A_2000 = tpu.memref_squeeze %dma_start3A_1999 : memref<1x50x32xf32, #tpu.memory_space<hbm>> -> memref<50x32xf32, #tpu.memory_space<hbm>>
      %dma_start3A_2001 = arith.constant 0 : i32
      %dma_start3A_2002 = arith.constant 0 : i32
      %dma_start3A_2003 = tpu.memref_slice %arg4[%add3A_1993, %dma_start3A_2001, %dma_start3A_2002] : memref<16384x50x32xf32, #tpu.memory_space<hbm>> -> memref<1x50x32xf32, #tpu.memory_space<hbm>>
      %dma_start3A_2004 = tpu.memref_squeeze %dma_start3A_2003 : memref<1x50x32xf32, #tpu.memory_space<hbm>> -> memref<50x32xf32, #tpu.memory_space<hbm>>
      %dma_start3A_2005 = arith.constant 1000 : i32
      %dma_start3A_2006 = arith.constant 0 : i32
      %dma_start3A_2007 = tpu.memref_slice %arg7[%dma_start3A_2005, %dma_start3A_2006] : memref<1600x32xf32, #tpu.memory_space<vmem>> -> memref<50x32xf32, #tpu.memory_space<vmem>>
      tpu.enqueue_dma source(%dma_start3A_2007 : memref<50x32xf32, #tpu.memory_space<vmem>>) target(%dma_start3A_2004 : memref<50x32xf32, #tpu.memory_space<hbm>>) target_semaphore(%arg11 : memref<!tpu.dma_semaphore, #tpu.memory_space<semaphore_mem>>)
      %mul3A_2008 = arith.constant 32 : i32
      %mul3A_2009 = arith.muli %add3A_1608, %mul3A_2008 : i32
      %add3A_2010 = arith.addi %mul3A_4, %mul3A_2009 : i32
      %add3A_2011 = arith.constant 21 : i32
      %add3A_2012 = arith.addi %add3A_2010, %add3A_2011 : i32
      %dma_start3A_2013 = arith.constant 1050 : i32
      %dma_start3A_2014 = arith.constant 0 : i32
      %dma_start3A_2015 = tpu.memref_slice %arg7[%dma_start3A_2013, %dma_start3A_2014] : memref<1600x32xf32, #tpu.memory_space<vmem>> -> memref<50x32xf32, #tpu.memory_space<vmem>>
      %dma_start3A_2016 = arith.constant 0 : i32
      %dma_start3A_2017 = arith.constant 0 : i32
      %dma_start3A_2018 = tpu.memref_slice %arg4[%add3A_2012, %dma_start3A_2016, %dma_start3A_2017] : memref<16384x50x32xf32, #tpu.memory_space<hbm>> -> memref<1x50x32xf32, #tpu.memory_space<hbm>>
      %dma_start3A_2019 = tpu.memref_squeeze %dma_start3A_2018 : memref<1x50x32xf32, #tpu.memory_space<hbm>> -> memref<50x32xf32, #tpu.memory_space<hbm>>
      %dma_start3A_2020 = arith.constant 0 : i32
      %dma_start3A_2021 = arith.constant 0 : i32
      %dma_start3A_2022 = tpu.memref_slice %arg4[%add3A_2012, %dma_start3A_2020, %dma_start3A_2021] : memref<16384x50x32xf32, #tpu.memory_space<hbm>> -> memref<1x50x32xf32, #tpu.memory_space<hbm>>
      %dma_start3A_2023 = tpu.memref_squeeze %dma_start3A_2022 : memref<1x50x32xf32, #tpu.memory_space<hbm>> -> memref<50x32xf32, #tpu.memory_space<hbm>>
      %dma_start3A_2024 = arith.constant 1050 : i32
      %dma_start3A_2025 = arith.constant 0 : i32
      %dma_start3A_2026 = tpu.memref_slice %arg7[%dma_start3A_2024, %dma_start3A_2025] : memref<1600x32xf32, #tpu.memory_space<vmem>> -> memref<50x32xf32, #tpu.memory_space<vmem>>
      tpu.enqueue_dma source(%dma_start3A_2026 : memref<50x32xf32, #tpu.memory_space<vmem>>) target(%dma_start3A_2023 : memref<50x32xf32, #tpu.memory_space<hbm>>) target_semaphore(%arg11 : memref<!tpu.dma_semaphore, #tpu.memory_space<semaphore_mem>>)
      %mul3A_2027 = arith.constant 32 : i32
      %mul3A_2028 = arith.muli %add3A_1608, %mul3A_2027 : i32
      %add3A_2029 = arith.addi %mul3A_4, %mul3A_2028 : i32
      %add3A_2030 = arith.constant 22 : i32
      %add3A_2031 = arith.addi %add3A_2029, %add3A_2030 : i32
      %dma_start3A_2032 = arith.constant 1100 : i32
      %dma_start3A_2033 = arith.constant 0 : i32
      %dma_start3A_2034 = tpu.memref_slice %arg7[%dma_start3A_2032, %dma_start3A_2033] : memref<1600x32xf32, #tpu.memory_space<vmem>> -> memref<50x32xf32, #tpu.memory_space<vmem>>
      %dma_start3A_2035 = arith.constant 0 : i32
      %dma_start3A_2036 = arith.constant 0 : i32
      %dma_start3A_2037 = tpu.memref_slice %arg4[%add3A_2031, %dma_start3A_2035, %dma_start3A_2036] : memref<16384x50x32xf32, #tpu.memory_space<hbm>> -> memref<1x50x32xf32, #tpu.memory_space<hbm>>
      %dma_start3A_2038 = tpu.memref_squeeze %dma_start3A_2037 : memref<1x50x32xf32, #tpu.memory_space<hbm>> -> memref<50x32xf32, #tpu.memory_space<hbm>>
      %dma_start3A_2039 = arith.constant 0 : i32
      %dma_start3A_2040 = arith.constant 0 : i32
      %dma_start3A_2041 = tpu.memref_slice %arg4[%add3A_2031, %dma_start3A_2039, %dma_start3A_2040] : memref<16384x50x32xf32, #tpu.memory_space<hbm>> -> memref<1x50x32xf32, #tpu.memory_space<hbm>>
      %dma_start3A_2042 = tpu.memref_squeeze %dma_start3A_2041 : memref<1x50x32xf32, #tpu.memory_space<hbm>> -> memref<50x32xf32, #tpu.memory_space<hbm>>
      %dma_start3A_2043 = arith.constant 1100 : i32
      %dma_start3A_2044 = arith.constant 0 : i32
      %dma_start3A_2045 = tpu.memref_slice %arg7[%dma_start3A_2043, %dma_start3A_2044] : memref<1600x32xf32, #tpu.memory_space<vmem>> -> memref<50x32xf32, #tpu.memory_space<vmem>>
      tpu.enqueue_dma source(%dma_start3A_2045 : memref<50x32xf32, #tpu.memory_space<vmem>>) target(%dma_start3A_2042 : memref<50x32xf32, #tpu.memory_space<hbm>>) target_semaphore(%arg11 : memref<!tpu.dma_semaphore, #tpu.memory_space<semaphore_mem>>)
      %mul3A_2046 = arith.constant 32 : i32
      %mul3A_2047 = arith.muli %add3A_1608, %mul3A_2046 : i32
      %add3A_2048 = arith.addi %mul3A_4, %mul3A_2047 : i32
      %add3A_2049 = arith.constant 23 : i32
      %add3A_2050 = arith.addi %add3A_2048, %add3A_2049 : i32
      %dma_start3A_2051 = arith.constant 1150 : i32
      %dma_start3A_2052 = arith.constant 0 : i32
      %dma_start3A_2053 = tpu.memref_slice %arg7[%dma_start3A_2051, %dma_start3A_2052] : memref<1600x32xf32, #tpu.memory_space<vmem>> -> memref<50x32xf32, #tpu.memory_space<vmem>>
      %dma_start3A_2054 = arith.constant 0 : i32
      %dma_start3A_2055 = arith.constant 0 : i32
      %dma_start3A_2056 = tpu.memref_slice %arg4[%add3A_2050, %dma_start3A_2054, %dma_start3A_2055] : memref<16384x50x32xf32, #tpu.memory_space<hbm>> -> memref<1x50x32xf32, #tpu.memory_space<hbm>>
      %dma_start3A_2057 = tpu.memref_squeeze %dma_start3A_2056 : memref<1x50x32xf32, #tpu.memory_space<hbm>> -> memref<50x32xf32, #tpu.memory_space<hbm>>
      %dma_start3A_2058 = arith.constant 0 : i32
      %dma_start3A_2059 = arith.constant 0 : i32
      %dma_start3A_2060 = tpu.memref_slice %arg4[%add3A_2050, %dma_start3A_2058, %dma_start3A_2059] : memref<16384x50x32xf32, #tpu.memory_space<hbm>> -> memref<1x50x32xf32, #tpu.memory_space<hbm>>
      %dma_start3A_2061 = tpu.memref_squeeze %dma_start3A_2060 : memref<1x50x32xf32, #tpu.memory_space<hbm>> -> memref<50x32xf32, #tpu.memory_space<hbm>>
      %dma_start3A_2062 = arith.constant 1150 : i32
      %dma_start3A_2063 = arith.constant 0 : i32
      %dma_start3A_2064 = tpu.memref_slice %arg7[%dma_start3A_2062, %dma_start3A_2063] : memref<1600x32xf32, #tpu.memory_space<vmem>> -> memref<50x32xf32, #tpu.memory_space<vmem>>
      tpu.enqueue_dma source(%dma_start3A_2064 : memref<50x32xf32, #tpu.memory_space<vmem>>) target(%dma_start3A_2061 : memref<50x32xf32, #tpu.memory_space<hbm>>) target_semaphore(%arg11 : memref<!tpu.dma_semaphore, #tpu.memory_space<semaphore_mem>>)
      %mul3A_2065 = arith.constant 32 : i32
      %mul3A_2066 = arith.muli %add3A_1608, %mul3A_2065 : i32
      %add3A_2067 = arith.addi %mul3A_4, %mul3A_2066 : i32
      %add3A_2068 = arith.constant 24 : i32
      %add3A_2069 = arith.addi %add3A_2067, %add3A_2068 : i32
      %dma_start3A_2070 = arith.constant 1200 : i32
      %dma_start3A_2071 = arith.constant 0 : i32
      %dma_start3A_2072 = tpu.memref_slice %arg7[%dma_start3A_2070, %dma_start3A_2071] : memref<1600x32xf32, #tpu.memory_space<vmem>> -> memref<50x32xf32, #tpu.memory_space<vmem>>
      %dma_start3A_2073 = arith.constant 0 : i32
      %dma_start3A_2074 = arith.constant 0 : i32
      %dma_start3A_2075 = tpu.memref_slice %arg4[%add3A_2069, %dma_start3A_2073, %dma_start3A_2074] : memref<16384x50x32xf32, #tpu.memory_space<hbm>> -> memref<1x50x32xf32, #tpu.memory_space<hbm>>
      %dma_start3A_2076 = tpu.memref_squeeze %dma_start3A_2075 : memref<1x50x32xf32, #tpu.memory_space<hbm>> -> memref<50x32xf32, #tpu.memory_space<hbm>>
      %dma_start3A_2077 = arith.constant 0 : i32
      %dma_start3A_2078 = arith.constant 0 : i32
      %dma_start3A_2079 = tpu.memref_slice %arg4[%add3A_2069, %dma_start3A_2077, %dma_start3A_2078] : memref<16384x50x32xf32, #tpu.memory_space<hbm>> -> memref<1x50x32xf32, #tpu.memory_space<hbm>>
      %dma_start3A_2080 = tpu.memref_squeeze %dma_start3A_2079 : memref<1x50x32xf32, #tpu.memory_space<hbm>> -> memref<50x32xf32, #tpu.memory_space<hbm>>
      %dma_start3A_2081 = arith.constant 1200 : i32
      %dma_start3A_2082 = arith.constant 0 : i32
      %dma_start3A_2083 = tpu.memref_slice %arg7[%dma_start3A_2081, %dma_start3A_2082] : memref<1600x32xf32, #tpu.memory_space<vmem>> -> memref<50x32xf32, #tpu.memory_space<vmem>>
      tpu.enqueue_dma source(%dma_start3A_2083 : memref<50x32xf32, #tpu.memory_space<vmem>>) target(%dma_start3A_2080 : memref<50x32xf32, #tpu.memory_space<hbm>>) target_semaphore(%arg11 : memref<!tpu.dma_semaphore, #tpu.memory_space<semaphore_mem>>)
      %mul3A_2084 = arith.constant 32 : i32
      %mul3A_2085 = arith.muli %add3A_1608, %mul3A_2084 : i32
      %add3A_2086 = arith.addi %mul3A_4, %mul3A_2085 : i32
      %add3A_2087 = arith.constant 25 : i32
      %add3A_2088 = arith.addi %add3A_2086, %add3A_2087 : i32
      %dma_start3A_2089 = arith.constant 1250 : i32
      %dma_start3A_2090 = arith.constant 0 : i32
      %dma_start3A_2091 = tpu.memref_slice %arg7[%dma_start3A_2089, %dma_start3A_2090] : memref<1600x32xf32, #tpu.memory_space<vmem>> -> memref<50x32xf32, #tpu.memory_space<vmem>>
      %dma_start3A_2092 = arith.constant 0 : i32
      %dma_start3A_2093 = arith.constant 0 : i32
      %dma_start3A_2094 = tpu.memref_slice %arg4[%add3A_2088, %dma_start3A_2092, %dma_start3A_2093] : memref<16384x50x32xf32, #tpu.memory_space<hbm>> -> memref<1x50x32xf32, #tpu.memory_space<hbm>>
      %dma_start3A_2095 = tpu.memref_squeeze %dma_start3A_2094 : memref<1x50x32xf32, #tpu.memory_space<hbm>> -> memref<50x32xf32, #tpu.memory_space<hbm>>
      %dma_start3A_2096 = arith.constant 0 : i32
      %dma_start3A_2097 = arith.constant 0 : i32
      %dma_start3A_2098 = tpu.memref_slice %arg4[%add3A_2088, %dma_start3A_2096, %dma_start3A_2097] : memref<16384x50x32xf32, #tpu.memory_space<hbm>> -> memref<1x50x32xf32, #tpu.memory_space<hbm>>
      %dma_start3A_2099 = tpu.memref_squeeze %dma_start3A_2098 : memref<1x50x32xf32, #tpu.memory_space<hbm>> -> memref<50x32xf32, #tpu.memory_space<hbm>>
      %dma_start3A_2100 = arith.constant 1250 : i32
      %dma_start3A_2101 = arith.constant 0 : i32
      %dma_start3A_2102 = tpu.memref_slice %arg7[%dma_start3A_2100, %dma_start3A_2101] : memref<1600x32xf32, #tpu.memory_space<vmem>> -> memref<50x32xf32, #tpu.memory_space<vmem>>
      tpu.enqueue_dma source(%dma_start3A_2102 : memref<50x32xf32, #tpu.memory_space<vmem>>) target(%dma_start3A_2099 : memref<50x32xf32, #tpu.memory_space<hbm>>) target_semaphore(%arg11 : memref<!tpu.dma_semaphore, #tpu.memory_space<semaphore_mem>>)
      %mul3A_2103 = arith.constant 32 : i32
      %mul3A_2104 = arith.muli %add3A_1608, %mul3A_2103 : i32
      %add3A_2105 = arith.addi %mul3A_4, %mul3A_2104 : i32
      %add3A_2106 = arith.constant 26 : i32
      %add3A_2107 = arith.addi %add3A_2105, %add3A_2106 : i32
      %dma_start3A_2108 = arith.constant 1300 : i32
      %dma_start3A_2109 = arith.constant 0 : i32
      %dma_start3A_2110 = tpu.memref_slice %arg7[%dma_start3A_2108, %dma_start3A_2109] : memref<1600x32xf32, #tpu.memory_space<vmem>> -> memref<50x32xf32, #tpu.memory_space<vmem>>
      %dma_start3A_2111 = arith.constant 0 : i32
      %dma_start3A_2112 = arith.constant 0 : i32
      %dma_start3A_2113 = tpu.memref_slice %arg4[%add3A_2107, %dma_start3A_2111, %dma_start3A_2112] : memref<16384x50x32xf32, #tpu.memory_space<hbm>> -> memref<1x50x32xf32, #tpu.memory_space<hbm>>
      %dma_start3A_2114 = tpu.memref_squeeze %dma_start3A_2113 : memref<1x50x32xf32, #tpu.memory_space<hbm>> -> memref<50x32xf32, #tpu.memory_space<hbm>>
      %dma_start3A_2115 = arith.constant 0 : i32
      %dma_start3A_2116 = arith.constant 0 : i32
      %dma_start3A_2117 = tpu.memref_slice %arg4[%add3A_2107, %dma_start3A_2115, %dma_start3A_2116] : memref<16384x50x32xf32, #tpu.memory_space<hbm>> -> memref<1x50x32xf32, #tpu.memory_space<hbm>>
      %dma_start3A_2118 = tpu.memref_squeeze %dma_start3A_2117 : memref<1x50x32xf32, #tpu.memory_space<hbm>> -> memref<50x32xf32, #tpu.memory_space<hbm>>
      %dma_start3A_2119 = arith.constant 1300 : i32
      %dma_start3A_2120 = arith.constant 0 : i32
      %dma_start3A_2121 = tpu.memref_slice %arg7[%dma_start3A_2119, %dma_start3A_2120] : memref<1600x32xf32, #tpu.memory_space<vmem>> -> memref<50x32xf32, #tpu.memory_space<vmem>>
      tpu.enqueue_dma source(%dma_start3A_2121 : memref<50x32xf32, #tpu.memory_space<vmem>>) target(%dma_start3A_2118 : memref<50x32xf32, #tpu.memory_space<hbm>>) target_semaphore(%arg11 : memref<!tpu.dma_semaphore, #tpu.memory_space<semaphore_mem>>)
      %mul3A_2122 = arith.constant 32 : i32
      %mul3A_2123 = arith.muli %add3A_1608, %mul3A_2122 : i32
      %add3A_2124 = arith.addi %mul3A_4, %mul3A_2123 : i32
      %add3A_2125 = arith.constant 27 : i32
      %add3A_2126 = arith.addi %add3A_2124, %add3A_2125 : i32
      %dma_start3A_2127 = arith.constant 1350 : i32
      %dma_start3A_2128 = arith.constant 0 : i32
      %dma_start3A_2129 = tpu.memref_slice %arg7[%dma_start3A_2127, %dma_start3A_2128] : memref<1600x32xf32, #tpu.memory_space<vmem>> -> memref<50x32xf32, #tpu.memory_space<vmem>>
      %dma_start3A_2130 = arith.constant 0 : i32
      %dma_start3A_2131 = arith.constant 0 : i32
      %dma_start3A_2132 = tpu.memref_slice %arg4[%add3A_2126, %dma_start3A_2130, %dma_start3A_2131] : memref<16384x50x32xf32, #tpu.memory_space<hbm>> -> memref<1x50x32xf32, #tpu.memory_space<hbm>>
      %dma_start3A_2133 = tpu.memref_squeeze %dma_start3A_2132 : memref<1x50x32xf32, #tpu.memory_space<hbm>> -> memref<50x32xf32, #tpu.memory_space<hbm>>
      %dma_start3A_2134 = arith.constant 0 : i32
      %dma_start3A_2135 = arith.constant 0 : i32
      %dma_start3A_2136 = tpu.memref_slice %arg4[%add3A_2126, %dma_start3A_2134, %dma_start3A_2135] : memref<16384x50x32xf32, #tpu.memory_space<hbm>> -> memref<1x50x32xf32, #tpu.memory_space<hbm>>
      %dma_start3A_2137 = tpu.memref_squeeze %dma_start3A_2136 : memref<1x50x32xf32, #tpu.memory_space<hbm>> -> memref<50x32xf32, #tpu.memory_space<hbm>>
      %dma_start3A_2138 = arith.constant 1350 : i32
      %dma_start3A_2139 = arith.constant 0 : i32
      %dma_start3A_2140 = tpu.memref_slice %arg7[%dma_start3A_2138, %dma_start3A_2139] : memref<1600x32xf32, #tpu.memory_space<vmem>> -> memref<50x32xf32, #tpu.memory_space<vmem>>
      tpu.enqueue_dma source(%dma_start3A_2140 : memref<50x32xf32, #tpu.memory_space<vmem>>) target(%dma_start3A_2137 : memref<50x32xf32, #tpu.memory_space<hbm>>) target_semaphore(%arg11 : memref<!tpu.dma_semaphore, #tpu.memory_space<semaphore_mem>>)
      %mul3A_2141 = arith.constant 32 : i32
      %mul3A_2142 = arith.muli %add3A_1608, %mul3A_2141 : i32
      %add3A_2143 = arith.addi %mul3A_4, %mul3A_2142 : i32
      %add3A_2144 = arith.constant 28 : i32
      %add3A_2145 = arith.addi %add3A_2143, %add3A_2144 : i32
      %dma_start3A_2146 = arith.constant 1400 : i32
      %dma_start3A_2147 = arith.constant 0 : i32
      %dma_start3A_2148 = tpu.memref_slice %arg7[%dma_start3A_2146, %dma_start3A_2147] : memref<1600x32xf32, #tpu.memory_space<vmem>> -> memref<50x32xf32, #tpu.memory_space<vmem>>
      %dma_start3A_2149 = arith.constant 0 : i32
      %dma_start3A_2150 = arith.constant 0 : i32
      %dma_start3A_2151 = tpu.memref_slice %arg4[%add3A_2145, %dma_start3A_2149, %dma_start3A_2150] : memref<16384x50x32xf32, #tpu.memory_space<hbm>> -> memref<1x50x32xf32, #tpu.memory_space<hbm>>
      %dma_start3A_2152 = tpu.memref_squeeze %dma_start3A_2151 : memref<1x50x32xf32, #tpu.memory_space<hbm>> -> memref<50x32xf32, #tpu.memory_space<hbm>>
      %dma_start3A_2153 = arith.constant 0 : i32
      %dma_start3A_2154 = arith.constant 0 : i32
      %dma_start3A_2155 = tpu.memref_slice %arg4[%add3A_2145, %dma_start3A_2153, %dma_start3A_2154] : memref<16384x50x32xf32, #tpu.memory_space<hbm>> -> memref<1x50x32xf32, #tpu.memory_space<hbm>>
      %dma_start3A_2156 = tpu.memref_squeeze %dma_start3A_2155 : memref<1x50x32xf32, #tpu.memory_space<hbm>> -> memref<50x32xf32, #tpu.memory_space<hbm>>
      %dma_start3A_2157 = arith.constant 1400 : i32
      %dma_start3A_2158 = arith.constant 0 : i32
      %dma_start3A_2159 = tpu.memref_slice %arg7[%dma_start3A_2157, %dma_start3A_2158] : memref<1600x32xf32, #tpu.memory_space<vmem>> -> memref<50x32xf32, #tpu.memory_space<vmem>>
      tpu.enqueue_dma source(%dma_start3A_2159 : memref<50x32xf32, #tpu.memory_space<vmem>>) target(%dma_start3A_2156 : memref<50x32xf32, #tpu.memory_space<hbm>>) target_semaphore(%arg11 : memref<!tpu.dma_semaphore, #tpu.memory_space<semaphore_mem>>)
      %mul3A_2160 = arith.constant 32 : i32
      %mul3A_2161 = arith.muli %add3A_1608, %mul3A_2160 : i32
      %add3A_2162 = arith.addi %mul3A_4, %mul3A_2161 : i32
      %add3A_2163 = arith.constant 29 : i32
      %add3A_2164 = arith.addi %add3A_2162, %add3A_2163 : i32
      %dma_start3A_2165 = arith.constant 1450 : i32
      %dma_start3A_2166 = arith.constant 0 : i32
      %dma_start3A_2167 = tpu.memref_slice %arg7[%dma_start3A_2165, %dma_start3A_2166] : memref<1600x32xf32, #tpu.memory_space<vmem>> -> memref<50x32xf32, #tpu.memory_space<vmem>>
      %dma_start3A_2168 = arith.constant 0 : i32
      %dma_start3A_2169 = arith.constant 0 : i32
      %dma_start3A_2170 = tpu.memref_slice %arg4[%add3A_2164, %dma_start3A_2168, %dma_start3A_2169] : memref<16384x50x32xf32, #tpu.memory_space<hbm>> -> memref<1x50x32xf32, #tpu.memory_space<hbm>>
      %dma_start3A_2171 = tpu.memref_squeeze %dma_start3A_2170 : memref<1x50x32xf32, #tpu.memory_space<hbm>> -> memref<50x32xf32, #tpu.memory_space<hbm>>
      %dma_start3A_2172 = arith.constant 0 : i32
      %dma_start3A_2173 = arith.constant 0 : i32
      %dma_start3A_2174 = tpu.memref_slice %arg4[%add3A_2164, %dma_start3A_2172, %dma_start3A_2173] : memref<16384x50x32xf32, #tpu.memory_space<hbm>> -> memref<1x50x32xf32, #tpu.memory_space<hbm>>
      %dma_start3A_2175 = tpu.memref_squeeze %dma_start3A_2174 : memref<1x50x32xf32, #tpu.memory_space<hbm>> -> memref<50x32xf32, #tpu.memory_space<hbm>>
      %dma_start3A_2176 = arith.constant 1450 : i32
      %dma_start3A_2177 = arith.constant 0 : i32
      %dma_start3A_2178 = tpu.memref_slice %arg7[%dma_start3A_2176, %dma_start3A_2177] : memref<1600x32xf32, #tpu.memory_space<vmem>> -> memref<50x32xf32, #tpu.memory_space<vmem>>
      tpu.enqueue_dma source(%dma_start3A_2178 : memref<50x32xf32, #tpu.memory_space<vmem>>) target(%dma_start3A_2175 : memref<50x32xf32, #tpu.memory_space<hbm>>) target_semaphore(%arg11 : memref<!tpu.dma_semaphore, #tpu.memory_space<semaphore_mem>>)
      %mul3A_2179 = arith.constant 32 : i32
      %mul3A_2180 = arith.muli %add3A_1608, %mul3A_2179 : i32
      %add3A_2181 = arith.addi %mul3A_4, %mul3A_2180 : i32
      %add3A_2182 = arith.constant 30 : i32
      %add3A_2183 = arith.addi %add3A_2181, %add3A_2182 : i32
      %dma_start3A_2184 = arith.constant 1500 : i32
      %dma_start3A_2185 = arith.constant 0 : i32
      %dma_start3A_2186 = tpu.memref_slice %arg7[%dma_start3A_2184, %dma_start3A_2185] : memref<1600x32xf32, #tpu.memory_space<vmem>> -> memref<50x32xf32, #tpu.memory_space<vmem>>
      %dma_start3A_2187 = arith.constant 0 : i32
      %dma_start3A_2188 = arith.constant 0 : i32
      %dma_start3A_2189 = tpu.memref_slice %arg4[%add3A_2183, %dma_start3A_2187, %dma_start3A_2188] : memref<16384x50x32xf32, #tpu.memory_space<hbm>> -> memref<1x50x32xf32, #tpu.memory_space<hbm>>
      %dma_start3A_2190 = tpu.memref_squeeze %dma_start3A_2189 : memref<1x50x32xf32, #tpu.memory_space<hbm>> -> memref<50x32xf32, #tpu.memory_space<hbm>>
      %dma_start3A_2191 = arith.constant 0 : i32
      %dma_start3A_2192 = arith.constant 0 : i32
      %dma_start3A_2193 = tpu.memref_slice %arg4[%add3A_2183, %dma_start3A_2191, %dma_start3A_2192] : memref<16384x50x32xf32, #tpu.memory_space<hbm>> -> memref<1x50x32xf32, #tpu.memory_space<hbm>>
      %dma_start3A_2194 = tpu.memref_squeeze %dma_start3A_2193 : memref<1x50x32xf32, #tpu.memory_space<hbm>> -> memref<50x32xf32, #tpu.memory_space<hbm>>
      %dma_start3A_2195 = arith.constant 1500 : i32
      %dma_start3A_2196 = arith.constant 0 : i32
      %dma_start3A_2197 = tpu.memref_slice %arg7[%dma_start3A_2195, %dma_start3A_2196] : memref<1600x32xf32, #tpu.memory_space<vmem>> -> memref<50x32xf32, #tpu.memory_space<vmem>>
      tpu.enqueue_dma source(%dma_start3A_2197 : memref<50x32xf32, #tpu.memory_space<vmem>>) target(%dma_start3A_2194 : memref<50x32xf32, #tpu.memory_space<hbm>>) target_semaphore(%arg11 : memref<!tpu.dma_semaphore, #tpu.memory_space<semaphore_mem>>)
      %mul3A_2198 = arith.constant 32 : i32
      %mul3A_2199 = arith.muli %add3A_1608, %mul3A_2198 : i32
      %add3A_2200 = arith.addi %mul3A_4, %mul3A_2199 : i32
      %add3A_2201 = arith.constant 31 : i32
      %add3A_2202 = arith.addi %add3A_2200, %add3A_2201 : i32
      %dma_start3A_2203 = arith.constant 1550 : i32
      %dma_start3A_2204 = arith.constant 0 : i32
      %dma_start3A_2205 = tpu.memref_slice %arg7[%dma_start3A_2203, %dma_start3A_2204] : memref<1600x32xf32, #tpu.memory_space<vmem>> -> memref<50x32xf32, #tpu.memory_space<vmem>>
      %dma_start3A_2206 = arith.constant 0 : i32
      %dma_start3A_2207 = arith.constant 0 : i32
      %dma_start3A_2208 = tpu.memref_slice %arg4[%add3A_2202, %dma_start3A_2206, %dma_start3A_2207] : memref<16384x50x32xf32, #tpu.memory_space<hbm>> -> memref<1x50x32xf32, #tpu.memory_space<hbm>>
      %dma_start3A_2209 = tpu.memref_squeeze %dma_start3A_2208 : memref<1x50x32xf32, #tpu.memory_space<hbm>> -> memref<50x32xf32, #tpu.memory_space<hbm>>
      %dma_start3A_2210 = arith.constant 0 : i32
      %dma_start3A_2211 = arith.constant 0 : i32
      %dma_start3A_2212 = tpu.memref_slice %arg4[%add3A_2202, %dma_start3A_2210, %dma_start3A_2211] : memref<16384x50x32xf32, #tpu.memory_space<hbm>> -> memref<1x50x32xf32, #tpu.memory_space<hbm>>
      %dma_start3A_2213 = tpu.memref_squeeze %dma_start3A_2212 : memref<1x50x32xf32, #tpu.memory_space<hbm>> -> memref<50x32xf32, #tpu.memory_space<hbm>>
      %dma_start3A_2214 = arith.constant 1550 : i32
      %dma_start3A_2215 = arith.constant 0 : i32
      %dma_start3A_2216 = tpu.memref_slice %arg7[%dma_start3A_2214, %dma_start3A_2215] : memref<1600x32xf32, #tpu.memory_space<vmem>> -> memref<50x32xf32, #tpu.memory_space<vmem>>
      tpu.enqueue_dma source(%dma_start3A_2216 : memref<50x32xf32, #tpu.memory_space<vmem>>) target(%dma_start3A_2213 : memref<50x32xf32, #tpu.memory_space<hbm>>) target_semaphore(%arg11 : memref<!tpu.dma_semaphore, #tpu.memory_space<semaphore_mem>>)
      %add3A_2217 = arith.constant 1 : i32
      %add3A_2218 = arith.addi %scan3A_980, %add3A_2217 : i32
      %lt3A = arith.constant 8 : i32
      %lt3A_2219 = arith.cmpi slt, %add3A_2218, %lt3A : i32
      %convert_element_type3A = arith.extui %lt3A_2219 : i1 to i32
      %cond3A = arith.constant 0 : i32
      %cond3A_2220 = arith.cmpi ne, %convert_element_type3A, %cond3A : i32
      scf.if %cond3A_2220 {
        %dma_wait3A_2221 = arith.constant 0 : i32
        %dma_wait3A_2222 = arith.constant 0 : i32
        %dma_wait3A_2223 = arith.constant 0 : i32
        %dma_wait3A_2224 = tpu.memref_slice %arg6[%dma_wait3A_2222, %dma_wait3A_2223] : memref<1600x32xf32, #tpu.memory_space<vmem>> -> memref<50x32xf32, #tpu.memory_space<vmem>>
        %dma_wait3A_2225 = arith.constant 0 : i32
        %dma_wait3A_2226 = arith.constant 0 : i32
        %dma_wait3A_2227 = tpu.memref_slice %arg4[%dma_wait3A_2221, %dma_wait3A_2225, %dma_wait3A_2226] : memref<16384x50x32xf32, #tpu.memory_space<hbm>> -> memref<1x50x32xf32, #tpu.memory_space<hbm>>
        %dma_wait3A_2228 = tpu.memref_squeeze %dma_wait3A_2227 : memref<1x50x32xf32, #tpu.memory_space<hbm>> -> memref<50x32xf32, #tpu.memory_space<hbm>>
        %dma_wait3A_2229 = arith.constant 0 : i32
        %dma_wait3A_2230 = arith.constant 0 : i32
        %dma_wait3A_2231 = tpu.memref_slice %arg4[%dma_wait3A_2221, %dma_wait3A_2229, %dma_wait3A_2230] : memref<16384x50x32xf32, #tpu.memory_space<hbm>> -> memref<1x50x32xf32, #tpu.memory_space<hbm>>
        %dma_wait3A_2232 = tpu.memref_squeeze %dma_wait3A_2231 : memref<1x50x32xf32, #tpu.memory_space<hbm>> -> memref<50x32xf32, #tpu.memory_space<hbm>>
        %dma_wait3A_2233 = arith.constant 0 : i32
        %dma_wait3A_2234 = arith.constant 0 : i32
        %dma_wait3A_2235 = tpu.memref_slice %arg6[%dma_wait3A_2233, %dma_wait3A_2234] : memref<1600x32xf32, #tpu.memory_space<vmem>> -> memref<50x32xf32, #tpu.memory_space<vmem>>
        tpu.wait_dma2 semaphore(%arg10 : memref<!tpu.dma_semaphore, #tpu.memory_space<semaphore_mem>>) src(%dma_wait3A_2235 : memref<50x32xf32, #tpu.memory_space<vmem>>) dst(%dma_wait3A_2232 : memref<50x32xf32, #tpu.memory_space<hbm>>)
        %dma_wait3A_2236 = arith.constant 0 : i32
        %dma_wait3A_2237 = arith.constant 0 : i32
        %dma_wait3A_2238 = arith.constant 0 : i32
        %dma_wait3A_2239 = tpu.memref_slice %arg6[%dma_wait3A_2237, %dma_wait3A_2238] : memref<1600x32xf32, #tpu.memory_space<vmem>> -> memref<50x32xf32, #tpu.memory_space<vmem>>
        %dma_wait3A_2240 = arith.constant 0 : i32
        %dma_wait3A_2241 = arith.constant 0 : i32
        %dma_wait3A_2242 = tpu.memref_slice %arg4[%dma_wait3A_2236, %dma_wait3A_2240, %dma_wait3A_2241] : memref<16384x50x32xf32, #tpu.memory_space<hbm>> -> memref<1x50x32xf32, #tpu.memory_space<hbm>>
        %dma_wait3A_2243 = tpu.memref_squeeze %dma_wait3A_2242 : memref<1x50x32xf32, #tpu.memory_space<hbm>> -> memref<50x32xf32, #tpu.memory_space<hbm>>
        %dma_wait3A_2244 = arith.constant 0 : i32
        %dma_wait3A_2245 = arith.constant 0 : i32
        %dma_wait3A_2246 = tpu.memref_slice %arg4[%dma_wait3A_2236, %dma_wait3A_2244, %dma_wait3A_2245] : memref<16384x50x32xf32, #tpu.memory_space<hbm>> -> memref<1x50x32xf32, #tpu.memory_space<hbm>>
        %dma_wait3A_2247 = tpu.memref_squeeze %dma_wait3A_2246 : memref<1x50x32xf32, #tpu.memory_space<hbm>> -> memref<50x32xf32, #tpu.memory_space<hbm>>
        %dma_wait3A_2248 = arith.constant 0 : i32
        %dma_wait3A_2249 = arith.constant 0 : i32
        %dma_wait3A_2250 = tpu.memref_slice %arg6[%dma_wait3A_2248, %dma_wait3A_2249] : memref<1600x32xf32, #tpu.memory_space<vmem>> -> memref<50x32xf32, #tpu.memory_space<vmem>>
        tpu.wait_dma2 semaphore(%arg10 : memref<!tpu.dma_semaphore, #tpu.memory_space<semaphore_mem>>) src(%dma_wait3A_2250 : memref<50x32xf32, #tpu.memory_space<vmem>>) dst(%dma_wait3A_2247 : memref<50x32xf32, #tpu.memory_space<hbm>>)
        %dma_wait3A_2251 = arith.constant 0 : i32
        %dma_wait3A_2252 = arith.constant 0 : i32
        %dma_wait3A_2253 = arith.constant 0 : i32
        %dma_wait3A_2254 = tpu.memref_slice %arg6[%dma_wait3A_2252, %dma_wait3A_2253] : memref<1600x32xf32, #tpu.memory_space<vmem>> -> memref<50x32xf32, #tpu.memory_space<vmem>>
        %dma_wait3A_2255 = arith.constant 0 : i32
        %dma_wait3A_2256 = arith.constant 0 : i32
        %dma_wait3A_2257 = tpu.memref_slice %arg4[%dma_wait3A_2251, %dma_wait3A_2255, %dma_wait3A_2256] : memref<16384x50x32xf32, #tpu.memory_space<hbm>> -> memref<1x50x32xf32, #tpu.memory_space<hbm>>
        %dma_wait3A_2258 = tpu.memref_squeeze %dma_wait3A_2257 : memref<1x50x32xf32, #tpu.memory_space<hbm>> -> memref<50x32xf32, #tpu.memory_space<hbm>>
        %dma_wait3A_2259 = arith.constant 0 : i32
        %dma_wait3A_2260 = arith.constant 0 : i32
        %dma_wait3A_2261 = tpu.memref_slice %arg4[%dma_wait3A_2251, %dma_wait3A_2259, %dma_wait3A_2260] : memref<16384x50x32xf32, #tpu.memory_space<hbm>> -> memref<1x50x32xf32, #tpu.memory_space<hbm>>
        %dma_wait3A_2262 = tpu.memref_squeeze %dma_wait3A_2261 : memref<1x50x32xf32, #tpu.memory_space<hbm>> -> memref<50x32xf32, #tpu.memory_space<hbm>>
        %dma_wait3A_2263 = arith.constant 0 : i32
        %dma_wait3A_2264 = arith.constant 0 : i32
        %dma_wait3A_2265 = tpu.memref_slice %arg6[%dma_wait3A_2263, %dma_wait3A_2264] : memref<1600x32xf32, #tpu.memory_space<vmem>> -> memref<50x32xf32, #tpu.memory_space<vmem>>
        tpu.wait_dma2 semaphore(%arg10 : memref<!tpu.dma_semaphore, #tpu.memory_space<semaphore_mem>>) src(%dma_wait3A_2265 : memref<50x32xf32, #tpu.memory_space<vmem>>) dst(%dma_wait3A_2262 : memref<50x32xf32, #tpu.memory_space<hbm>>)
        %dma_wait3A_2266 = arith.constant 0 : i32
        %dma_wait3A_2267 = arith.constant 0 : i32
        %dma_wait3A_2268 = arith.constant 0 : i32
        %dma_wait3A_2269 = tpu.memref_slice %arg6[%dma_wait3A_2267, %dma_wait3A_2268] : memref<1600x32xf32, #tpu.memory_space<vmem>> -> memref<50x32xf32, #tpu.memory_space<vmem>>
        %dma_wait3A_2270 = arith.constant 0 : i32
        %dma_wait3A_2271 = arith.constant 0 : i32
        %dma_wait3A_2272 = tpu.memref_slice %arg4[%dma_wait3A_2266, %dma_wait3A_2270, %dma_wait3A_2271] : memref<16384x50x32xf32, #tpu.memory_space<hbm>> -> memref<1x50x32xf32, #tpu.memory_space<hbm>>
        %dma_wait3A_2273 = tpu.memref_squeeze %dma_wait3A_2272 : memref<1x50x32xf32, #tpu.memory_space<hbm>> -> memref<50x32xf32, #tpu.memory_space<hbm>>
        %dma_wait3A_2274 = arith.constant 0 : i32
        %dma_wait3A_2275 = arith.constant 0 : i32
        %dma_wait3A_2276 = tpu.memref_slice %arg4[%dma_wait3A_2266, %dma_wait3A_2274, %dma_wait3A_2275] : memref<16384x50x32xf32, #tpu.memory_space<hbm>> -> memref<1x50x32xf32, #tpu.memory_space<hbm>>
        %dma_wait3A_2277 = tpu.memref_squeeze %dma_wait3A_2276 : memref<1x50x32xf32, #tpu.memory_space<hbm>> -> memref<50x32xf32, #tpu.memory_space<hbm>>
        %dma_wait3A_2278 = arith.constant 0 : i32
        %dma_wait3A_2279 = arith.constant 0 : i32
        %dma_wait3A_2280 = tpu.memref_slice %arg6[%dma_wait3A_2278, %dma_wait3A_2279] : memref<1600x32xf32, #tpu.memory_space<vmem>> -> memref<50x32xf32, #tpu.memory_space<vmem>>
        tpu.wait_dma2 semaphore(%arg10 : memref<!tpu.dma_semaphore, #tpu.memory_space<semaphore_mem>>) src(%dma_wait3A_2280 : memref<50x32xf32, #tpu.memory_space<vmem>>) dst(%dma_wait3A_2277 : memref<50x32xf32, #tpu.memory_space<hbm>>)
        %dma_wait3A_2281 = arith.constant 0 : i32
        %dma_wait3A_2282 = arith.constant 0 : i32
        %dma_wait3A_2283 = arith.constant 0 : i32
        %dma_wait3A_2284 = tpu.memref_slice %arg6[%dma_wait3A_2282, %dma_wait3A_2283] : memref<1600x32xf32, #tpu.memory_space<vmem>> -> memref<50x32xf32, #tpu.memory_space<vmem>>
        %dma_wait3A_2285 = arith.constant 0 : i32
        %dma_wait3A_2286 = arith.constant 0 : i32
        %dma_wait3A_2287 = tpu.memref_slice %arg4[%dma_wait3A_2281, %dma_wait3A_2285, %dma_wait3A_2286] : memref<16384x50x32xf32, #tpu.memory_space<hbm>> -> memref<1x50x32xf32, #tpu.memory_space<hbm>>
        %dma_wait3A_2288 = tpu.memref_squeeze %dma_wait3A_2287 : memref<1x50x32xf32, #tpu.memory_space<hbm>> -> memref<50x32xf32, #tpu.memory_space<hbm>>
        %dma_wait3A_2289 = arith.constant 0 : i32
        %dma_wait3A_2290 = arith.constant 0 : i32
        %dma_wait3A_2291 = tpu.memref_slice %arg4[%dma_wait3A_2281, %dma_wait3A_2289, %dma_wait3A_2290] : memref<16384x50x32xf32, #tpu.memory_space<hbm>> -> memref<1x50x32xf32, #tpu.memory_space<hbm>>
        %dma_wait3A_2292 = tpu.memref_squeeze %dma_wait3A_2291 : memref<1x50x32xf32, #tpu.memory_space<hbm>> -> memref<50x32xf32, #tpu.memory_space<hbm>>
        %dma_wait3A_2293 = arith.constant 0 : i32
        %dma_wait3A_2294 = arith.constant 0 : i32
        %dma_wait3A_2295 = tpu.memref_slice %arg6[%dma_wait3A_2293, %dma_wait3A_2294] : memref<1600x32xf32, #tpu.memory_space<vmem>> -> memref<50x32xf32, #tpu.memory_space<vmem>>
        tpu.wait_dma2 semaphore(%arg10 : memref<!tpu.dma_semaphore, #tpu.memory_space<semaphore_mem>>) src(%dma_wait3A_2295 : memref<50x32xf32, #tpu.memory_space<vmem>>) dst(%dma_wait3A_2292 : memref<50x32xf32, #tpu.memory_space<hbm>>)
        %dma_wait3A_2296 = arith.constant 0 : i32
        %dma_wait3A_2297 = arith.constant 0 : i32
        %dma_wait3A_2298 = arith.constant 0 : i32
        %dma_wait3A_2299 = tpu.memref_slice %arg6[%dma_wait3A_2297, %dma_wait3A_2298] : memref<1600x32xf32, #tpu.memory_space<vmem>> -> memref<50x32xf32, #tpu.memory_space<vmem>>
        %dma_wait3A_2300 = arith.constant 0 : i32
        %dma_wait3A_2301 = arith.constant 0 : i32
        %dma_wait3A_2302 = tpu.memref_slice %arg4[%dma_wait3A_2296, %dma_wait3A_2300, %dma_wait3A_2301] : memref<16384x50x32xf32, #tpu.memory_space<hbm>> -> memref<1x50x32xf32, #tpu.memory_space<hbm>>
        %dma_wait3A_2303 = tpu.memref_squeeze %dma_wait3A_2302 : memref<1x50x32xf32, #tpu.memory_space<hbm>> -> memref<50x32xf32, #tpu.memory_space<hbm>>
        %dma_wait3A_2304 = arith.constant 0 : i32
        %dma_wait3A_2305 = arith.constant 0 : i32
        %dma_wait3A_2306 = tpu.memref_slice %arg4[%dma_wait3A_2296, %dma_wait3A_2304, %dma_wait3A_2305] : memref<16384x50x32xf32, #tpu.memory_space<hbm>> -> memref<1x50x32xf32, #tpu.memory_space<hbm>>
        %dma_wait3A_2307 = tpu.memref_squeeze %dma_wait3A_2306 : memref<1x50x32xf32, #tpu.memory_space<hbm>> -> memref<50x32xf32, #tpu.memory_space<hbm>>
        %dma_wait3A_2308 = arith.constant 0 : i32
        %dma_wait3A_2309 = arith.constant 0 : i32
        %dma_wait3A_2310 = tpu.memref_slice %arg6[%dma_wait3A_2308, %dma_wait3A_2309] : memref<1600x32xf32, #tpu.memory_space<vmem>> -> memref<50x32xf32, #tpu.memory_space<vmem>>
        tpu.wait_dma2 semaphore(%arg10 : memref<!tpu.dma_semaphore, #tpu.memory_space<semaphore_mem>>) src(%dma_wait3A_2310 : memref<50x32xf32, #tpu.memory_space<vmem>>) dst(%dma_wait3A_2307 : memref<50x32xf32, #tpu.memory_space<hbm>>)
        %dma_wait3A_2311 = arith.constant 0 : i32
        %dma_wait3A_2312 = arith.constant 0 : i32
        %dma_wait3A_2313 = arith.constant 0 : i32
        %dma_wait3A_2314 = tpu.memref_slice %arg6[%dma_wait3A_2312, %dma_wait3A_2313] : memref<1600x32xf32, #tpu.memory_space<vmem>> -> memref<50x32xf32, #tpu.memory_space<vmem>>
        %dma_wait3A_2315 = arith.constant 0 : i32
        %dma_wait3A_2316 = arith.constant 0 : i32
        %dma_wait3A_2317 = tpu.memref_slice %arg4[%dma_wait3A_2311, %dma_wait3A_2315, %dma_wait3A_2316] : memref<16384x50x32xf32, #tpu.memory_space<hbm>> -> memref<1x50x32xf32, #tpu.memory_space<hbm>>
        %dma_wait3A_2318 = tpu.memref_squeeze %dma_wait3A_2317 : memref<1x50x32xf32, #tpu.memory_space<hbm>> -> memref<50x32xf32, #tpu.memory_space<hbm>>
        %dma_wait3A_2319 = arith.constant 0 : i32
        %dma_wait3A_2320 = arith.constant 0 : i32
        %dma_wait3A_2321 = tpu.memref_slice %arg4[%dma_wait3A_2311, %dma_wait3A_2319, %dma_wait3A_2320] : memref<16384x50x32xf32, #tpu.memory_space<hbm>> -> memref<1x50x32xf32, #tpu.memory_space<hbm>>
        %dma_wait3A_2322 = tpu.memref_squeeze %dma_wait3A_2321 : memref<1x50x32xf32, #tpu.memory_space<hbm>> -> memref<50x32xf32, #tpu.memory_space<hbm>>
        %dma_wait3A_2323 = arith.constant 0 : i32
        %dma_wait3A_2324 = arith.constant 0 : i32
        %dma_wait3A_2325 = tpu.memref_slice %arg6[%dma_wait3A_2323, %dma_wait3A_2324] : memref<1600x32xf32, #tpu.memory_space<vmem>> -> memref<50x32xf32, #tpu.memory_space<vmem>>
        tpu.wait_dma2 semaphore(%arg10 : memref<!tpu.dma_semaphore, #tpu.memory_space<semaphore_mem>>) src(%dma_wait3A_2325 : memref<50x32xf32, #tpu.memory_space<vmem>>) dst(%dma_wait3A_2322 : memref<50x32xf32, #tpu.memory_space<hbm>>)
        %dma_wait3A_2326 = arith.constant 0 : i32
        %dma_wait3A_2327 = arith.constant 0 : i32
        %dma_wait3A_2328 = arith.constant 0 : i32
        %dma_wait3A_2329 = tpu.memref_slice %arg6[%dma_wait3A_2327, %dma_wait3A_2328] : memref<1600x32xf32, #tpu.memory_space<vmem>> -> memref<50x32xf32, #tpu.memory_space<vmem>>
        %dma_wait3A_2330 = arith.constant 0 : i32
        %dma_wait3A_2331 = arith.constant 0 : i32
        %dma_wait3A_2332 = tpu.memref_slice %arg4[%dma_wait3A_2326, %dma_wait3A_2330, %dma_wait3A_2331] : memref<16384x50x32xf32, #tpu.memory_space<hbm>> -> memref<1x50x32xf32, #tpu.memory_space<hbm>>
        %dma_wait3A_2333 = tpu.memref_squeeze %dma_wait3A_2332 : memref<1x50x32xf32, #tpu.memory_space<hbm>> -> memref<50x32xf32, #tpu.memory_space<hbm>>
        %dma_wait3A_2334 = arith.constant 0 : i32
        %dma_wait3A_2335 = arith.constant 0 : i32
        %dma_wait3A_2336 = tpu.memref_slice %arg4[%dma_wait3A_2326, %dma_wait3A_2334, %dma_wait3A_2335] : memref<16384x50x32xf32, #tpu.memory_space<hbm>> -> memref<1x50x32xf32, #tpu.memory_space<hbm>>
        %dma_wait3A_2337 = tpu.memref_squeeze %dma_wait3A_2336 : memref<1x50x32xf32, #tpu.memory_space<hbm>> -> memref<50x32xf32, #tpu.memory_space<hbm>>
        %dma_wait3A_2338 = arith.constant 0 : i32
        %dma_wait3A_2339 = arith.constant 0 : i32
        %dma_wait3A_2340 = tpu.memref_slice %arg6[%dma_wait3A_2338, %dma_wait3A_2339] : memref<1600x32xf32, #tpu.memory_space<vmem>> -> memref<50x32xf32, #tpu.memory_space<vmem>>
        tpu.wait_dma2 semaphore(%arg10 : memref<!tpu.dma_semaphore, #tpu.memory_space<semaphore_mem>>) src(%dma_wait3A_2340 : memref<50x32xf32, #tpu.memory_space<vmem>>) dst(%dma_wait3A_2337 : memref<50x32xf32, #tpu.memory_space<hbm>>)
        %dma_wait3A_2341 = arith.constant 0 : i32
        %dma_wait3A_2342 = arith.constant 0 : i32
        %dma_wait3A_2343 = arith.constant 0 : i32
        %dma_wait3A_2344 = tpu.memref_slice %arg6[%dma_wait3A_2342, %dma_wait3A_2343] : memref<1600x32xf32, #tpu.memory_space<vmem>> -> memref<50x32xf32, #tpu.memory_space<vmem>>
        %dma_wait3A_2345 = arith.constant 0 : i32
        %dma_wait3A_2346 = arith.constant 0 : i32
        %dma_wait3A_2347 = tpu.memref_slice %arg4[%dma_wait3A_2341, %dma_wait3A_2345, %dma_wait3A_2346] : memref<16384x50x32xf32, #tpu.memory_space<hbm>> -> memref<1x50x32xf32, #tpu.memory_space<hbm>>
        %dma_wait3A_2348 = tpu.memref_squeeze %dma_wait3A_2347 : memref<1x50x32xf32, #tpu.memory_space<hbm>> -> memref<50x32xf32, #tpu.memory_space<hbm>>
        %dma_wait3A_2349 = arith.constant 0 : i32
        %dma_wait3A_2350 = arith.constant 0 : i32
        %dma_wait3A_2351 = tpu.memref_slice %arg4[%dma_wait3A_2341, %dma_wait3A_2349, %dma_wait3A_2350] : memref<16384x50x32xf32, #tpu.memory_space<hbm>> -> memref<1x50x32xf32, #tpu.memory_space<hbm>>
        %dma_wait3A_2352 = tpu.memref_squeeze %dma_wait3A_2351 : memref<1x50x32xf32, #tpu.memory_space<hbm>> -> memref<50x32xf32, #tpu.memory_space<hbm>>
        %dma_wait3A_2353 = arith.constant 0 : i32
        %dma_wait3A_2354 = arith.constant 0 : i32
        %dma_wait3A_2355 = tpu.memref_slice %arg6[%dma_wait3A_2353, %dma_wait3A_2354] : memref<1600x32xf32, #tpu.memory_space<vmem>> -> memref<50x32xf32, #tpu.memory_space<vmem>>
        tpu.wait_dma2 semaphore(%arg10 : memref<!tpu.dma_semaphore, #tpu.memory_space<semaphore_mem>>) src(%dma_wait3A_2355 : memref<50x32xf32, #tpu.memory_space<vmem>>) dst(%dma_wait3A_2352 : memref<50x32xf32, #tpu.memory_space<hbm>>)
        %dma_wait3A_2356 = arith.constant 0 : i32
        %dma_wait3A_2357 = arith.constant 0 : i32
        %dma_wait3A_2358 = arith.constant 0 : i32
        %dma_wait3A_2359 = tpu.memref_slice %arg6[%dma_wait3A_2357, %dma_wait3A_2358] : memref<1600x32xf32, #tpu.memory_space<vmem>> -> memref<50x32xf32, #tpu.memory_space<vmem>>
        %dma_wait3A_2360 = arith.constant 0 : i32
        %dma_wait3A_2361 = arith.constant 0 : i32
        %dma_wait3A_2362 = tpu.memref_slice %arg4[%dma_wait3A_2356, %dma_wait3A_2360, %dma_wait3A_2361] : memref<16384x50x32xf32, #tpu.memory_space<hbm>> -> memref<1x50x32xf32, #tpu.memory_space<hbm>>
        %dma_wait3A_2363 = tpu.memref_squeeze %dma_wait3A_2362 : memref<1x50x32xf32, #tpu.memory_space<hbm>> -> memref<50x32xf32, #tpu.memory_space<hbm>>
        %dma_wait3A_2364 = arith.constant 0 : i32
        %dma_wait3A_2365 = arith.constant 0 : i32
        %dma_wait3A_2366 = tpu.memref_slice %arg4[%dma_wait3A_2356, %dma_wait3A_2364, %dma_wait3A_2365] : memref<16384x50x32xf32, #tpu.memory_space<hbm>> -> memref<1x50x32xf32, #tpu.memory_space<hbm>>
        %dma_wait3A_2367 = tpu.memref_squeeze %dma_wait3A_2366 : memref<1x50x32xf32, #tpu.memory_space<hbm>> -> memref<50x32xf32, #tpu.memory_space<hbm>>
        %dma_wait3A_2368 = arith.constant 0 : i32
        %dma_wait3A_2369 = arith.constant 0 : i32
        %dma_wait3A_2370 = tpu.memref_slice %arg6[%dma_wait3A_2368, %dma_wait3A_2369] : memref<1600x32xf32, #tpu.memory_space<vmem>> -> memref<50x32xf32, #tpu.memory_space<vmem>>
        tpu.wait_dma2 semaphore(%arg10 : memref<!tpu.dma_semaphore, #tpu.memory_space<semaphore_mem>>) src(%dma_wait3A_2370 : memref<50x32xf32, #tpu.memory_space<vmem>>) dst(%dma_wait3A_2367 : memref<50x32xf32, #tpu.memory_space<hbm>>)
        %dma_wait3A_2371 = arith.constant 0 : i32
        %dma_wait3A_2372 = arith.constant 0 : i32
        %dma_wait3A_2373 = arith.constant 0 : i32
        %dma_wait3A_2374 = tpu.memref_slice %arg6[%dma_wait3A_2372, %dma_wait3A_2373] : memref<1600x32xf32, #tpu.memory_space<vmem>> -> memref<50x32xf32, #tpu.memory_space<vmem>>
        %dma_wait3A_2375 = arith.constant 0 : i32
        %dma_wait3A_2376 = arith.constant 0 : i32
        %dma_wait3A_2377 = tpu.memref_slice %arg4[%dma_wait3A_2371, %dma_wait3A_2375, %dma_wait3A_2376] : memref<16384x50x32xf32, #tpu.memory_space<hbm>> -> memref<1x50x32xf32, #tpu.memory_space<hbm>>
        %dma_wait3A_2378 = tpu.memref_squeeze %dma_wait3A_2377 : memref<1x50x32xf32, #tpu.memory_space<hbm>> -> memref<50x32xf32, #tpu.memory_space<hbm>>
        %dma_wait3A_2379 = arith.constant 0 : i32
        %dma_wait3A_2380 = arith.constant 0 : i32
        %dma_wait3A_2381 = tpu.memref_slice %arg4[%dma_wait3A_2371, %dma_wait3A_2379, %dma_wait3A_2380] : memref<16384x50x32xf32, #tpu.memory_space<hbm>> -> memref<1x50x32xf32, #tpu.memory_space<hbm>>
        %dma_wait3A_2382 = tpu.memref_squeeze %dma_wait3A_2381 : memref<1x50x32xf32, #tpu.memory_space<hbm>> -> memref<50x32xf32, #tpu.memory_space<hbm>>
        %dma_wait3A_2383 = arith.constant 0 : i32
        %dma_wait3A_2384 = arith.constant 0 : i32
        %dma_wait3A_2385 = tpu.memref_slice %arg6[%dma_wait3A_2383, %dma_wait3A_2384] : memref<1600x32xf32, #tpu.memory_space<vmem>> -> memref<50x32xf32, #tpu.memory_space<vmem>>
        tpu.wait_dma2 semaphore(%arg10 : memref<!tpu.dma_semaphore, #tpu.memory_space<semaphore_mem>>) src(%dma_wait3A_2385 : memref<50x32xf32, #tpu.memory_space<vmem>>) dst(%dma_wait3A_2382 : memref<50x32xf32, #tpu.memory_space<hbm>>)
        %dma_wait3A_2386 = arith.constant 0 : i32
        %dma_wait3A_2387 = arith.constant 0 : i32
        %dma_wait3A_2388 = arith.constant 0 : i32
        %dma_wait3A_2389 = tpu.memref_slice %arg6[%dma_wait3A_2387, %dma_wait3A_2388] : memref<1600x32xf32, #tpu.memory_space<vmem>> -> memref<50x32xf32, #tpu.memory_space<vmem>>
        %dma_wait3A_2390 = arith.constant 0 : i32
        %dma_wait3A_2391 = arith.constant 0 : i32
        %dma_wait3A_2392 = tpu.memref_slice %arg4[%dma_wait3A_2386, %dma_wait3A_2390, %dma_wait3A_2391] : memref<16384x50x32xf32, #tpu.memory_space<hbm>> -> memref<1x50x32xf32, #tpu.memory_space<hbm>>
        %dma_wait3A_2393 = tpu.memref_squeeze %dma_wait3A_2392 : memref<1x50x32xf32, #tpu.memory_space<hbm>> -> memref<50x32xf32, #tpu.memory_space<hbm>>
        %dma_wait3A_2394 = arith.constant 0 : i32
        %dma_wait3A_2395 = arith.constant 0 : i32
        %dma_wait3A_2396 = tpu.memref_slice %arg4[%dma_wait3A_2386, %dma_wait3A_2394, %dma_wait3A_2395] : memref<16384x50x32xf32, #tpu.memory_space<hbm>> -> memref<1x50x32xf32, #tpu.memory_space<hbm>>
        %dma_wait3A_2397 = tpu.memref_squeeze %dma_wait3A_2396 : memref<1x50x32xf32, #tpu.memory_space<hbm>> -> memref<50x32xf32, #tpu.memory_space<hbm>>
        %dma_wait3A_2398 = arith.constant 0 : i32
        %dma_wait3A_2399 = arith.constant 0 : i32
        %dma_wait3A_2400 = tpu.memref_slice %arg6[%dma_wait3A_2398, %dma_wait3A_2399] : memref<1600x32xf32, #tpu.memory_space<vmem>> -> memref<50x32xf32, #tpu.memory_space<vmem>>
        tpu.wait_dma2 semaphore(%arg10 : memref<!tpu.dma_semaphore, #tpu.memory_space<semaphore_mem>>) src(%dma_wait3A_2400 : memref<50x32xf32, #tpu.memory_space<vmem>>) dst(%dma_wait3A_2397 : memref<50x32xf32, #tpu.memory_space<hbm>>)
        %dma_wait3A_2401 = arith.constant 0 : i32
        %dma_wait3A_2402 = arith.constant 0 : i32
        %dma_wait3A_2403 = arith.constant 0 : i32
        %dma_wait3A_2404 = tpu.memref_slice %arg6[%dma_wait3A_2402, %dma_wait3A_2403] : memref<1600x32xf32, #tpu.memory_space<vmem>> -> memref<50x32xf32, #tpu.memory_space<vmem>>
        %dma_wait3A_2405 = arith.constant 0 : i32
        %dma_wait3A_2406 = arith.constant 0 : i32
        %dma_wait3A_2407 = tpu.memref_slice %arg4[%dma_wait3A_2401, %dma_wait3A_2405, %dma_wait3A_2406] : memref<16384x50x32xf32, #tpu.memory_space<hbm>> -> memref<1x50x32xf32, #tpu.memory_space<hbm>>
        %dma_wait3A_2408 = tpu.memref_squeeze %dma_wait3A_2407 : memref<1x50x32xf32, #tpu.memory_space<hbm>> -> memref<50x32xf32, #tpu.memory_space<hbm>>
        %dma_wait3A_2409 = arith.constant 0 : i32
        %dma_wait3A_2410 = arith.constant 0 : i32
        %dma_wait3A_2411 = tpu.memref_slice %arg4[%dma_wait3A_2401, %dma_wait3A_2409, %dma_wait3A_2410] : memref<16384x50x32xf32, #tpu.memory_space<hbm>> -> memref<1x50x32xf32, #tpu.memory_space<hbm>>
        %dma_wait3A_2412 = tpu.memref_squeeze %dma_wait3A_2411 : memref<1x50x32xf32, #tpu.memory_space<hbm>> -> memref<50x32xf32, #tpu.memory_space<hbm>>
        %dma_wait3A_2413 = arith.constant 0 : i32
        %dma_wait3A_2414 = arith.constant 0 : i32
        %dma_wait3A_2415 = tpu.memref_slice %arg6[%dma_wait3A_2413, %dma_wait3A_2414] : memref<1600x32xf32, #tpu.memory_space<vmem>> -> memref<50x32xf32, #tpu.memory_space<vmem>>
        tpu.wait_dma2 semaphore(%arg10 : memref<!tpu.dma_semaphore, #tpu.memory_space<semaphore_mem>>) src(%dma_wait3A_2415 : memref<50x32xf32, #tpu.memory_space<vmem>>) dst(%dma_wait3A_2412 : memref<50x32xf32, #tpu.memory_space<hbm>>)
        %dma_wait3A_2416 = arith.constant 0 : i32
        %dma_wait3A_2417 = arith.constant 0 : i32
        %dma_wait3A_2418 = arith.constant 0 : i32
        %dma_wait3A_2419 = tpu.memref_slice %arg6[%dma_wait3A_2417, %dma_wait3A_2418] : memref<1600x32xf32, #tpu.memory_space<vmem>> -> memref<50x32xf32, #tpu.memory_space<vmem>>
        %dma_wait3A_2420 = arith.constant 0 : i32
        %dma_wait3A_2421 = arith.constant 0 : i32
        %dma_wait3A_2422 = tpu.memref_slice %arg4[%dma_wait3A_2416, %dma_wait3A_2420, %dma_wait3A_2421] : memref<16384x50x32xf32, #tpu.memory_space<hbm>> -> memref<1x50x32xf32, #tpu.memory_space<hbm>>
        %dma_wait3A_2423 = tpu.memref_squeeze %dma_wait3A_2422 : memref<1x50x32xf32, #tpu.memory_space<hbm>> -> memref<50x32xf32, #tpu.memory_space<hbm>>
        %dma_wait3A_2424 = arith.constant 0 : i32
        %dma_wait3A_2425 = arith.constant 0 : i32
        %dma_wait3A_2426 = tpu.memref_slice %arg4[%dma_wait3A_2416, %dma_wait3A_2424, %dma_wait3A_2425] : memref<16384x50x32xf32, #tpu.memory_space<hbm>> -> memref<1x50x32xf32, #tpu.memory_space<hbm>>
        %dma_wait3A_2427 = tpu.memref_squeeze %dma_wait3A_2426 : memref<1x50x32xf32, #tpu.memory_space<hbm>> -> memref<50x32xf32, #tpu.memory_space<hbm>>
        %dma_wait3A_2428 = arith.constant 0 : i32
        %dma_wait3A_2429 = arith.constant 0 : i32
        %dma_wait3A_2430 = tpu.memref_slice %arg6[%dma_wait3A_2428, %dma_wait3A_2429] : memref<1600x32xf32, #tpu.memory_space<vmem>> -> memref<50x32xf32, #tpu.memory_space<vmem>>
        tpu.wait_dma2 semaphore(%arg10 : memref<!tpu.dma_semaphore, #tpu.memory_space<semaphore_mem>>) src(%dma_wait3A_2430 : memref<50x32xf32, #tpu.memory_space<vmem>>) dst(%dma_wait3A_2427 : memref<50x32xf32, #tpu.memory_space<hbm>>)
        %dma_wait3A_2431 = arith.constant 0 : i32
        %dma_wait3A_2432 = arith.constant 0 : i32
        %dma_wait3A_2433 = arith.constant 0 : i32
        %dma_wait3A_2434 = tpu.memref_slice %arg6[%dma_wait3A_2432, %dma_wait3A_2433] : memref<1600x32xf32, #tpu.memory_space<vmem>> -> memref<50x32xf32, #tpu.memory_space<vmem>>
        %dma_wait3A_2435 = arith.constant 0 : i32
        %dma_wait3A_2436 = arith.constant 0 : i32
        %dma_wait3A_2437 = tpu.memref_slice %arg4[%dma_wait3A_2431, %dma_wait3A_2435, %dma_wait3A_2436] : memref<16384x50x32xf32, #tpu.memory_space<hbm>> -> memref<1x50x32xf32, #tpu.memory_space<hbm>>
        %dma_wait3A_2438 = tpu.memref_squeeze %dma_wait3A_2437 : memref<1x50x32xf32, #tpu.memory_space<hbm>> -> memref<50x32xf32, #tpu.memory_space<hbm>>
        %dma_wait3A_2439 = arith.constant 0 : i32
        %dma_wait3A_2440 = arith.constant 0 : i32
        %dma_wait3A_2441 = tpu.memref_slice %arg4[%dma_wait3A_2431, %dma_wait3A_2439, %dma_wait3A_2440] : memref<16384x50x32xf32, #tpu.memory_space<hbm>> -> memref<1x50x32xf32, #tpu.memory_space<hbm>>
        %dma_wait3A_2442 = tpu.memref_squeeze %dma_wait3A_2441 : memref<1x50x32xf32, #tpu.memory_space<hbm>> -> memref<50x32xf32, #tpu.memory_space<hbm>>
        %dma_wait3A_2443 = arith.constant 0 : i32
        %dma_wait3A_2444 = arith.constant 0 : i32
        %dma_wait3A_2445 = tpu.memref_slice %arg6[%dma_wait3A_2443, %dma_wait3A_2444] : memref<1600x32xf32, #tpu.memory_space<vmem>> -> memref<50x32xf32, #tpu.memory_space<vmem>>
        tpu.wait_dma2 semaphore(%arg10 : memref<!tpu.dma_semaphore, #tpu.memory_space<semaphore_mem>>) src(%dma_wait3A_2445 : memref<50x32xf32, #tpu.memory_space<vmem>>) dst(%dma_wait3A_2442 : memref<50x32xf32, #tpu.memory_space<hbm>>)
        %dma_wait3A_2446 = arith.constant 0 : i32
        %dma_wait3A_2447 = arith.constant 0 : i32
        %dma_wait3A_2448 = arith.constant 0 : i32
        %dma_wait3A_2449 = tpu.memref_slice %arg6[%dma_wait3A_2447, %dma_wait3A_2448] : memref<1600x32xf32, #tpu.memory_space<vmem>> -> memref<50x32xf32, #tpu.memory_space<vmem>>
        %dma_wait3A_2450 = arith.constant 0 : i32
        %dma_wait3A_2451 = arith.constant 0 : i32
        %dma_wait3A_2452 = tpu.memref_slice %arg4[%dma_wait3A_2446, %dma_wait3A_2450, %dma_wait3A_2451] : memref<16384x50x32xf32, #tpu.memory_space<hbm>> -> memref<1x50x32xf32, #tpu.memory_space<hbm>>
        %dma_wait3A_2453 = tpu.memref_squeeze %dma_wait3A_2452 : memref<1x50x32xf32, #tpu.memory_space<hbm>> -> memref<50x32xf32, #tpu.memory_space<hbm>>
        %dma_wait3A_2454 = arith.constant 0 : i32
        %dma_wait3A_2455 = arith.constant 0 : i32
        %dma_wait3A_2456 = tpu.memref_slice %arg4[%dma_wait3A_2446, %dma_wait3A_2454, %dma_wait3A_2455] : memref<16384x50x32xf32, #tpu.memory_space<hbm>> -> memref<1x50x32xf32, #tpu.memory_space<hbm>>
        %dma_wait3A_2457 = tpu.memref_squeeze %dma_wait3A_2456 : memref<1x50x32xf32, #tpu.memory_space<hbm>> -> memref<50x32xf32, #tpu.memory_space<hbm>>
        %dma_wait3A_2458 = arith.constant 0 : i32
        %dma_wait3A_2459 = arith.constant 0 : i32
        %dma_wait3A_2460 = tpu.memref_slice %arg6[%dma_wait3A_2458, %dma_wait3A_2459] : memref<1600x32xf32, #tpu.memory_space<vmem>> -> memref<50x32xf32, #tpu.memory_space<vmem>>
        tpu.wait_dma2 semaphore(%arg10 : memref<!tpu.dma_semaphore, #tpu.memory_space<semaphore_mem>>) src(%dma_wait3A_2460 : memref<50x32xf32, #tpu.memory_space<vmem>>) dst(%dma_wait3A_2457 : memref<50x32xf32, #tpu.memory_space<hbm>>)
        %dma_wait3A_2461 = arith.constant 0 : i32
        %dma_wait3A_2462 = arith.constant 0 : i32
        %dma_wait3A_2463 = arith.constant 0 : i32
        %dma_wait3A_2464 = tpu.memref_slice %arg6[%dma_wait3A_2462, %dma_wait3A_2463] : memref<1600x32xf32, #tpu.memory_space<vmem>> -> memref<50x32xf32, #tpu.memory_space<vmem>>
        %dma_wait3A_2465 = arith.constant 0 : i32
        %dma_wait3A_2466 = arith.constant 0 : i32
        %dma_wait3A_2467 = tpu.memref_slice %arg4[%dma_wait3A_2461, %dma_wait3A_2465, %dma_wait3A_2466] : memref<16384x50x32xf32, #tpu.memory_space<hbm>> -> memref<1x50x32xf32, #tpu.memory_space<hbm>>
        %dma_wait3A_2468 = tpu.memref_squeeze %dma_wait3A_2467 : memref<1x50x32xf32, #tpu.memory_space<hbm>> -> memref<50x32xf32, #tpu.memory_space<hbm>>
        %dma_wait3A_2469 = arith.constant 0 : i32
        %dma_wait3A_2470 = arith.constant 0 : i32
        %dma_wait3A_2471 = tpu.memref_slice %arg4[%dma_wait3A_2461, %dma_wait3A_2469, %dma_wait3A_2470] : memref<16384x50x32xf32, #tpu.memory_space<hbm>> -> memref<1x50x32xf32, #tpu.memory_space<hbm>>
        %dma_wait3A_2472 = tpu.memref_squeeze %dma_wait3A_2471 : memref<1x50x32xf32, #tpu.memory_space<hbm>> -> memref<50x32xf32, #tpu.memory_space<hbm>>
        %dma_wait3A_2473 = arith.constant 0 : i32
        %dma_wait3A_2474 = arith.constant 0 : i32
        %dma_wait3A_2475 = tpu.memref_slice %arg6[%dma_wait3A_2473, %dma_wait3A_2474] : memref<1600x32xf32, #tpu.memory_space<vmem>> -> memref<50x32xf32, #tpu.memory_space<vmem>>
        tpu.wait_dma2 semaphore(%arg10 : memref<!tpu.dma_semaphore, #tpu.memory_space<semaphore_mem>>) src(%dma_wait3A_2475 : memref<50x32xf32, #tpu.memory_space<vmem>>) dst(%dma_wait3A_2472 : memref<50x32xf32, #tpu.memory_space<hbm>>)
        %dma_wait3A_2476 = arith.constant 0 : i32
        %dma_wait3A_2477 = arith.constant 0 : i32
        %dma_wait3A_2478 = arith.constant 0 : i32
        %dma_wait3A_2479 = tpu.memref_slice %arg6[%dma_wait3A_2477, %dma_wait3A_2478] : memref<1600x32xf32, #tpu.memory_space<vmem>> -> memref<50x32xf32, #tpu.memory_space<vmem>>
        %dma_wait3A_2480 = arith.constant 0 : i32
        %dma_wait3A_2481 = arith.constant 0 : i32
        %dma_wait3A_2482 = tpu.memref_slice %arg4[%dma_wait3A_2476, %dma_wait3A_2480, %dma_wait3A_2481] : memref<16384x50x32xf32, #tpu.memory_space<hbm>> -> memref<1x50x32xf32, #tpu.memory_space<hbm>>
        %dma_wait3A_2483 = tpu.memref_squeeze %dma_wait3A_2482 : memref<1x50x32xf32, #tpu.memory_space<hbm>> -> memref<50x32xf32, #tpu.memory_space<hbm>>
        %dma_wait3A_2484 = arith.constant 0 : i32
        %dma_wait3A_2485 = arith.constant 0 : i32
        %dma_wait3A_2486 = tpu.memref_slice %arg4[%dma_wait3A_2476, %dma_wait3A_2484, %dma_wait3A_2485] : memref<16384x50x32xf32, #tpu.memory_space<hbm>> -> memref<1x50x32xf32, #tpu.memory_space<hbm>>
        %dma_wait3A_2487 = tpu.memref_squeeze %dma_wait3A_2486 : memref<1x50x32xf32, #tpu.memory_space<hbm>> -> memref<50x32xf32, #tpu.memory_space<hbm>>
        %dma_wait3A_2488 = arith.constant 0 : i32
        %dma_wait3A_2489 = arith.constant 0 : i32
        %dma_wait3A_2490 = tpu.memref_slice %arg6[%dma_wait3A_2488, %dma_wait3A_2489] : memref<1600x32xf32, #tpu.memory_space<vmem>> -> memref<50x32xf32, #tpu.memory_space<vmem>>
        tpu.wait_dma2 semaphore(%arg10 : memref<!tpu.dma_semaphore, #tpu.memory_space<semaphore_mem>>) src(%dma_wait3A_2490 : memref<50x32xf32, #tpu.memory_space<vmem>>) dst(%dma_wait3A_2487 : memref<50x32xf32, #tpu.memory_space<hbm>>)
        %dma_wait3A_2491 = arith.constant 0 : i32
        %dma_wait3A_2492 = arith.constant 0 : i32
        %dma_wait3A_2493 = arith.constant 0 : i32
        %dma_wait3A_2494 = tpu.memref_slice %arg6[%dma_wait3A_2492, %dma_wait3A_2493] : memref<1600x32xf32, #tpu.memory_space<vmem>> -> memref<50x32xf32, #tpu.memory_space<vmem>>
        %dma_wait3A_2495 = arith.constant 0 : i32
        %dma_wait3A_2496 = arith.constant 0 : i32
        %dma_wait3A_2497 = tpu.memref_slice %arg4[%dma_wait3A_2491, %dma_wait3A_2495, %dma_wait3A_2496] : memref<16384x50x32xf32, #tpu.memory_space<hbm>> -> memref<1x50x32xf32, #tpu.memory_space<hbm>>
        %dma_wait3A_2498 = tpu.memref_squeeze %dma_wait3A_2497 : memref<1x50x32xf32, #tpu.memory_space<hbm>> -> memref<50x32xf32, #tpu.memory_space<hbm>>
        %dma_wait3A_2499 = arith.constant 0 : i32
        %dma_wait3A_2500 = arith.constant 0 : i32
        %dma_wait3A_2501 = tpu.memref_slice %arg4[%dma_wait3A_2491, %dma_wait3A_2499, %dma_wait3A_2500] : memref<16384x50x32xf32, #tpu.memory_space<hbm>> -> memref<1x50x32xf32, #tpu.memory_space<hbm>>
        %dma_wait3A_2502 = tpu.memref_squeeze %dma_wait3A_2501 : memref<1x50x32xf32, #tpu.memory_space<hbm>> -> memref<50x32xf32, #tpu.memory_space<hbm>>
        %dma_wait3A_2503 = arith.constant 0 : i32
        %dma_wait3A_2504 = arith.constant 0 : i32
        %dma_wait3A_2505 = tpu.memref_slice %arg6[%dma_wait3A_2503, %dma_wait3A_2504] : memref<1600x32xf32, #tpu.memory_space<vmem>> -> memref<50x32xf32, #tpu.memory_space<vmem>>
        tpu.wait_dma2 semaphore(%arg10 : memref<!tpu.dma_semaphore, #tpu.memory_space<semaphore_mem>>) src(%dma_wait3A_2505 : memref<50x32xf32, #tpu.memory_space<vmem>>) dst(%dma_wait3A_2502 : memref<50x32xf32, #tpu.memory_space<hbm>>)
        %dma_wait3A_2506 = arith.constant 0 : i32
        %dma_wait3A_2507 = arith.constant 0 : i32
        %dma_wait3A_2508 = arith.constant 0 : i32
        %dma_wait3A_2509 = tpu.memref_slice %arg6[%dma_wait3A_2507, %dma_wait3A_2508] : memref<1600x32xf32, #tpu.memory_space<vmem>> -> memref<50x32xf32, #tpu.memory_space<vmem>>
        %dma_wait3A_2510 = arith.constant 0 : i32
        %dma_wait3A_2511 = arith.constant 0 : i32
        %dma_wait3A_2512 = tpu.memref_slice %arg4[%dma_wait3A_2506, %dma_wait3A_2510, %dma_wait3A_2511] : memref<16384x50x32xf32, #tpu.memory_space<hbm>> -> memref<1x50x32xf32, #tpu.memory_space<hbm>>
        %dma_wait3A_2513 = tpu.memref_squeeze %dma_wait3A_2512 : memref<1x50x32xf32, #tpu.memory_space<hbm>> -> memref<50x32xf32, #tpu.memory_space<hbm>>
        %dma_wait3A_2514 = arith.constant 0 : i32
        %dma_wait3A_2515 = arith.constant 0 : i32
        %dma_wait3A_2516 = tpu.memref_slice %arg4[%dma_wait3A_2506, %dma_wait3A_2514, %dma_wait3A_2515] : memref<16384x50x32xf32, #tpu.memory_space<hbm>> -> memref<1x50x32xf32, #tpu.memory_space<hbm>>
        %dma_wait3A_2517 = tpu.memref_squeeze %dma_wait3A_2516 : memref<1x50x32xf32, #tpu.memory_space<hbm>> -> memref<50x32xf32, #tpu.memory_space<hbm>>
        %dma_wait3A_2518 = arith.constant 0 : i32
        %dma_wait3A_2519 = arith.constant 0 : i32
        %dma_wait3A_2520 = tpu.memref_slice %arg6[%dma_wait3A_2518, %dma_wait3A_2519] : memref<1600x32xf32, #tpu.memory_space<vmem>> -> memref<50x32xf32, #tpu.memory_space<vmem>>
        tpu.wait_dma2 semaphore(%arg10 : memref<!tpu.dma_semaphore, #tpu.memory_space<semaphore_mem>>) src(%dma_wait3A_2520 : memref<50x32xf32, #tpu.memory_space<vmem>>) dst(%dma_wait3A_2517 : memref<50x32xf32, #tpu.memory_space<hbm>>)
        %dma_wait3A_2521 = arith.constant 0 : i32
        %dma_wait3A_2522 = arith.constant 0 : i32
        %dma_wait3A_2523 = arith.constant 0 : i32
        %dma_wait3A_2524 = tpu.memref_slice %arg6[%dma_wait3A_2522, %dma_wait3A_2523] : memref<1600x32xf32, #tpu.memory_space<vmem>> -> memref<50x32xf32, #tpu.memory_space<vmem>>
        %dma_wait3A_2525 = arith.constant 0 : i32
        %dma_wait3A_2526 = arith.constant 0 : i32
        %dma_wait3A_2527 = tpu.memref_slice %arg4[%dma_wait3A_2521, %dma_wait3A_2525, %dma_wait3A_2526] : memref<16384x50x32xf32, #tpu.memory_space<hbm>> -> memref<1x50x32xf32, #tpu.memory_space<hbm>>
        %dma_wait3A_2528 = tpu.memref_squeeze %dma_wait3A_2527 : memref<1x50x32xf32, #tpu.memory_space<hbm>> -> memref<50x32xf32, #tpu.memory_space<hbm>>
        %dma_wait3A_2529 = arith.constant 0 : i32
        %dma_wait3A_2530 = arith.constant 0 : i32
        %dma_wait3A_2531 = tpu.memref_slice %arg4[%dma_wait3A_2521, %dma_wait3A_2529, %dma_wait3A_2530] : memref<16384x50x32xf32, #tpu.memory_space<hbm>> -> memref<1x50x32xf32, #tpu.memory_space<hbm>>
        %dma_wait3A_2532 = tpu.memref_squeeze %dma_wait3A_2531 : memref<1x50x32xf32, #tpu.memory_space<hbm>> -> memref<50x32xf32, #tpu.memory_space<hbm>>
        %dma_wait3A_2533 = arith.constant 0 : i32
        %dma_wait3A_2534 = arith.constant 0 : i32
        %dma_wait3A_2535 = tpu.memref_slice %arg6[%dma_wait3A_2533, %dma_wait3A_2534] : memref<1600x32xf32, #tpu.memory_space<vmem>> -> memref<50x32xf32, #tpu.memory_space<vmem>>
        tpu.wait_dma2 semaphore(%arg10 : memref<!tpu.dma_semaphore, #tpu.memory_space<semaphore_mem>>) src(%dma_wait3A_2535 : memref<50x32xf32, #tpu.memory_space<vmem>>) dst(%dma_wait3A_2532 : memref<50x32xf32, #tpu.memory_space<hbm>>)
        %dma_wait3A_2536 = arith.constant 0 : i32
        %dma_wait3A_2537 = arith.constant 0 : i32
        %dma_wait3A_2538 = arith.constant 0 : i32
        %dma_wait3A_2539 = tpu.memref_slice %arg6[%dma_wait3A_2537, %dma_wait3A_2538] : memref<1600x32xf32, #tpu.memory_space<vmem>> -> memref<50x32xf32, #tpu.memory_space<vmem>>
        %dma_wait3A_2540 = arith.constant 0 : i32
        %dma_wait3A_2541 = arith.constant 0 : i32
        %dma_wait3A_2542 = tpu.memref_slice %arg4[%dma_wait3A_2536, %dma_wait3A_2540, %dma_wait3A_2541] : memref<16384x50x32xf32, #tpu.memory_space<hbm>> -> memref<1x50x32xf32, #tpu.memory_space<hbm>>
        %dma_wait3A_2543 = tpu.memref_squeeze %dma_wait3A_2542 : memref<1x50x32xf32, #tpu.memory_space<hbm>> -> memref<50x32xf32, #tpu.memory_space<hbm>>
        %dma_wait3A_2544 = arith.constant 0 : i32
        %dma_wait3A_2545 = arith.constant 0 : i32
        %dma_wait3A_2546 = tpu.memref_slice %arg4[%dma_wait3A_2536, %dma_wait3A_2544, %dma_wait3A_2545] : memref<16384x50x32xf32, #tpu.memory_space<hbm>> -> memref<1x50x32xf32, #tpu.memory_space<hbm>>
        %dma_wait3A_2547 = tpu.memref_squeeze %dma_wait3A_2546 : memref<1x50x32xf32, #tpu.memory_space<hbm>> -> memref<50x32xf32, #tpu.memory_space<hbm>>
        %dma_wait3A_2548 = arith.constant 0 : i32
        %dma_wait3A_2549 = arith.constant 0 : i32
        %dma_wait3A_2550 = tpu.memref_slice %arg6[%dma_wait3A_2548, %dma_wait3A_2549] : memref<1600x32xf32, #tpu.memory_space<vmem>> -> memref<50x32xf32, #tpu.memory_space<vmem>>
        tpu.wait_dma2 semaphore(%arg10 : memref<!tpu.dma_semaphore, #tpu.memory_space<semaphore_mem>>) src(%dma_wait3A_2550 : memref<50x32xf32, #tpu.memory_space<vmem>>) dst(%dma_wait3A_2547 : memref<50x32xf32, #tpu.memory_space<hbm>>)
        %dma_wait3A_2551 = arith.constant 0 : i32
        %dma_wait3A_2552 = arith.constant 0 : i32
        %dma_wait3A_2553 = arith.constant 0 : i32
        %dma_wait3A_2554 = tpu.memref_slice %arg6[%dma_wait3A_2552, %dma_wait3A_2553] : memref<1600x32xf32, #tpu.memory_space<vmem>> -> memref<50x32xf32, #tpu.memory_space<vmem>>
        %dma_wait3A_2555 = arith.constant 0 : i32
        %dma_wait3A_2556 = arith.constant 0 : i32
        %dma_wait3A_2557 = tpu.memref_slice %arg4[%dma_wait3A_2551, %dma_wait3A_2555, %dma_wait3A_2556] : memref<16384x50x32xf32, #tpu.memory_space<hbm>> -> memref<1x50x32xf32, #tpu.memory_space<hbm>>
        %dma_wait3A_2558 = tpu.memref_squeeze %dma_wait3A_2557 : memref<1x50x32xf32, #tpu.memory_space<hbm>> -> memref<50x32xf32, #tpu.memory_space<hbm>>
        %dma_wait3A_2559 = arith.constant 0 : i32
        %dma_wait3A_2560 = arith.constant 0 : i32
        %dma_wait3A_2561 = tpu.memref_slice %arg4[%dma_wait3A_2551, %dma_wait3A_2559, %dma_wait3A_2560] : memref<16384x50x32xf32, #tpu.memory_space<hbm>> -> memref<1x50x32xf32, #tpu.memory_space<hbm>>
        %dma_wait3A_2562 = tpu.memref_squeeze %dma_wait3A_2561 : memref<1x50x32xf32, #tpu.memory_space<hbm>> -> memref<50x32xf32, #tpu.memory_space<hbm>>
        %dma_wait3A_2563 = arith.constant 0 : i32
        %dma_wait3A_2564 = arith.constant 0 : i32
        %dma_wait3A_2565 = tpu.memref_slice %arg6[%dma_wait3A_2563, %dma_wait3A_2564] : memref<1600x32xf32, #tpu.memory_space<vmem>> -> memref<50x32xf32, #tpu.memory_space<vmem>>
        tpu.wait_dma2 semaphore(%arg10 : memref<!tpu.dma_semaphore, #tpu.memory_space<semaphore_mem>>) src(%dma_wait3A_2565 : memref<50x32xf32, #tpu.memory_space<vmem>>) dst(%dma_wait3A_2562 : memref<50x32xf32, #tpu.memory_space<hbm>>)
        %dma_wait3A_2566 = arith.constant 0 : i32
        %dma_wait3A_2567 = arith.constant 0 : i32
        %dma_wait3A_2568 = arith.constant 0 : i32
        %dma_wait3A_2569 = tpu.memref_slice %arg6[%dma_wait3A_2567, %dma_wait3A_2568] : memref<1600x32xf32, #tpu.memory_space<vmem>> -> memref<50x32xf32, #tpu.memory_space<vmem>>
        %dma_wait3A_2570 = arith.constant 0 : i32
        %dma_wait3A_2571 = arith.constant 0 : i32
        %dma_wait3A_2572 = tpu.memref_slice %arg4[%dma_wait3A_2566, %dma_wait3A_2570, %dma_wait3A_2571] : memref<16384x50x32xf32, #tpu.memory_space<hbm>> -> memref<1x50x32xf32, #tpu.memory_space<hbm>>
        %dma_wait3A_2573 = tpu.memref_squeeze %dma_wait3A_2572 : memref<1x50x32xf32, #tpu.memory_space<hbm>> -> memref<50x32xf32, #tpu.memory_space<hbm>>
        %dma_wait3A_2574 = arith.constant 0 : i32
        %dma_wait3A_2575 = arith.constant 0 : i32
        %dma_wait3A_2576 = tpu.memref_slice %arg4[%dma_wait3A_2566, %dma_wait3A_2574, %dma_wait3A_2575] : memref<16384x50x32xf32, #tpu.memory_space<hbm>> -> memref<1x50x32xf32, #tpu.memory_space<hbm>>
        %dma_wait3A_2577 = tpu.memref_squeeze %dma_wait3A_2576 : memref<1x50x32xf32, #tpu.memory_space<hbm>> -> memref<50x32xf32, #tpu.memory_space<hbm>>
        %dma_wait3A_2578 = arith.constant 0 : i32
        %dma_wait3A_2579 = arith.constant 0 : i32
        %dma_wait3A_2580 = tpu.memref_slice %arg6[%dma_wait3A_2578, %dma_wait3A_2579] : memref<1600x32xf32, #tpu.memory_space<vmem>> -> memref<50x32xf32, #tpu.memory_space<vmem>>
        tpu.wait_dma2 semaphore(%arg10 : memref<!tpu.dma_semaphore, #tpu.memory_space<semaphore_mem>>) src(%dma_wait3A_2580 : memref<50x32xf32, #tpu.memory_space<vmem>>) dst(%dma_wait3A_2577 : memref<50x32xf32, #tpu.memory_space<hbm>>)
        %dma_wait3A_2581 = arith.constant 0 : i32
        %dma_wait3A_2582 = arith.constant 0 : i32
        %dma_wait3A_2583 = arith.constant 0 : i32
        %dma_wait3A_2584 = tpu.memref_slice %arg6[%dma_wait3A_2582, %dma_wait3A_2583] : memref<1600x32xf32, #tpu.memory_space<vmem>> -> memref<50x32xf32, #tpu.memory_space<vmem>>
        %dma_wait3A_2585 = arith.constant 0 : i32
        %dma_wait3A_2586 = arith.constant 0 : i32
        %dma_wait3A_2587 = tpu.memref_slice %arg4[%dma_wait3A_2581, %dma_wait3A_2585, %dma_wait3A_2586] : memref<16384x50x32xf32, #tpu.memory_space<hbm>> -> memref<1x50x32xf32, #tpu.memory_space<hbm>>
        %dma_wait3A_2588 = tpu.memref_squeeze %dma_wait3A_2587 : memref<1x50x32xf32, #tpu.memory_space<hbm>> -> memref<50x32xf32, #tpu.memory_space<hbm>>
        %dma_wait3A_2589 = arith.constant 0 : i32
        %dma_wait3A_2590 = arith.constant 0 : i32
        %dma_wait3A_2591 = tpu.memref_slice %arg4[%dma_wait3A_2581, %dma_wait3A_2589, %dma_wait3A_2590] : memref<16384x50x32xf32, #tpu.memory_space<hbm>> -> memref<1x50x32xf32, #tpu.memory_space<hbm>>
        %dma_wait3A_2592 = tpu.memref_squeeze %dma_wait3A_2591 : memref<1x50x32xf32, #tpu.memory_space<hbm>> -> memref<50x32xf32, #tpu.memory_space<hbm>>
        %dma_wait3A_2593 = arith.constant 0 : i32
        %dma_wait3A_2594 = arith.constant 0 : i32
        %dma_wait3A_2595 = tpu.memref_slice %arg6[%dma_wait3A_2593, %dma_wait3A_2594] : memref<1600x32xf32, #tpu.memory_space<vmem>> -> memref<50x32xf32, #tpu.memory_space<vmem>>
        tpu.wait_dma2 semaphore(%arg10 : memref<!tpu.dma_semaphore, #tpu.memory_space<semaphore_mem>>) src(%dma_wait3A_2595 : memref<50x32xf32, #tpu.memory_space<vmem>>) dst(%dma_wait3A_2592 : memref<50x32xf32, #tpu.memory_space<hbm>>)
        %dma_wait3A_2596 = arith.constant 0 : i32
        %dma_wait3A_2597 = arith.constant 0 : i32
        %dma_wait3A_2598 = arith.constant 0 : i32
        %dma_wait3A_2599 = tpu.memref_slice %arg6[%dma_wait3A_2597, %dma_wait3A_2598] : memref<1600x32xf32, #tpu.memory_space<vmem>> -> memref<50x32xf32, #tpu.memory_space<vmem>>
        %dma_wait3A_2600 = arith.constant 0 : i32
        %dma_wait3A_2601 = arith.constant 0 : i32
        %dma_wait3A_2602 = tpu.memref_slice %arg4[%dma_wait3A_2596, %dma_wait3A_2600, %dma_wait3A_2601] : memref<16384x50x32xf32, #tpu.memory_space<hbm>> -> memref<1x50x32xf32, #tpu.memory_space<hbm>>
        %dma_wait3A_2603 = tpu.memref_squeeze %dma_wait3A_2602 : memref<1x50x32xf32, #tpu.memory_space<hbm>> -> memref<50x32xf32, #tpu.memory_space<hbm>>
        %dma_wait3A_2604 = arith.constant 0 : i32
        %dma_wait3A_2605 = arith.constant 0 : i32
        %dma_wait3A_2606 = tpu.memref_slice %arg4[%dma_wait3A_2596, %dma_wait3A_2604, %dma_wait3A_2605] : memref<16384x50x32xf32, #tpu.memory_space<hbm>> -> memref<1x50x32xf32, #tpu.memory_space<hbm>>
        %dma_wait3A_2607 = tpu.memref_squeeze %dma_wait3A_2606 : memref<1x50x32xf32, #tpu.memory_space<hbm>> -> memref<50x32xf32, #tpu.memory_space<hbm>>
        %dma_wait3A_2608 = arith.constant 0 : i32
        %dma_wait3A_2609 = arith.constant 0 : i32
        %dma_wait3A_2610 = tpu.memref_slice %arg6[%dma_wait3A_2608, %dma_wait3A_2609] : memref<1600x32xf32, #tpu.memory_space<vmem>> -> memref<50x32xf32, #tpu.memory_space<vmem>>
        tpu.wait_dma2 semaphore(%arg10 : memref<!tpu.dma_semaphore, #tpu.memory_space<semaphore_mem>>) src(%dma_wait3A_2610 : memref<50x32xf32, #tpu.memory_space<vmem>>) dst(%dma_wait3A_2607 : memref<50x32xf32, #tpu.memory_space<hbm>>)
        %dma_wait3A_2611 = arith.constant 0 : i32
        %dma_wait3A_2612 = arith.constant 0 : i32
        %dma_wait3A_2613 = arith.constant 0 : i32
        %dma_wait3A_2614 = tpu.memref_slice %arg6[%dma_wait3A_2612, %dma_wait3A_2613] : memref<1600x32xf32, #tpu.memory_space<vmem>> -> memref<50x32xf32, #tpu.memory_space<vmem>>
        %dma_wait3A_2615 = arith.constant 0 : i32
        %dma_wait3A_2616 = arith.constant 0 : i32
        %dma_wait3A_2617 = tpu.memref_slice %arg4[%dma_wait3A_2611, %dma_wait3A_2615, %dma_wait3A_2616] : memref<16384x50x32xf32, #tpu.memory_space<hbm>> -> memref<1x50x32xf32, #tpu.memory_space<hbm>>
        %dma_wait3A_2618 = tpu.memref_squeeze %dma_wait3A_2617 : memref<1x50x32xf32, #tpu.memory_space<hbm>> -> memref<50x32xf32, #tpu.memory_space<hbm>>
        %dma_wait3A_2619 = arith.constant 0 : i32
        %dma_wait3A_2620 = arith.constant 0 : i32
        %dma_wait3A_2621 = tpu.memref_slice %arg4[%dma_wait3A_2611, %dma_wait3A_2619, %dma_wait3A_2620] : memref<16384x50x32xf32, #tpu.memory_space<hbm>> -> memref<1x50x32xf32, #tpu.memory_space<hbm>>
        %dma_wait3A_2622 = tpu.memref_squeeze %dma_wait3A_2621 : memref<1x50x32xf32, #tpu.memory_space<hbm>> -> memref<50x32xf32, #tpu.memory_space<hbm>>
        %dma_wait3A_2623 = arith.constant 0 : i32
        %dma_wait3A_2624 = arith.constant 0 : i32
        %dma_wait3A_2625 = tpu.memref_slice %arg6[%dma_wait3A_2623, %dma_wait3A_2624] : memref<1600x32xf32, #tpu.memory_space<vmem>> -> memref<50x32xf32, #tpu.memory_space<vmem>>
        tpu.wait_dma2 semaphore(%arg10 : memref<!tpu.dma_semaphore, #tpu.memory_space<semaphore_mem>>) src(%dma_wait3A_2625 : memref<50x32xf32, #tpu.memory_space<vmem>>) dst(%dma_wait3A_2622 : memref<50x32xf32, #tpu.memory_space<hbm>>)
        %dma_wait3A_2626 = arith.constant 0 : i32
        %dma_wait3A_2627 = arith.constant 0 : i32
        %dma_wait3A_2628 = arith.constant 0 : i32
        %dma_wait3A_2629 = tpu.memref_slice %arg6[%dma_wait3A_2627, %dma_wait3A_2628] : memref<1600x32xf32, #tpu.memory_space<vmem>> -> memref<50x32xf32, #tpu.memory_space<vmem>>
        %dma_wait3A_2630 = arith.constant 0 : i32
        %dma_wait3A_2631 = arith.constant 0 : i32
        %dma_wait3A_2632 = tpu.memref_slice %arg4[%dma_wait3A_2626, %dma_wait3A_2630, %dma_wait3A_2631] : memref<16384x50x32xf32, #tpu.memory_space<hbm>> -> memref<1x50x32xf32, #tpu.memory_space<hbm>>
        %dma_wait3A_2633 = tpu.memref_squeeze %dma_wait3A_2632 : memref<1x50x32xf32, #tpu.memory_space<hbm>> -> memref<50x32xf32, #tpu.memory_space<hbm>>
        %dma_wait3A_2634 = arith.constant 0 : i32
        %dma_wait3A_2635 = arith.constant 0 : i32
        %dma_wait3A_2636 = tpu.memref_slice %arg4[%dma_wait3A_2626, %dma_wait3A_2634, %dma_wait3A_2635] : memref<16384x50x32xf32, #tpu.memory_space<hbm>> -> memref<1x50x32xf32, #tpu.memory_space<hbm>>
        %dma_wait3A_2637 = tpu.memref_squeeze %dma_wait3A_2636 : memref<1x50x32xf32, #tpu.memory_space<hbm>> -> memref<50x32xf32, #tpu.memory_space<hbm>>
        %dma_wait3A_2638 = arith.constant 0 : i32
        %dma_wait3A_2639 = arith.constant 0 : i32
        %dma_wait3A_2640 = tpu.memref_slice %arg6[%dma_wait3A_2638, %dma_wait3A_2639] : memref<1600x32xf32, #tpu.memory_space<vmem>> -> memref<50x32xf32, #tpu.memory_space<vmem>>
        tpu.wait_dma2 semaphore(%arg10 : memref<!tpu.dma_semaphore, #tpu.memory_space<semaphore_mem>>) src(%dma_wait3A_2640 : memref<50x32xf32, #tpu.memory_space<vmem>>) dst(%dma_wait3A_2637 : memref<50x32xf32, #tpu.memory_space<hbm>>)
        %dma_wait3A_2641 = arith.constant 0 : i32
        %dma_wait3A_2642 = arith.constant 0 : i32
        %dma_wait3A_2643 = arith.constant 0 : i32
        %dma_wait3A_2644 = tpu.memref_slice %arg6[%dma_wait3A_2642, %dma_wait3A_2643] : memref<1600x32xf32, #tpu.memory_space<vmem>> -> memref<50x32xf32, #tpu.memory_space<vmem>>
        %dma_wait3A_2645 = arith.constant 0 : i32
        %dma_wait3A_2646 = arith.constant 0 : i32
        %dma_wait3A_2647 = tpu.memref_slice %arg4[%dma_wait3A_2641, %dma_wait3A_2645, %dma_wait3A_2646] : memref<16384x50x32xf32, #tpu.memory_space<hbm>> -> memref<1x50x32xf32, #tpu.memory_space<hbm>>
        %dma_wait3A_2648 = tpu.memref_squeeze %dma_wait3A_2647 : memref<1x50x32xf32, #tpu.memory_space<hbm>> -> memref<50x32xf32, #tpu.memory_space<hbm>>
        %dma_wait3A_2649 = arith.constant 0 : i32
        %dma_wait3A_2650 = arith.constant 0 : i32
        %dma_wait3A_2651 = tpu.memref_slice %arg4[%dma_wait3A_2641, %dma_wait3A_2649, %dma_wait3A_2650] : memref<16384x50x32xf32, #tpu.memory_space<hbm>> -> memref<1x50x32xf32, #tpu.memory_space<hbm>>
        %dma_wait3A_2652 = tpu.memref_squeeze %dma_wait3A_2651 : memref<1x50x32xf32, #tpu.memory_space<hbm>> -> memref<50x32xf32, #tpu.memory_space<hbm>>
        %dma_wait3A_2653 = arith.constant 0 : i32
        %dma_wait3A_2654 = arith.constant 0 : i32
        %dma_wait3A_2655 = tpu.memref_slice %arg6[%dma_wait3A_2653, %dma_wait3A_2654] : memref<1600x32xf32, #tpu.memory_space<vmem>> -> memref<50x32xf32, #tpu.memory_space<vmem>>
        tpu.wait_dma2 semaphore(%arg10 : memref<!tpu.dma_semaphore, #tpu.memory_space<semaphore_mem>>) src(%dma_wait3A_2655 : memref<50x32xf32, #tpu.memory_space<vmem>>) dst(%dma_wait3A_2652 : memref<50x32xf32, #tpu.memory_space<hbm>>)
        %dma_wait3A_2656 = arith.constant 0 : i32
        %dma_wait3A_2657 = arith.constant 0 : i32
        %dma_wait3A_2658 = arith.constant 0 : i32
        %dma_wait3A_2659 = tpu.memref_slice %arg6[%dma_wait3A_2657, %dma_wait3A_2658] : memref<1600x32xf32, #tpu.memory_space<vmem>> -> memref<50x32xf32, #tpu.memory_space<vmem>>
        %dma_wait3A_2660 = arith.constant 0 : i32
        %dma_wait3A_2661 = arith.constant 0 : i32
        %dma_wait3A_2662 = tpu.memref_slice %arg4[%dma_wait3A_2656, %dma_wait3A_2660, %dma_wait3A_2661] : memref<16384x50x32xf32, #tpu.memory_space<hbm>> -> memref<1x50x32xf32, #tpu.memory_space<hbm>>
        %dma_wait3A_2663 = tpu.memref_squeeze %dma_wait3A_2662 : memref<1x50x32xf32, #tpu.memory_space<hbm>> -> memref<50x32xf32, #tpu.memory_space<hbm>>
        %dma_wait3A_2664 = arith.constant 0 : i32
        %dma_wait3A_2665 = arith.constant 0 : i32
        %dma_wait3A_2666 = tpu.memref_slice %arg4[%dma_wait3A_2656, %dma_wait3A_2664, %dma_wait3A_2665] : memref<16384x50x32xf32, #tpu.memory_space<hbm>> -> memref<1x50x32xf32, #tpu.memory_space<hbm>>
        %dma_wait3A_2667 = tpu.memref_squeeze %dma_wait3A_2666 : memref<1x50x32xf32, #tpu.memory_space<hbm>> -> memref<50x32xf32, #tpu.memory_space<hbm>>
        %dma_wait3A_2668 = arith.constant 0 : i32
        %dma_wait3A_2669 = arith.constant 0 : i32
        %dma_wait3A_2670 = tpu.memref_slice %arg6[%dma_wait3A_2668, %dma_wait3A_2669] : memref<1600x32xf32, #tpu.memory_space<vmem>> -> memref<50x32xf32, #tpu.memory_space<vmem>>
        tpu.wait_dma2 semaphore(%arg10 : memref<!tpu.dma_semaphore, #tpu.memory_space<semaphore_mem>>) src(%dma_wait3A_2670 : memref<50x32xf32, #tpu.memory_space<vmem>>) dst(%dma_wait3A_2667 : memref<50x32xf32, #tpu.memory_space<hbm>>)
        %dma_wait3A_2671 = arith.constant 0 : i32
        %dma_wait3A_2672 = arith.constant 0 : i32
        %dma_wait3A_2673 = arith.constant 0 : i32
        %dma_wait3A_2674 = tpu.memref_slice %arg6[%dma_wait3A_2672, %dma_wait3A_2673] : memref<1600x32xf32, #tpu.memory_space<vmem>> -> memref<50x32xf32, #tpu.memory_space<vmem>>
        %dma_wait3A_2675 = arith.constant 0 : i32
        %dma_wait3A_2676 = arith.constant 0 : i32
        %dma_wait3A_2677 = tpu.memref_slice %arg4[%dma_wait3A_2671, %dma_wait3A_2675, %dma_wait3A_2676] : memref<16384x50x32xf32, #tpu.memory_space<hbm>> -> memref<1x50x32xf32, #tpu.memory_space<hbm>>
        %dma_wait3A_2678 = tpu.memref_squeeze %dma_wait3A_2677 : memref<1x50x32xf32, #tpu.memory_space<hbm>> -> memref<50x32xf32, #tpu.memory_space<hbm>>
        %dma_wait3A_2679 = arith.constant 0 : i32
        %dma_wait3A_2680 = arith.constant 0 : i32
        %dma_wait3A_2681 = tpu.memref_slice %arg4[%dma_wait3A_2671, %dma_wait3A_2679, %dma_wait3A_2680] : memref<16384x50x32xf32, #tpu.memory_space<hbm>> -> memref<1x50x32xf32, #tpu.memory_space<hbm>>
        %dma_wait3A_2682 = tpu.memref_squeeze %dma_wait3A_2681 : memref<1x50x32xf32, #tpu.memory_space<hbm>> -> memref<50x32xf32, #tpu.memory_space<hbm>>
        %dma_wait3A_2683 = arith.constant 0 : i32
        %dma_wait3A_2684 = arith.constant 0 : i32
        %dma_wait3A_2685 = tpu.memref_slice %arg6[%dma_wait3A_2683, %dma_wait3A_2684] : memref<1600x32xf32, #tpu.memory_space<vmem>> -> memref<50x32xf32, #tpu.memory_space<vmem>>
        tpu.wait_dma2 semaphore(%arg10 : memref<!tpu.dma_semaphore, #tpu.memory_space<semaphore_mem>>) src(%dma_wait3A_2685 : memref<50x32xf32, #tpu.memory_space<vmem>>) dst(%dma_wait3A_2682 : memref<50x32xf32, #tpu.memory_space<hbm>>)
        %dma_wait3A_2686 = arith.constant 0 : i32
        %dma_wait3A_2687 = arith.constant 0 : i32
        %dma_wait3A_2688 = arith.constant 0 : i32
        %dma_wait3A_2689 = tpu.memref_slice %arg6[%dma_wait3A_2687, %dma_wait3A_2688] : memref<1600x32xf32, #tpu.memory_space<vmem>> -> memref<50x32xf32, #tpu.memory_space<vmem>>
        %dma_wait3A_2690 = arith.constant 0 : i32
        %dma_wait3A_2691 = arith.constant 0 : i32
        %dma_wait3A_2692 = tpu.memref_slice %arg4[%dma_wait3A_2686, %dma_wait3A_2690, %dma_wait3A_2691] : memref<16384x50x32xf32, #tpu.memory_space<hbm>> -> memref<1x50x32xf32, #tpu.memory_space<hbm>>
        %dma_wait3A_2693 = tpu.memref_squeeze %dma_wait3A_2692 : memref<1x50x32xf32, #tpu.memory_space<hbm>> -> memref<50x32xf32, #tpu.memory_space<hbm>>
        %dma_wait3A_2694 = arith.constant 0 : i32
        %dma_wait3A_2695 = arith.constant 0 : i32
        %dma_wait3A_2696 = tpu.memref_slice %arg4[%dma_wait3A_2686, %dma_wait3A_2694, %dma_wait3A_2695] : memref<16384x50x32xf32, #tpu.memory_space<hbm>> -> memref<1x50x32xf32, #tpu.memory_space<hbm>>
        %dma_wait3A_2697 = tpu.memref_squeeze %dma_wait3A_2696 : memref<1x50x32xf32, #tpu.memory_space<hbm>> -> memref<50x32xf32, #tpu.memory_space<hbm>>
        %dma_wait3A_2698 = arith.constant 0 : i32
        %dma_wait3A_2699 = arith.constant 0 : i32
        %dma_wait3A_2700 = tpu.memref_slice %arg6[%dma_wait3A_2698, %dma_wait3A_2699] : memref<1600x32xf32, #tpu.memory_space<vmem>> -> memref<50x32xf32, #tpu.memory_space<vmem>>
        tpu.wait_dma2 semaphore(%arg10 : memref<!tpu.dma_semaphore, #tpu.memory_space<semaphore_mem>>) src(%dma_wait3A_2700 : memref<50x32xf32, #tpu.memory_space<vmem>>) dst(%dma_wait3A_2697 : memref<50x32xf32, #tpu.memory_space<hbm>>)
        %add3A_2701 = arith.constant 1 : i32
        %add3A_2702 = arith.addi %scan3A_980, %add3A_2701 : i32
        %mul3A_2703 = arith.constant 2 : i32
        %mul3A_2704 = arith.muli %add3A_2702, %mul3A_2703 : i32
        %add3A_2705 = arith.constant 0 : i32
        %add3A_2706 = arith.addi %mul3A_2704, %add3A_2705 : i32
        %mul3A_2707 = arith.constant 1600 : i32
        %mul3A_2708 = arith.muli %add3A_2706, %mul3A_2707 : i32
        %dma_start3A_2709 = tpu.memref_slice %arg5[%mul3A_2708] : memref<25600xi32, #tpu.memory_space<vmem>> -> memref<1600xi32, #tpu.memory_space<vmem>>
        %dma_start3A_2710 = arith.constant 0 : i32
        %dma_start3A_2711 = arith.constant 0 : i32
        %dma_start3A_2712 = tpu.memref_slice %arg3[%dma_start3A_2710, %dma_start3A_2711] : memref<1000000x32xf32, #tpu.memory_space<hbm>> -> memref<1000000x32xf32, #tpu.memory_space<hbm>>
        tpu.enqueue_indirect_dma source(%dma_start3A_2712 : memref<1000000x32xf32, #tpu.memory_space<hbm>>) target(%arg6 : memref<1600x32xf32, #tpu.memory_space<vmem>>) offsets(%dma_start3A_2709 : memref<1600xi32, #tpu.memory_space<vmem>>) semaphore(%arg8 : memref<!tpu.dma_semaphore, #tpu.memory_space<semaphore_mem>>)
        %dma_wait3A_2713 = arith.constant 0 : i32
        %dma_wait3A_2714 = arith.constant 0 : i32
        %dma_wait3A_2715 = arith.constant 0 : i32
        %dma_wait3A_2716 = tpu.memref_slice %arg7[%dma_wait3A_2714, %dma_wait3A_2715] : memref<1600x32xf32, #tpu.memory_space<vmem>> -> memref<50x32xf32, #tpu.memory_space<vmem>>
        %dma_wait3A_2717 = arith.constant 0 : i32
        %dma_wait3A_2718 = arith.constant 0 : i32
        %dma_wait3A_2719 = tpu.memref_slice %arg4[%dma_wait3A_2713, %dma_wait3A_2717, %dma_wait3A_2718] : memref<16384x50x32xf32, #tpu.memory_space<hbm>> -> memref<1x50x32xf32, #tpu.memory_space<hbm>>
        %dma_wait3A_2720 = tpu.memref_squeeze %dma_wait3A_2719 : memref<1x50x32xf32, #tpu.memory_space<hbm>> -> memref<50x32xf32, #tpu.memory_space<hbm>>
        %dma_wait3A_2721 = arith.constant 0 : i32
        %dma_wait3A_2722 = arith.constant 0 : i32
        %dma_wait3A_2723 = tpu.memref_slice %arg4[%dma_wait3A_2713, %dma_wait3A_2721, %dma_wait3A_2722] : memref<16384x50x32xf32, #tpu.memory_space<hbm>> -> memref<1x50x32xf32, #tpu.memory_space<hbm>>
        %dma_wait3A_2724 = tpu.memref_squeeze %dma_wait3A_2723 : memref<1x50x32xf32, #tpu.memory_space<hbm>> -> memref<50x32xf32, #tpu.memory_space<hbm>>
        %dma_wait3A_2725 = arith.constant 0 : i32
        %dma_wait3A_2726 = arith.constant 0 : i32
        %dma_wait3A_2727 = tpu.memref_slice %arg7[%dma_wait3A_2725, %dma_wait3A_2726] : memref<1600x32xf32, #tpu.memory_space<vmem>> -> memref<50x32xf32, #tpu.memory_space<vmem>>
        tpu.wait_dma2 semaphore(%arg11 : memref<!tpu.dma_semaphore, #tpu.memory_space<semaphore_mem>>) src(%dma_wait3A_2727 : memref<50x32xf32, #tpu.memory_space<vmem>>) dst(%dma_wait3A_2724 : memref<50x32xf32, #tpu.memory_space<hbm>>)
        %dma_wait3A_2728 = arith.constant 0 : i32
        %dma_wait3A_2729 = arith.constant 0 : i32
        %dma_wait3A_2730 = arith.constant 0 : i32
        %dma_wait3A_2731 = tpu.memref_slice %arg7[%dma_wait3A_2729, %dma_wait3A_2730] : memref<1600x32xf32, #tpu.memory_space<vmem>> -> memref<50x32xf32, #tpu.memory_space<vmem>>
        %dma_wait3A_2732 = arith.constant 0 : i32
        %dma_wait3A_2733 = arith.constant 0 : i32
        %dma_wait3A_2734 = tpu.memref_slice %arg4[%dma_wait3A_2728, %dma_wait3A_2732, %dma_wait3A_2733] : memref<16384x50x32xf32, #tpu.memory_space<hbm>> -> memref<1x50x32xf32, #tpu.memory_space<hbm>>
        %dma_wait3A_2735 = tpu.memref_squeeze %dma_wait3A_2734 : memref<1x50x32xf32, #tpu.memory_space<hbm>> -> memref<50x32xf32, #tpu.memory_space<hbm>>
        %dma_wait3A_2736 = arith.constant 0 : i32
        %dma_wait3A_2737 = arith.constant 0 : i32
        %dma_wait3A_2738 = tpu.memref_slice %arg4[%dma_wait3A_2728, %dma_wait3A_2736, %dma_wait3A_2737] : memref<16384x50x32xf32, #tpu.memory_space<hbm>> -> memref<1x50x32xf32, #tpu.memory_space<hbm>>
        %dma_wait3A_2739 = tpu.memref_squeeze %dma_wait3A_2738 : memref<1x50x32xf32, #tpu.memory_space<hbm>> -> memref<50x32xf32, #tpu.memory_space<hbm>>
        %dma_wait3A_2740 = arith.constant 0 : i32
        %dma_wait3A_2741 = arith.constant 0 : i32
        %dma_wait3A_2742 = tpu.memref_slice %arg7[%dma_wait3A_2740, %dma_wait3A_2741] : memref<1600x32xf32, #tpu.memory_space<vmem>> -> memref<50x32xf32, #tpu.memory_space<vmem>>
        tpu.wait_dma2 semaphore(%arg11 : memref<!tpu.dma_semaphore, #tpu.memory_space<semaphore_mem>>) src(%dma_wait3A_2742 : memref<50x32xf32, #tpu.memory_space<vmem>>) dst(%dma_wait3A_2739 : memref<50x32xf32, #tpu.memory_space<hbm>>)
        %dma_wait3A_2743 = arith.constant 0 : i32
        %dma_wait3A_2744 = arith.constant 0 : i32
        %dma_wait3A_2745 = arith.constant 0 : i32
        %dma_wait3A_2746 = tpu.memref_slice %arg7[%dma_wait3A_2744, %dma_wait3A_2745] : memref<1600x32xf32, #tpu.memory_space<vmem>> -> memref<50x32xf32, #tpu.memory_space<vmem>>
        %dma_wait3A_2747 = arith.constant 0 : i32
        %dma_wait3A_2748 = arith.constant 0 : i32
        %dma_wait3A_2749 = tpu.memref_slice %arg4[%dma_wait3A_2743, %dma_wait3A_2747, %dma_wait3A_2748] : memref<16384x50x32xf32, #tpu.memory_space<hbm>> -> memref<1x50x32xf32, #tpu.memory_space<hbm>>
        %dma_wait3A_2750 = tpu.memref_squeeze %dma_wait3A_2749 : memref<1x50x32xf32, #tpu.memory_space<hbm>> -> memref<50x32xf32, #tpu.memory_space<hbm>>
        %dma_wait3A_2751 = arith.constant 0 : i32
        %dma_wait3A_2752 = arith.constant 0 : i32
        %dma_wait3A_2753 = tpu.memref_slice %arg4[%dma_wait3A_2743, %dma_wait3A_2751, %dma_wait3A_2752] : memref<16384x50x32xf32, #tpu.memory_space<hbm>> -> memref<1x50x32xf32, #tpu.memory_space<hbm>>
        %dma_wait3A_2754 = tpu.memref_squeeze %dma_wait3A_2753 : memref<1x50x32xf32, #tpu.memory_space<hbm>> -> memref<50x32xf32, #tpu.memory_space<hbm>>
        %dma_wait3A_2755 = arith.constant 0 : i32
        %dma_wait3A_2756 = arith.constant 0 : i32
        %dma_wait3A_2757 = tpu.memref_slice %arg7[%dma_wait3A_2755, %dma_wait3A_2756] : memref<1600x32xf32, #tpu.memory_space<vmem>> -> memref<50x32xf32, #tpu.memory_space<vmem>>
        tpu.wait_dma2 semaphore(%arg11 : memref<!tpu.dma_semaphore, #tpu.memory_space<semaphore_mem>>) src(%dma_wait3A_2757 : memref<50x32xf32, #tpu.memory_space<vmem>>) dst(%dma_wait3A_2754 : memref<50x32xf32, #tpu.memory_space<hbm>>)
        %dma_wait3A_2758 = arith.constant 0 : i32
        %dma_wait3A_2759 = arith.constant 0 : i32
        %dma_wait3A_2760 = arith.constant 0 : i32
        %dma_wait3A_2761 = tpu.memref_slice %arg7[%dma_wait3A_2759, %dma_wait3A_2760] : memref<1600x32xf32, #tpu.memory_space<vmem>> -> memref<50x32xf32, #tpu.memory_space<vmem>>
        %dma_wait3A_2762 = arith.constant 0 : i32
        %dma_wait3A_2763 = arith.constant 0 : i32
        %dma_wait3A_2764 = tpu.memref_slice %arg4[%dma_wait3A_2758, %dma_wait3A_2762, %dma_wait3A_2763] : memref<16384x50x32xf32, #tpu.memory_space<hbm>> -> memref<1x50x32xf32, #tpu.memory_space<hbm>>
        %dma_wait3A_2765 = tpu.memref_squeeze %dma_wait3A_2764 : memref<1x50x32xf32, #tpu.memory_space<hbm>> -> memref<50x32xf32, #tpu.memory_space<hbm>>
        %dma_wait3A_2766 = arith.constant 0 : i32
        %dma_wait3A_2767 = arith.constant 0 : i32
        %dma_wait3A_2768 = tpu.memref_slice %arg4[%dma_wait3A_2758, %dma_wait3A_2766, %dma_wait3A_2767] : memref<16384x50x32xf32, #tpu.memory_space<hbm>> -> memref<1x50x32xf32, #tpu.memory_space<hbm>>
        %dma_wait3A_2769 = tpu.memref_squeeze %dma_wait3A_2768 : memref<1x50x32xf32, #tpu.memory_space<hbm>> -> memref<50x32xf32, #tpu.memory_space<hbm>>
        %dma_wait3A_2770 = arith.constant 0 : i32
        %dma_wait3A_2771 = arith.constant 0 : i32
        %dma_wait3A_2772 = tpu.memref_slice %arg7[%dma_wait3A_2770, %dma_wait3A_2771] : memref<1600x32xf32, #tpu.memory_space<vmem>> -> memref<50x32xf32, #tpu.memory_space<vmem>>
        tpu.wait_dma2 semaphore(%arg11 : memref<!tpu.dma_semaphore, #tpu.memory_space<semaphore_mem>>) src(%dma_wait3A_2772 : memref<50x32xf32, #tpu.memory_space<vmem>>) dst(%dma_wait3A_2769 : memref<50x32xf32, #tpu.memory_space<hbm>>)
        %dma_wait3A_2773 = arith.constant 0 : i32
        %dma_wait3A_2774 = arith.constant 0 : i32
        %dma_wait3A_2775 = arith.constant 0 : i32
        %dma_wait3A_2776 = tpu.memref_slice %arg7[%dma_wait3A_2774, %dma_wait3A_2775] : memref<1600x32xf32, #tpu.memory_space<vmem>> -> memref<50x32xf32, #tpu.memory_space<vmem>>
        %dma_wait3A_2777 = arith.constant 0 : i32
        %dma_wait3A_2778 = arith.constant 0 : i32
        %dma_wait3A_2779 = tpu.memref_slice %arg4[%dma_wait3A_2773, %dma_wait3A_2777, %dma_wait3A_2778] : memref<16384x50x32xf32, #tpu.memory_space<hbm>> -> memref<1x50x32xf32, #tpu.memory_space<hbm>>
        %dma_wait3A_2780 = tpu.memref_squeeze %dma_wait3A_2779 : memref<1x50x32xf32, #tpu.memory_space<hbm>> -> memref<50x32xf32, #tpu.memory_space<hbm>>
        %dma_wait3A_2781 = arith.constant 0 : i32
        %dma_wait3A_2782 = arith.constant 0 : i32
        %dma_wait3A_2783 = tpu.memref_slice %arg4[%dma_wait3A_2773, %dma_wait3A_2781, %dma_wait3A_2782] : memref<16384x50x32xf32, #tpu.memory_space<hbm>> -> memref<1x50x32xf32, #tpu.memory_space<hbm>>
        %dma_wait3A_2784 = tpu.memref_squeeze %dma_wait3A_2783 : memref<1x50x32xf32, #tpu.memory_space<hbm>> -> memref<50x32xf32, #tpu.memory_space<hbm>>
        %dma_wait3A_2785 = arith.constant 0 : i32
        %dma_wait3A_2786 = arith.constant 0 : i32
        %dma_wait3A_2787 = tpu.memref_slice %arg7[%dma_wait3A_2785, %dma_wait3A_2786] : memref<1600x32xf32, #tpu.memory_space<vmem>> -> memref<50x32xf32, #tpu.memory_space<vmem>>
        tpu.wait_dma2 semaphore(%arg11 : memref<!tpu.dma_semaphore, #tpu.memory_space<semaphore_mem>>) src(%dma_wait3A_2787 : memref<50x32xf32, #tpu.memory_space<vmem>>) dst(%dma_wait3A_2784 : memref<50x32xf32, #tpu.memory_space<hbm>>)
        %dma_wait3A_2788 = arith.constant 0 : i32
        %dma_wait3A_2789 = arith.constant 0 : i32
        %dma_wait3A_2790 = arith.constant 0 : i32
        %dma_wait3A_2791 = tpu.memref_slice %arg7[%dma_wait3A_2789, %dma_wait3A_2790] : memref<1600x32xf32, #tpu.memory_space<vmem>> -> memref<50x32xf32, #tpu.memory_space<vmem>>
        %dma_wait3A_2792 = arith.constant 0 : i32
        %dma_wait3A_2793 = arith.constant 0 : i32
        %dma_wait3A_2794 = tpu.memref_slice %arg4[%dma_wait3A_2788, %dma_wait3A_2792, %dma_wait3A_2793] : memref<16384x50x32xf32, #tpu.memory_space<hbm>> -> memref<1x50x32xf32, #tpu.memory_space<hbm>>
        %dma_wait3A_2795 = tpu.memref_squeeze %dma_wait3A_2794 : memref<1x50x32xf32, #tpu.memory_space<hbm>> -> memref<50x32xf32, #tpu.memory_space<hbm>>
        %dma_wait3A_2796 = arith.constant 0 : i32
        %dma_wait3A_2797 = arith.constant 0 : i32
        %dma_wait3A_2798 = tpu.memref_slice %arg4[%dma_wait3A_2788, %dma_wait3A_2796, %dma_wait3A_2797] : memref<16384x50x32xf32, #tpu.memory_space<hbm>> -> memref<1x50x32xf32, #tpu.memory_space<hbm>>
        %dma_wait3A_2799 = tpu.memref_squeeze %dma_wait3A_2798 : memref<1x50x32xf32, #tpu.memory_space<hbm>> -> memref<50x32xf32, #tpu.memory_space<hbm>>
        %dma_wait3A_2800 = arith.constant 0 : i32
        %dma_wait3A_2801 = arith.constant 0 : i32
        %dma_wait3A_2802 = tpu.memref_slice %arg7[%dma_wait3A_2800, %dma_wait3A_2801] : memref<1600x32xf32, #tpu.memory_space<vmem>> -> memref<50x32xf32, #tpu.memory_space<vmem>>
        tpu.wait_dma2 semaphore(%arg11 : memref<!tpu.dma_semaphore, #tpu.memory_space<semaphore_mem>>) src(%dma_wait3A_2802 : memref<50x32xf32, #tpu.memory_space<vmem>>) dst(%dma_wait3A_2799 : memref<50x32xf32, #tpu.memory_space<hbm>>)
        %dma_wait3A_2803 = arith.constant 0 : i32
        %dma_wait3A_2804 = arith.constant 0 : i32
        %dma_wait3A_2805 = arith.constant 0 : i32
        %dma_wait3A_2806 = tpu.memref_slice %arg7[%dma_wait3A_2804, %dma_wait3A_2805] : memref<1600x32xf32, #tpu.memory_space<vmem>> -> memref<50x32xf32, #tpu.memory_space<vmem>>
        %dma_wait3A_2807 = arith.constant 0 : i32
        %dma_wait3A_2808 = arith.constant 0 : i32
        %dma_wait3A_2809 = tpu.memref_slice %arg4[%dma_wait3A_2803, %dma_wait3A_2807, %dma_wait3A_2808] : memref<16384x50x32xf32, #tpu.memory_space<hbm>> -> memref<1x50x32xf32, #tpu.memory_space<hbm>>
        %dma_wait3A_2810 = tpu.memref_squeeze %dma_wait3A_2809 : memref<1x50x32xf32, #tpu.memory_space<hbm>> -> memref<50x32xf32, #tpu.memory_space<hbm>>
        %dma_wait3A_2811 = arith.constant 0 : i32
        %dma_wait3A_2812 = arith.constant 0 : i32
        %dma_wait3A_2813 = tpu.memref_slice %arg4[%dma_wait3A_2803, %dma_wait3A_2811, %dma_wait3A_2812] : memref<16384x50x32xf32, #tpu.memory_space<hbm>> -> memref<1x50x32xf32, #tpu.memory_space<hbm>>
        %dma_wait3A_2814 = tpu.memref_squeeze %dma_wait3A_2813 : memref<1x50x32xf32, #tpu.memory_space<hbm>> -> memref<50x32xf32, #tpu.memory_space<hbm>>
        %dma_wait3A_2815 = arith.constant 0 : i32
        %dma_wait3A_2816 = arith.constant 0 : i32
        %dma_wait3A_2817 = tpu.memref_slice %arg7[%dma_wait3A_2815, %dma_wait3A_2816] : memref<1600x32xf32, #tpu.memory_space<vmem>> -> memref<50x32xf32, #tpu.memory_space<vmem>>
        tpu.wait_dma2 semaphore(%arg11 : memref<!tpu.dma_semaphore, #tpu.memory_space<semaphore_mem>>) src(%dma_wait3A_2817 : memref<50x32xf32, #tpu.memory_space<vmem>>) dst(%dma_wait3A_2814 : memref<50x32xf32, #tpu.memory_space<hbm>>)
        %dma_wait3A_2818 = arith.constant 0 : i32
        %dma_wait3A_2819 = arith.constant 0 : i32
        %dma_wait3A_2820 = arith.constant 0 : i32
        %dma_wait3A_2821 = tpu.memref_slice %arg7[%dma_wait3A_2819, %dma_wait3A_2820] : memref<1600x32xf32, #tpu.memory_space<vmem>> -> memref<50x32xf32, #tpu.memory_space<vmem>>
        %dma_wait3A_2822 = arith.constant 0 : i32
        %dma_wait3A_2823 = arith.constant 0 : i32
        %dma_wait3A_2824 = tpu.memref_slice %arg4[%dma_wait3A_2818, %dma_wait3A_2822, %dma_wait3A_2823] : memref<16384x50x32xf32, #tpu.memory_space<hbm>> -> memref<1x50x32xf32, #tpu.memory_space<hbm>>
        %dma_wait3A_2825 = tpu.memref_squeeze %dma_wait3A_2824 : memref<1x50x32xf32, #tpu.memory_space<hbm>> -> memref<50x32xf32, #tpu.memory_space<hbm>>
        %dma_wait3A_2826 = arith.constant 0 : i32
        %dma_wait3A_2827 = arith.constant 0 : i32
        %dma_wait3A_2828 = tpu.memref_slice %arg4[%dma_wait3A_2818, %dma_wait3A_2826, %dma_wait3A_2827] : memref<16384x50x32xf32, #tpu.memory_space<hbm>> -> memref<1x50x32xf32, #tpu.memory_space<hbm>>
        %dma_wait3A_2829 = tpu.memref_squeeze %dma_wait3A_2828 : memref<1x50x32xf32, #tpu.memory_space<hbm>> -> memref<50x32xf32, #tpu.memory_space<hbm>>
        %dma_wait3A_2830 = arith.constant 0 : i32
        %dma_wait3A_2831 = arith.constant 0 : i32
        %dma_wait3A_2832 = tpu.memref_slice %arg7[%dma_wait3A_2830, %dma_wait3A_2831] : memref<1600x32xf32, #tpu.memory_space<vmem>> -> memref<50x32xf32, #tpu.memory_space<vmem>>
        tpu.wait_dma2 semaphore(%arg11 : memref<!tpu.dma_semaphore, #tpu.memory_space<semaphore_mem>>) src(%dma_wait3A_2832 : memref<50x32xf32, #tpu.memory_space<vmem>>) dst(%dma_wait3A_2829 : memref<50x32xf32, #tpu.memory_space<hbm>>)
        %dma_wait3A_2833 = arith.constant 0 : i32
        %dma_wait3A_2834 = arith.constant 0 : i32
        %dma_wait3A_2835 = arith.constant 0 : i32
        %dma_wait3A_2836 = tpu.memref_slice %arg7[%dma_wait3A_2834, %dma_wait3A_2835] : memref<1600x32xf32, #tpu.memory_space<vmem>> -> memref<50x32xf32, #tpu.memory_space<vmem>>
        %dma_wait3A_2837 = arith.constant 0 : i32
        %dma_wait3A_2838 = arith.constant 0 : i32
        %dma_wait3A_2839 = tpu.memref_slice %arg4[%dma_wait3A_2833, %dma_wait3A_2837, %dma_wait3A_2838] : memref<16384x50x32xf32, #tpu.memory_space<hbm>> -> memref<1x50x32xf32, #tpu.memory_space<hbm>>
        %dma_wait3A_2840 = tpu.memref_squeeze %dma_wait3A_2839 : memref<1x50x32xf32, #tpu.memory_space<hbm>> -> memref<50x32xf32, #tpu.memory_space<hbm>>
        %dma_wait3A_2841 = arith.constant 0 : i32
        %dma_wait3A_2842 = arith.constant 0 : i32
        %dma_wait3A_2843 = tpu.memref_slice %arg4[%dma_wait3A_2833, %dma_wait3A_2841, %dma_wait3A_2842] : memref<16384x50x32xf32, #tpu.memory_space<hbm>> -> memref<1x50x32xf32, #tpu.memory_space<hbm>>
        %dma_wait3A_2844 = tpu.memref_squeeze %dma_wait3A_2843 : memref<1x50x32xf32, #tpu.memory_space<hbm>> -> memref<50x32xf32, #tpu.memory_space<hbm>>
        %dma_wait3A_2845 = arith.constant 0 : i32
        %dma_wait3A_2846 = arith.constant 0 : i32
        %dma_wait3A_2847 = tpu.memref_slice %arg7[%dma_wait3A_2845, %dma_wait3A_2846] : memref<1600x32xf32, #tpu.memory_space<vmem>> -> memref<50x32xf32, #tpu.memory_space<vmem>>
        tpu.wait_dma2 semaphore(%arg11 : memref<!tpu.dma_semaphore, #tpu.memory_space<semaphore_mem>>) src(%dma_wait3A_2847 : memref<50x32xf32, #tpu.memory_space<vmem>>) dst(%dma_wait3A_2844 : memref<50x32xf32, #tpu.memory_space<hbm>>)
        %dma_wait3A_2848 = arith.constant 0 : i32
        %dma_wait3A_2849 = arith.constant 0 : i32
        %dma_wait3A_2850 = arith.constant 0 : i32
        %dma_wait3A_2851 = tpu.memref_slice %arg7[%dma_wait3A_2849, %dma_wait3A_2850] : memref<1600x32xf32, #tpu.memory_space<vmem>> -> memref<50x32xf32, #tpu.memory_space<vmem>>
        %dma_wait3A_2852 = arith.constant 0 : i32
        %dma_wait3A_2853 = arith.constant 0 : i32
        %dma_wait3A_2854 = tpu.memref_slice %arg4[%dma_wait3A_2848, %dma_wait3A_2852, %dma_wait3A_2853] : memref<16384x50x32xf32, #tpu.memory_space<hbm>> -> memref<1x50x32xf32, #tpu.memory_space<hbm>>
        %dma_wait3A_2855 = tpu.memref_squeeze %dma_wait3A_2854 : memref<1x50x32xf32, #tpu.memory_space<hbm>> -> memref<50x32xf32, #tpu.memory_space<hbm>>
        %dma_wait3A_2856 = arith.constant 0 : i32
        %dma_wait3A_2857 = arith.constant 0 : i32
        %dma_wait3A_2858 = tpu.memref_slice %arg4[%dma_wait3A_2848, %dma_wait3A_2856, %dma_wait3A_2857] : memref<16384x50x32xf32, #tpu.memory_space<hbm>> -> memref<1x50x32xf32, #tpu.memory_space<hbm>>
        %dma_wait3A_2859 = tpu.memref_squeeze %dma_wait3A_2858 : memref<1x50x32xf32, #tpu.memory_space<hbm>> -> memref<50x32xf32, #tpu.memory_space<hbm>>
        %dma_wait3A_2860 = arith.constant 0 : i32
        %dma_wait3A_2861 = arith.constant 0 : i32
        %dma_wait3A_2862 = tpu.memref_slice %arg7[%dma_wait3A_2860, %dma_wait3A_2861] : memref<1600x32xf32, #tpu.memory_space<vmem>> -> memref<50x32xf32, #tpu.memory_space<vmem>>
        tpu.wait_dma2 semaphore(%arg11 : memref<!tpu.dma_semaphore, #tpu.memory_space<semaphore_mem>>) src(%dma_wait3A_2862 : memref<50x32xf32, #tpu.memory_space<vmem>>) dst(%dma_wait3A_2859 : memref<50x32xf32, #tpu.memory_space<hbm>>)
        %dma_wait3A_2863 = arith.constant 0 : i32
        %dma_wait3A_2864 = arith.constant 0 : i32
        %dma_wait3A_2865 = arith.constant 0 : i32
        %dma_wait3A_2866 = tpu.memref_slice %arg7[%dma_wait3A_2864, %dma_wait3A_2865] : memref<1600x32xf32, #tpu.memory_space<vmem>> -> memref<50x32xf32, #tpu.memory_space<vmem>>
        %dma_wait3A_2867 = arith.constant 0 : i32
        %dma_wait3A_2868 = arith.constant 0 : i32
        %dma_wait3A_2869 = tpu.memref_slice %arg4[%dma_wait3A_2863, %dma_wait3A_2867, %dma_wait3A_2868] : memref<16384x50x32xf32, #tpu.memory_space<hbm>> -> memref<1x50x32xf32, #tpu.memory_space<hbm>>
        %dma_wait3A_2870 = tpu.memref_squeeze %dma_wait3A_2869 : memref<1x50x32xf32, #tpu.memory_space<hbm>> -> memref<50x32xf32, #tpu.memory_space<hbm>>
        %dma_wait3A_2871 = arith.constant 0 : i32
        %dma_wait3A_2872 = arith.constant 0 : i32
        %dma_wait3A_2873 = tpu.memref_slice %arg4[%dma_wait3A_2863, %dma_wait3A_2871, %dma_wait3A_2872] : memref<16384x50x32xf32, #tpu.memory_space<hbm>> -> memref<1x50x32xf32, #tpu.memory_space<hbm>>
        %dma_wait3A_2874 = tpu.memref_squeeze %dma_wait3A_2873 : memref<1x50x32xf32, #tpu.memory_space<hbm>> -> memref<50x32xf32, #tpu.memory_space<hbm>>
        %dma_wait3A_2875 = arith.constant 0 : i32
        %dma_wait3A_2876 = arith.constant 0 : i32
        %dma_wait3A_2877 = tpu.memref_slice %arg7[%dma_wait3A_2875, %dma_wait3A_2876] : memref<1600x32xf32, #tpu.memory_space<vmem>> -> memref<50x32xf32, #tpu.memory_space<vmem>>
        tpu.wait_dma2 semaphore(%arg11 : memref<!tpu.dma_semaphore, #tpu.memory_space<semaphore_mem>>) src(%dma_wait3A_2877 : memref<50x32xf32, #tpu.memory_space<vmem>>) dst(%dma_wait3A_2874 : memref<50x32xf32, #tpu.memory_space<hbm>>)
        %dma_wait3A_2878 = arith.constant 0 : i32
        %dma_wait3A_2879 = arith.constant 0 : i32
        %dma_wait3A_2880 = arith.constant 0 : i32
        %dma_wait3A_2881 = tpu.memref_slice %arg7[%dma_wait3A_2879, %dma_wait3A_2880] : memref<1600x32xf32, #tpu.memory_space<vmem>> -> memref<50x32xf32, #tpu.memory_space<vmem>>
        %dma_wait3A_2882 = arith.constant 0 : i32
        %dma_wait3A_2883 = arith.constant 0 : i32
        %dma_wait3A_2884 = tpu.memref_slice %arg4[%dma_wait3A_2878, %dma_wait3A_2882, %dma_wait3A_2883] : memref<16384x50x32xf32, #tpu.memory_space<hbm>> -> memref<1x50x32xf32, #tpu.memory_space<hbm>>
        %dma_wait3A_2885 = tpu.memref_squeeze %dma_wait3A_2884 : memref<1x50x32xf32, #tpu.memory_space<hbm>> -> memref<50x32xf32, #tpu.memory_space<hbm>>
        %dma_wait3A_2886 = arith.constant 0 : i32
        %dma_wait3A_2887 = arith.constant 0 : i32
        %dma_wait3A_2888 = tpu.memref_slice %arg4[%dma_wait3A_2878, %dma_wait3A_2886, %dma_wait3A_2887] : memref<16384x50x32xf32, #tpu.memory_space<hbm>> -> memref<1x50x32xf32, #tpu.memory_space<hbm>>
        %dma_wait3A_2889 = tpu.memref_squeeze %dma_wait3A_2888 : memref<1x50x32xf32, #tpu.memory_space<hbm>> -> memref<50x32xf32, #tpu.memory_space<hbm>>
        %dma_wait3A_2890 = arith.constant 0 : i32
        %dma_wait3A_2891 = arith.constant 0 : i32
        %dma_wait3A_2892 = tpu.memref_slice %arg7[%dma_wait3A_2890, %dma_wait3A_2891] : memref<1600x32xf32, #tpu.memory_space<vmem>> -> memref<50x32xf32, #tpu.memory_space<vmem>>
        tpu.wait_dma2 semaphore(%arg11 : memref<!tpu.dma_semaphore, #tpu.memory_space<semaphore_mem>>) src(%dma_wait3A_2892 : memref<50x32xf32, #tpu.memory_space<vmem>>) dst(%dma_wait3A_2889 : memref<50x32xf32, #tpu.memory_space<hbm>>)
        %dma_wait3A_2893 = arith.constant 0 : i32
        %dma_wait3A_2894 = arith.constant 0 : i32
        %dma_wait3A_2895 = arith.constant 0 : i32
        %dma_wait3A_2896 = tpu.memref_slice %arg7[%dma_wait3A_2894, %dma_wait3A_2895] : memref<1600x32xf32, #tpu.memory_space<vmem>> -> memref<50x32xf32, #tpu.memory_space<vmem>>
        %dma_wait3A_2897 = arith.constant 0 : i32
        %dma_wait3A_2898 = arith.constant 0 : i32
        %dma_wait3A_2899 = tpu.memref_slice %arg4[%dma_wait3A_2893, %dma_wait3A_2897, %dma_wait3A_2898] : memref<16384x50x32xf32, #tpu.memory_space<hbm>> -> memref<1x50x32xf32, #tpu.memory_space<hbm>>
        %dma_wait3A_2900 = tpu.memref_squeeze %dma_wait3A_2899 : memref<1x50x32xf32, #tpu.memory_space<hbm>> -> memref<50x32xf32, #tpu.memory_space<hbm>>
        %dma_wait3A_2901 = arith.constant 0 : i32
        %dma_wait3A_2902 = arith.constant 0 : i32
        %dma_wait3A_2903 = tpu.memref_slice %arg4[%dma_wait3A_2893, %dma_wait3A_2901, %dma_wait3A_2902] : memref<16384x50x32xf32, #tpu.memory_space<hbm>> -> memref<1x50x32xf32, #tpu.memory_space<hbm>>
        %dma_wait3A_2904 = tpu.memref_squeeze %dma_wait3A_2903 : memref<1x50x32xf32, #tpu.memory_space<hbm>> -> memref<50x32xf32, #tpu.memory_space<hbm>>
        %dma_wait3A_2905 = arith.constant 0 : i32
        %dma_wait3A_2906 = arith.constant 0 : i32
        %dma_wait3A_2907 = tpu.memref_slice %arg7[%dma_wait3A_2905, %dma_wait3A_2906] : memref<1600x32xf32, #tpu.memory_space<vmem>> -> memref<50x32xf32, #tpu.memory_space<vmem>>
        tpu.wait_dma2 semaphore(%arg11 : memref<!tpu.dma_semaphore, #tpu.memory_space<semaphore_mem>>) src(%dma_wait3A_2907 : memref<50x32xf32, #tpu.memory_space<vmem>>) dst(%dma_wait3A_2904 : memref<50x32xf32, #tpu.memory_space<hbm>>)
        %dma_wait3A_2908 = arith.constant 0 : i32
        %dma_wait3A_2909 = arith.constant 0 : i32
        %dma_wait3A_2910 = arith.constant 0 : i32
        %dma_wait3A_2911 = tpu.memref_slice %arg7[%dma_wait3A_2909, %dma_wait3A_2910] : memref<1600x32xf32, #tpu.memory_space<vmem>> -> memref<50x32xf32, #tpu.memory_space<vmem>>
        %dma_wait3A_2912 = arith.constant 0 : i32
        %dma_wait3A_2913 = arith.constant 0 : i32
        %dma_wait3A_2914 = tpu.memref_slice %arg4[%dma_wait3A_2908, %dma_wait3A_2912, %dma_wait3A_2913] : memref<16384x50x32xf32, #tpu.memory_space<hbm>> -> memref<1x50x32xf32, #tpu.memory_space<hbm>>
        %dma_wait3A_2915 = tpu.memref_squeeze %dma_wait3A_2914 : memref<1x50x32xf32, #tpu.memory_space<hbm>> -> memref<50x32xf32, #tpu.memory_space<hbm>>
        %dma_wait3A_2916 = arith.constant 0 : i32
        %dma_wait3A_2917 = arith.constant 0 : i32
        %dma_wait3A_2918 = tpu.memref_slice %arg4[%dma_wait3A_2908, %dma_wait3A_2916, %dma_wait3A_2917] : memref<16384x50x32xf32, #tpu.memory_space<hbm>> -> memref<1x50x32xf32, #tpu.memory_space<hbm>>
        %dma_wait3A_2919 = tpu.memref_squeeze %dma_wait3A_2918 : memref<1x50x32xf32, #tpu.memory_space<hbm>> -> memref<50x32xf32, #tpu.memory_space<hbm>>
        %dma_wait3A_2920 = arith.constant 0 : i32
        %dma_wait3A_2921 = arith.constant 0 : i32
        %dma_wait3A_2922 = tpu.memref_slice %arg7[%dma_wait3A_2920, %dma_wait3A_2921] : memref<1600x32xf32, #tpu.memory_space<vmem>> -> memref<50x32xf32, #tpu.memory_space<vmem>>
        tpu.wait_dma2 semaphore(%arg11 : memref<!tpu.dma_semaphore, #tpu.memory_space<semaphore_mem>>) src(%dma_wait3A_2922 : memref<50x32xf32, #tpu.memory_space<vmem>>) dst(%dma_wait3A_2919 : memref<50x32xf32, #tpu.memory_space<hbm>>)
        %dma_wait3A_2923 = arith.constant 0 : i32
        %dma_wait3A_2924 = arith.constant 0 : i32
        %dma_wait3A_2925 = arith.constant 0 : i32
        %dma_wait3A_2926 = tpu.memref_slice %arg7[%dma_wait3A_2924, %dma_wait3A_2925] : memref<1600x32xf32, #tpu.memory_space<vmem>> -> memref<50x32xf32, #tpu.memory_space<vmem>>
        %dma_wait3A_2927 = arith.constant 0 : i32
        %dma_wait3A_2928 = arith.constant 0 : i32
        %dma_wait3A_2929 = tpu.memref_slice %arg4[%dma_wait3A_2923, %dma_wait3A_2927, %dma_wait3A_2928] : memref<16384x50x32xf32, #tpu.memory_space<hbm>> -> memref<1x50x32xf32, #tpu.memory_space<hbm>>
        %dma_wait3A_2930 = tpu.memref_squeeze %dma_wait3A_2929 : memref<1x50x32xf32, #tpu.memory_space<hbm>> -> memref<50x32xf32, #tpu.memory_space<hbm>>
        %dma_wait3A_2931 = arith.constant 0 : i32
        %dma_wait3A_2932 = arith.constant 0 : i32
        %dma_wait3A_2933 = tpu.memref_slice %arg4[%dma_wait3A_2923, %dma_wait3A_2931, %dma_wait3A_2932] : memref<16384x50x32xf32, #tpu.memory_space<hbm>> -> memref<1x50x32xf32, #tpu.memory_space<hbm>>
        %dma_wait3A_2934 = tpu.memref_squeeze %dma_wait3A_2933 : memref<1x50x32xf32, #tpu.memory_space<hbm>> -> memref<50x32xf32, #tpu.memory_space<hbm>>
        %dma_wait3A_2935 = arith.constant 0 : i32
        %dma_wait3A_2936 = arith.constant 0 : i32
        %dma_wait3A_2937 = tpu.memref_slice %arg7[%dma_wait3A_2935, %dma_wait3A_2936] : memref<1600x32xf32, #tpu.memory_space<vmem>> -> memref<50x32xf32, #tpu.memory_space<vmem>>
        tpu.wait_dma2 semaphore(%arg11 : memref<!tpu.dma_semaphore, #tpu.memory_space<semaphore_mem>>) src(%dma_wait3A_2937 : memref<50x32xf32, #tpu.memory_space<vmem>>) dst(%dma_wait3A_2934 : memref<50x32xf32, #tpu.memory_space<hbm>>)
        %dma_wait3A_2938 = arith.constant 0 : i32
        %dma_wait3A_2939 = arith.constant 0 : i32
        %dma_wait3A_2940 = arith.constant 0 : i32
        %dma_wait3A_2941 = tpu.memref_slice %arg7[%dma_wait3A_2939, %dma_wait3A_2940] : memref<1600x32xf32, #tpu.memory_space<vmem>> -> memref<50x32xf32, #tpu.memory_space<vmem>>
        %dma_wait3A_2942 = arith.constant 0 : i32
        %dma_wait3A_2943 = arith.constant 0 : i32
        %dma_wait3A_2944 = tpu.memref_slice %arg4[%dma_wait3A_2938, %dma_wait3A_2942, %dma_wait3A_2943] : memref<16384x50x32xf32, #tpu.memory_space<hbm>> -> memref<1x50x32xf32, #tpu.memory_space<hbm>>
        %dma_wait3A_2945 = tpu.memref_squeeze %dma_wait3A_2944 : memref<1x50x32xf32, #tpu.memory_space<hbm>> -> memref<50x32xf32, #tpu.memory_space<hbm>>
        %dma_wait3A_2946 = arith.constant 0 : i32
        %dma_wait3A_2947 = arith.constant 0 : i32
        %dma_wait3A_2948 = tpu.memref_slice %arg4[%dma_wait3A_2938, %dma_wait3A_2946, %dma_wait3A_2947] : memref<16384x50x32xf32, #tpu.memory_space<hbm>> -> memref<1x50x32xf32, #tpu.memory_space<hbm>>
        %dma_wait3A_2949 = tpu.memref_squeeze %dma_wait3A_2948 : memref<1x50x32xf32, #tpu.memory_space<hbm>> -> memref<50x32xf32, #tpu.memory_space<hbm>>
        %dma_wait3A_2950 = arith.constant 0 : i32
        %dma_wait3A_2951 = arith.constant 0 : i32
        %dma_wait3A_2952 = tpu.memref_slice %arg7[%dma_wait3A_2950, %dma_wait3A_2951] : memref<1600x32xf32, #tpu.memory_space<vmem>> -> memref<50x32xf32, #tpu.memory_space<vmem>>
        tpu.wait_dma2 semaphore(%arg11 : memref<!tpu.dma_semaphore, #tpu.memory_space<semaphore_mem>>) src(%dma_wait3A_2952 : memref<50x32xf32, #tpu.memory_space<vmem>>) dst(%dma_wait3A_2949 : memref<50x32xf32, #tpu.memory_space<hbm>>)
        %dma_wait3A_2953 = arith.constant 0 : i32
        %dma_wait3A_2954 = arith.constant 0 : i32
        %dma_wait3A_2955 = arith.constant 0 : i32
        %dma_wait3A_2956 = tpu.memref_slice %arg7[%dma_wait3A_2954, %dma_wait3A_2955] : memref<1600x32xf32, #tpu.memory_space<vmem>> -> memref<50x32xf32, #tpu.memory_space<vmem>>
        %dma_wait3A_2957 = arith.constant 0 : i32
        %dma_wait3A_2958 = arith.constant 0 : i32
        %dma_wait3A_2959 = tpu.memref_slice %arg4[%dma_wait3A_2953, %dma_wait3A_2957, %dma_wait3A_2958] : memref<16384x50x32xf32, #tpu.memory_space<hbm>> -> memref<1x50x32xf32, #tpu.memory_space<hbm>>
        %dma_wait3A_2960 = tpu.memref_squeeze %dma_wait3A_2959 : memref<1x50x32xf32, #tpu.memory_space<hbm>> -> memref<50x32xf32, #tpu.memory_space<hbm>>
        %dma_wait3A_2961 = arith.constant 0 : i32
        %dma_wait3A_2962 = arith.constant 0 : i32
        %dma_wait3A_2963 = tpu.memref_slice %arg4[%dma_wait3A_2953, %dma_wait3A_2961, %dma_wait3A_2962] : memref<16384x50x32xf32, #tpu.memory_space<hbm>> -> memref<1x50x32xf32, #tpu.memory_space<hbm>>
        %dma_wait3A_2964 = tpu.memref_squeeze %dma_wait3A_2963 : memref<1x50x32xf32, #tpu.memory_space<hbm>> -> memref<50x32xf32, #tpu.memory_space<hbm>>
        %dma_wait3A_2965 = arith.constant 0 : i32
        %dma_wait3A_2966 = arith.constant 0 : i32
        %dma_wait3A_2967 = tpu.memref_slice %arg7[%dma_wait3A_2965, %dma_wait3A_2966] : memref<1600x32xf32, #tpu.memory_space<vmem>> -> memref<50x32xf32, #tpu.memory_space<vmem>>
        tpu.wait_dma2 semaphore(%arg11 : memref<!tpu.dma_semaphore, #tpu.memory_space<semaphore_mem>>) src(%dma_wait3A_2967 : memref<50x32xf32, #tpu.memory_space<vmem>>) dst(%dma_wait3A_2964 : memref<50x32xf32, #tpu.memory_space<hbm>>)
        %dma_wait3A_2968 = arith.constant 0 : i32
        %dma_wait3A_2969 = arith.constant 0 : i32
        %dma_wait3A_2970 = arith.constant 0 : i32
        %dma_wait3A_2971 = tpu.memref_slice %arg7[%dma_wait3A_2969, %dma_wait3A_2970] : memref<1600x32xf32, #tpu.memory_space<vmem>> -> memref<50x32xf32, #tpu.memory_space<vmem>>
        %dma_wait3A_2972 = arith.constant 0 : i32
        %dma_wait3A_2973 = arith.constant 0 : i32
        %dma_wait3A_2974 = tpu.memref_slice %arg4[%dma_wait3A_2968, %dma_wait3A_2972, %dma_wait3A_2973] : memref<16384x50x32xf32, #tpu.memory_space<hbm>> -> memref<1x50x32xf32, #tpu.memory_space<hbm>>
        %dma_wait3A_2975 = tpu.memref_squeeze %dma_wait3A_2974 : memref<1x50x32xf32, #tpu.memory_space<hbm>> -> memref<50x32xf32, #tpu.memory_space<hbm>>
        %dma_wait3A_2976 = arith.constant 0 : i32
        %dma_wait3A_2977 = arith.constant 0 : i32
        %dma_wait3A_2978 = tpu.memref_slice %arg4[%dma_wait3A_2968, %dma_wait3A_2976, %dma_wait3A_2977] : memref<16384x50x32xf32, #tpu.memory_space<hbm>> -> memref<1x50x32xf32, #tpu.memory_space<hbm>>
        %dma_wait3A_2979 = tpu.memref_squeeze %dma_wait3A_2978 : memref<1x50x32xf32, #tpu.memory_space<hbm>> -> memref<50x32xf32, #tpu.memory_space<hbm>>
        %dma_wait3A_2980 = arith.constant 0 : i32
        %dma_wait3A_2981 = arith.constant 0 : i32
        %dma_wait3A_2982 = tpu.memref_slice %arg7[%dma_wait3A_2980, %dma_wait3A_2981] : memref<1600x32xf32, #tpu.memory_space<vmem>> -> memref<50x32xf32, #tpu.memory_space<vmem>>
        tpu.wait_dma2 semaphore(%arg11 : memref<!tpu.dma_semaphore, #tpu.memory_space<semaphore_mem>>) src(%dma_wait3A_2982 : memref<50x32xf32, #tpu.memory_space<vmem>>) dst(%dma_wait3A_2979 : memref<50x32xf32, #tpu.memory_space<hbm>>)
        %dma_wait3A_2983 = arith.constant 0 : i32
        %dma_wait3A_2984 = arith.constant 0 : i32
        %dma_wait3A_2985 = arith.constant 0 : i32
        %dma_wait3A_2986 = tpu.memref_slice %arg7[%dma_wait3A_2984, %dma_wait3A_2985] : memref<1600x32xf32, #tpu.memory_space<vmem>> -> memref<50x32xf32, #tpu.memory_space<vmem>>
        %dma_wait3A_2987 = arith.constant 0 : i32
        %dma_wait3A_2988 = arith.constant 0 : i32
        %dma_wait3A_2989 = tpu.memref_slice %arg4[%dma_wait3A_2983, %dma_wait3A_2987, %dma_wait3A_2988] : memref<16384x50x32xf32, #tpu.memory_space<hbm>> -> memref<1x50x32xf32, #tpu.memory_space<hbm>>
        %dma_wait3A_2990 = tpu.memref_squeeze %dma_wait3A_2989 : memref<1x50x32xf32, #tpu.memory_space<hbm>> -> memref<50x32xf32, #tpu.memory_space<hbm>>
        %dma_wait3A_2991 = arith.constant 0 : i32
        %dma_wait3A_2992 = arith.constant 0 : i32
        %dma_wait3A_2993 = tpu.memref_slice %arg4[%dma_wait3A_2983, %dma_wait3A_2991, %dma_wait3A_2992] : memref<16384x50x32xf32, #tpu.memory_space<hbm>> -> memref<1x50x32xf32, #tpu.memory_space<hbm>>
        %dma_wait3A_2994 = tpu.memref_squeeze %dma_wait3A_2993 : memref<1x50x32xf32, #tpu.memory_space<hbm>> -> memref<50x32xf32, #tpu.memory_space<hbm>>
        %dma_wait3A_2995 = arith.constant 0 : i32
        %dma_wait3A_2996 = arith.constant 0 : i32
        %dma_wait3A_2997 = tpu.memref_slice %arg7[%dma_wait3A_2995, %dma_wait3A_2996] : memref<1600x32xf32, #tpu.memory_space<vmem>> -> memref<50x32xf32, #tpu.memory_space<vmem>>
        tpu.wait_dma2 semaphore(%arg11 : memref<!tpu.dma_semaphore, #tpu.memory_space<semaphore_mem>>) src(%dma_wait3A_2997 : memref<50x32xf32, #tpu.memory_space<vmem>>) dst(%dma_wait3A_2994 : memref<50x32xf32, #tpu.memory_space<hbm>>)
        %dma_wait3A_2998 = arith.constant 0 : i32
        %dma_wait3A_2999 = arith.constant 0 : i32
        %dma_wait3A_3000 = arith.constant 0 : i32
        %dma_wait3A_3001 = tpu.memref_slice %arg7[%dma_wait3A_2999, %dma_wait3A_3000] : memref<1600x32xf32, #tpu.memory_space<vmem>> -> memref<50x32xf32, #tpu.memory_space<vmem>>
        %dma_wait3A_3002 = arith.constant 0 : i32
        %dma_wait3A_3003 = arith.constant 0 : i32
        %dma_wait3A_3004 = tpu.memref_slice %arg4[%dma_wait3A_2998, %dma_wait3A_3002, %dma_wait3A_3003] : memref<16384x50x32xf32, #tpu.memory_space<hbm>> -> memref<1x50x32xf32, #tpu.memory_space<hbm>>
        %dma_wait3A_3005 = tpu.memref_squeeze %dma_wait3A_3004 : memref<1x50x32xf32, #tpu.memory_space<hbm>> -> memref<50x32xf32, #tpu.memory_space<hbm>>
        %dma_wait3A_3006 = arith.constant 0 : i32
        %dma_wait3A_3007 = arith.constant 0 : i32
        %dma_wait3A_3008 = tpu.memref_slice %arg4[%dma_wait3A_2998, %dma_wait3A_3006, %dma_wait3A_3007] : memref<16384x50x32xf32, #tpu.memory_space<hbm>> -> memref<1x50x32xf32, #tpu.memory_space<hbm>>
        %dma_wait3A_3009 = tpu.memref_squeeze %dma_wait3A_3008 : memref<1x50x32xf32, #tpu.memory_space<hbm>> -> memref<50x32xf32, #tpu.memory_space<hbm>>
        %dma_wait3A_3010 = arith.constant 0 : i32
        %dma_wait3A_3011 = arith.constant 0 : i32
        %dma_wait3A_3012 = tpu.memref_slice %arg7[%dma_wait3A_3010, %dma_wait3A_3011] : memref<1600x32xf32, #tpu.memory_space<vmem>> -> memref<50x32xf32, #tpu.memory_space<vmem>>
        tpu.wait_dma2 semaphore(%arg11 : memref<!tpu.dma_semaphore, #tpu.memory_space<semaphore_mem>>) src(%dma_wait3A_3012 : memref<50x32xf32, #tpu.memory_space<vmem>>) dst(%dma_wait3A_3009 : memref<50x32xf32, #tpu.memory_space<hbm>>)
        %dma_wait3A_3013 = arith.constant 0 : i32
        %dma_wait3A_3014 = arith.constant 0 : i32
        %dma_wait3A_3015 = arith.constant 0 : i32
        %dma_wait3A_3016 = tpu.memref_slice %arg7[%dma_wait3A_3014, %dma_wait3A_3015] : memref<1600x32xf32, #tpu.memory_space<vmem>> -> memref<50x32xf32, #tpu.memory_space<vmem>>
        %dma_wait3A_3017 = arith.constant 0 : i32
        %dma_wait3A_3018 = arith.constant 0 : i32
        %dma_wait3A_3019 = tpu.memref_slice %arg4[%dma_wait3A_3013, %dma_wait3A_3017, %dma_wait3A_3018] : memref<16384x50x32xf32, #tpu.memory_space<hbm>> -> memref<1x50x32xf32, #tpu.memory_space<hbm>>
        %dma_wait3A_3020 = tpu.memref_squeeze %dma_wait3A_3019 : memref<1x50x32xf32, #tpu.memory_space<hbm>> -> memref<50x32xf32, #tpu.memory_space<hbm>>
        %dma_wait3A_3021 = arith.constant 0 : i32
        %dma_wait3A_3022 = arith.constant 0 : i32
        %dma_wait3A_3023 = tpu.memref_slice %arg4[%dma_wait3A_3013, %dma_wait3A_3021, %dma_wait3A_3022] : memref<16384x50x32xf32, #tpu.memory_space<hbm>> -> memref<1x50x32xf32, #tpu.memory_space<hbm>>
        %dma_wait3A_3024 = tpu.memref_squeeze %dma_wait3A_3023 : memref<1x50x32xf32, #tpu.memory_space<hbm>> -> memref<50x32xf32, #tpu.memory_space<hbm>>
        %dma_wait3A_3025 = arith.constant 0 : i32
        %dma_wait3A_3026 = arith.constant 0 : i32
        %dma_wait3A_3027 = tpu.memref_slice %arg7[%dma_wait3A_3025, %dma_wait3A_3026] : memref<1600x32xf32, #tpu.memory_space<vmem>> -> memref<50x32xf32, #tpu.memory_space<vmem>>
        tpu.wait_dma2 semaphore(%arg11 : memref<!tpu.dma_semaphore, #tpu.memory_space<semaphore_mem>>) src(%dma_wait3A_3027 : memref<50x32xf32, #tpu.memory_space<vmem>>) dst(%dma_wait3A_3024 : memref<50x32xf32, #tpu.memory_space<hbm>>)
        %dma_wait3A_3028 = arith.constant 0 : i32
        %dma_wait3A_3029 = arith.constant 0 : i32
        %dma_wait3A_3030 = arith.constant 0 : i32
        %dma_wait3A_3031 = tpu.memref_slice %arg7[%dma_wait3A_3029, %dma_wait3A_3030] : memref<1600x32xf32, #tpu.memory_space<vmem>> -> memref<50x32xf32, #tpu.memory_space<vmem>>
        %dma_wait3A_3032 = arith.constant 0 : i32
        %dma_wait3A_3033 = arith.constant 0 : i32
        %dma_wait3A_3034 = tpu.memref_slice %arg4[%dma_wait3A_3028, %dma_wait3A_3032, %dma_wait3A_3033] : memref<16384x50x32xf32, #tpu.memory_space<hbm>> -> memref<1x50x32xf32, #tpu.memory_space<hbm>>
        %dma_wait3A_3035 = tpu.memref_squeeze %dma_wait3A_3034 : memref<1x50x32xf32, #tpu.memory_space<hbm>> -> memref<50x32xf32, #tpu.memory_space<hbm>>
        %dma_wait3A_3036 = arith.constant 0 : i32
        %dma_wait3A_3037 = arith.constant 0 : i32
        %dma_wait3A_3038 = tpu.memref_slice %arg4[%dma_wait3A_3028, %dma_wait3A_3036, %dma_wait3A_3037] : memref<16384x50x32xf32, #tpu.memory_space<hbm>> -> memref<1x50x32xf32, #tpu.memory_space<hbm>>
        %dma_wait3A_3039 = tpu.memref_squeeze %dma_wait3A_3038 : memref<1x50x32xf32, #tpu.memory_space<hbm>> -> memref<50x32xf32, #tpu.memory_space<hbm>>
        %dma_wait3A_3040 = arith.constant 0 : i32
        %dma_wait3A_3041 = arith.constant 0 : i32
        %dma_wait3A_3042 = tpu.memref_slice %arg7[%dma_wait3A_3040, %dma_wait3A_3041] : memref<1600x32xf32, #tpu.memory_space<vmem>> -> memref<50x32xf32, #tpu.memory_space<vmem>>
        tpu.wait_dma2 semaphore(%arg11 : memref<!tpu.dma_semaphore, #tpu.memory_space<semaphore_mem>>) src(%dma_wait3A_3042 : memref<50x32xf32, #tpu.memory_space<vmem>>) dst(%dma_wait3A_3039 : memref<50x32xf32, #tpu.memory_space<hbm>>)
        %dma_wait3A_3043 = arith.constant 0 : i32
        %dma_wait3A_3044 = arith.constant 0 : i32
        %dma_wait3A_3045 = arith.constant 0 : i32
        %dma_wait3A_3046 = tpu.memref_slice %arg7[%dma_wait3A_3044, %dma_wait3A_3045] : memref<1600x32xf32, #tpu.memory_space<vmem>> -> memref<50x32xf32, #tpu.memory_space<vmem>>
        %dma_wait3A_3047 = arith.constant 0 : i32
        %dma_wait3A_3048 = arith.constant 0 : i32
        %dma_wait3A_3049 = tpu.memref_slice %arg4[%dma_wait3A_3043, %dma_wait3A_3047, %dma_wait3A_3048] : memref<16384x50x32xf32, #tpu.memory_space<hbm>> -> memref<1x50x32xf32, #tpu.memory_space<hbm>>
        %dma_wait3A_3050 = tpu.memref_squeeze %dma_wait3A_3049 : memref<1x50x32xf32, #tpu.memory_space<hbm>> -> memref<50x32xf32, #tpu.memory_space<hbm>>
        %dma_wait3A_3051 = arith.constant 0 : i32
        %dma_wait3A_3052 = arith.constant 0 : i32
        %dma_wait3A_3053 = tpu.memref_slice %arg4[%dma_wait3A_3043, %dma_wait3A_3051, %dma_wait3A_3052] : memref<16384x50x32xf32, #tpu.memory_space<hbm>> -> memref<1x50x32xf32, #tpu.memory_space<hbm>>
        %dma_wait3A_3054 = tpu.memref_squeeze %dma_wait3A_3053 : memref<1x50x32xf32, #tpu.memory_space<hbm>> -> memref<50x32xf32, #tpu.memory_space<hbm>>
        %dma_wait3A_3055 = arith.constant 0 : i32
        %dma_wait3A_3056 = arith.constant 0 : i32
        %dma_wait3A_3057 = tpu.memref_slice %arg7[%dma_wait3A_3055, %dma_wait3A_3056] : memref<1600x32xf32, #tpu.memory_space<vmem>> -> memref<50x32xf32, #tpu.memory_space<vmem>>
        tpu.wait_dma2 semaphore(%arg11 : memref<!tpu.dma_semaphore, #tpu.memory_space<semaphore_mem>>) src(%dma_wait3A_3057 : memref<50x32xf32, #tpu.memory_space<vmem>>) dst(%dma_wait3A_3054 : memref<50x32xf32, #tpu.memory_space<hbm>>)
        %dma_wait3A_3058 = arith.constant 0 : i32
        %dma_wait3A_3059 = arith.constant 0 : i32
        %dma_wait3A_3060 = arith.constant 0 : i32
        %dma_wait3A_3061 = tpu.memref_slice %arg7[%dma_wait3A_3059, %dma_wait3A_3060] : memref<1600x32xf32, #tpu.memory_space<vmem>> -> memref<50x32xf32, #tpu.memory_space<vmem>>
        %dma_wait3A_3062 = arith.constant 0 : i32
        %dma_wait3A_3063 = arith.constant 0 : i32
        %dma_wait3A_3064 = tpu.memref_slice %arg4[%dma_wait3A_3058, %dma_wait3A_3062, %dma_wait3A_3063] : memref<16384x50x32xf32, #tpu.memory_space<hbm>> -> memref<1x50x32xf32, #tpu.memory_space<hbm>>
        %dma_wait3A_3065 = tpu.memref_squeeze %dma_wait3A_3064 : memref<1x50x32xf32, #tpu.memory_space<hbm>> -> memref<50x32xf32, #tpu.memory_space<hbm>>
        %dma_wait3A_3066 = arith.constant 0 : i32
        %dma_wait3A_3067 = arith.constant 0 : i32
        %dma_wait3A_3068 = tpu.memref_slice %arg4[%dma_wait3A_3058, %dma_wait3A_3066, %dma_wait3A_3067] : memref<16384x50x32xf32, #tpu.memory_space<hbm>> -> memref<1x50x32xf32, #tpu.memory_space<hbm>>
        %dma_wait3A_3069 = tpu.memref_squeeze %dma_wait3A_3068 : memref<1x50x32xf32, #tpu.memory_space<hbm>> -> memref<50x32xf32, #tpu.memory_space<hbm>>
        %dma_wait3A_3070 = arith.constant 0 : i32
        %dma_wait3A_3071 = arith.constant 0 : i32
        %dma_wait3A_3072 = tpu.memref_slice %arg7[%dma_wait3A_3070, %dma_wait3A_3071] : memref<1600x32xf32, #tpu.memory_space<vmem>> -> memref<50x32xf32, #tpu.memory_space<vmem>>
        tpu.wait_dma2 semaphore(%arg11 : memref<!tpu.dma_semaphore, #tpu.memory_space<semaphore_mem>>) src(%dma_wait3A_3072 : memref<50x32xf32, #tpu.memory_space<vmem>>) dst(%dma_wait3A_3069 : memref<50x32xf32, #tpu.memory_space<hbm>>)
        %dma_wait3A_3073 = arith.constant 0 : i32
        %dma_wait3A_3074 = arith.constant 0 : i32
        %dma_wait3A_3075 = arith.constant 0 : i32
        %dma_wait3A_3076 = tpu.memref_slice %arg7[%dma_wait3A_3074, %dma_wait3A_3075] : memref<1600x32xf32, #tpu.memory_space<vmem>> -> memref<50x32xf32, #tpu.memory_space<vmem>>
        %dma_wait3A_3077 = arith.constant 0 : i32
        %dma_wait3A_3078 = arith.constant 0 : i32
        %dma_wait3A_3079 = tpu.memref_slice %arg4[%dma_wait3A_3073, %dma_wait3A_3077, %dma_wait3A_3078] : memref<16384x50x32xf32, #tpu.memory_space<hbm>> -> memref<1x50x32xf32, #tpu.memory_space<hbm>>
        %dma_wait3A_3080 = tpu.memref_squeeze %dma_wait3A_3079 : memref<1x50x32xf32, #tpu.memory_space<hbm>> -> memref<50x32xf32, #tpu.memory_space<hbm>>
        %dma_wait3A_3081 = arith.constant 0 : i32
        %dma_wait3A_3082 = arith.constant 0 : i32
        %dma_wait3A_3083 = tpu.memref_slice %arg4[%dma_wait3A_3073, %dma_wait3A_3081, %dma_wait3A_3082] : memref<16384x50x32xf32, #tpu.memory_space<hbm>> -> memref<1x50x32xf32, #tpu.memory_space<hbm>>
        %dma_wait3A_3084 = tpu.memref_squeeze %dma_wait3A_3083 : memref<1x50x32xf32, #tpu.memory_space<hbm>> -> memref<50x32xf32, #tpu.memory_space<hbm>>
        %dma_wait3A_3085 = arith.constant 0 : i32
        %dma_wait3A_3086 = arith.constant 0 : i32
        %dma_wait3A_3087 = tpu.memref_slice %arg7[%dma_wait3A_3085, %dma_wait3A_3086] : memref<1600x32xf32, #tpu.memory_space<vmem>> -> memref<50x32xf32, #tpu.memory_space<vmem>>
        tpu.wait_dma2 semaphore(%arg11 : memref<!tpu.dma_semaphore, #tpu.memory_space<semaphore_mem>>) src(%dma_wait3A_3087 : memref<50x32xf32, #tpu.memory_space<vmem>>) dst(%dma_wait3A_3084 : memref<50x32xf32, #tpu.memory_space<hbm>>)
        %dma_wait3A_3088 = arith.constant 0 : i32
        %dma_wait3A_3089 = arith.constant 0 : i32
        %dma_wait3A_3090 = arith.constant 0 : i32
        %dma_wait3A_3091 = tpu.memref_slice %arg7[%dma_wait3A_3089, %dma_wait3A_3090] : memref<1600x32xf32, #tpu.memory_space<vmem>> -> memref<50x32xf32, #tpu.memory_space<vmem>>
        %dma_wait3A_3092 = arith.constant 0 : i32
        %dma_wait3A_3093 = arith.constant 0 : i32
        %dma_wait3A_3094 = tpu.memref_slice %arg4[%dma_wait3A_3088, %dma_wait3A_3092, %dma_wait3A_3093] : memref<16384x50x32xf32, #tpu.memory_space<hbm>> -> memref<1x50x32xf32, #tpu.memory_space<hbm>>
        %dma_wait3A_3095 = tpu.memref_squeeze %dma_wait3A_3094 : memref<1x50x32xf32, #tpu.memory_space<hbm>> -> memref<50x32xf32, #tpu.memory_space<hbm>>
        %dma_wait3A_3096 = arith.constant 0 : i32
        %dma_wait3A_3097 = arith.constant 0 : i32
        %dma_wait3A_3098 = tpu.memref_slice %arg4[%dma_wait3A_3088, %dma_wait3A_3096, %dma_wait3A_3097] : memref<16384x50x32xf32, #tpu.memory_space<hbm>> -> memref<1x50x32xf32, #tpu.memory_space<hbm>>
        %dma_wait3A_3099 = tpu.memref_squeeze %dma_wait3A_3098 : memref<1x50x32xf32, #tpu.memory_space<hbm>> -> memref<50x32xf32, #tpu.memory_space<hbm>>
        %dma_wait3A_3100 = arith.constant 0 : i32
        %dma_wait3A_3101 = arith.constant 0 : i32
        %dma_wait3A_3102 = tpu.memref_slice %arg7[%dma_wait3A_3100, %dma_wait3A_3101] : memref<1600x32xf32, #tpu.memory_space<vmem>> -> memref<50x32xf32, #tpu.memory_space<vmem>>
        tpu.wait_dma2 semaphore(%arg11 : memref<!tpu.dma_semaphore, #tpu.memory_space<semaphore_mem>>) src(%dma_wait3A_3102 : memref<50x32xf32, #tpu.memory_space<vmem>>) dst(%dma_wait3A_3099 : memref<50x32xf32, #tpu.memory_space<hbm>>)
        %dma_wait3A_3103 = arith.constant 0 : i32
        %dma_wait3A_3104 = arith.constant 0 : i32
        %dma_wait3A_3105 = arith.constant 0 : i32
        %dma_wait3A_3106 = tpu.memref_slice %arg7[%dma_wait3A_3104, %dma_wait3A_3105] : memref<1600x32xf32, #tpu.memory_space<vmem>> -> memref<50x32xf32, #tpu.memory_space<vmem>>
        %dma_wait3A_3107 = arith.constant 0 : i32
        %dma_wait3A_3108 = arith.constant 0 : i32
        %dma_wait3A_3109 = tpu.memref_slice %arg4[%dma_wait3A_3103, %dma_wait3A_3107, %dma_wait3A_3108] : memref<16384x50x32xf32, #tpu.memory_space<hbm>> -> memref<1x50x32xf32, #tpu.memory_space<hbm>>
        %dma_wait3A_3110 = tpu.memref_squeeze %dma_wait3A_3109 : memref<1x50x32xf32, #tpu.memory_space<hbm>> -> memref<50x32xf32, #tpu.memory_space<hbm>>
        %dma_wait3A_3111 = arith.constant 0 : i32
        %dma_wait3A_3112 = arith.constant 0 : i32
        %dma_wait3A_3113 = tpu.memref_slice %arg4[%dma_wait3A_3103, %dma_wait3A_3111, %dma_wait3A_3112] : memref<16384x50x32xf32, #tpu.memory_space<hbm>> -> memref<1x50x32xf32, #tpu.memory_space<hbm>>
        %dma_wait3A_3114 = tpu.memref_squeeze %dma_wait3A_3113 : memref<1x50x32xf32, #tpu.memory_space<hbm>> -> memref<50x32xf32, #tpu.memory_space<hbm>>
        %dma_wait3A_3115 = arith.constant 0 : i32
        %dma_wait3A_3116 = arith.constant 0 : i32
        %dma_wait3A_3117 = tpu.memref_slice %arg7[%dma_wait3A_3115, %dma_wait3A_3116] : memref<1600x32xf32, #tpu.memory_space<vmem>> -> memref<50x32xf32, #tpu.memory_space<vmem>>
        tpu.wait_dma2 semaphore(%arg11 : memref<!tpu.dma_semaphore, #tpu.memory_space<semaphore_mem>>) src(%dma_wait3A_3117 : memref<50x32xf32, #tpu.memory_space<vmem>>) dst(%dma_wait3A_3114 : memref<50x32xf32, #tpu.memory_space<hbm>>)
        %dma_wait3A_3118 = arith.constant 0 : i32
        %dma_wait3A_3119 = arith.constant 0 : i32
        %dma_wait3A_3120 = arith.constant 0 : i32
        %dma_wait3A_3121 = tpu.memref_slice %arg7[%dma_wait3A_3119, %dma_wait3A_3120] : memref<1600x32xf32, #tpu.memory_space<vmem>> -> memref<50x32xf32, #tpu.memory_space<vmem>>
        %dma_wait3A_3122 = arith.constant 0 : i32
        %dma_wait3A_3123 = arith.constant 0 : i32
        %dma_wait3A_3124 = tpu.memref_slice %arg4[%dma_wait3A_3118, %dma_wait3A_3122, %dma_wait3A_3123] : memref<16384x50x32xf32, #tpu.memory_space<hbm>> -> memref<1x50x32xf32, #tpu.memory_space<hbm>>
        %dma_wait3A_3125 = tpu.memref_squeeze %dma_wait3A_3124 : memref<1x50x32xf32, #tpu.memory_space<hbm>> -> memref<50x32xf32, #tpu.memory_space<hbm>>
        %dma_wait3A_3126 = arith.constant 0 : i32
        %dma_wait3A_3127 = arith.constant 0 : i32
        %dma_wait3A_3128 = tpu.memref_slice %arg4[%dma_wait3A_3118, %dma_wait3A_3126, %dma_wait3A_3127] : memref<16384x50x32xf32, #tpu.memory_space<hbm>> -> memref<1x50x32xf32, #tpu.memory_space<hbm>>
        %dma_wait3A_3129 = tpu.memref_squeeze %dma_wait3A_3128 : memref<1x50x32xf32, #tpu.memory_space<hbm>> -> memref<50x32xf32, #tpu.memory_space<hbm>>
        %dma_wait3A_3130 = arith.constant 0 : i32
        %dma_wait3A_3131 = arith.constant 0 : i32
        %dma_wait3A_3132 = tpu.memref_slice %arg7[%dma_wait3A_3130, %dma_wait3A_3131] : memref<1600x32xf32, #tpu.memory_space<vmem>> -> memref<50x32xf32, #tpu.memory_space<vmem>>
        tpu.wait_dma2 semaphore(%arg11 : memref<!tpu.dma_semaphore, #tpu.memory_space<semaphore_mem>>) src(%dma_wait3A_3132 : memref<50x32xf32, #tpu.memory_space<vmem>>) dst(%dma_wait3A_3129 : memref<50x32xf32, #tpu.memory_space<hbm>>)
        %dma_wait3A_3133 = arith.constant 0 : i32
        %dma_wait3A_3134 = arith.constant 0 : i32
        %dma_wait3A_3135 = arith.constant 0 : i32
        %dma_wait3A_3136 = tpu.memref_slice %arg7[%dma_wait3A_3134, %dma_wait3A_3135] : memref<1600x32xf32, #tpu.memory_space<vmem>> -> memref<50x32xf32, #tpu.memory_space<vmem>>
        %dma_wait3A_3137 = arith.constant 0 : i32
        %dma_wait3A_3138 = arith.constant 0 : i32
        %dma_wait3A_3139 = tpu.memref_slice %arg4[%dma_wait3A_3133, %dma_wait3A_3137, %dma_wait3A_3138] : memref<16384x50x32xf32, #tpu.memory_space<hbm>> -> memref<1x50x32xf32, #tpu.memory_space<hbm>>
        %dma_wait3A_3140 = tpu.memref_squeeze %dma_wait3A_3139 : memref<1x50x32xf32, #tpu.memory_space<hbm>> -> memref<50x32xf32, #tpu.memory_space<hbm>>
        %dma_wait3A_3141 = arith.constant 0 : i32
        %dma_wait3A_3142 = arith.constant 0 : i32
        %dma_wait3A_3143 = tpu.memref_slice %arg4[%dma_wait3A_3133, %dma_wait3A_3141, %dma_wait3A_3142] : memref<16384x50x32xf32, #tpu.memory_space<hbm>> -> memref<1x50x32xf32, #tpu.memory_space<hbm>>
        %dma_wait3A_3144 = tpu.memref_squeeze %dma_wait3A_3143 : memref<1x50x32xf32, #tpu.memory_space<hbm>> -> memref<50x32xf32, #tpu.memory_space<hbm>>
        %dma_wait3A_3145 = arith.constant 0 : i32
        %dma_wait3A_3146 = arith.constant 0 : i32
        %dma_wait3A_3147 = tpu.memref_slice %arg7[%dma_wait3A_3145, %dma_wait3A_3146] : memref<1600x32xf32, #tpu.memory_space<vmem>> -> memref<50x32xf32, #tpu.memory_space<vmem>>
        tpu.wait_dma2 semaphore(%arg11 : memref<!tpu.dma_semaphore, #tpu.memory_space<semaphore_mem>>) src(%dma_wait3A_3147 : memref<50x32xf32, #tpu.memory_space<vmem>>) dst(%dma_wait3A_3144 : memref<50x32xf32, #tpu.memory_space<hbm>>)
        %dma_wait3A_3148 = arith.constant 0 : i32
        %dma_wait3A_3149 = arith.constant 0 : i32
        %dma_wait3A_3150 = arith.constant 0 : i32
        %dma_wait3A_3151 = tpu.memref_slice %arg7[%dma_wait3A_3149, %dma_wait3A_3150] : memref<1600x32xf32, #tpu.memory_space<vmem>> -> memref<50x32xf32, #tpu.memory_space<vmem>>
        %dma_wait3A_3152 = arith.constant 0 : i32
        %dma_wait3A_3153 = arith.constant 0 : i32
        %dma_wait3A_3154 = tpu.memref_slice %arg4[%dma_wait3A_3148, %dma_wait3A_3152, %dma_wait3A_3153] : memref<16384x50x32xf32, #tpu.memory_space<hbm>> -> memref<1x50x32xf32, #tpu.memory_space<hbm>>
        %dma_wait3A_3155 = tpu.memref_squeeze %dma_wait3A_3154 : memref<1x50x32xf32, #tpu.memory_space<hbm>> -> memref<50x32xf32, #tpu.memory_space<hbm>>
        %dma_wait3A_3156 = arith.constant 0 : i32
        %dma_wait3A_3157 = arith.constant 0 : i32
        %dma_wait3A_3158 = tpu.memref_slice %arg4[%dma_wait3A_3148, %dma_wait3A_3156, %dma_wait3A_3157] : memref<16384x50x32xf32, #tpu.memory_space<hbm>> -> memref<1x50x32xf32, #tpu.memory_space<hbm>>
        %dma_wait3A_3159 = tpu.memref_squeeze %dma_wait3A_3158 : memref<1x50x32xf32, #tpu.memory_space<hbm>> -> memref<50x32xf32, #tpu.memory_space<hbm>>
        %dma_wait3A_3160 = arith.constant 0 : i32
        %dma_wait3A_3161 = arith.constant 0 : i32
        %dma_wait3A_3162 = tpu.memref_slice %arg7[%dma_wait3A_3160, %dma_wait3A_3161] : memref<1600x32xf32, #tpu.memory_space<vmem>> -> memref<50x32xf32, #tpu.memory_space<vmem>>
        tpu.wait_dma2 semaphore(%arg11 : memref<!tpu.dma_semaphore, #tpu.memory_space<semaphore_mem>>) src(%dma_wait3A_3162 : memref<50x32xf32, #tpu.memory_space<vmem>>) dst(%dma_wait3A_3159 : memref<50x32xf32, #tpu.memory_space<hbm>>)
        %dma_wait3A_3163 = arith.constant 0 : i32
        %dma_wait3A_3164 = arith.constant 0 : i32
        %dma_wait3A_3165 = arith.constant 0 : i32
        %dma_wait3A_3166 = tpu.memref_slice %arg7[%dma_wait3A_3164, %dma_wait3A_3165] : memref<1600x32xf32, #tpu.memory_space<vmem>> -> memref<50x32xf32, #tpu.memory_space<vmem>>
        %dma_wait3A_3167 = arith.constant 0 : i32
        %dma_wait3A_3168 = arith.constant 0 : i32
        %dma_wait3A_3169 = tpu.memref_slice %arg4[%dma_wait3A_3163, %dma_wait3A_3167, %dma_wait3A_3168] : memref<16384x50x32xf32, #tpu.memory_space<hbm>> -> memref<1x50x32xf32, #tpu.memory_space<hbm>>
        %dma_wait3A_3170 = tpu.memref_squeeze %dma_wait3A_3169 : memref<1x50x32xf32, #tpu.memory_space<hbm>> -> memref<50x32xf32, #tpu.memory_space<hbm>>
        %dma_wait3A_3171 = arith.constant 0 : i32
        %dma_wait3A_3172 = arith.constant 0 : i32
        %dma_wait3A_3173 = tpu.memref_slice %arg4[%dma_wait3A_3163, %dma_wait3A_3171, %dma_wait3A_3172] : memref<16384x50x32xf32, #tpu.memory_space<hbm>> -> memref<1x50x32xf32, #tpu.memory_space<hbm>>
        %dma_wait3A_3174 = tpu.memref_squeeze %dma_wait3A_3173 : memref<1x50x32xf32, #tpu.memory_space<hbm>> -> memref<50x32xf32, #tpu.memory_space<hbm>>
        %dma_wait3A_3175 = arith.constant 0 : i32
        %dma_wait3A_3176 = arith.constant 0 : i32
        %dma_wait3A_3177 = tpu.memref_slice %arg7[%dma_wait3A_3175, %dma_wait3A_3176] : memref<1600x32xf32, #tpu.memory_space<vmem>> -> memref<50x32xf32, #tpu.memory_space<vmem>>
        tpu.wait_dma2 semaphore(%arg11 : memref<!tpu.dma_semaphore, #tpu.memory_space<semaphore_mem>>) src(%dma_wait3A_3177 : memref<50x32xf32, #tpu.memory_space<vmem>>) dst(%dma_wait3A_3174 : memref<50x32xf32, #tpu.memory_space<hbm>>)
        %dma_wait3A_3178 = arith.constant 0 : i32
        %dma_wait3A_3179 = arith.constant 0 : i32
        %dma_wait3A_3180 = arith.constant 0 : i32
        %dma_wait3A_3181 = tpu.memref_slice %arg7[%dma_wait3A_3179, %dma_wait3A_3180] : memref<1600x32xf32, #tpu.memory_space<vmem>> -> memref<50x32xf32, #tpu.memory_space<vmem>>
        %dma_wait3A_3182 = arith.constant 0 : i32
        %dma_wait3A_3183 = arith.constant 0 : i32
        %dma_wait3A_3184 = tpu.memref_slice %arg4[%dma_wait3A_3178, %dma_wait3A_3182, %dma_wait3A_3183] : memref<16384x50x32xf32, #tpu.memory_space<hbm>> -> memref<1x50x32xf32, #tpu.memory_space<hbm>>
        %dma_wait3A_3185 = tpu.memref_squeeze %dma_wait3A_3184 : memref<1x50x32xf32, #tpu.memory_space<hbm>> -> memref<50x32xf32, #tpu.memory_space<hbm>>
        %dma_wait3A_3186 = arith.constant 0 : i32
        %dma_wait3A_3187 = arith.constant 0 : i32
        %dma_wait3A_3188 = tpu.memref_slice %arg4[%dma_wait3A_3178, %dma_wait3A_3186, %dma_wait3A_3187] : memref<16384x50x32xf32, #tpu.memory_space<hbm>> -> memref<1x50x32xf32, #tpu.memory_space<hbm>>
        %dma_wait3A_3189 = tpu.memref_squeeze %dma_wait3A_3188 : memref<1x50x32xf32, #tpu.memory_space<hbm>> -> memref<50x32xf32, #tpu.memory_space<hbm>>
        %dma_wait3A_3190 = arith.constant 0 : i32
        %dma_wait3A_3191 = arith.constant 0 : i32
        %dma_wait3A_3192 = tpu.memref_slice %arg7[%dma_wait3A_3190, %dma_wait3A_3191] : memref<1600x32xf32, #tpu.memory_space<vmem>> -> memref<50x32xf32, #tpu.memory_space<vmem>>
        tpu.wait_dma2 semaphore(%arg11 : memref<!tpu.dma_semaphore, #tpu.memory_space<semaphore_mem>>) src(%dma_wait3A_3192 : memref<50x32xf32, #tpu.memory_space<vmem>>) dst(%dma_wait3A_3189 : memref<50x32xf32, #tpu.memory_space<hbm>>)
        %add3A_3193 = arith.constant 1 : i32
        %add3A_3194 = arith.addi %scan3A_980, %add3A_3193 : i32
        %mul3A_3195 = arith.constant 2 : i32
        %mul3A_3196 = arith.muli %add3A_3194, %mul3A_3195 : i32
        %add3A_3197 = arith.constant 1 : i32
        %add3A_3198 = arith.addi %mul3A_3196, %add3A_3197 : i32
        %mul3A_3199 = arith.constant 1600 : i32
        %mul3A_3200 = arith.muli %add3A_3198, %mul3A_3199 : i32
        %dma_start3A_3201 = tpu.memref_slice %arg5[%mul3A_3200] : memref<25600xi32, #tpu.memory_space<vmem>> -> memref<1600xi32, #tpu.memory_space<vmem>>
        %dma_start3A_3202 = arith.constant 0 : i32
        %dma_start3A_3203 = arith.constant 0 : i32
        %dma_start3A_3204 = tpu.memref_slice %arg3[%dma_start3A_3202, %dma_start3A_3203] : memref<1000000x32xf32, #tpu.memory_space<hbm>> -> memref<1000000x32xf32, #tpu.memory_space<hbm>>
        tpu.enqueue_indirect_dma source(%dma_start3A_3204 : memref<1000000x32xf32, #tpu.memory_space<hbm>>) target(%arg7 : memref<1600x32xf32, #tpu.memory_space<vmem>>) offsets(%dma_start3A_3201 : memref<1600xi32, #tpu.memory_space<vmem>>) semaphore(%arg9 : memref<!tpu.dma_semaphore, #tpu.memory_space<semaphore_mem>>)
      } else {
      }
    }
    %scan3A_20 = arith.constant 8 : i32
    %dma_wait3A = arith.constant 0 : i32
    %dma_wait3A_21 = arith.constant 0 : i32
    %dma_wait3A_22 = arith.constant 0 : i32
    %dma_wait3A_23 = tpu.memref_slice %arg6[%dma_wait3A_21, %dma_wait3A_22] : memref<1600x32xf32, #tpu.memory_space<vmem>> -> memref<50x32xf32, #tpu.memory_space<vmem>>
    %dma_wait3A_24 = arith.constant 0 : i32
    %dma_wait3A_25 = arith.constant 0 : i32
    %dma_wait3A_26 = tpu.memref_slice %arg4[%dma_wait3A, %dma_wait3A_24, %dma_wait3A_25] : memref<16384x50x32xf32, #tpu.memory_space<hbm>> -> memref<1x50x32xf32, #tpu.memory_space<hbm>>
    %dma_wait3A_27 = tpu.memref_squeeze %dma_wait3A_26 : memref<1x50x32xf32, #tpu.memory_space<hbm>> -> memref<50x32xf32, #tpu.memory_space<hbm>>
    %dma_wait3A_28 = arith.constant 0 : i32
    %dma_wait3A_29 = arith.constant 0 : i32
    %dma_wait3A_30 = tpu.memref_slice %arg4[%dma_wait3A, %dma_wait3A_28, %dma_wait3A_29] : memref<16384x50x32xf32, #tpu.memory_space<hbm>> -> memref<1x50x32xf32, #tpu.memory_space<hbm>>
    %dma_wait3A_31 = tpu.memref_squeeze %dma_wait3A_30 : memref<1x50x32xf32, #tpu.memory_space<hbm>> -> memref<50x32xf32, #tpu.memory_space<hbm>>
    %dma_wait3A_32 = arith.constant 0 : i32
    %dma_wait3A_33 = arith.constant 0 : i32
    %dma_wait3A_34 = tpu.memref_slice %arg6[%dma_wait3A_32, %dma_wait3A_33] : memref<1600x32xf32, #tpu.memory_space<vmem>> -> memref<50x32xf32, #tpu.memory_space<vmem>>
    tpu.wait_dma2 semaphore(%arg10 : memref<!tpu.dma_semaphore, #tpu.memory_space<semaphore_mem>>) src(%dma_wait3A_34 : memref<50x32xf32, #tpu.memory_space<vmem>>) dst(%dma_wait3A_31 : memref<50x32xf32, #tpu.memory_space<hbm>>)
    %dma_wait3A_35 = arith.constant 0 : i32
    %dma_wait3A_36 = arith.constant 0 : i32
    %dma_wait3A_37 = arith.constant 0 : i32
    %dma_wait3A_38 = tpu.memref_slice %arg6[%dma_wait3A_36, %dma_wait3A_37] : memref<1600x32xf32, #tpu.memory_space<vmem>> -> memref<50x32xf32, #tpu.memory_space<vmem>>
    %dma_wait3A_39 = arith.constant 0 : i32
    %dma_wait3A_40 = arith.constant 0 : i32
    %dma_wait3A_41 = tpu.memref_slice %arg4[%dma_wait3A_35, %dma_wait3A_39, %dma_wait3A_40] : memref<16384x50x32xf32, #tpu.memory_space<hbm>> -> memref<1x50x32xf32, #tpu.memory_space<hbm>>
    %dma_wait3A_42 = tpu.memref_squeeze %dma_wait3A_41 : memref<1x50x32xf32, #tpu.memory_space<hbm>> -> memref<50x32xf32, #tpu.memory_space<hbm>>
    %dma_wait3A_43 = arith.constant 0 : i32
    %dma_wait3A_44 = arith.constant 0 : i32
    %dma_wait3A_45 = tpu.memref_slice %arg4[%dma_wait3A_35, %dma_wait3A_43, %dma_wait3A_44] : memref<16384x50x32xf32, #tpu.memory_space<hbm>> -> memref<1x50x32xf32, #tpu.memory_space<hbm>>
    %dma_wait3A_46 = tpu.memref_squeeze %dma_wait3A_45 : memref<1x50x32xf32, #tpu.memory_space<hbm>> -> memref<50x32xf32, #tpu.memory_space<hbm>>
    %dma_wait3A_47 = arith.constant 0 : i32
    %dma_wait3A_48 = arith.constant 0 : i32
    %dma_wait3A_49 = tpu.memref_slice %arg6[%dma_wait3A_47, %dma_wait3A_48] : memref<1600x32xf32, #tpu.memory_space<vmem>> -> memref<50x32xf32, #tpu.memory_space<vmem>>
    tpu.wait_dma2 semaphore(%arg10 : memref<!tpu.dma_semaphore, #tpu.memory_space<semaphore_mem>>) src(%dma_wait3A_49 : memref<50x32xf32, #tpu.memory_space<vmem>>) dst(%dma_wait3A_46 : memref<50x32xf32, #tpu.memory_space<hbm>>)
    %dma_wait3A_50 = arith.constant 0 : i32
    %dma_wait3A_51 = arith.constant 0 : i32
    %dma_wait3A_52 = arith.constant 0 : i32
    %dma_wait3A_53 = tpu.memref_slice %arg6[%dma_wait3A_51, %dma_wait3A_52] : memref<1600x32xf32, #tpu.memory_space<vmem>> -> memref<50x32xf32, #tpu.memory_space<vmem>>
    %dma_wait3A_54 = arith.constant 0 : i32
    %dma_wait3A_55 = arith.constant 0 : i32
    %dma_wait3A_56 = tpu.memref_slice %arg4[%dma_wait3A_50, %dma_wait3A_54, %dma_wait3A_55] : memref<16384x50x32xf32, #tpu.memory_space<hbm>> -> memref<1x50x32xf32, #tpu.memory_space<hbm>>
    %dma_wait3A_57 = tpu.memref_squeeze %dma_wait3A_56 : memref<1x50x32xf32, #tpu.memory_space<hbm>> -> memref<50x32xf32, #tpu.memory_space<hbm>>
    %dma_wait3A_58 = arith.constant 0 : i32
    %dma_wait3A_59 = arith.constant 0 : i32
    %dma_wait3A_60 = tpu.memref_slice %arg4[%dma_wait3A_50, %dma_wait3A_58, %dma_wait3A_59] : memref<16384x50x32xf32, #tpu.memory_space<hbm>> -> memref<1x50x32xf32, #tpu.memory_space<hbm>>
    %dma_wait3A_61 = tpu.memref_squeeze %dma_wait3A_60 : memref<1x50x32xf32, #tpu.memory_space<hbm>> -> memref<50x32xf32, #tpu.memory_space<hbm>>
    %dma_wait3A_62 = arith.constant 0 : i32
    %dma_wait3A_63 = arith.constant 0 : i32
    %dma_wait3A_64 = tpu.memref_slice %arg6[%dma_wait3A_62, %dma_wait3A_63] : memref<1600x32xf32, #tpu.memory_space<vmem>> -> memref<50x32xf32, #tpu.memory_space<vmem>>
    tpu.wait_dma2 semaphore(%arg10 : memref<!tpu.dma_semaphore, #tpu.memory_space<semaphore_mem>>) src(%dma_wait3A_64 : memref<50x32xf32, #tpu.memory_space<vmem>>) dst(%dma_wait3A_61 : memref<50x32xf32, #tpu.memory_space<hbm>>)
    %dma_wait3A_65 = arith.constant 0 : i32
    %dma_wait3A_66 = arith.constant 0 : i32
    %dma_wait3A_67 = arith.constant 0 : i32
    %dma_wait3A_68 = tpu.memref_slice %arg6[%dma_wait3A_66, %dma_wait3A_67] : memref<1600x32xf32, #tpu.memory_space<vmem>> -> memref<50x32xf32, #tpu.memory_space<vmem>>
    %dma_wait3A_69 = arith.constant 0 : i32
    %dma_wait3A_70 = arith.constant 0 : i32
    %dma_wait3A_71 = tpu.memref_slice %arg4[%dma_wait3A_65, %dma_wait3A_69, %dma_wait3A_70] : memref<16384x50x32xf32, #tpu.memory_space<hbm>> -> memref<1x50x32xf32, #tpu.memory_space<hbm>>
    %dma_wait3A_72 = tpu.memref_squeeze %dma_wait3A_71 : memref<1x50x32xf32, #tpu.memory_space<hbm>> -> memref<50x32xf32, #tpu.memory_space<hbm>>
    %dma_wait3A_73 = arith.constant 0 : i32
    %dma_wait3A_74 = arith.constant 0 : i32
    %dma_wait3A_75 = tpu.memref_slice %arg4[%dma_wait3A_65, %dma_wait3A_73, %dma_wait3A_74] : memref<16384x50x32xf32, #tpu.memory_space<hbm>> -> memref<1x50x32xf32, #tpu.memory_space<hbm>>
    %dma_wait3A_76 = tpu.memref_squeeze %dma_wait3A_75 : memref<1x50x32xf32, #tpu.memory_space<hbm>> -> memref<50x32xf32, #tpu.memory_space<hbm>>
    %dma_wait3A_77 = arith.constant 0 : i32
    %dma_wait3A_78 = arith.constant 0 : i32
    %dma_wait3A_79 = tpu.memref_slice %arg6[%dma_wait3A_77, %dma_wait3A_78] : memref<1600x32xf32, #tpu.memory_space<vmem>> -> memref<50x32xf32, #tpu.memory_space<vmem>>
    tpu.wait_dma2 semaphore(%arg10 : memref<!tpu.dma_semaphore, #tpu.memory_space<semaphore_mem>>) src(%dma_wait3A_79 : memref<50x32xf32, #tpu.memory_space<vmem>>) dst(%dma_wait3A_76 : memref<50x32xf32, #tpu.memory_space<hbm>>)
    %dma_wait3A_80 = arith.constant 0 : i32
    %dma_wait3A_81 = arith.constant 0 : i32
    %dma_wait3A_82 = arith.constant 0 : i32
    %dma_wait3A_83 = tpu.memref_slice %arg6[%dma_wait3A_81, %dma_wait3A_82] : memref<1600x32xf32, #tpu.memory_space<vmem>> -> memref<50x32xf32, #tpu.memory_space<vmem>>
    %dma_wait3A_84 = arith.constant 0 : i32
    %dma_wait3A_85 = arith.constant 0 : i32
    %dma_wait3A_86 = tpu.memref_slice %arg4[%dma_wait3A_80, %dma_wait3A_84, %dma_wait3A_85] : memref<16384x50x32xf32, #tpu.memory_space<hbm>> -> memref<1x50x32xf32, #tpu.memory_space<hbm>>
    %dma_wait3A_87 = tpu.memref_squeeze %dma_wait3A_86 : memref<1x50x32xf32, #tpu.memory_space<hbm>> -> memref<50x32xf32, #tpu.memory_space<hbm>>
    %dma_wait3A_88 = arith.constant 0 : i32
    %dma_wait3A_89 = arith.constant 0 : i32
    %dma_wait3A_90 = tpu.memref_slice %arg4[%dma_wait3A_80, %dma_wait3A_88, %dma_wait3A_89] : memref<16384x50x32xf32, #tpu.memory_space<hbm>> -> memref<1x50x32xf32, #tpu.memory_space<hbm>>
    %dma_wait3A_91 = tpu.memref_squeeze %dma_wait3A_90 : memref<1x50x32xf32, #tpu.memory_space<hbm>> -> memref<50x32xf32, #tpu.memory_space<hbm>>
    %dma_wait3A_92 = arith.constant 0 : i32
    %dma_wait3A_93 = arith.constant 0 : i32
    %dma_wait3A_94 = tpu.memref_slice %arg6[%dma_wait3A_92, %dma_wait3A_93] : memref<1600x32xf32, #tpu.memory_space<vmem>> -> memref<50x32xf32, #tpu.memory_space<vmem>>
    tpu.wait_dma2 semaphore(%arg10 : memref<!tpu.dma_semaphore, #tpu.memory_space<semaphore_mem>>) src(%dma_wait3A_94 : memref<50x32xf32, #tpu.memory_space<vmem>>) dst(%dma_wait3A_91 : memref<50x32xf32, #tpu.memory_space<hbm>>)
    %dma_wait3A_95 = arith.constant 0 : i32
    %dma_wait3A_96 = arith.constant 0 : i32
    %dma_wait3A_97 = arith.constant 0 : i32
    %dma_wait3A_98 = tpu.memref_slice %arg6[%dma_wait3A_96, %dma_wait3A_97] : memref<1600x32xf32, #tpu.memory_space<vmem>> -> memref<50x32xf32, #tpu.memory_space<vmem>>
    %dma_wait3A_99 = arith.constant 0 : i32
    %dma_wait3A_100 = arith.constant 0 : i32
    %dma_wait3A_101 = tpu.memref_slice %arg4[%dma_wait3A_95, %dma_wait3A_99, %dma_wait3A_100] : memref<16384x50x32xf32, #tpu.memory_space<hbm>> -> memref<1x50x32xf32, #tpu.memory_space<hbm>>
    %dma_wait3A_102 = tpu.memref_squeeze %dma_wait3A_101 : memref<1x50x32xf32, #tpu.memory_space<hbm>> -> memref<50x32xf32, #tpu.memory_space<hbm>>
    %dma_wait3A_103 = arith.constant 0 : i32
    %dma_wait3A_104 = arith.constant 0 : i32
    %dma_wait3A_105 = tpu.memref_slice %arg4[%dma_wait3A_95, %dma_wait3A_103, %dma_wait3A_104] : memref<16384x50x32xf32, #tpu.memory_space<hbm>> -> memref<1x50x32xf32, #tpu.memory_space<hbm>>
    %dma_wait3A_106 = tpu.memref_squeeze %dma_wait3A_105 : memref<1x50x32xf32, #tpu.memory_space<hbm>> -> memref<50x32xf32, #tpu.memory_space<hbm>>
    %dma_wait3A_107 = arith.constant 0 : i32
    %dma_wait3A_108 = arith.constant 0 : i32
    %dma_wait3A_109 = tpu.memref_slice %arg6[%dma_wait3A_107, %dma_wait3A_108] : memref<1600x32xf32, #tpu.memory_space<vmem>> -> memref<50x32xf32, #tpu.memory_space<vmem>>
    tpu.wait_dma2 semaphore(%arg10 : memref<!tpu.dma_semaphore, #tpu.memory_space<semaphore_mem>>) src(%dma_wait3A_109 : memref<50x32xf32, #tpu.memory_space<vmem>>) dst(%dma_wait3A_106 : memref<50x32xf32, #tpu.memory_space<hbm>>)
    %dma_wait3A_110 = arith.constant 0 : i32
    %dma_wait3A_111 = arith.constant 0 : i32
    %dma_wait3A_112 = arith.constant 0 : i32
    %dma_wait3A_113 = tpu.memref_slice %arg6[%dma_wait3A_111, %dma_wait3A_112] : memref<1600x32xf32, #tpu.memory_space<vmem>> -> memref<50x32xf32, #tpu.memory_space<vmem>>
    %dma_wait3A_114 = arith.constant 0 : i32
    %dma_wait3A_115 = arith.constant 0 : i32
    %dma_wait3A_116 = tpu.memref_slice %arg4[%dma_wait3A_110, %dma_wait3A_114, %dma_wait3A_115] : memref<16384x50x32xf32, #tpu.memory_space<hbm>> -> memref<1x50x32xf32, #tpu.memory_space<hbm>>
    %dma_wait3A_117 = tpu.memref_squeeze %dma_wait3A_116 : memref<1x50x32xf32, #tpu.memory_space<hbm>> -> memref<50x32xf32, #tpu.memory_space<hbm>>
    %dma_wait3A_118 = arith.constant 0 : i32
    %dma_wait3A_119 = arith.constant 0 : i32
    %dma_wait3A_120 = tpu.memref_slice %arg4[%dma_wait3A_110, %dma_wait3A_118, %dma_wait3A_119] : memref<16384x50x32xf32, #tpu.memory_space<hbm>> -> memref<1x50x32xf32, #tpu.memory_space<hbm>>
    %dma_wait3A_121 = tpu.memref_squeeze %dma_wait3A_120 : memref<1x50x32xf32, #tpu.memory_space<hbm>> -> memref<50x32xf32, #tpu.memory_space<hbm>>
    %dma_wait3A_122 = arith.constant 0 : i32
    %dma_wait3A_123 = arith.constant 0 : i32
    %dma_wait3A_124 = tpu.memref_slice %arg6[%dma_wait3A_122, %dma_wait3A_123] : memref<1600x32xf32, #tpu.memory_space<vmem>> -> memref<50x32xf32, #tpu.memory_space<vmem>>
    tpu.wait_dma2 semaphore(%arg10 : memref<!tpu.dma_semaphore, #tpu.memory_space<semaphore_mem>>) src(%dma_wait3A_124 : memref<50x32xf32, #tpu.memory_space<vmem>>) dst(%dma_wait3A_121 : memref<50x32xf32, #tpu.memory_space<hbm>>)
    %dma_wait3A_125 = arith.constant 0 : i32
    %dma_wait3A_126 = arith.constant 0 : i32
    %dma_wait3A_127 = arith.constant 0 : i32
    %dma_wait3A_128 = tpu.memref_slice %arg6[%dma_wait3A_126, %dma_wait3A_127] : memref<1600x32xf32, #tpu.memory_space<vmem>> -> memref<50x32xf32, #tpu.memory_space<vmem>>
    %dma_wait3A_129 = arith.constant 0 : i32
    %dma_wait3A_130 = arith.constant 0 : i32
    %dma_wait3A_131 = tpu.memref_slice %arg4[%dma_wait3A_125, %dma_wait3A_129, %dma_wait3A_130] : memref<16384x50x32xf32, #tpu.memory_space<hbm>> -> memref<1x50x32xf32, #tpu.memory_space<hbm>>
    %dma_wait3A_132 = tpu.memref_squeeze %dma_wait3A_131 : memref<1x50x32xf32, #tpu.memory_space<hbm>> -> memref<50x32xf32, #tpu.memory_space<hbm>>
    %dma_wait3A_133 = arith.constant 0 : i32
    %dma_wait3A_134 = arith.constant 0 : i32
    %dma_wait3A_135 = tpu.memref_slice %arg4[%dma_wait3A_125, %dma_wait3A_133, %dma_wait3A_134] : memref<16384x50x32xf32, #tpu.memory_space<hbm>> -> memref<1x50x32xf32, #tpu.memory_space<hbm>>
    %dma_wait3A_136 = tpu.memref_squeeze %dma_wait3A_135 : memref<1x50x32xf32, #tpu.memory_space<hbm>> -> memref<50x32xf32, #tpu.memory_space<hbm>>
    %dma_wait3A_137 = arith.constant 0 : i32
    %dma_wait3A_138 = arith.constant 0 : i32
    %dma_wait3A_139 = tpu.memref_slice %arg6[%dma_wait3A_137, %dma_wait3A_138] : memref<1600x32xf32, #tpu.memory_space<vmem>> -> memref<50x32xf32, #tpu.memory_space<vmem>>
    tpu.wait_dma2 semaphore(%arg10 : memref<!tpu.dma_semaphore, #tpu.memory_space<semaphore_mem>>) src(%dma_wait3A_139 : memref<50x32xf32, #tpu.memory_space<vmem>>) dst(%dma_wait3A_136 : memref<50x32xf32, #tpu.memory_space<hbm>>)
    %dma_wait3A_140 = arith.constant 0 : i32
    %dma_wait3A_141 = arith.constant 0 : i32
    %dma_wait3A_142 = arith.constant 0 : i32
    %dma_wait3A_143 = tpu.memref_slice %arg6[%dma_wait3A_141, %dma_wait3A_142] : memref<1600x32xf32, #tpu.memory_space<vmem>> -> memref<50x32xf32, #tpu.memory_space<vmem>>
    %dma_wait3A_144 = arith.constant 0 : i32
    %dma_wait3A_145 = arith.constant 0 : i32
    %dma_wait3A_146 = tpu.memref_slice %arg4[%dma_wait3A_140, %dma_wait3A_144, %dma_wait3A_145] : memref<16384x50x32xf32, #tpu.memory_space<hbm>> -> memref<1x50x32xf32, #tpu.memory_space<hbm>>
    %dma_wait3A_147 = tpu.memref_squeeze %dma_wait3A_146 : memref<1x50x32xf32, #tpu.memory_space<hbm>> -> memref<50x32xf32, #tpu.memory_space<hbm>>
    %dma_wait3A_148 = arith.constant 0 : i32
    %dma_wait3A_149 = arith.constant 0 : i32
    %dma_wait3A_150 = tpu.memref_slice %arg4[%dma_wait3A_140, %dma_wait3A_148, %dma_wait3A_149] : memref<16384x50x32xf32, #tpu.memory_space<hbm>> -> memref<1x50x32xf32, #tpu.memory_space<hbm>>
    %dma_wait3A_151 = tpu.memref_squeeze %dma_wait3A_150 : memref<1x50x32xf32, #tpu.memory_space<hbm>> -> memref<50x32xf32, #tpu.memory_space<hbm>>
    %dma_wait3A_152 = arith.constant 0 : i32
    %dma_wait3A_153 = arith.constant 0 : i32
    %dma_wait3A_154 = tpu.memref_slice %arg6[%dma_wait3A_152, %dma_wait3A_153] : memref<1600x32xf32, #tpu.memory_space<vmem>> -> memref<50x32xf32, #tpu.memory_space<vmem>>
    tpu.wait_dma2 semaphore(%arg10 : memref<!tpu.dma_semaphore, #tpu.memory_space<semaphore_mem>>) src(%dma_wait3A_154 : memref<50x32xf32, #tpu.memory_space<vmem>>) dst(%dma_wait3A_151 : memref<50x32xf32, #tpu.memory_space<hbm>>)
    %dma_wait3A_155 = arith.constant 0 : i32
    %dma_wait3A_156 = arith.constant 0 : i32
    %dma_wait3A_157 = arith.constant 0 : i32
    %dma_wait3A_158 = tpu.memref_slice %arg6[%dma_wait3A_156, %dma_wait3A_157] : memref<1600x32xf32, #tpu.memory_space<vmem>> -> memref<50x32xf32, #tpu.memory_space<vmem>>
    %dma_wait3A_159 = arith.constant 0 : i32
    %dma_wait3A_160 = arith.constant 0 : i32
    %dma_wait3A_161 = tpu.memref_slice %arg4[%dma_wait3A_155, %dma_wait3A_159, %dma_wait3A_160] : memref<16384x50x32xf32, #tpu.memory_space<hbm>> -> memref<1x50x32xf32, #tpu.memory_space<hbm>>
    %dma_wait3A_162 = tpu.memref_squeeze %dma_wait3A_161 : memref<1x50x32xf32, #tpu.memory_space<hbm>> -> memref<50x32xf32, #tpu.memory_space<hbm>>
    %dma_wait3A_163 = arith.constant 0 : i32
    %dma_wait3A_164 = arith.constant 0 : i32
    %dma_wait3A_165 = tpu.memref_slice %arg4[%dma_wait3A_155, %dma_wait3A_163, %dma_wait3A_164] : memref<16384x50x32xf32, #tpu.memory_space<hbm>> -> memref<1x50x32xf32, #tpu.memory_space<hbm>>
    %dma_wait3A_166 = tpu.memref_squeeze %dma_wait3A_165 : memref<1x50x32xf32, #tpu.memory_space<hbm>> -> memref<50x32xf32, #tpu.memory_space<hbm>>
    %dma_wait3A_167 = arith.constant 0 : i32
    %dma_wait3A_168 = arith.constant 0 : i32
    %dma_wait3A_169 = tpu.memref_slice %arg6[%dma_wait3A_167, %dma_wait3A_168] : memref<1600x32xf32, #tpu.memory_space<vmem>> -> memref<50x32xf32, #tpu.memory_space<vmem>>
    tpu.wait_dma2 semaphore(%arg10 : memref<!tpu.dma_semaphore, #tpu.memory_space<semaphore_mem>>) src(%dma_wait3A_169 : memref<50x32xf32, #tpu.memory_space<vmem>>) dst(%dma_wait3A_166 : memref<50x32xf32, #tpu.memory_space<hbm>>)
    %dma_wait3A_170 = arith.constant 0 : i32
    %dma_wait3A_171 = arith.constant 0 : i32
    %dma_wait3A_172 = arith.constant 0 : i32
    %dma_wait3A_173 = tpu.memref_slice %arg6[%dma_wait3A_171, %dma_wait3A_172] : memref<1600x32xf32, #tpu.memory_space<vmem>> -> memref<50x32xf32, #tpu.memory_space<vmem>>
    %dma_wait3A_174 = arith.constant 0 : i32
    %dma_wait3A_175 = arith.constant 0 : i32
    %dma_wait3A_176 = tpu.memref_slice %arg4[%dma_wait3A_170, %dma_wait3A_174, %dma_wait3A_175] : memref<16384x50x32xf32, #tpu.memory_space<hbm>> -> memref<1x50x32xf32, #tpu.memory_space<hbm>>
    %dma_wait3A_177 = tpu.memref_squeeze %dma_wait3A_176 : memref<1x50x32xf32, #tpu.memory_space<hbm>> -> memref<50x32xf32, #tpu.memory_space<hbm>>
    %dma_wait3A_178 = arith.constant 0 : i32
    %dma_wait3A_179 = arith.constant 0 : i32
    %dma_wait3A_180 = tpu.memref_slice %arg4[%dma_wait3A_170, %dma_wait3A_178, %dma_wait3A_179] : memref<16384x50x32xf32, #tpu.memory_space<hbm>> -> memref<1x50x32xf32, #tpu.memory_space<hbm>>
    %dma_wait3A_181 = tpu.memref_squeeze %dma_wait3A_180 : memref<1x50x32xf32, #tpu.memory_space<hbm>> -> memref<50x32xf32, #tpu.memory_space<hbm>>
    %dma_wait3A_182 = arith.constant 0 : i32
    %dma_wait3A_183 = arith.constant 0 : i32
    %dma_wait3A_184 = tpu.memref_slice %arg6[%dma_wait3A_182, %dma_wait3A_183] : memref<1600x32xf32, #tpu.memory_space<vmem>> -> memref<50x32xf32, #tpu.memory_space<vmem>>
    tpu.wait_dma2 semaphore(%arg10 : memref<!tpu.dma_semaphore, #tpu.memory_space<semaphore_mem>>) src(%dma_wait3A_184 : memref<50x32xf32, #tpu.memory_space<vmem>>) dst(%dma_wait3A_181 : memref<50x32xf32, #tpu.memory_space<hbm>>)
    %dma_wait3A_185 = arith.constant 0 : i32
    %dma_wait3A_186 = arith.constant 0 : i32
    %dma_wait3A_187 = arith.constant 0 : i32
    %dma_wait3A_188 = tpu.memref_slice %arg6[%dma_wait3A_186, %dma_wait3A_187] : memref<1600x32xf32, #tpu.memory_space<vmem>> -> memref<50x32xf32, #tpu.memory_space<vmem>>
    %dma_wait3A_189 = arith.constant 0 : i32
    %dma_wait3A_190 = arith.constant 0 : i32
    %dma_wait3A_191 = tpu.memref_slice %arg4[%dma_wait3A_185, %dma_wait3A_189, %dma_wait3A_190] : memref<16384x50x32xf32, #tpu.memory_space<hbm>> -> memref<1x50x32xf32, #tpu.memory_space<hbm>>
    %dma_wait3A_192 = tpu.memref_squeeze %dma_wait3A_191 : memref<1x50x32xf32, #tpu.memory_space<hbm>> -> memref<50x32xf32, #tpu.memory_space<hbm>>
    %dma_wait3A_193 = arith.constant 0 : i32
    %dma_wait3A_194 = arith.constant 0 : i32
    %dma_wait3A_195 = tpu.memref_slice %arg4[%dma_wait3A_185, %dma_wait3A_193, %dma_wait3A_194] : memref<16384x50x32xf32, #tpu.memory_space<hbm>> -> memref<1x50x32xf32, #tpu.memory_space<hbm>>
    %dma_wait3A_196 = tpu.memref_squeeze %dma_wait3A_195 : memref<1x50x32xf32, #tpu.memory_space<hbm>> -> memref<50x32xf32, #tpu.memory_space<hbm>>
    %dma_wait3A_197 = arith.constant 0 : i32
    %dma_wait3A_198 = arith.constant 0 : i32
    %dma_wait3A_199 = tpu.memref_slice %arg6[%dma_wait3A_197, %dma_wait3A_198] : memref<1600x32xf32, #tpu.memory_space<vmem>> -> memref<50x32xf32, #tpu.memory_space<vmem>>
    tpu.wait_dma2 semaphore(%arg10 : memref<!tpu.dma_semaphore, #tpu.memory_space<semaphore_mem>>) src(%dma_wait3A_199 : memref<50x32xf32, #tpu.memory_space<vmem>>) dst(%dma_wait3A_196 : memref<50x32xf32, #tpu.memory_space<hbm>>)
    %dma_wait3A_200 = arith.constant 0 : i32
    %dma_wait3A_201 = arith.constant 0 : i32
    %dma_wait3A_202 = arith.constant 0 : i32
    %dma_wait3A_203 = tpu.memref_slice %arg6[%dma_wait3A_201, %dma_wait3A_202] : memref<1600x32xf32, #tpu.memory_space<vmem>> -> memref<50x32xf32, #tpu.memory_space<vmem>>
    %dma_wait3A_204 = arith.constant 0 : i32
    %dma_wait3A_205 = arith.constant 0 : i32
    %dma_wait3A_206 = tpu.memref_slice %arg4[%dma_wait3A_200, %dma_wait3A_204, %dma_wait3A_205] : memref<16384x50x32xf32, #tpu.memory_space<hbm>> -> memref<1x50x32xf32, #tpu.memory_space<hbm>>
    %dma_wait3A_207 = tpu.memref_squeeze %dma_wait3A_206 : memref<1x50x32xf32, #tpu.memory_space<hbm>> -> memref<50x32xf32, #tpu.memory_space<hbm>>
    %dma_wait3A_208 = arith.constant 0 : i32
    %dma_wait3A_209 = arith.constant 0 : i32
    %dma_wait3A_210 = tpu.memref_slice %arg4[%dma_wait3A_200, %dma_wait3A_208, %dma_wait3A_209] : memref<16384x50x32xf32, #tpu.memory_space<hbm>> -> memref<1x50x32xf32, #tpu.memory_space<hbm>>
    %dma_wait3A_211 = tpu.memref_squeeze %dma_wait3A_210 : memref<1x50x32xf32, #tpu.memory_space<hbm>> -> memref<50x32xf32, #tpu.memory_space<hbm>>
    %dma_wait3A_212 = arith.constant 0 : i32
    %dma_wait3A_213 = arith.constant 0 : i32
    %dma_wait3A_214 = tpu.memref_slice %arg6[%dma_wait3A_212, %dma_wait3A_213] : memref<1600x32xf32, #tpu.memory_space<vmem>> -> memref<50x32xf32, #tpu.memory_space<vmem>>
    tpu.wait_dma2 semaphore(%arg10 : memref<!tpu.dma_semaphore, #tpu.memory_space<semaphore_mem>>) src(%dma_wait3A_214 : memref<50x32xf32, #tpu.memory_space<vmem>>) dst(%dma_wait3A_211 : memref<50x32xf32, #tpu.memory_space<hbm>>)
    %dma_wait3A_215 = arith.constant 0 : i32
    %dma_wait3A_216 = arith.constant 0 : i32
    %dma_wait3A_217 = arith.constant 0 : i32
    %dma_wait3A_218 = tpu.memref_slice %arg6[%dma_wait3A_216, %dma_wait3A_217] : memref<1600x32xf32, #tpu.memory_space<vmem>> -> memref<50x32xf32, #tpu.memory_space<vmem>>
    %dma_wait3A_219 = arith.constant 0 : i32
    %dma_wait3A_220 = arith.constant 0 : i32
    %dma_wait3A_221 = tpu.memref_slice %arg4[%dma_wait3A_215, %dma_wait3A_219, %dma_wait3A_220] : memref<16384x50x32xf32, #tpu.memory_space<hbm>> -> memref<1x50x32xf32, #tpu.memory_space<hbm>>
    %dma_wait3A_222 = tpu.memref_squeeze %dma_wait3A_221 : memref<1x50x32xf32, #tpu.memory_space<hbm>> -> memref<50x32xf32, #tpu.memory_space<hbm>>
    %dma_wait3A_223 = arith.constant 0 : i32
    %dma_wait3A_224 = arith.constant 0 : i32
    %dma_wait3A_225 = tpu.memref_slice %arg4[%dma_wait3A_215, %dma_wait3A_223, %dma_wait3A_224] : memref<16384x50x32xf32, #tpu.memory_space<hbm>> -> memref<1x50x32xf32, #tpu.memory_space<hbm>>
    %dma_wait3A_226 = tpu.memref_squeeze %dma_wait3A_225 : memref<1x50x32xf32, #tpu.memory_space<hbm>> -> memref<50x32xf32, #tpu.memory_space<hbm>>
    %dma_wait3A_227 = arith.constant 0 : i32
    %dma_wait3A_228 = arith.constant 0 : i32
    %dma_wait3A_229 = tpu.memref_slice %arg6[%dma_wait3A_227, %dma_wait3A_228] : memref<1600x32xf32, #tpu.memory_space<vmem>> -> memref<50x32xf32, #tpu.memory_space<vmem>>
    tpu.wait_dma2 semaphore(%arg10 : memref<!tpu.dma_semaphore, #tpu.memory_space<semaphore_mem>>) src(%dma_wait3A_229 : memref<50x32xf32, #tpu.memory_space<vmem>>) dst(%dma_wait3A_226 : memref<50x32xf32, #tpu.memory_space<hbm>>)
    %dma_wait3A_230 = arith.constant 0 : i32
    %dma_wait3A_231 = arith.constant 0 : i32
    %dma_wait3A_232 = arith.constant 0 : i32
    %dma_wait3A_233 = tpu.memref_slice %arg6[%dma_wait3A_231, %dma_wait3A_232] : memref<1600x32xf32, #tpu.memory_space<vmem>> -> memref<50x32xf32, #tpu.memory_space<vmem>>
    %dma_wait3A_234 = arith.constant 0 : i32
    %dma_wait3A_235 = arith.constant 0 : i32
    %dma_wait3A_236 = tpu.memref_slice %arg4[%dma_wait3A_230, %dma_wait3A_234, %dma_wait3A_235] : memref<16384x50x32xf32, #tpu.memory_space<hbm>> -> memref<1x50x32xf32, #tpu.memory_space<hbm>>
    %dma_wait3A_237 = tpu.memref_squeeze %dma_wait3A_236 : memref<1x50x32xf32, #tpu.memory_space<hbm>> -> memref<50x32xf32, #tpu.memory_space<hbm>>
    %dma_wait3A_238 = arith.constant 0 : i32
    %dma_wait3A_239 = arith.constant 0 : i32
    %dma_wait3A_240 = tpu.memref_slice %arg4[%dma_wait3A_230, %dma_wait3A_238, %dma_wait3A_239] : memref<16384x50x32xf32, #tpu.memory_space<hbm>> -> memref<1x50x32xf32, #tpu.memory_space<hbm>>
    %dma_wait3A_241 = tpu.memref_squeeze %dma_wait3A_240 : memref<1x50x32xf32, #tpu.memory_space<hbm>> -> memref<50x32xf32, #tpu.memory_space<hbm>>
    %dma_wait3A_242 = arith.constant 0 : i32
    %dma_wait3A_243 = arith.constant 0 : i32
    %dma_wait3A_244 = tpu.memref_slice %arg6[%dma_wait3A_242, %dma_wait3A_243] : memref<1600x32xf32, #tpu.memory_space<vmem>> -> memref<50x32xf32, #tpu.memory_space<vmem>>
    tpu.wait_dma2 semaphore(%arg10 : memref<!tpu.dma_semaphore, #tpu.memory_space<semaphore_mem>>) src(%dma_wait3A_244 : memref<50x32xf32, #tpu.memory_space<vmem>>) dst(%dma_wait3A_241 : memref<50x32xf32, #tpu.memory_space<hbm>>)
    %dma_wait3A_245 = arith.constant 0 : i32
    %dma_wait3A_246 = arith.constant 0 : i32
    %dma_wait3A_247 = arith.constant 0 : i32
    %dma_wait3A_248 = tpu.memref_slice %arg6[%dma_wait3A_246, %dma_wait3A_247] : memref<1600x32xf32, #tpu.memory_space<vmem>> -> memref<50x32xf32, #tpu.memory_space<vmem>>
    %dma_wait3A_249 = arith.constant 0 : i32
    %dma_wait3A_250 = arith.constant 0 : i32
    %dma_wait3A_251 = tpu.memref_slice %arg4[%dma_wait3A_245, %dma_wait3A_249, %dma_wait3A_250] : memref<16384x50x32xf32, #tpu.memory_space<hbm>> -> memref<1x50x32xf32, #tpu.memory_space<hbm>>
    %dma_wait3A_252 = tpu.memref_squeeze %dma_wait3A_251 : memref<1x50x32xf32, #tpu.memory_space<hbm>> -> memref<50x32xf32, #tpu.memory_space<hbm>>
    %dma_wait3A_253 = arith.constant 0 : i32
    %dma_wait3A_254 = arith.constant 0 : i32
    %dma_wait3A_255 = tpu.memref_slice %arg4[%dma_wait3A_245, %dma_wait3A_253, %dma_wait3A_254] : memref<16384x50x32xf32, #tpu.memory_space<hbm>> -> memref<1x50x32xf32, #tpu.memory_space<hbm>>
    %dma_wait3A_256 = tpu.memref_squeeze %dma_wait3A_255 : memref<1x50x32xf32, #tpu.memory_space<hbm>> -> memref<50x32xf32, #tpu.memory_space<hbm>>
    %dma_wait3A_257 = arith.constant 0 : i32
    %dma_wait3A_258 = arith.constant 0 : i32
    %dma_wait3A_259 = tpu.memref_slice %arg6[%dma_wait3A_257, %dma_wait3A_258] : memref<1600x32xf32, #tpu.memory_space<vmem>> -> memref<50x32xf32, #tpu.memory_space<vmem>>
    tpu.wait_dma2 semaphore(%arg10 : memref<!tpu.dma_semaphore, #tpu.memory_space<semaphore_mem>>) src(%dma_wait3A_259 : memref<50x32xf32, #tpu.memory_space<vmem>>) dst(%dma_wait3A_256 : memref<50x32xf32, #tpu.memory_space<hbm>>)
    %dma_wait3A_260 = arith.constant 0 : i32
    %dma_wait3A_261 = arith.constant 0 : i32
    %dma_wait3A_262 = arith.constant 0 : i32
    %dma_wait3A_263 = tpu.memref_slice %arg6[%dma_wait3A_261, %dma_wait3A_262] : memref<1600x32xf32, #tpu.memory_space<vmem>> -> memref<50x32xf32, #tpu.memory_space<vmem>>
    %dma_wait3A_264 = arith.constant 0 : i32
    %dma_wait3A_265 = arith.constant 0 : i32
    %dma_wait3A_266 = tpu.memref_slice %arg4[%dma_wait3A_260, %dma_wait3A_264, %dma_wait3A_265] : memref<16384x50x32xf32, #tpu.memory_space<hbm>> -> memref<1x50x32xf32, #tpu.memory_space<hbm>>
    %dma_wait3A_267 = tpu.memref_squeeze %dma_wait3A_266 : memref<1x50x32xf32, #tpu.memory_space<hbm>> -> memref<50x32xf32, #tpu.memory_space<hbm>>
    %dma_wait3A_268 = arith.constant 0 : i32
    %dma_wait3A_269 = arith.constant 0 : i32
    %dma_wait3A_270 = tpu.memref_slice %arg4[%dma_wait3A_260, %dma_wait3A_268, %dma_wait3A_269] : memref<16384x50x32xf32, #tpu.memory_space<hbm>> -> memref<1x50x32xf32, #tpu.memory_space<hbm>>
    %dma_wait3A_271 = tpu.memref_squeeze %dma_wait3A_270 : memref<1x50x32xf32, #tpu.memory_space<hbm>> -> memref<50x32xf32, #tpu.memory_space<hbm>>
    %dma_wait3A_272 = arith.constant 0 : i32
    %dma_wait3A_273 = arith.constant 0 : i32
    %dma_wait3A_274 = tpu.memref_slice %arg6[%dma_wait3A_272, %dma_wait3A_273] : memref<1600x32xf32, #tpu.memory_space<vmem>> -> memref<50x32xf32, #tpu.memory_space<vmem>>
    tpu.wait_dma2 semaphore(%arg10 : memref<!tpu.dma_semaphore, #tpu.memory_space<semaphore_mem>>) src(%dma_wait3A_274 : memref<50x32xf32, #tpu.memory_space<vmem>>) dst(%dma_wait3A_271 : memref<50x32xf32, #tpu.memory_space<hbm>>)
    %dma_wait3A_275 = arith.constant 0 : i32
    %dma_wait3A_276 = arith.constant 0 : i32
    %dma_wait3A_277 = arith.constant 0 : i32
    %dma_wait3A_278 = tpu.memref_slice %arg6[%dma_wait3A_276, %dma_wait3A_277] : memref<1600x32xf32, #tpu.memory_space<vmem>> -> memref<50x32xf32, #tpu.memory_space<vmem>>
    %dma_wait3A_279 = arith.constant 0 : i32
    %dma_wait3A_280 = arith.constant 0 : i32
    %dma_wait3A_281 = tpu.memref_slice %arg4[%dma_wait3A_275, %dma_wait3A_279, %dma_wait3A_280] : memref<16384x50x32xf32, #tpu.memory_space<hbm>> -> memref<1x50x32xf32, #tpu.memory_space<hbm>>
    %dma_wait3A_282 = tpu.memref_squeeze %dma_wait3A_281 : memref<1x50x32xf32, #tpu.memory_space<hbm>> -> memref<50x32xf32, #tpu.memory_space<hbm>>
    %dma_wait3A_283 = arith.constant 0 : i32
    %dma_wait3A_284 = arith.constant 0 : i32
    %dma_wait3A_285 = tpu.memref_slice %arg4[%dma_wait3A_275, %dma_wait3A_283, %dma_wait3A_284] : memref<16384x50x32xf32, #tpu.memory_space<hbm>> -> memref<1x50x32xf32, #tpu.memory_space<hbm>>
    %dma_wait3A_286 = tpu.memref_squeeze %dma_wait3A_285 : memref<1x50x32xf32, #tpu.memory_space<hbm>> -> memref<50x32xf32, #tpu.memory_space<hbm>>
    %dma_wait3A_287 = arith.constant 0 : i32
    %dma_wait3A_288 = arith.constant 0 : i32
    %dma_wait3A_289 = tpu.memref_slice %arg6[%dma_wait3A_287, %dma_wait3A_288] : memref<1600x32xf32, #tpu.memory_space<vmem>> -> memref<50x32xf32, #tpu.memory_space<vmem>>
    tpu.wait_dma2 semaphore(%arg10 : memref<!tpu.dma_semaphore, #tpu.memory_space<semaphore_mem>>) src(%dma_wait3A_289 : memref<50x32xf32, #tpu.memory_space<vmem>>) dst(%dma_wait3A_286 : memref<50x32xf32, #tpu.memory_space<hbm>>)
    %dma_wait3A_290 = arith.constant 0 : i32
    %dma_wait3A_291 = arith.constant 0 : i32
    %dma_wait3A_292 = arith.constant 0 : i32
    %dma_wait3A_293 = tpu.memref_slice %arg6[%dma_wait3A_291, %dma_wait3A_292] : memref<1600x32xf32, #tpu.memory_space<vmem>> -> memref<50x32xf32, #tpu.memory_space<vmem>>
    %dma_wait3A_294 = arith.constant 0 : i32
    %dma_wait3A_295 = arith.constant 0 : i32
    %dma_wait3A_296 = tpu.memref_slice %arg4[%dma_wait3A_290, %dma_wait3A_294, %dma_wait3A_295] : memref<16384x50x32xf32, #tpu.memory_space<hbm>> -> memref<1x50x32xf32, #tpu.memory_space<hbm>>
    %dma_wait3A_297 = tpu.memref_squeeze %dma_wait3A_296 : memref<1x50x32xf32, #tpu.memory_space<hbm>> -> memref<50x32xf32, #tpu.memory_space<hbm>>
    %dma_wait3A_298 = arith.constant 0 : i32
    %dma_wait3A_299 = arith.constant 0 : i32
    %dma_wait3A_300 = tpu.memref_slice %arg4[%dma_wait3A_290, %dma_wait3A_298, %dma_wait3A_299] : memref<16384x50x32xf32, #tpu.memory_space<hbm>> -> memref<1x50x32xf32, #tpu.memory_space<hbm>>
    %dma_wait3A_301 = tpu.memref_squeeze %dma_wait3A_300 : memref<1x50x32xf32, #tpu.memory_space<hbm>> -> memref<50x32xf32, #tpu.memory_space<hbm>>
    %dma_wait3A_302 = arith.constant 0 : i32
    %dma_wait3A_303 = arith.constant 0 : i32
    %dma_wait3A_304 = tpu.memref_slice %arg6[%dma_wait3A_302, %dma_wait3A_303] : memref<1600x32xf32, #tpu.memory_space<vmem>> -> memref<50x32xf32, #tpu.memory_space<vmem>>
    tpu.wait_dma2 semaphore(%arg10 : memref<!tpu.dma_semaphore, #tpu.memory_space<semaphore_mem>>) src(%dma_wait3A_304 : memref<50x32xf32, #tpu.memory_space<vmem>>) dst(%dma_wait3A_301 : memref<50x32xf32, #tpu.memory_space<hbm>>)
    %dma_wait3A_305 = arith.constant 0 : i32
    %dma_wait3A_306 = arith.constant 0 : i32
    %dma_wait3A_307 = arith.constant 0 : i32
    %dma_wait3A_308 = tpu.memref_slice %arg6[%dma_wait3A_306, %dma_wait3A_307] : memref<1600x32xf32, #tpu.memory_space<vmem>> -> memref<50x32xf32, #tpu.memory_space<vmem>>
    %dma_wait3A_309 = arith.constant 0 : i32
    %dma_wait3A_310 = arith.constant 0 : i32
    %dma_wait3A_311 = tpu.memref_slice %arg4[%dma_wait3A_305, %dma_wait3A_309, %dma_wait3A_310] : memref<16384x50x32xf32, #tpu.memory_space<hbm>> -> memref<1x50x32xf32, #tpu.memory_space<hbm>>
    %dma_wait3A_312 = tpu.memref_squeeze %dma_wait3A_311 : memref<1x50x32xf32, #tpu.memory_space<hbm>> -> memref<50x32xf32, #tpu.memory_space<hbm>>
    %dma_wait3A_313 = arith.constant 0 : i32
    %dma_wait3A_314 = arith.constant 0 : i32
    %dma_wait3A_315 = tpu.memref_slice %arg4[%dma_wait3A_305, %dma_wait3A_313, %dma_wait3A_314] : memref<16384x50x32xf32, #tpu.memory_space<hbm>> -> memref<1x50x32xf32, #tpu.memory_space<hbm>>
    %dma_wait3A_316 = tpu.memref_squeeze %dma_wait3A_315 : memref<1x50x32xf32, #tpu.memory_space<hbm>> -> memref<50x32xf32, #tpu.memory_space<hbm>>
    %dma_wait3A_317 = arith.constant 0 : i32
    %dma_wait3A_318 = arith.constant 0 : i32
    %dma_wait3A_319 = tpu.memref_slice %arg6[%dma_wait3A_317, %dma_wait3A_318] : memref<1600x32xf32, #tpu.memory_space<vmem>> -> memref<50x32xf32, #tpu.memory_space<vmem>>
    tpu.wait_dma2 semaphore(%arg10 : memref<!tpu.dma_semaphore, #tpu.memory_space<semaphore_mem>>) src(%dma_wait3A_319 : memref<50x32xf32, #tpu.memory_space<vmem>>) dst(%dma_wait3A_316 : memref<50x32xf32, #tpu.memory_space<hbm>>)
    %dma_wait3A_320 = arith.constant 0 : i32
    %dma_wait3A_321 = arith.constant 0 : i32
    %dma_wait3A_322 = arith.constant 0 : i32
    %dma_wait3A_323 = tpu.memref_slice %arg6[%dma_wait3A_321, %dma_wait3A_322] : memref<1600x32xf32, #tpu.memory_space<vmem>> -> memref<50x32xf32, #tpu.memory_space<vmem>>
    %dma_wait3A_324 = arith.constant 0 : i32
    %dma_wait3A_325 = arith.constant 0 : i32
    %dma_wait3A_326 = tpu.memref_slice %arg4[%dma_wait3A_320, %dma_wait3A_324, %dma_wait3A_325] : memref<16384x50x32xf32, #tpu.memory_space<hbm>> -> memref<1x50x32xf32, #tpu.memory_space<hbm>>
    %dma_wait3A_327 = tpu.memref_squeeze %dma_wait3A_326 : memref<1x50x32xf32, #tpu.memory_space<hbm>> -> memref<50x32xf32, #tpu.memory_space<hbm>>
    %dma_wait3A_328 = arith.constant 0 : i32
    %dma_wait3A_329 = arith.constant 0 : i32
    %dma_wait3A_330 = tpu.memref_slice %arg4[%dma_wait3A_320, %dma_wait3A_328, %dma_wait3A_329] : memref<16384x50x32xf32, #tpu.memory_space<hbm>> -> memref<1x50x32xf32, #tpu.memory_space<hbm>>
    %dma_wait3A_331 = tpu.memref_squeeze %dma_wait3A_330 : memref<1x50x32xf32, #tpu.memory_space<hbm>> -> memref<50x32xf32, #tpu.memory_space<hbm>>
    %dma_wait3A_332 = arith.constant 0 : i32
    %dma_wait3A_333 = arith.constant 0 : i32
    %dma_wait3A_334 = tpu.memref_slice %arg6[%dma_wait3A_332, %dma_wait3A_333] : memref<1600x32xf32, #tpu.memory_space<vmem>> -> memref<50x32xf32, #tpu.memory_space<vmem>>
    tpu.wait_dma2 semaphore(%arg10 : memref<!tpu.dma_semaphore, #tpu.memory_space<semaphore_mem>>) src(%dma_wait3A_334 : memref<50x32xf32, #tpu.memory_space<vmem>>) dst(%dma_wait3A_331 : memref<50x32xf32, #tpu.memory_space<hbm>>)
    %dma_wait3A_335 = arith.constant 0 : i32
    %dma_wait3A_336 = arith.constant 0 : i32
    %dma_wait3A_337 = arith.constant 0 : i32
    %dma_wait3A_338 = tpu.memref_slice %arg6[%dma_wait3A_336, %dma_wait3A_337] : memref<1600x32xf32, #tpu.memory_space<vmem>> -> memref<50x32xf32, #tpu.memory_space<vmem>>
    %dma_wait3A_339 = arith.constant 0 : i32
    %dma_wait3A_340 = arith.constant 0 : i32
    %dma_wait3A_341 = tpu.memref_slice %arg4[%dma_wait3A_335, %dma_wait3A_339, %dma_wait3A_340] : memref<16384x50x32xf32, #tpu.memory_space<hbm>> -> memref<1x50x32xf32, #tpu.memory_space<hbm>>
    %dma_wait3A_342 = tpu.memref_squeeze %dma_wait3A_341 : memref<1x50x32xf32, #tpu.memory_space<hbm>> -> memref<50x32xf32, #tpu.memory_space<hbm>>
    %dma_wait3A_343 = arith.constant 0 : i32
    %dma_wait3A_344 = arith.constant 0 : i32
    %dma_wait3A_345 = tpu.memref_slice %arg4[%dma_wait3A_335, %dma_wait3A_343, %dma_wait3A_344] : memref<16384x50x32xf32, #tpu.memory_space<hbm>> -> memref<1x50x32xf32, #tpu.memory_space<hbm>>
    %dma_wait3A_346 = tpu.memref_squeeze %dma_wait3A_345 : memref<1x50x32xf32, #tpu.memory_space<hbm>> -> memref<50x32xf32, #tpu.memory_space<hbm>>
    %dma_wait3A_347 = arith.constant 0 : i32
    %dma_wait3A_348 = arith.constant 0 : i32
    %dma_wait3A_349 = tpu.memref_slice %arg6[%dma_wait3A_347, %dma_wait3A_348] : memref<1600x32xf32, #tpu.memory_space<vmem>> -> memref<50x32xf32, #tpu.memory_space<vmem>>
    tpu.wait_dma2 semaphore(%arg10 : memref<!tpu.dma_semaphore, #tpu.memory_space<semaphore_mem>>) src(%dma_wait3A_349 : memref<50x32xf32, #tpu.memory_space<vmem>>) dst(%dma_wait3A_346 : memref<50x32xf32, #tpu.memory_space<hbm>>)
    %dma_wait3A_350 = arith.constant 0 : i32
    %dma_wait3A_351 = arith.constant 0 : i32
    %dma_wait3A_352 = arith.constant 0 : i32
    %dma_wait3A_353 = tpu.memref_slice %arg6[%dma_wait3A_351, %dma_wait3A_352] : memref<1600x32xf32, #tpu.memory_space<vmem>> -> memref<50x32xf32, #tpu.memory_space<vmem>>
    %dma_wait3A_354 = arith.constant 0 : i32
    %dma_wait3A_355 = arith.constant 0 : i32
    %dma_wait3A_356 = tpu.memref_slice %arg4[%dma_wait3A_350, %dma_wait3A_354, %dma_wait3A_355] : memref<16384x50x32xf32, #tpu.memory_space<hbm>> -> memref<1x50x32xf32, #tpu.memory_space<hbm>>
    %dma_wait3A_357 = tpu.memref_squeeze %dma_wait3A_356 : memref<1x50x32xf32, #tpu.memory_space<hbm>> -> memref<50x32xf32, #tpu.memory_space<hbm>>
    %dma_wait3A_358 = arith.constant 0 : i32
    %dma_wait3A_359 = arith.constant 0 : i32
    %dma_wait3A_360 = tpu.memref_slice %arg4[%dma_wait3A_350, %dma_wait3A_358, %dma_wait3A_359] : memref<16384x50x32xf32, #tpu.memory_space<hbm>> -> memref<1x50x32xf32, #tpu.memory_space<hbm>>
    %dma_wait3A_361 = tpu.memref_squeeze %dma_wait3A_360 : memref<1x50x32xf32, #tpu.memory_space<hbm>> -> memref<50x32xf32, #tpu.memory_space<hbm>>
    %dma_wait3A_362 = arith.constant 0 : i32
    %dma_wait3A_363 = arith.constant 0 : i32
    %dma_wait3A_364 = tpu.memref_slice %arg6[%dma_wait3A_362, %dma_wait3A_363] : memref<1600x32xf32, #tpu.memory_space<vmem>> -> memref<50x32xf32, #tpu.memory_space<vmem>>
    tpu.wait_dma2 semaphore(%arg10 : memref<!tpu.dma_semaphore, #tpu.memory_space<semaphore_mem>>) src(%dma_wait3A_364 : memref<50x32xf32, #tpu.memory_space<vmem>>) dst(%dma_wait3A_361 : memref<50x32xf32, #tpu.memory_space<hbm>>)
    %dma_wait3A_365 = arith.constant 0 : i32
    %dma_wait3A_366 = arith.constant 0 : i32
    %dma_wait3A_367 = arith.constant 0 : i32
    %dma_wait3A_368 = tpu.memref_slice %arg6[%dma_wait3A_366, %dma_wait3A_367] : memref<1600x32xf32, #tpu.memory_space<vmem>> -> memref<50x32xf32, #tpu.memory_space<vmem>>
    %dma_wait3A_369 = arith.constant 0 : i32
    %dma_wait3A_370 = arith.constant 0 : i32
    %dma_wait3A_371 = tpu.memref_slice %arg4[%dma_wait3A_365, %dma_wait3A_369, %dma_wait3A_370] : memref<16384x50x32xf32, #tpu.memory_space<hbm>> -> memref<1x50x32xf32, #tpu.memory_space<hbm>>
    %dma_wait3A_372 = tpu.memref_squeeze %dma_wait3A_371 : memref<1x50x32xf32, #tpu.memory_space<hbm>> -> memref<50x32xf32, #tpu.memory_space<hbm>>
    %dma_wait3A_373 = arith.constant 0 : i32
    %dma_wait3A_374 = arith.constant 0 : i32
    %dma_wait3A_375 = tpu.memref_slice %arg4[%dma_wait3A_365, %dma_wait3A_373, %dma_wait3A_374] : memref<16384x50x32xf32, #tpu.memory_space<hbm>> -> memref<1x50x32xf32, #tpu.memory_space<hbm>>
    %dma_wait3A_376 = tpu.memref_squeeze %dma_wait3A_375 : memref<1x50x32xf32, #tpu.memory_space<hbm>> -> memref<50x32xf32, #tpu.memory_space<hbm>>
    %dma_wait3A_377 = arith.constant 0 : i32
    %dma_wait3A_378 = arith.constant 0 : i32
    %dma_wait3A_379 = tpu.memref_slice %arg6[%dma_wait3A_377, %dma_wait3A_378] : memref<1600x32xf32, #tpu.memory_space<vmem>> -> memref<50x32xf32, #tpu.memory_space<vmem>>
    tpu.wait_dma2 semaphore(%arg10 : memref<!tpu.dma_semaphore, #tpu.memory_space<semaphore_mem>>) src(%dma_wait3A_379 : memref<50x32xf32, #tpu.memory_space<vmem>>) dst(%dma_wait3A_376 : memref<50x32xf32, #tpu.memory_space<hbm>>)
    %dma_wait3A_380 = arith.constant 0 : i32
    %dma_wait3A_381 = arith.constant 0 : i32
    %dma_wait3A_382 = arith.constant 0 : i32
    %dma_wait3A_383 = tpu.memref_slice %arg6[%dma_wait3A_381, %dma_wait3A_382] : memref<1600x32xf32, #tpu.memory_space<vmem>> -> memref<50x32xf32, #tpu.memory_space<vmem>>
    %dma_wait3A_384 = arith.constant 0 : i32
    %dma_wait3A_385 = arith.constant 0 : i32
    %dma_wait3A_386 = tpu.memref_slice %arg4[%dma_wait3A_380, %dma_wait3A_384, %dma_wait3A_385] : memref<16384x50x32xf32, #tpu.memory_space<hbm>> -> memref<1x50x32xf32, #tpu.memory_space<hbm>>
    %dma_wait3A_387 = tpu.memref_squeeze %dma_wait3A_386 : memref<1x50x32xf32, #tpu.memory_space<hbm>> -> memref<50x32xf32, #tpu.memory_space<hbm>>
    %dma_wait3A_388 = arith.constant 0 : i32
    %dma_wait3A_389 = arith.constant 0 : i32
    %dma_wait3A_390 = tpu.memref_slice %arg4[%dma_wait3A_380, %dma_wait3A_388, %dma_wait3A_389] : memref<16384x50x32xf32, #tpu.memory_space<hbm>> -> memref<1x50x32xf32, #tpu.memory_space<hbm>>
    %dma_wait3A_391 = tpu.memref_squeeze %dma_wait3A_390 : memref<1x50x32xf32, #tpu.memory_space<hbm>> -> memref<50x32xf32, #tpu.memory_space<hbm>>
    %dma_wait3A_392 = arith.constant 0 : i32
    %dma_wait3A_393 = arith.constant 0 : i32
    %dma_wait3A_394 = tpu.memref_slice %arg6[%dma_wait3A_392, %dma_wait3A_393] : memref<1600x32xf32, #tpu.memory_space<vmem>> -> memref<50x32xf32, #tpu.memory_space<vmem>>
    tpu.wait_dma2 semaphore(%arg10 : memref<!tpu.dma_semaphore, #tpu.memory_space<semaphore_mem>>) src(%dma_wait3A_394 : memref<50x32xf32, #tpu.memory_space<vmem>>) dst(%dma_wait3A_391 : memref<50x32xf32, #tpu.memory_space<hbm>>)
    %dma_wait3A_395 = arith.constant 0 : i32
    %dma_wait3A_396 = arith.constant 0 : i32
    %dma_wait3A_397 = arith.constant 0 : i32
    %dma_wait3A_398 = tpu.memref_slice %arg6[%dma_wait3A_396, %dma_wait3A_397] : memref<1600x32xf32, #tpu.memory_space<vmem>> -> memref<50x32xf32, #tpu.memory_space<vmem>>
    %dma_wait3A_399 = arith.constant 0 : i32
    %dma_wait3A_400 = arith.constant 0 : i32
    %dma_wait3A_401 = tpu.memref_slice %arg4[%dma_wait3A_395, %dma_wait3A_399, %dma_wait3A_400] : memref<16384x50x32xf32, #tpu.memory_space<hbm>> -> memref<1x50x32xf32, #tpu.memory_space<hbm>>
    %dma_wait3A_402 = tpu.memref_squeeze %dma_wait3A_401 : memref<1x50x32xf32, #tpu.memory_space<hbm>> -> memref<50x32xf32, #tpu.memory_space<hbm>>
    %dma_wait3A_403 = arith.constant 0 : i32
    %dma_wait3A_404 = arith.constant 0 : i32
    %dma_wait3A_405 = tpu.memref_slice %arg4[%dma_wait3A_395, %dma_wait3A_403, %dma_wait3A_404] : memref<16384x50x32xf32, #tpu.memory_space<hbm>> -> memref<1x50x32xf32, #tpu.memory_space<hbm>>
    %dma_wait3A_406 = tpu.memref_squeeze %dma_wait3A_405 : memref<1x50x32xf32, #tpu.memory_space<hbm>> -> memref<50x32xf32, #tpu.memory_space<hbm>>
    %dma_wait3A_407 = arith.constant 0 : i32
    %dma_wait3A_408 = arith.constant 0 : i32
    %dma_wait3A_409 = tpu.memref_slice %arg6[%dma_wait3A_407, %dma_wait3A_408] : memref<1600x32xf32, #tpu.memory_space<vmem>> -> memref<50x32xf32, #tpu.memory_space<vmem>>
    tpu.wait_dma2 semaphore(%arg10 : memref<!tpu.dma_semaphore, #tpu.memory_space<semaphore_mem>>) src(%dma_wait3A_409 : memref<50x32xf32, #tpu.memory_space<vmem>>) dst(%dma_wait3A_406 : memref<50x32xf32, #tpu.memory_space<hbm>>)
    %dma_wait3A_410 = arith.constant 0 : i32
    %dma_wait3A_411 = arith.constant 0 : i32
    %dma_wait3A_412 = arith.constant 0 : i32
    %dma_wait3A_413 = tpu.memref_slice %arg6[%dma_wait3A_411, %dma_wait3A_412] : memref<1600x32xf32, #tpu.memory_space<vmem>> -> memref<50x32xf32, #tpu.memory_space<vmem>>
    %dma_wait3A_414 = arith.constant 0 : i32
    %dma_wait3A_415 = arith.constant 0 : i32
    %dma_wait3A_416 = tpu.memref_slice %arg4[%dma_wait3A_410, %dma_wait3A_414, %dma_wait3A_415] : memref<16384x50x32xf32, #tpu.memory_space<hbm>> -> memref<1x50x32xf32, #tpu.memory_space<hbm>>
    %dma_wait3A_417 = tpu.memref_squeeze %dma_wait3A_416 : memref<1x50x32xf32, #tpu.memory_space<hbm>> -> memref<50x32xf32, #tpu.memory_space<hbm>>
    %dma_wait3A_418 = arith.constant 0 : i32
    %dma_wait3A_419 = arith.constant 0 : i32
    %dma_wait3A_420 = tpu.memref_slice %arg4[%dma_wait3A_410, %dma_wait3A_418, %dma_wait3A_419] : memref<16384x50x32xf32, #tpu.memory_space<hbm>> -> memref<1x50x32xf32, #tpu.memory_space<hbm>>
    %dma_wait3A_421 = tpu.memref_squeeze %dma_wait3A_420 : memref<1x50x32xf32, #tpu.memory_space<hbm>> -> memref<50x32xf32, #tpu.memory_space<hbm>>
    %dma_wait3A_422 = arith.constant 0 : i32
    %dma_wait3A_423 = arith.constant 0 : i32
    %dma_wait3A_424 = tpu.memref_slice %arg6[%dma_wait3A_422, %dma_wait3A_423] : memref<1600x32xf32, #tpu.memory_space<vmem>> -> memref<50x32xf32, #tpu.memory_space<vmem>>
    tpu.wait_dma2 semaphore(%arg10 : memref<!tpu.dma_semaphore, #tpu.memory_space<semaphore_mem>>) src(%dma_wait3A_424 : memref<50x32xf32, #tpu.memory_space<vmem>>) dst(%dma_wait3A_421 : memref<50x32xf32, #tpu.memory_space<hbm>>)
    %dma_wait3A_425 = arith.constant 0 : i32
    %dma_wait3A_426 = arith.constant 0 : i32
    %dma_wait3A_427 = arith.constant 0 : i32
    %dma_wait3A_428 = tpu.memref_slice %arg6[%dma_wait3A_426, %dma_wait3A_427] : memref<1600x32xf32, #tpu.memory_space<vmem>> -> memref<50x32xf32, #tpu.memory_space<vmem>>
    %dma_wait3A_429 = arith.constant 0 : i32
    %dma_wait3A_430 = arith.constant 0 : i32
    %dma_wait3A_431 = tpu.memref_slice %arg4[%dma_wait3A_425, %dma_wait3A_429, %dma_wait3A_430] : memref<16384x50x32xf32, #tpu.memory_space<hbm>> -> memref<1x50x32xf32, #tpu.memory_space<hbm>>
    %dma_wait3A_432 = tpu.memref_squeeze %dma_wait3A_431 : memref<1x50x32xf32, #tpu.memory_space<hbm>> -> memref<50x32xf32, #tpu.memory_space<hbm>>
    %dma_wait3A_433 = arith.constant 0 : i32
    %dma_wait3A_434 = arith.constant 0 : i32
    %dma_wait3A_435 = tpu.memref_slice %arg4[%dma_wait3A_425, %dma_wait3A_433, %dma_wait3A_434] : memref<16384x50x32xf32, #tpu.memory_space<hbm>> -> memref<1x50x32xf32, #tpu.memory_space<hbm>>
    %dma_wait3A_436 = tpu.memref_squeeze %dma_wait3A_435 : memref<1x50x32xf32, #tpu.memory_space<hbm>> -> memref<50x32xf32, #tpu.memory_space<hbm>>
    %dma_wait3A_437 = arith.constant 0 : i32
    %dma_wait3A_438 = arith.constant 0 : i32
    %dma_wait3A_439 = tpu.memref_slice %arg6[%dma_wait3A_437, %dma_wait3A_438] : memref<1600x32xf32, #tpu.memory_space<vmem>> -> memref<50x32xf32, #tpu.memory_space<vmem>>
    tpu.wait_dma2 semaphore(%arg10 : memref<!tpu.dma_semaphore, #tpu.memory_space<semaphore_mem>>) src(%dma_wait3A_439 : memref<50x32xf32, #tpu.memory_space<vmem>>) dst(%dma_wait3A_436 : memref<50x32xf32, #tpu.memory_space<hbm>>)
    %dma_wait3A_440 = arith.constant 0 : i32
    %dma_wait3A_441 = arith.constant 0 : i32
    %dma_wait3A_442 = arith.constant 0 : i32
    %dma_wait3A_443 = tpu.memref_slice %arg6[%dma_wait3A_441, %dma_wait3A_442] : memref<1600x32xf32, #tpu.memory_space<vmem>> -> memref<50x32xf32, #tpu.memory_space<vmem>>
    %dma_wait3A_444 = arith.constant 0 : i32
    %dma_wait3A_445 = arith.constant 0 : i32
    %dma_wait3A_446 = tpu.memref_slice %arg4[%dma_wait3A_440, %dma_wait3A_444, %dma_wait3A_445] : memref<16384x50x32xf32, #tpu.memory_space<hbm>> -> memref<1x50x32xf32, #tpu.memory_space<hbm>>
    %dma_wait3A_447 = tpu.memref_squeeze %dma_wait3A_446 : memref<1x50x32xf32, #tpu.memory_space<hbm>> -> memref<50x32xf32, #tpu.memory_space<hbm>>
    %dma_wait3A_448 = arith.constant 0 : i32
    %dma_wait3A_449 = arith.constant 0 : i32
    %dma_wait3A_450 = tpu.memref_slice %arg4[%dma_wait3A_440, %dma_wait3A_448, %dma_wait3A_449] : memref<16384x50x32xf32, #tpu.memory_space<hbm>> -> memref<1x50x32xf32, #tpu.memory_space<hbm>>
    %dma_wait3A_451 = tpu.memref_squeeze %dma_wait3A_450 : memref<1x50x32xf32, #tpu.memory_space<hbm>> -> memref<50x32xf32, #tpu.memory_space<hbm>>
    %dma_wait3A_452 = arith.constant 0 : i32
    %dma_wait3A_453 = arith.constant 0 : i32
    %dma_wait3A_454 = tpu.memref_slice %arg6[%dma_wait3A_452, %dma_wait3A_453] : memref<1600x32xf32, #tpu.memory_space<vmem>> -> memref<50x32xf32, #tpu.memory_space<vmem>>
    tpu.wait_dma2 semaphore(%arg10 : memref<!tpu.dma_semaphore, #tpu.memory_space<semaphore_mem>>) src(%dma_wait3A_454 : memref<50x32xf32, #tpu.memory_space<vmem>>) dst(%dma_wait3A_451 : memref<50x32xf32, #tpu.memory_space<hbm>>)
    %dma_wait3A_455 = arith.constant 0 : i32
    %dma_wait3A_456 = arith.constant 0 : i32
    %dma_wait3A_457 = arith.constant 0 : i32
    %dma_wait3A_458 = tpu.memref_slice %arg6[%dma_wait3A_456, %dma_wait3A_457] : memref<1600x32xf32, #tpu.memory_space<vmem>> -> memref<50x32xf32, #tpu.memory_space<vmem>>
    %dma_wait3A_459 = arith.constant 0 : i32
    %dma_wait3A_460 = arith.constant 0 : i32
    %dma_wait3A_461 = tpu.memref_slice %arg4[%dma_wait3A_455, %dma_wait3A_459, %dma_wait3A_460] : memref<16384x50x32xf32, #tpu.memory_space<hbm>> -> memref<1x50x32xf32, #tpu.memory_space<hbm>>
    %dma_wait3A_462 = tpu.memref_squeeze %dma_wait3A_461 : memref<1x50x32xf32, #tpu.memory_space<hbm>> -> memref<50x32xf32, #tpu.memory_space<hbm>>
    %dma_wait3A_463 = arith.constant 0 : i32
    %dma_wait3A_464 = arith.constant 0 : i32
    %dma_wait3A_465 = tpu.memref_slice %arg4[%dma_wait3A_455, %dma_wait3A_463, %dma_wait3A_464] : memref<16384x50x32xf32, #tpu.memory_space<hbm>> -> memref<1x50x32xf32, #tpu.memory_space<hbm>>
    %dma_wait3A_466 = tpu.memref_squeeze %dma_wait3A_465 : memref<1x50x32xf32, #tpu.memory_space<hbm>> -> memref<50x32xf32, #tpu.memory_space<hbm>>
    %dma_wait3A_467 = arith.constant 0 : i32
    %dma_wait3A_468 = arith.constant 0 : i32
    %dma_wait3A_469 = tpu.memref_slice %arg6[%dma_wait3A_467, %dma_wait3A_468] : memref<1600x32xf32, #tpu.memory_space<vmem>> -> memref<50x32xf32, #tpu.memory_space<vmem>>
    tpu.wait_dma2 semaphore(%arg10 : memref<!tpu.dma_semaphore, #tpu.memory_space<semaphore_mem>>) src(%dma_wait3A_469 : memref<50x32xf32, #tpu.memory_space<vmem>>) dst(%dma_wait3A_466 : memref<50x32xf32, #tpu.memory_space<hbm>>)
    %dma_wait3A_470 = arith.constant 0 : i32
    %dma_wait3A_471 = arith.constant 0 : i32
    %dma_wait3A_472 = arith.constant 0 : i32
    %dma_wait3A_473 = tpu.memref_slice %arg6[%dma_wait3A_471, %dma_wait3A_472] : memref<1600x32xf32, #tpu.memory_space<vmem>> -> memref<50x32xf32, #tpu.memory_space<vmem>>
    %dma_wait3A_474 = arith.constant 0 : i32
    %dma_wait3A_475 = arith.constant 0 : i32
    %dma_wait3A_476 = tpu.memref_slice %arg4[%dma_wait3A_470, %dma_wait3A_474, %dma_wait3A_475] : memref<16384x50x32xf32, #tpu.memory_space<hbm>> -> memref<1x50x32xf32, #tpu.memory_space<hbm>>
    %dma_wait3A_477 = tpu.memref_squeeze %dma_wait3A_476 : memref<1x50x32xf32, #tpu.memory_space<hbm>> -> memref<50x32xf32, #tpu.memory_space<hbm>>
    %dma_wait3A_478 = arith.constant 0 : i32
    %dma_wait3A_479 = arith.constant 0 : i32
    %dma_wait3A_480 = tpu.memref_slice %arg4[%dma_wait3A_470, %dma_wait3A_478, %dma_wait3A_479] : memref<16384x50x32xf32, #tpu.memory_space<hbm>> -> memref<1x50x32xf32, #tpu.memory_space<hbm>>
    %dma_wait3A_481 = tpu.memref_squeeze %dma_wait3A_480 : memref<1x50x32xf32, #tpu.memory_space<hbm>> -> memref<50x32xf32, #tpu.memory_space<hbm>>
    %dma_wait3A_482 = arith.constant 0 : i32
    %dma_wait3A_483 = arith.constant 0 : i32
    %dma_wait3A_484 = tpu.memref_slice %arg6[%dma_wait3A_482, %dma_wait3A_483] : memref<1600x32xf32, #tpu.memory_space<vmem>> -> memref<50x32xf32, #tpu.memory_space<vmem>>
    tpu.wait_dma2 semaphore(%arg10 : memref<!tpu.dma_semaphore, #tpu.memory_space<semaphore_mem>>) src(%dma_wait3A_484 : memref<50x32xf32, #tpu.memory_space<vmem>>) dst(%dma_wait3A_481 : memref<50x32xf32, #tpu.memory_space<hbm>>)
    %dma_wait3A_485 = arith.constant 0 : i32
    %dma_wait3A_486 = arith.constant 0 : i32
    %dma_wait3A_487 = arith.constant 0 : i32
    %dma_wait3A_488 = tpu.memref_slice %arg6[%dma_wait3A_486, %dma_wait3A_487] : memref<1600x32xf32, #tpu.memory_space<vmem>> -> memref<50x32xf32, #tpu.memory_space<vmem>>
    %dma_wait3A_489 = arith.constant 0 : i32
    %dma_wait3A_490 = arith.constant 0 : i32
    %dma_wait3A_491 = tpu.memref_slice %arg4[%dma_wait3A_485, %dma_wait3A_489, %dma_wait3A_490] : memref<16384x50x32xf32, #tpu.memory_space<hbm>> -> memref<1x50x32xf32, #tpu.memory_space<hbm>>
    %dma_wait3A_492 = tpu.memref_squeeze %dma_wait3A_491 : memref<1x50x32xf32, #tpu.memory_space<hbm>> -> memref<50x32xf32, #tpu.memory_space<hbm>>
    %dma_wait3A_493 = arith.constant 0 : i32
    %dma_wait3A_494 = arith.constant 0 : i32
    %dma_wait3A_495 = tpu.memref_slice %arg4[%dma_wait3A_485, %dma_wait3A_493, %dma_wait3A_494] : memref<16384x50x32xf32, #tpu.memory_space<hbm>> -> memref<1x50x32xf32, #tpu.memory_space<hbm>>
    %dma_wait3A_496 = tpu.memref_squeeze %dma_wait3A_495 : memref<1x50x32xf32, #tpu.memory_space<hbm>> -> memref<50x32xf32, #tpu.memory_space<hbm>>
    %dma_wait3A_497 = arith.constant 0 : i32
    %dma_wait3A_498 = arith.constant 0 : i32
    %dma_wait3A_499 = tpu.memref_slice %arg6[%dma_wait3A_497, %dma_wait3A_498] : memref<1600x32xf32, #tpu.memory_space<vmem>> -> memref<50x32xf32, #tpu.memory_space<vmem>>
    tpu.wait_dma2 semaphore(%arg10 : memref<!tpu.dma_semaphore, #tpu.memory_space<semaphore_mem>>) src(%dma_wait3A_499 : memref<50x32xf32, #tpu.memory_space<vmem>>) dst(%dma_wait3A_496 : memref<50x32xf32, #tpu.memory_space<hbm>>)
    %dma_wait3A_500 = arith.constant 0 : i32
    %dma_wait3A_501 = arith.constant 0 : i32
    %dma_wait3A_502 = arith.constant 0 : i32
    %dma_wait3A_503 = tpu.memref_slice %arg7[%dma_wait3A_501, %dma_wait3A_502] : memref<1600x32xf32, #tpu.memory_space<vmem>> -> memref<50x32xf32, #tpu.memory_space<vmem>>
    %dma_wait3A_504 = arith.constant 0 : i32
    %dma_wait3A_505 = arith.constant 0 : i32
    %dma_wait3A_506 = tpu.memref_slice %arg4[%dma_wait3A_500, %dma_wait3A_504, %dma_wait3A_505] : memref<16384x50x32xf32, #tpu.memory_space<hbm>> -> memref<1x50x32xf32, #tpu.memory_space<hbm>>
    %dma_wait3A_507 = tpu.memref_squeeze %dma_wait3A_506 : memref<1x50x32xf32, #tpu.memory_space<hbm>> -> memref<50x32xf32, #tpu.memory_space<hbm>>
    %dma_wait3A_508 = arith.constant 0 : i32
    %dma_wait3A_509 = arith.constant 0 : i32
    %dma_wait3A_510 = tpu.memref_slice %arg4[%dma_wait3A_500, %dma_wait3A_508, %dma_wait3A_509] : memref<16384x50x32xf32, #tpu.memory_space<hbm>> -> memref<1x50x32xf32, #tpu.memory_space<hbm>>
    %dma_wait3A_511 = tpu.memref_squeeze %dma_wait3A_510 : memref<1x50x32xf32, #tpu.memory_space<hbm>> -> memref<50x32xf32, #tpu.memory_space<hbm>>
    %dma_wait3A_512 = arith.constant 0 : i32
    %dma_wait3A_513 = arith.constant 0 : i32
    %dma_wait3A_514 = tpu.memref_slice %arg7[%dma_wait3A_512, %dma_wait3A_513] : memref<1600x32xf32, #tpu.memory_space<vmem>> -> memref<50x32xf32, #tpu.memory_space<vmem>>
    tpu.wait_dma2 semaphore(%arg11 : memref<!tpu.dma_semaphore, #tpu.memory_space<semaphore_mem>>) src(%dma_wait3A_514 : memref<50x32xf32, #tpu.memory_space<vmem>>) dst(%dma_wait3A_511 : memref<50x32xf32, #tpu.memory_space<hbm>>)
    %dma_wait3A_515 = arith.constant 0 : i32
    %dma_wait3A_516 = arith.constant 0 : i32
    %dma_wait3A_517 = arith.constant 0 : i32
    %dma_wait3A_518 = tpu.memref_slice %arg7[%dma_wait3A_516, %dma_wait3A_517] : memref<1600x32xf32, #tpu.memory_space<vmem>> -> memref<50x32xf32, #tpu.memory_space<vmem>>
    %dma_wait3A_519 = arith.constant 0 : i32
    %dma_wait3A_520 = arith.constant 0 : i32
    %dma_wait3A_521 = tpu.memref_slice %arg4[%dma_wait3A_515, %dma_wait3A_519, %dma_wait3A_520] : memref<16384x50x32xf32, #tpu.memory_space<hbm>> -> memref<1x50x32xf32, #tpu.memory_space<hbm>>
    %dma_wait3A_522 = tpu.memref_squeeze %dma_wait3A_521 : memref<1x50x32xf32, #tpu.memory_space<hbm>> -> memref<50x32xf32, #tpu.memory_space<hbm>>
    %dma_wait3A_523 = arith.constant 0 : i32
    %dma_wait3A_524 = arith.constant 0 : i32
    %dma_wait3A_525 = tpu.memref_slice %arg4[%dma_wait3A_515, %dma_wait3A_523, %dma_wait3A_524] : memref<16384x50x32xf32, #tpu.memory_space<hbm>> -> memref<1x50x32xf32, #tpu.memory_space<hbm>>
    %dma_wait3A_526 = tpu.memref_squeeze %dma_wait3A_525 : memref<1x50x32xf32, #tpu.memory_space<hbm>> -> memref<50x32xf32, #tpu.memory_space<hbm>>
    %dma_wait3A_527 = arith.constant 0 : i32
    %dma_wait3A_528 = arith.constant 0 : i32
    %dma_wait3A_529 = tpu.memref_slice %arg7[%dma_wait3A_527, %dma_wait3A_528] : memref<1600x32xf32, #tpu.memory_space<vmem>> -> memref<50x32xf32, #tpu.memory_space<vmem>>
    tpu.wait_dma2 semaphore(%arg11 : memref<!tpu.dma_semaphore, #tpu.memory_space<semaphore_mem>>) src(%dma_wait3A_529 : memref<50x32xf32, #tpu.memory_space<vmem>>) dst(%dma_wait3A_526 : memref<50x32xf32, #tpu.memory_space<hbm>>)
    %dma_wait3A_530 = arith.constant 0 : i32
    %dma_wait3A_531 = arith.constant 0 : i32
    %dma_wait3A_532 = arith.constant 0 : i32
    %dma_wait3A_533 = tpu.memref_slice %arg7[%dma_wait3A_531, %dma_wait3A_532] : memref<1600x32xf32, #tpu.memory_space<vmem>> -> memref<50x32xf32, #tpu.memory_space<vmem>>
    %dma_wait3A_534 = arith.constant 0 : i32
    %dma_wait3A_535 = arith.constant 0 : i32
    %dma_wait3A_536 = tpu.memref_slice %arg4[%dma_wait3A_530, %dma_wait3A_534, %dma_wait3A_535] : memref<16384x50x32xf32, #tpu.memory_space<hbm>> -> memref<1x50x32xf32, #tpu.memory_space<hbm>>
    %dma_wait3A_537 = tpu.memref_squeeze %dma_wait3A_536 : memref<1x50x32xf32, #tpu.memory_space<hbm>> -> memref<50x32xf32, #tpu.memory_space<hbm>>
    %dma_wait3A_538 = arith.constant 0 : i32
    %dma_wait3A_539 = arith.constant 0 : i32
    %dma_wait3A_540 = tpu.memref_slice %arg4[%dma_wait3A_530, %dma_wait3A_538, %dma_wait3A_539] : memref<16384x50x32xf32, #tpu.memory_space<hbm>> -> memref<1x50x32xf32, #tpu.memory_space<hbm>>
    %dma_wait3A_541 = tpu.memref_squeeze %dma_wait3A_540 : memref<1x50x32xf32, #tpu.memory_space<hbm>> -> memref<50x32xf32, #tpu.memory_space<hbm>>
    %dma_wait3A_542 = arith.constant 0 : i32
    %dma_wait3A_543 = arith.constant 0 : i32
    %dma_wait3A_544 = tpu.memref_slice %arg7[%dma_wait3A_542, %dma_wait3A_543] : memref<1600x32xf32, #tpu.memory_space<vmem>> -> memref<50x32xf32, #tpu.memory_space<vmem>>
    tpu.wait_dma2 semaphore(%arg11 : memref<!tpu.dma_semaphore, #tpu.memory_space<semaphore_mem>>) src(%dma_wait3A_544 : memref<50x32xf32, #tpu.memory_space<vmem>>) dst(%dma_wait3A_541 : memref<50x32xf32, #tpu.memory_space<hbm>>)
    %dma_wait3A_545 = arith.constant 0 : i32
    %dma_wait3A_546 = arith.constant 0 : i32
    %dma_wait3A_547 = arith.constant 0 : i32
    %dma_wait3A_548 = tpu.memref_slice %arg7[%dma_wait3A_546, %dma_wait3A_547] : memref<1600x32xf32, #tpu.memory_space<vmem>> -> memref<50x32xf32, #tpu.memory_space<vmem>>
    %dma_wait3A_549 = arith.constant 0 : i32
    %dma_wait3A_550 = arith.constant 0 : i32
    %dma_wait3A_551 = tpu.memref_slice %arg4[%dma_wait3A_545, %dma_wait3A_549, %dma_wait3A_550] : memref<16384x50x32xf32, #tpu.memory_space<hbm>> -> memref<1x50x32xf32, #tpu.memory_space<hbm>>
    %dma_wait3A_552 = tpu.memref_squeeze %dma_wait3A_551 : memref<1x50x32xf32, #tpu.memory_space<hbm>> -> memref<50x32xf32, #tpu.memory_space<hbm>>
    %dma_wait3A_553 = arith.constant 0 : i32
    %dma_wait3A_554 = arith.constant 0 : i32
    %dma_wait3A_555 = tpu.memref_slice %arg4[%dma_wait3A_545, %dma_wait3A_553, %dma_wait3A_554] : memref<16384x50x32xf32, #tpu.memory_space<hbm>> -> memref<1x50x32xf32, #tpu.memory_space<hbm>>
    %dma_wait3A_556 = tpu.memref_squeeze %dma_wait3A_555 : memref<1x50x32xf32, #tpu.memory_space<hbm>> -> memref<50x32xf32, #tpu.memory_space<hbm>>
    %dma_wait3A_557 = arith.constant 0 : i32
    %dma_wait3A_558 = arith.constant 0 : i32
    %dma_wait3A_559 = tpu.memref_slice %arg7[%dma_wait3A_557, %dma_wait3A_558] : memref<1600x32xf32, #tpu.memory_space<vmem>> -> memref<50x32xf32, #tpu.memory_space<vmem>>
    tpu.wait_dma2 semaphore(%arg11 : memref<!tpu.dma_semaphore, #tpu.memory_space<semaphore_mem>>) src(%dma_wait3A_559 : memref<50x32xf32, #tpu.memory_space<vmem>>) dst(%dma_wait3A_556 : memref<50x32xf32, #tpu.memory_space<hbm>>)
    %dma_wait3A_560 = arith.constant 0 : i32
    %dma_wait3A_561 = arith.constant 0 : i32
    %dma_wait3A_562 = arith.constant 0 : i32
    %dma_wait3A_563 = tpu.memref_slice %arg7[%dma_wait3A_561, %dma_wait3A_562] : memref<1600x32xf32, #tpu.memory_space<vmem>> -> memref<50x32xf32, #tpu.memory_space<vmem>>
    %dma_wait3A_564 = arith.constant 0 : i32
    %dma_wait3A_565 = arith.constant 0 : i32
    %dma_wait3A_566 = tpu.memref_slice %arg4[%dma_wait3A_560, %dma_wait3A_564, %dma_wait3A_565] : memref<16384x50x32xf32, #tpu.memory_space<hbm>> -> memref<1x50x32xf32, #tpu.memory_space<hbm>>
    %dma_wait3A_567 = tpu.memref_squeeze %dma_wait3A_566 : memref<1x50x32xf32, #tpu.memory_space<hbm>> -> memref<50x32xf32, #tpu.memory_space<hbm>>
    %dma_wait3A_568 = arith.constant 0 : i32
    %dma_wait3A_569 = arith.constant 0 : i32
    %dma_wait3A_570 = tpu.memref_slice %arg4[%dma_wait3A_560, %dma_wait3A_568, %dma_wait3A_569] : memref<16384x50x32xf32, #tpu.memory_space<hbm>> -> memref<1x50x32xf32, #tpu.memory_space<hbm>>
    %dma_wait3A_571 = tpu.memref_squeeze %dma_wait3A_570 : memref<1x50x32xf32, #tpu.memory_space<hbm>> -> memref<50x32xf32, #tpu.memory_space<hbm>>
    %dma_wait3A_572 = arith.constant 0 : i32
    %dma_wait3A_573 = arith.constant 0 : i32
    %dma_wait3A_574 = tpu.memref_slice %arg7[%dma_wait3A_572, %dma_wait3A_573] : memref<1600x32xf32, #tpu.memory_space<vmem>> -> memref<50x32xf32, #tpu.memory_space<vmem>>
    tpu.wait_dma2 semaphore(%arg11 : memref<!tpu.dma_semaphore, #tpu.memory_space<semaphore_mem>>) src(%dma_wait3A_574 : memref<50x32xf32, #tpu.memory_space<vmem>>) dst(%dma_wait3A_571 : memref<50x32xf32, #tpu.memory_space<hbm>>)
    %dma_wait3A_575 = arith.constant 0 : i32
    %dma_wait3A_576 = arith.constant 0 : i32
    %dma_wait3A_577 = arith.constant 0 : i32
    %dma_wait3A_578 = tpu.memref_slice %arg7[%dma_wait3A_576, %dma_wait3A_577] : memref<1600x32xf32, #tpu.memory_space<vmem>> -> memref<50x32xf32, #tpu.memory_space<vmem>>
    %dma_wait3A_579 = arith.constant 0 : i32
    %dma_wait3A_580 = arith.constant 0 : i32
    %dma_wait3A_581 = tpu.memref_slice %arg4[%dma_wait3A_575, %dma_wait3A_579, %dma_wait3A_580] : memref<16384x50x32xf32, #tpu.memory_space<hbm>> -> memref<1x50x32xf32, #tpu.memory_space<hbm>>
    %dma_wait3A_582 = tpu.memref_squeeze %dma_wait3A_581 : memref<1x50x32xf32, #tpu.memory_space<hbm>> -> memref<50x32xf32, #tpu.memory_space<hbm>>
    %dma_wait3A_583 = arith.constant 0 : i32
    %dma_wait3A_584 = arith.constant 0 : i32
    %dma_wait3A_585 = tpu.memref_slice %arg4[%dma_wait3A_575, %dma_wait3A_583, %dma_wait3A_584] : memref<16384x50x32xf32, #tpu.memory_space<hbm>> -> memref<1x50x32xf32, #tpu.memory_space<hbm>>
    %dma_wait3A_586 = tpu.memref_squeeze %dma_wait3A_585 : memref<1x50x32xf32, #tpu.memory_space<hbm>> -> memref<50x32xf32, #tpu.memory_space<hbm>>
    %dma_wait3A_587 = arith.constant 0 : i32
    %dma_wait3A_588 = arith.constant 0 : i32
    %dma_wait3A_589 = tpu.memref_slice %arg7[%dma_wait3A_587, %dma_wait3A_588] : memref<1600x32xf32, #tpu.memory_space<vmem>> -> memref<50x32xf32, #tpu.memory_space<vmem>>
    tpu.wait_dma2 semaphore(%arg11 : memref<!tpu.dma_semaphore, #tpu.memory_space<semaphore_mem>>) src(%dma_wait3A_589 : memref<50x32xf32, #tpu.memory_space<vmem>>) dst(%dma_wait3A_586 : memref<50x32xf32, #tpu.memory_space<hbm>>)
    %dma_wait3A_590 = arith.constant 0 : i32
    %dma_wait3A_591 = arith.constant 0 : i32
    %dma_wait3A_592 = arith.constant 0 : i32
    %dma_wait3A_593 = tpu.memref_slice %arg7[%dma_wait3A_591, %dma_wait3A_592] : memref<1600x32xf32, #tpu.memory_space<vmem>> -> memref<50x32xf32, #tpu.memory_space<vmem>>
    %dma_wait3A_594 = arith.constant 0 : i32
    %dma_wait3A_595 = arith.constant 0 : i32
    %dma_wait3A_596 = tpu.memref_slice %arg4[%dma_wait3A_590, %dma_wait3A_594, %dma_wait3A_595] : memref<16384x50x32xf32, #tpu.memory_space<hbm>> -> memref<1x50x32xf32, #tpu.memory_space<hbm>>
    %dma_wait3A_597 = tpu.memref_squeeze %dma_wait3A_596 : memref<1x50x32xf32, #tpu.memory_space<hbm>> -> memref<50x32xf32, #tpu.memory_space<hbm>>
    %dma_wait3A_598 = arith.constant 0 : i32
    %dma_wait3A_599 = arith.constant 0 : i32
    %dma_wait3A_600 = tpu.memref_slice %arg4[%dma_wait3A_590, %dma_wait3A_598, %dma_wait3A_599] : memref<16384x50x32xf32, #tpu.memory_space<hbm>> -> memref<1x50x32xf32, #tpu.memory_space<hbm>>
    %dma_wait3A_601 = tpu.memref_squeeze %dma_wait3A_600 : memref<1x50x32xf32, #tpu.memory_space<hbm>> -> memref<50x32xf32, #tpu.memory_space<hbm>>
    %dma_wait3A_602 = arith.constant 0 : i32
    %dma_wait3A_603 = arith.constant 0 : i32
    %dma_wait3A_604 = tpu.memref_slice %arg7[%dma_wait3A_602, %dma_wait3A_603] : memref<1600x32xf32, #tpu.memory_space<vmem>> -> memref<50x32xf32, #tpu.memory_space<vmem>>
    tpu.wait_dma2 semaphore(%arg11 : memref<!tpu.dma_semaphore, #tpu.memory_space<semaphore_mem>>) src(%dma_wait3A_604 : memref<50x32xf32, #tpu.memory_space<vmem>>) dst(%dma_wait3A_601 : memref<50x32xf32, #tpu.memory_space<hbm>>)
    %dma_wait3A_605 = arith.constant 0 : i32
    %dma_wait3A_606 = arith.constant 0 : i32
    %dma_wait3A_607 = arith.constant 0 : i32
    %dma_wait3A_608 = tpu.memref_slice %arg7[%dma_wait3A_606, %dma_wait3A_607] : memref<1600x32xf32, #tpu.memory_space<vmem>> -> memref<50x32xf32, #tpu.memory_space<vmem>>
    %dma_wait3A_609 = arith.constant 0 : i32
    %dma_wait3A_610 = arith.constant 0 : i32
    %dma_wait3A_611 = tpu.memref_slice %arg4[%dma_wait3A_605, %dma_wait3A_609, %dma_wait3A_610] : memref<16384x50x32xf32, #tpu.memory_space<hbm>> -> memref<1x50x32xf32, #tpu.memory_space<hbm>>
    %dma_wait3A_612 = tpu.memref_squeeze %dma_wait3A_611 : memref<1x50x32xf32, #tpu.memory_space<hbm>> -> memref<50x32xf32, #tpu.memory_space<hbm>>
    %dma_wait3A_613 = arith.constant 0 : i32
    %dma_wait3A_614 = arith.constant 0 : i32
    %dma_wait3A_615 = tpu.memref_slice %arg4[%dma_wait3A_605, %dma_wait3A_613, %dma_wait3A_614] : memref<16384x50x32xf32, #tpu.memory_space<hbm>> -> memref<1x50x32xf32, #tpu.memory_space<hbm>>
    %dma_wait3A_616 = tpu.memref_squeeze %dma_wait3A_615 : memref<1x50x32xf32, #tpu.memory_space<hbm>> -> memref<50x32xf32, #tpu.memory_space<hbm>>
    %dma_wait3A_617 = arith.constant 0 : i32
    %dma_wait3A_618 = arith.constant 0 : i32
    %dma_wait3A_619 = tpu.memref_slice %arg7[%dma_wait3A_617, %dma_wait3A_618] : memref<1600x32xf32, #tpu.memory_space<vmem>> -> memref<50x32xf32, #tpu.memory_space<vmem>>
    tpu.wait_dma2 semaphore(%arg11 : memref<!tpu.dma_semaphore, #tpu.memory_space<semaphore_mem>>) src(%dma_wait3A_619 : memref<50x32xf32, #tpu.memory_space<vmem>>) dst(%dma_wait3A_616 : memref<50x32xf32, #tpu.memory_space<hbm>>)
    %dma_wait3A_620 = arith.constant 0 : i32
    %dma_wait3A_621 = arith.constant 0 : i32
    %dma_wait3A_622 = arith.constant 0 : i32
    %dma_wait3A_623 = tpu.memref_slice %arg7[%dma_wait3A_621, %dma_wait3A_622] : memref<1600x32xf32, #tpu.memory_space<vmem>> -> memref<50x32xf32, #tpu.memory_space<vmem>>
    %dma_wait3A_624 = arith.constant 0 : i32
    %dma_wait3A_625 = arith.constant 0 : i32
    %dma_wait3A_626 = tpu.memref_slice %arg4[%dma_wait3A_620, %dma_wait3A_624, %dma_wait3A_625] : memref<16384x50x32xf32, #tpu.memory_space<hbm>> -> memref<1x50x32xf32, #tpu.memory_space<hbm>>
    %dma_wait3A_627 = tpu.memref_squeeze %dma_wait3A_626 : memref<1x50x32xf32, #tpu.memory_space<hbm>> -> memref<50x32xf32, #tpu.memory_space<hbm>>
    %dma_wait3A_628 = arith.constant 0 : i32
    %dma_wait3A_629 = arith.constant 0 : i32
    %dma_wait3A_630 = tpu.memref_slice %arg4[%dma_wait3A_620, %dma_wait3A_628, %dma_wait3A_629] : memref<16384x50x32xf32, #tpu.memory_space<hbm>> -> memref<1x50x32xf32, #tpu.memory_space<hbm>>
    %dma_wait3A_631 = tpu.memref_squeeze %dma_wait3A_630 : memref<1x50x32xf32, #tpu.memory_space<hbm>> -> memref<50x32xf32, #tpu.memory_space<hbm>>
    %dma_wait3A_632 = arith.constant 0 : i32
    %dma_wait3A_633 = arith.constant 0 : i32
    %dma_wait3A_634 = tpu.memref_slice %arg7[%dma_wait3A_632, %dma_wait3A_633] : memref<1600x32xf32, #tpu.memory_space<vmem>> -> memref<50x32xf32, #tpu.memory_space<vmem>>
    tpu.wait_dma2 semaphore(%arg11 : memref<!tpu.dma_semaphore, #tpu.memory_space<semaphore_mem>>) src(%dma_wait3A_634 : memref<50x32xf32, #tpu.memory_space<vmem>>) dst(%dma_wait3A_631 : memref<50x32xf32, #tpu.memory_space<hbm>>)
    %dma_wait3A_635 = arith.constant 0 : i32
    %dma_wait3A_636 = arith.constant 0 : i32
    %dma_wait3A_637 = arith.constant 0 : i32
    %dma_wait3A_638 = tpu.memref_slice %arg7[%dma_wait3A_636, %dma_wait3A_637] : memref<1600x32xf32, #tpu.memory_space<vmem>> -> memref<50x32xf32, #tpu.memory_space<vmem>>
    %dma_wait3A_639 = arith.constant 0 : i32
    %dma_wait3A_640 = arith.constant 0 : i32
    %dma_wait3A_641 = tpu.memref_slice %arg4[%dma_wait3A_635, %dma_wait3A_639, %dma_wait3A_640] : memref<16384x50x32xf32, #tpu.memory_space<hbm>> -> memref<1x50x32xf32, #tpu.memory_space<hbm>>
    %dma_wait3A_642 = tpu.memref_squeeze %dma_wait3A_641 : memref<1x50x32xf32, #tpu.memory_space<hbm>> -> memref<50x32xf32, #tpu.memory_space<hbm>>
    %dma_wait3A_643 = arith.constant 0 : i32
    %dma_wait3A_644 = arith.constant 0 : i32
    %dma_wait3A_645 = tpu.memref_slice %arg4[%dma_wait3A_635, %dma_wait3A_643, %dma_wait3A_644] : memref<16384x50x32xf32, #tpu.memory_space<hbm>> -> memref<1x50x32xf32, #tpu.memory_space<hbm>>
    %dma_wait3A_646 = tpu.memref_squeeze %dma_wait3A_645 : memref<1x50x32xf32, #tpu.memory_space<hbm>> -> memref<50x32xf32, #tpu.memory_space<hbm>>
    %dma_wait3A_647 = arith.constant 0 : i32
    %dma_wait3A_648 = arith.constant 0 : i32
    %dma_wait3A_649 = tpu.memref_slice %arg7[%dma_wait3A_647, %dma_wait3A_648] : memref<1600x32xf32, #tpu.memory_space<vmem>> -> memref<50x32xf32, #tpu.memory_space<vmem>>
    tpu.wait_dma2 semaphore(%arg11 : memref<!tpu.dma_semaphore, #tpu.memory_space<semaphore_mem>>) src(%dma_wait3A_649 : memref<50x32xf32, #tpu.memory_space<vmem>>) dst(%dma_wait3A_646 : memref<50x32xf32, #tpu.memory_space<hbm>>)
    %dma_wait3A_650 = arith.constant 0 : i32
    %dma_wait3A_651 = arith.constant 0 : i32
    %dma_wait3A_652 = arith.constant 0 : i32
    %dma_wait3A_653 = tpu.memref_slice %arg7[%dma_wait3A_651, %dma_wait3A_652] : memref<1600x32xf32, #tpu.memory_space<vmem>> -> memref<50x32xf32, #tpu.memory_space<vmem>>
    %dma_wait3A_654 = arith.constant 0 : i32
    %dma_wait3A_655 = arith.constant 0 : i32
    %dma_wait3A_656 = tpu.memref_slice %arg4[%dma_wait3A_650, %dma_wait3A_654, %dma_wait3A_655] : memref<16384x50x32xf32, #tpu.memory_space<hbm>> -> memref<1x50x32xf32, #tpu.memory_space<hbm>>
    %dma_wait3A_657 = tpu.memref_squeeze %dma_wait3A_656 : memref<1x50x32xf32, #tpu.memory_space<hbm>> -> memref<50x32xf32, #tpu.memory_space<hbm>>
    %dma_wait3A_658 = arith.constant 0 : i32
    %dma_wait3A_659 = arith.constant 0 : i32
    %dma_wait3A_660 = tpu.memref_slice %arg4[%dma_wait3A_650, %dma_wait3A_658, %dma_wait3A_659] : memref<16384x50x32xf32, #tpu.memory_space<hbm>> -> memref<1x50x32xf32, #tpu.memory_space<hbm>>
    %dma_wait3A_661 = tpu.memref_squeeze %dma_wait3A_660 : memref<1x50x32xf32, #tpu.memory_space<hbm>> -> memref<50x32xf32, #tpu.memory_space<hbm>>
    %dma_wait3A_662 = arith.constant 0 : i32
    %dma_wait3A_663 = arith.constant 0 : i32
    %dma_wait3A_664 = tpu.memref_slice %arg7[%dma_wait3A_662, %dma_wait3A_663] : memref<1600x32xf32, #tpu.memory_space<vmem>> -> memref<50x32xf32, #tpu.memory_space<vmem>>
    tpu.wait_dma2 semaphore(%arg11 : memref<!tpu.dma_semaphore, #tpu.memory_space<semaphore_mem>>) src(%dma_wait3A_664 : memref<50x32xf32, #tpu.memory_space<vmem>>) dst(%dma_wait3A_661 : memref<50x32xf32, #tpu.memory_space<hbm>>)
    %dma_wait3A_665 = arith.constant 0 : i32
    %dma_wait3A_666 = arith.constant 0 : i32
    %dma_wait3A_667 = arith.constant 0 : i32
    %dma_wait3A_668 = tpu.memref_slice %arg7[%dma_wait3A_666, %dma_wait3A_667] : memref<1600x32xf32, #tpu.memory_space<vmem>> -> memref<50x32xf32, #tpu.memory_space<vmem>>
    %dma_wait3A_669 = arith.constant 0 : i32
    %dma_wait3A_670 = arith.constant 0 : i32
    %dma_wait3A_671 = tpu.memref_slice %arg4[%dma_wait3A_665, %dma_wait3A_669, %dma_wait3A_670] : memref<16384x50x32xf32, #tpu.memory_space<hbm>> -> memref<1x50x32xf32, #tpu.memory_space<hbm>>
    %dma_wait3A_672 = tpu.memref_squeeze %dma_wait3A_671 : memref<1x50x32xf32, #tpu.memory_space<hbm>> -> memref<50x32xf32, #tpu.memory_space<hbm>>
    %dma_wait3A_673 = arith.constant 0 : i32
    %dma_wait3A_674 = arith.constant 0 : i32
    %dma_wait3A_675 = tpu.memref_slice %arg4[%dma_wait3A_665, %dma_wait3A_673, %dma_wait3A_674] : memref<16384x50x32xf32, #tpu.memory_space<hbm>> -> memref<1x50x32xf32, #tpu.memory_space<hbm>>
    %dma_wait3A_676 = tpu.memref_squeeze %dma_wait3A_675 : memref<1x50x32xf32, #tpu.memory_space<hbm>> -> memref<50x32xf32, #tpu.memory_space<hbm>>
    %dma_wait3A_677 = arith.constant 0 : i32
    %dma_wait3A_678 = arith.constant 0 : i32
    %dma_wait3A_679 = tpu.memref_slice %arg7[%dma_wait3A_677, %dma_wait3A_678] : memref<1600x32xf32, #tpu.memory_space<vmem>> -> memref<50x32xf32, #tpu.memory_space<vmem>>
    tpu.wait_dma2 semaphore(%arg11 : memref<!tpu.dma_semaphore, #tpu.memory_space<semaphore_mem>>) src(%dma_wait3A_679 : memref<50x32xf32, #tpu.memory_space<vmem>>) dst(%dma_wait3A_676 : memref<50x32xf32, #tpu.memory_space<hbm>>)
    %dma_wait3A_680 = arith.constant 0 : i32
    %dma_wait3A_681 = arith.constant 0 : i32
    %dma_wait3A_682 = arith.constant 0 : i32
    %dma_wait3A_683 = tpu.memref_slice %arg7[%dma_wait3A_681, %dma_wait3A_682] : memref<1600x32xf32, #tpu.memory_space<vmem>> -> memref<50x32xf32, #tpu.memory_space<vmem>>
    %dma_wait3A_684 = arith.constant 0 : i32
    %dma_wait3A_685 = arith.constant 0 : i32
    %dma_wait3A_686 = tpu.memref_slice %arg4[%dma_wait3A_680, %dma_wait3A_684, %dma_wait3A_685] : memref<16384x50x32xf32, #tpu.memory_space<hbm>> -> memref<1x50x32xf32, #tpu.memory_space<hbm>>
    %dma_wait3A_687 = tpu.memref_squeeze %dma_wait3A_686 : memref<1x50x32xf32, #tpu.memory_space<hbm>> -> memref<50x32xf32, #tpu.memory_space<hbm>>
    %dma_wait3A_688 = arith.constant 0 : i32
    %dma_wait3A_689 = arith.constant 0 : i32
    %dma_wait3A_690 = tpu.memref_slice %arg4[%dma_wait3A_680, %dma_wait3A_688, %dma_wait3A_689] : memref<16384x50x32xf32, #tpu.memory_space<hbm>> -> memref<1x50x32xf32, #tpu.memory_space<hbm>>
    %dma_wait3A_691 = tpu.memref_squeeze %dma_wait3A_690 : memref<1x50x32xf32, #tpu.memory_space<hbm>> -> memref<50x32xf32, #tpu.memory_space<hbm>>
    %dma_wait3A_692 = arith.constant 0 : i32
    %dma_wait3A_693 = arith.constant 0 : i32
    %dma_wait3A_694 = tpu.memref_slice %arg7[%dma_wait3A_692, %dma_wait3A_693] : memref<1600x32xf32, #tpu.memory_space<vmem>> -> memref<50x32xf32, #tpu.memory_space<vmem>>
    tpu.wait_dma2 semaphore(%arg11 : memref<!tpu.dma_semaphore, #tpu.memory_space<semaphore_mem>>) src(%dma_wait3A_694 : memref<50x32xf32, #tpu.memory_space<vmem>>) dst(%dma_wait3A_691 : memref<50x32xf32, #tpu.memory_space<hbm>>)
    %dma_wait3A_695 = arith.constant 0 : i32
    %dma_wait3A_696 = arith.constant 0 : i32
    %dma_wait3A_697 = arith.constant 0 : i32
    %dma_wait3A_698 = tpu.memref_slice %arg7[%dma_wait3A_696, %dma_wait3A_697] : memref<1600x32xf32, #tpu.memory_space<vmem>> -> memref<50x32xf32, #tpu.memory_space<vmem>>
    %dma_wait3A_699 = arith.constant 0 : i32
    %dma_wait3A_700 = arith.constant 0 : i32
    %dma_wait3A_701 = tpu.memref_slice %arg4[%dma_wait3A_695, %dma_wait3A_699, %dma_wait3A_700] : memref<16384x50x32xf32, #tpu.memory_space<hbm>> -> memref<1x50x32xf32, #tpu.memory_space<hbm>>
    %dma_wait3A_702 = tpu.memref_squeeze %dma_wait3A_701 : memref<1x50x32xf32, #tpu.memory_space<hbm>> -> memref<50x32xf32, #tpu.memory_space<hbm>>
    %dma_wait3A_703 = arith.constant 0 : i32
    %dma_wait3A_704 = arith.constant 0 : i32
    %dma_wait3A_705 = tpu.memref_slice %arg4[%dma_wait3A_695, %dma_wait3A_703, %dma_wait3A_704] : memref<16384x50x32xf32, #tpu.memory_space<hbm>> -> memref<1x50x32xf32, #tpu.memory_space<hbm>>
    %dma_wait3A_706 = tpu.memref_squeeze %dma_wait3A_705 : memref<1x50x32xf32, #tpu.memory_space<hbm>> -> memref<50x32xf32, #tpu.memory_space<hbm>>
    %dma_wait3A_707 = arith.constant 0 : i32
    %dma_wait3A_708 = arith.constant 0 : i32
    %dma_wait3A_709 = tpu.memref_slice %arg7[%dma_wait3A_707, %dma_wait3A_708] : memref<1600x32xf32, #tpu.memory_space<vmem>> -> memref<50x32xf32, #tpu.memory_space<vmem>>
    tpu.wait_dma2 semaphore(%arg11 : memref<!tpu.dma_semaphore, #tpu.memory_space<semaphore_mem>>) src(%dma_wait3A_709 : memref<50x32xf32, #tpu.memory_space<vmem>>) dst(%dma_wait3A_706 : memref<50x32xf32, #tpu.memory_space<hbm>>)
    %dma_wait3A_710 = arith.constant 0 : i32
    %dma_wait3A_711 = arith.constant 0 : i32
    %dma_wait3A_712 = arith.constant 0 : i32
    %dma_wait3A_713 = tpu.memref_slice %arg7[%dma_wait3A_711, %dma_wait3A_712] : memref<1600x32xf32, #tpu.memory_space<vmem>> -> memref<50x32xf32, #tpu.memory_space<vmem>>
    %dma_wait3A_714 = arith.constant 0 : i32
    %dma_wait3A_715 = arith.constant 0 : i32
    %dma_wait3A_716 = tpu.memref_slice %arg4[%dma_wait3A_710, %dma_wait3A_714, %dma_wait3A_715] : memref<16384x50x32xf32, #tpu.memory_space<hbm>> -> memref<1x50x32xf32, #tpu.memory_space<hbm>>
    %dma_wait3A_717 = tpu.memref_squeeze %dma_wait3A_716 : memref<1x50x32xf32, #tpu.memory_space<hbm>> -> memref<50x32xf32, #tpu.memory_space<hbm>>
    %dma_wait3A_718 = arith.constant 0 : i32
    %dma_wait3A_719 = arith.constant 0 : i32
    %dma_wait3A_720 = tpu.memref_slice %arg4[%dma_wait3A_710, %dma_wait3A_718, %dma_wait3A_719] : memref<16384x50x32xf32, #tpu.memory_space<hbm>> -> memref<1x50x32xf32, #tpu.memory_space<hbm>>
    %dma_wait3A_721 = tpu.memref_squeeze %dma_wait3A_720 : memref<1x50x32xf32, #tpu.memory_space<hbm>> -> memref<50x32xf32, #tpu.memory_space<hbm>>
    %dma_wait3A_722 = arith.constant 0 : i32
    %dma_wait3A_723 = arith.constant 0 : i32
    %dma_wait3A_724 = tpu.memref_slice %arg7[%dma_wait3A_722, %dma_wait3A_723] : memref<1600x32xf32, #tpu.memory_space<vmem>> -> memref<50x32xf32, #tpu.memory_space<vmem>>
    tpu.wait_dma2 semaphore(%arg11 : memref<!tpu.dma_semaphore, #tpu.memory_space<semaphore_mem>>) src(%dma_wait3A_724 : memref<50x32xf32, #tpu.memory_space<vmem>>) dst(%dma_wait3A_721 : memref<50x32xf32, #tpu.memory_space<hbm>>)
    %dma_wait3A_725 = arith.constant 0 : i32
    %dma_wait3A_726 = arith.constant 0 : i32
    %dma_wait3A_727 = arith.constant 0 : i32
    %dma_wait3A_728 = tpu.memref_slice %arg7[%dma_wait3A_726, %dma_wait3A_727] : memref<1600x32xf32, #tpu.memory_space<vmem>> -> memref<50x32xf32, #tpu.memory_space<vmem>>
    %dma_wait3A_729 = arith.constant 0 : i32
    %dma_wait3A_730 = arith.constant 0 : i32
    %dma_wait3A_731 = tpu.memref_slice %arg4[%dma_wait3A_725, %dma_wait3A_729, %dma_wait3A_730] : memref<16384x50x32xf32, #tpu.memory_space<hbm>> -> memref<1x50x32xf32, #tpu.memory_space<hbm>>
    %dma_wait3A_732 = tpu.memref_squeeze %dma_wait3A_731 : memref<1x50x32xf32, #tpu.memory_space<hbm>> -> memref<50x32xf32, #tpu.memory_space<hbm>>
    %dma_wait3A_733 = arith.constant 0 : i32
    %dma_wait3A_734 = arith.constant 0 : i32
    %dma_wait3A_735 = tpu.memref_slice %arg4[%dma_wait3A_725, %dma_wait3A_733, %dma_wait3A_734] : memref<16384x50x32xf32, #tpu.memory_space<hbm>> -> memref<1x50x32xf32, #tpu.memory_space<hbm>>
    %dma_wait3A_736 = tpu.memref_squeeze %dma_wait3A_735 : memref<1x50x32xf32, #tpu.memory_space<hbm>> -> memref<50x32xf32, #tpu.memory_space<hbm>>
    %dma_wait3A_737 = arith.constant 0 : i32
    %dma_wait3A_738 = arith.constant 0 : i32
    %dma_wait3A_739 = tpu.memref_slice %arg7[%dma_wait3A_737, %dma_wait3A_738] : memref<1600x32xf32, #tpu.memory_space<vmem>> -> memref<50x32xf32, #tpu.memory_space<vmem>>
    tpu.wait_dma2 semaphore(%arg11 : memref<!tpu.dma_semaphore, #tpu.memory_space<semaphore_mem>>) src(%dma_wait3A_739 : memref<50x32xf32, #tpu.memory_space<vmem>>) dst(%dma_wait3A_736 : memref<50x32xf32, #tpu.memory_space<hbm>>)
    %dma_wait3A_740 = arith.constant 0 : i32
    %dma_wait3A_741 = arith.constant 0 : i32
    %dma_wait3A_742 = arith.constant 0 : i32
    %dma_wait3A_743 = tpu.memref_slice %arg7[%dma_wait3A_741, %dma_wait3A_742] : memref<1600x32xf32, #tpu.memory_space<vmem>> -> memref<50x32xf32, #tpu.memory_space<vmem>>
    %dma_wait3A_744 = arith.constant 0 : i32
    %dma_wait3A_745 = arith.constant 0 : i32
    %dma_wait3A_746 = tpu.memref_slice %arg4[%dma_wait3A_740, %dma_wait3A_744, %dma_wait3A_745] : memref<16384x50x32xf32, #tpu.memory_space<hbm>> -> memref<1x50x32xf32, #tpu.memory_space<hbm>>
    %dma_wait3A_747 = tpu.memref_squeeze %dma_wait3A_746 : memref<1x50x32xf32, #tpu.memory_space<hbm>> -> memref<50x32xf32, #tpu.memory_space<hbm>>
    %dma_wait3A_748 = arith.constant 0 : i32
    %dma_wait3A_749 = arith.constant 0 : i32
    %dma_wait3A_750 = tpu.memref_slice %arg4[%dma_wait3A_740, %dma_wait3A_748, %dma_wait3A_749] : memref<16384x50x32xf32, #tpu.memory_space<hbm>> -> memref<1x50x32xf32, #tpu.memory_space<hbm>>
    %dma_wait3A_751 = tpu.memref_squeeze %dma_wait3A_750 : memref<1x50x32xf32, #tpu.memory_space<hbm>> -> memref<50x32xf32, #tpu.memory_space<hbm>>
    %dma_wait3A_752 = arith.constant 0 : i32
    %dma_wait3A_753 = arith.constant 0 : i32
    %dma_wait3A_754 = tpu.memref_slice %arg7[%dma_wait3A_752, %dma_wait3A_753] : memref<1600x32xf32, #tpu.memory_space<vmem>> -> memref<50x32xf32, #tpu.memory_space<vmem>>
    tpu.wait_dma2 semaphore(%arg11 : memref<!tpu.dma_semaphore, #tpu.memory_space<semaphore_mem>>) src(%dma_wait3A_754 : memref<50x32xf32, #tpu.memory_space<vmem>>) dst(%dma_wait3A_751 : memref<50x32xf32, #tpu.memory_space<hbm>>)
    %dma_wait3A_755 = arith.constant 0 : i32
    %dma_wait3A_756 = arith.constant 0 : i32
    %dma_wait3A_757 = arith.constant 0 : i32
    %dma_wait3A_758 = tpu.memref_slice %arg7[%dma_wait3A_756, %dma_wait3A_757] : memref<1600x32xf32, #tpu.memory_space<vmem>> -> memref<50x32xf32, #tpu.memory_space<vmem>>
    %dma_wait3A_759 = arith.constant 0 : i32
    %dma_wait3A_760 = arith.constant 0 : i32
    %dma_wait3A_761 = tpu.memref_slice %arg4[%dma_wait3A_755, %dma_wait3A_759, %dma_wait3A_760] : memref<16384x50x32xf32, #tpu.memory_space<hbm>> -> memref<1x50x32xf32, #tpu.memory_space<hbm>>
    %dma_wait3A_762 = tpu.memref_squeeze %dma_wait3A_761 : memref<1x50x32xf32, #tpu.memory_space<hbm>> -> memref<50x32xf32, #tpu.memory_space<hbm>>
    %dma_wait3A_763 = arith.constant 0 : i32
    %dma_wait3A_764 = arith.constant 0 : i32
    %dma_wait3A_765 = tpu.memref_slice %arg4[%dma_wait3A_755, %dma_wait3A_763, %dma_wait3A_764] : memref<16384x50x32xf32, #tpu.memory_space<hbm>> -> memref<1x50x32xf32, #tpu.memory_space<hbm>>
    %dma_wait3A_766 = tpu.memref_squeeze %dma_wait3A_765 : memref<1x50x32xf32, #tpu.memory_space<hbm>> -> memref<50x32xf32, #tpu.memory_space<hbm>>
    %dma_wait3A_767 = arith.constant 0 : i32
    %dma_wait3A_768 = arith.constant 0 : i32
    %dma_wait3A_769 = tpu.memref_slice %arg7[%dma_wait3A_767, %dma_wait3A_768] : memref<1600x32xf32, #tpu.memory_space<vmem>> -> memref<50x32xf32, #tpu.memory_space<vmem>>
    tpu.wait_dma2 semaphore(%arg11 : memref<!tpu.dma_semaphore, #tpu.memory_space<semaphore_mem>>) src(%dma_wait3A_769 : memref<50x32xf32, #tpu.memory_space<vmem>>) dst(%dma_wait3A_766 : memref<50x32xf32, #tpu.memory_space<hbm>>)
    %dma_wait3A_770 = arith.constant 0 : i32
    %dma_wait3A_771 = arith.constant 0 : i32
    %dma_wait3A_772 = arith.constant 0 : i32
    %dma_wait3A_773 = tpu.memref_slice %arg7[%dma_wait3A_771, %dma_wait3A_772] : memref<1600x32xf32, #tpu.memory_space<vmem>> -> memref<50x32xf32, #tpu.memory_space<vmem>>
    %dma_wait3A_774 = arith.constant 0 : i32
    %dma_wait3A_775 = arith.constant 0 : i32
    %dma_wait3A_776 = tpu.memref_slice %arg4[%dma_wait3A_770, %dma_wait3A_774, %dma_wait3A_775] : memref<16384x50x32xf32, #tpu.memory_space<hbm>> -> memref<1x50x32xf32, #tpu.memory_space<hbm>>
    %dma_wait3A_777 = tpu.memref_squeeze %dma_wait3A_776 : memref<1x50x32xf32, #tpu.memory_space<hbm>> -> memref<50x32xf32, #tpu.memory_space<hbm>>
    %dma_wait3A_778 = arith.constant 0 : i32
    %dma_wait3A_779 = arith.constant 0 : i32
    %dma_wait3A_780 = tpu.memref_slice %arg4[%dma_wait3A_770, %dma_wait3A_778, %dma_wait3A_779] : memref<16384x50x32xf32, #tpu.memory_space<hbm>> -> memref<1x50x32xf32, #tpu.memory_space<hbm>>
    %dma_wait3A_781 = tpu.memref_squeeze %dma_wait3A_780 : memref<1x50x32xf32, #tpu.memory_space<hbm>> -> memref<50x32xf32, #tpu.memory_space<hbm>>
    %dma_wait3A_782 = arith.constant 0 : i32
    %dma_wait3A_783 = arith.constant 0 : i32
    %dma_wait3A_784 = tpu.memref_slice %arg7[%dma_wait3A_782, %dma_wait3A_783] : memref<1600x32xf32, #tpu.memory_space<vmem>> -> memref<50x32xf32, #tpu.memory_space<vmem>>
    tpu.wait_dma2 semaphore(%arg11 : memref<!tpu.dma_semaphore, #tpu.memory_space<semaphore_mem>>) src(%dma_wait3A_784 : memref<50x32xf32, #tpu.memory_space<vmem>>) dst(%dma_wait3A_781 : memref<50x32xf32, #tpu.memory_space<hbm>>)
    %dma_wait3A_785 = arith.constant 0 : i32
    %dma_wait3A_786 = arith.constant 0 : i32
    %dma_wait3A_787 = arith.constant 0 : i32
    %dma_wait3A_788 = tpu.memref_slice %arg7[%dma_wait3A_786, %dma_wait3A_787] : memref<1600x32xf32, #tpu.memory_space<vmem>> -> memref<50x32xf32, #tpu.memory_space<vmem>>
    %dma_wait3A_789 = arith.constant 0 : i32
    %dma_wait3A_790 = arith.constant 0 : i32
    %dma_wait3A_791 = tpu.memref_slice %arg4[%dma_wait3A_785, %dma_wait3A_789, %dma_wait3A_790] : memref<16384x50x32xf32, #tpu.memory_space<hbm>> -> memref<1x50x32xf32, #tpu.memory_space<hbm>>
    %dma_wait3A_792 = tpu.memref_squeeze %dma_wait3A_791 : memref<1x50x32xf32, #tpu.memory_space<hbm>> -> memref<50x32xf32, #tpu.memory_space<hbm>>
    %dma_wait3A_793 = arith.constant 0 : i32
    %dma_wait3A_794 = arith.constant 0 : i32
    %dma_wait3A_795 = tpu.memref_slice %arg4[%dma_wait3A_785, %dma_wait3A_793, %dma_wait3A_794] : memref<16384x50x32xf32, #tpu.memory_space<hbm>> -> memref<1x50x32xf32, #tpu.memory_space<hbm>>
    %dma_wait3A_796 = tpu.memref_squeeze %dma_wait3A_795 : memref<1x50x32xf32, #tpu.memory_space<hbm>> -> memref<50x32xf32, #tpu.memory_space<hbm>>
    %dma_wait3A_797 = arith.constant 0 : i32
    %dma_wait3A_798 = arith.constant 0 : i32
    %dma_wait3A_799 = tpu.memref_slice %arg7[%dma_wait3A_797, %dma_wait3A_798] : memref<1600x32xf32, #tpu.memory_space<vmem>> -> memref<50x32xf32, #tpu.memory_space<vmem>>
    tpu.wait_dma2 semaphore(%arg11 : memref<!tpu.dma_semaphore, #tpu.memory_space<semaphore_mem>>) src(%dma_wait3A_799 : memref<50x32xf32, #tpu.memory_space<vmem>>) dst(%dma_wait3A_796 : memref<50x32xf32, #tpu.memory_space<hbm>>)
    %dma_wait3A_800 = arith.constant 0 : i32
    %dma_wait3A_801 = arith.constant 0 : i32
    %dma_wait3A_802 = arith.constant 0 : i32
    %dma_wait3A_803 = tpu.memref_slice %arg7[%dma_wait3A_801, %dma_wait3A_802] : memref<1600x32xf32, #tpu.memory_space<vmem>> -> memref<50x32xf32, #tpu.memory_space<vmem>>
    %dma_wait3A_804 = arith.constant 0 : i32
    %dma_wait3A_805 = arith.constant 0 : i32
    %dma_wait3A_806 = tpu.memref_slice %arg4[%dma_wait3A_800, %dma_wait3A_804, %dma_wait3A_805] : memref<16384x50x32xf32, #tpu.memory_space<hbm>> -> memref<1x50x32xf32, #tpu.memory_space<hbm>>
    %dma_wait3A_807 = tpu.memref_squeeze %dma_wait3A_806 : memref<1x50x32xf32, #tpu.memory_space<hbm>> -> memref<50x32xf32, #tpu.memory_space<hbm>>
    %dma_wait3A_808 = arith.constant 0 : i32
    %dma_wait3A_809 = arith.constant 0 : i32
    %dma_wait3A_810 = tpu.memref_slice %arg4[%dma_wait3A_800, %dma_wait3A_808, %dma_wait3A_809] : memref<16384x50x32xf32, #tpu.memory_space<hbm>> -> memref<1x50x32xf32, #tpu.memory_space<hbm>>
    %dma_wait3A_811 = tpu.memref_squeeze %dma_wait3A_810 : memref<1x50x32xf32, #tpu.memory_space<hbm>> -> memref<50x32xf32, #tpu.memory_space<hbm>>
    %dma_wait3A_812 = arith.constant 0 : i32
    %dma_wait3A_813 = arith.constant 0 : i32
    %dma_wait3A_814 = tpu.memref_slice %arg7[%dma_wait3A_812, %dma_wait3A_813] : memref<1600x32xf32, #tpu.memory_space<vmem>> -> memref<50x32xf32, #tpu.memory_space<vmem>>
    tpu.wait_dma2 semaphore(%arg11 : memref<!tpu.dma_semaphore, #tpu.memory_space<semaphore_mem>>) src(%dma_wait3A_814 : memref<50x32xf32, #tpu.memory_space<vmem>>) dst(%dma_wait3A_811 : memref<50x32xf32, #tpu.memory_space<hbm>>)
    %dma_wait3A_815 = arith.constant 0 : i32
    %dma_wait3A_816 = arith.constant 0 : i32
    %dma_wait3A_817 = arith.constant 0 : i32
    %dma_wait3A_818 = tpu.memref_slice %arg7[%dma_wait3A_816, %dma_wait3A_817] : memref<1600x32xf32, #tpu.memory_space<vmem>> -> memref<50x32xf32, #tpu.memory_space<vmem>>
    %dma_wait3A_819 = arith.constant 0 : i32
    %dma_wait3A_820 = arith.constant 0 : i32
    %dma_wait3A_821 = tpu.memref_slice %arg4[%dma_wait3A_815, %dma_wait3A_819, %dma_wait3A_820] : memref<16384x50x32xf32, #tpu.memory_space<hbm>> -> memref<1x50x32xf32, #tpu.memory_space<hbm>>
    %dma_wait3A_822 = tpu.memref_squeeze %dma_wait3A_821 : memref<1x50x32xf32, #tpu.memory_space<hbm>> -> memref<50x32xf32, #tpu.memory_space<hbm>>
    %dma_wait3A_823 = arith.constant 0 : i32
    %dma_wait3A_824 = arith.constant 0 : i32
    %dma_wait3A_825 = tpu.memref_slice %arg4[%dma_wait3A_815, %dma_wait3A_823, %dma_wait3A_824] : memref<16384x50x32xf32, #tpu.memory_space<hbm>> -> memref<1x50x32xf32, #tpu.memory_space<hbm>>
    %dma_wait3A_826 = tpu.memref_squeeze %dma_wait3A_825 : memref<1x50x32xf32, #tpu.memory_space<hbm>> -> memref<50x32xf32, #tpu.memory_space<hbm>>
    %dma_wait3A_827 = arith.constant 0 : i32
    %dma_wait3A_828 = arith.constant 0 : i32
    %dma_wait3A_829 = tpu.memref_slice %arg7[%dma_wait3A_827, %dma_wait3A_828] : memref<1600x32xf32, #tpu.memory_space<vmem>> -> memref<50x32xf32, #tpu.memory_space<vmem>>
    tpu.wait_dma2 semaphore(%arg11 : memref<!tpu.dma_semaphore, #tpu.memory_space<semaphore_mem>>) src(%dma_wait3A_829 : memref<50x32xf32, #tpu.memory_space<vmem>>) dst(%dma_wait3A_826 : memref<50x32xf32, #tpu.memory_space<hbm>>)
    %dma_wait3A_830 = arith.constant 0 : i32
    %dma_wait3A_831 = arith.constant 0 : i32
    %dma_wait3A_832 = arith.constant 0 : i32
    %dma_wait3A_833 = tpu.memref_slice %arg7[%dma_wait3A_831, %dma_wait3A_832] : memref<1600x32xf32, #tpu.memory_space<vmem>> -> memref<50x32xf32, #tpu.memory_space<vmem>>
    %dma_wait3A_834 = arith.constant 0 : i32
    %dma_wait3A_835 = arith.constant 0 : i32
    %dma_wait3A_836 = tpu.memref_slice %arg4[%dma_wait3A_830, %dma_wait3A_834, %dma_wait3A_835] : memref<16384x50x32xf32, #tpu.memory_space<hbm>> -> memref<1x50x32xf32, #tpu.memory_space<hbm>>
    %dma_wait3A_837 = tpu.memref_squeeze %dma_wait3A_836 : memref<1x50x32xf32, #tpu.memory_space<hbm>> -> memref<50x32xf32, #tpu.memory_space<hbm>>
    %dma_wait3A_838 = arith.constant 0 : i32
    %dma_wait3A_839 = arith.constant 0 : i32
    %dma_wait3A_840 = tpu.memref_slice %arg4[%dma_wait3A_830, %dma_wait3A_838, %dma_wait3A_839] : memref<16384x50x32xf32, #tpu.memory_space<hbm>> -> memref<1x50x32xf32, #tpu.memory_space<hbm>>
    %dma_wait3A_841 = tpu.memref_squeeze %dma_wait3A_840 : memref<1x50x32xf32, #tpu.memory_space<hbm>> -> memref<50x32xf32, #tpu.memory_space<hbm>>
    %dma_wait3A_842 = arith.constant 0 : i32
    %dma_wait3A_843 = arith.constant 0 : i32
    %dma_wait3A_844 = tpu.memref_slice %arg7[%dma_wait3A_842, %dma_wait3A_843] : memref<1600x32xf32, #tpu.memory_space<vmem>> -> memref<50x32xf32, #tpu.memory_space<vmem>>
    tpu.wait_dma2 semaphore(%arg11 : memref<!tpu.dma_semaphore, #tpu.memory_space<semaphore_mem>>) src(%dma_wait3A_844 : memref<50x32xf32, #tpu.memory_space<vmem>>) dst(%dma_wait3A_841 : memref<50x32xf32, #tpu.memory_space<hbm>>)
    %dma_wait3A_845 = arith.constant 0 : i32
    %dma_wait3A_846 = arith.constant 0 : i32
    %dma_wait3A_847 = arith.constant 0 : i32
    %dma_wait3A_848 = tpu.memref_slice %arg7[%dma_wait3A_846, %dma_wait3A_847] : memref<1600x32xf32, #tpu.memory_space<vmem>> -> memref<50x32xf32, #tpu.memory_space<vmem>>
    %dma_wait3A_849 = arith.constant 0 : i32
    %dma_wait3A_850 = arith.constant 0 : i32
    %dma_wait3A_851 = tpu.memref_slice %arg4[%dma_wait3A_845, %dma_wait3A_849, %dma_wait3A_850] : memref<16384x50x32xf32, #tpu.memory_space<hbm>> -> memref<1x50x32xf32, #tpu.memory_space<hbm>>
    %dma_wait3A_852 = tpu.memref_squeeze %dma_wait3A_851 : memref<1x50x32xf32, #tpu.memory_space<hbm>> -> memref<50x32xf32, #tpu.memory_space<hbm>>
    %dma_wait3A_853 = arith.constant 0 : i32
    %dma_wait3A_854 = arith.constant 0 : i32
    %dma_wait3A_855 = tpu.memref_slice %arg4[%dma_wait3A_845, %dma_wait3A_853, %dma_wait3A_854] : memref<16384x50x32xf32, #tpu.memory_space<hbm>> -> memref<1x50x32xf32, #tpu.memory_space<hbm>>
    %dma_wait3A_856 = tpu.memref_squeeze %dma_wait3A_855 : memref<1x50x32xf32, #tpu.memory_space<hbm>> -> memref<50x32xf32, #tpu.memory_space<hbm>>
    %dma_wait3A_857 = arith.constant 0 : i32
    %dma_wait3A_858 = arith.constant 0 : i32
    %dma_wait3A_859 = tpu.memref_slice %arg7[%dma_wait3A_857, %dma_wait3A_858] : memref<1600x32xf32, #tpu.memory_space<vmem>> -> memref<50x32xf32, #tpu.memory_space<vmem>>
    tpu.wait_dma2 semaphore(%arg11 : memref<!tpu.dma_semaphore, #tpu.memory_space<semaphore_mem>>) src(%dma_wait3A_859 : memref<50x32xf32, #tpu.memory_space<vmem>>) dst(%dma_wait3A_856 : memref<50x32xf32, #tpu.memory_space<hbm>>)
    %dma_wait3A_860 = arith.constant 0 : i32
    %dma_wait3A_861 = arith.constant 0 : i32
    %dma_wait3A_862 = arith.constant 0 : i32
    %dma_wait3A_863 = tpu.memref_slice %arg7[%dma_wait3A_861, %dma_wait3A_862] : memref<1600x32xf32, #tpu.memory_space<vmem>> -> memref<50x32xf32, #tpu.memory_space<vmem>>
    %dma_wait3A_864 = arith.constant 0 : i32
    %dma_wait3A_865 = arith.constant 0 : i32
    %dma_wait3A_866 = tpu.memref_slice %arg4[%dma_wait3A_860, %dma_wait3A_864, %dma_wait3A_865] : memref<16384x50x32xf32, #tpu.memory_space<hbm>> -> memref<1x50x32xf32, #tpu.memory_space<hbm>>
    %dma_wait3A_867 = tpu.memref_squeeze %dma_wait3A_866 : memref<1x50x32xf32, #tpu.memory_space<hbm>> -> memref<50x32xf32, #tpu.memory_space<hbm>>
    %dma_wait3A_868 = arith.constant 0 : i32
    %dma_wait3A_869 = arith.constant 0 : i32
    %dma_wait3A_870 = tpu.memref_slice %arg4[%dma_wait3A_860, %dma_wait3A_868, %dma_wait3A_869] : memref<16384x50x32xf32, #tpu.memory_space<hbm>> -> memref<1x50x32xf32, #tpu.memory_space<hbm>>
    %dma_wait3A_871 = tpu.memref_squeeze %dma_wait3A_870 : memref<1x50x32xf32, #tpu.memory_space<hbm>> -> memref<50x32xf32, #tpu.memory_space<hbm>>
    %dma_wait3A_872 = arith.constant 0 : i32
    %dma_wait3A_873 = arith.constant 0 : i32
    %dma_wait3A_874 = tpu.memref_slice %arg7[%dma_wait3A_872, %dma_wait3A_873] : memref<1600x32xf32, #tpu.memory_space<vmem>> -> memref<50x32xf32, #tpu.memory_space<vmem>>
    tpu.wait_dma2 semaphore(%arg11 : memref<!tpu.dma_semaphore, #tpu.memory_space<semaphore_mem>>) src(%dma_wait3A_874 : memref<50x32xf32, #tpu.memory_space<vmem>>) dst(%dma_wait3A_871 : memref<50x32xf32, #tpu.memory_space<hbm>>)
    %dma_wait3A_875 = arith.constant 0 : i32
    %dma_wait3A_876 = arith.constant 0 : i32
    %dma_wait3A_877 = arith.constant 0 : i32
    %dma_wait3A_878 = tpu.memref_slice %arg7[%dma_wait3A_876, %dma_wait3A_877] : memref<1600x32xf32, #tpu.memory_space<vmem>> -> memref<50x32xf32, #tpu.memory_space<vmem>>
    %dma_wait3A_879 = arith.constant 0 : i32
    %dma_wait3A_880 = arith.constant 0 : i32
    %dma_wait3A_881 = tpu.memref_slice %arg4[%dma_wait3A_875, %dma_wait3A_879, %dma_wait3A_880] : memref<16384x50x32xf32, #tpu.memory_space<hbm>> -> memref<1x50x32xf32, #tpu.memory_space<hbm>>
    %dma_wait3A_882 = tpu.memref_squeeze %dma_wait3A_881 : memref<1x50x32xf32, #tpu.memory_space<hbm>> -> memref<50x32xf32, #tpu.memory_space<hbm>>
    %dma_wait3A_883 = arith.constant 0 : i32
    %dma_wait3A_884 = arith.constant 0 : i32
    %dma_wait3A_885 = tpu.memref_slice %arg4[%dma_wait3A_875, %dma_wait3A_883, %dma_wait3A_884] : memref<16384x50x32xf32, #tpu.memory_space<hbm>> -> memref<1x50x32xf32, #tpu.memory_space<hbm>>
    %dma_wait3A_886 = tpu.memref_squeeze %dma_wait3A_885 : memref<1x50x32xf32, #tpu.memory_space<hbm>> -> memref<50x32xf32, #tpu.memory_space<hbm>>
    %dma_wait3A_887 = arith.constant 0 : i32
    %dma_wait3A_888 = arith.constant 0 : i32
    %dma_wait3A_889 = tpu.memref_slice %arg7[%dma_wait3A_887, %dma_wait3A_888] : memref<1600x32xf32, #tpu.memory_space<vmem>> -> memref<50x32xf32, #tpu.memory_space<vmem>>
    tpu.wait_dma2 semaphore(%arg11 : memref<!tpu.dma_semaphore, #tpu.memory_space<semaphore_mem>>) src(%dma_wait3A_889 : memref<50x32xf32, #tpu.memory_space<vmem>>) dst(%dma_wait3A_886 : memref<50x32xf32, #tpu.memory_space<hbm>>)
    %dma_wait3A_890 = arith.constant 0 : i32
    %dma_wait3A_891 = arith.constant 0 : i32
    %dma_wait3A_892 = arith.constant 0 : i32
    %dma_wait3A_893 = tpu.memref_slice %arg7[%dma_wait3A_891, %dma_wait3A_892] : memref<1600x32xf32, #tpu.memory_space<vmem>> -> memref<50x32xf32, #tpu.memory_space<vmem>>
    %dma_wait3A_894 = arith.constant 0 : i32
    %dma_wait3A_895 = arith.constant 0 : i32
    %dma_wait3A_896 = tpu.memref_slice %arg4[%dma_wait3A_890, %dma_wait3A_894, %dma_wait3A_895] : memref<16384x50x32xf32, #tpu.memory_space<hbm>> -> memref<1x50x32xf32, #tpu.memory_space<hbm>>
    %dma_wait3A_897 = tpu.memref_squeeze %dma_wait3A_896 : memref<1x50x32xf32, #tpu.memory_space<hbm>> -> memref<50x32xf32, #tpu.memory_space<hbm>>
    %dma_wait3A_898 = arith.constant 0 : i32
    %dma_wait3A_899 = arith.constant 0 : i32
    %dma_wait3A_900 = tpu.memref_slice %arg4[%dma_wait3A_890, %dma_wait3A_898, %dma_wait3A_899] : memref<16384x50x32xf32, #tpu.memory_space<hbm>> -> memref<1x50x32xf32, #tpu.memory_space<hbm>>
    %dma_wait3A_901 = tpu.memref_squeeze %dma_wait3A_900 : memref<1x50x32xf32, #tpu.memory_space<hbm>> -> memref<50x32xf32, #tpu.memory_space<hbm>>
    %dma_wait3A_902 = arith.constant 0 : i32
    %dma_wait3A_903 = arith.constant 0 : i32
    %dma_wait3A_904 = tpu.memref_slice %arg7[%dma_wait3A_902, %dma_wait3A_903] : memref<1600x32xf32, #tpu.memory_space<vmem>> -> memref<50x32xf32, #tpu.memory_space<vmem>>
    tpu.wait_dma2 semaphore(%arg11 : memref<!tpu.dma_semaphore, #tpu.memory_space<semaphore_mem>>) src(%dma_wait3A_904 : memref<50x32xf32, #tpu.memory_space<vmem>>) dst(%dma_wait3A_901 : memref<50x32xf32, #tpu.memory_space<hbm>>)
    %dma_wait3A_905 = arith.constant 0 : i32
    %dma_wait3A_906 = arith.constant 0 : i32
    %dma_wait3A_907 = arith.constant 0 : i32
    %dma_wait3A_908 = tpu.memref_slice %arg7[%dma_wait3A_906, %dma_wait3A_907] : memref<1600x32xf32, #tpu.memory_space<vmem>> -> memref<50x32xf32, #tpu.memory_space<vmem>>
    %dma_wait3A_909 = arith.constant 0 : i32
    %dma_wait3A_910 = arith.constant 0 : i32
    %dma_wait3A_911 = tpu.memref_slice %arg4[%dma_wait3A_905, %dma_wait3A_909, %dma_wait3A_910] : memref<16384x50x32xf32, #tpu.memory_space<hbm>> -> memref<1x50x32xf32, #tpu.memory_space<hbm>>
    %dma_wait3A_912 = tpu.memref_squeeze %dma_wait3A_911 : memref<1x50x32xf32, #tpu.memory_space<hbm>> -> memref<50x32xf32, #tpu.memory_space<hbm>>
    %dma_wait3A_913 = arith.constant 0 : i32
    %dma_wait3A_914 = arith.constant 0 : i32
    %dma_wait3A_915 = tpu.memref_slice %arg4[%dma_wait3A_905, %dma_wait3A_913, %dma_wait3A_914] : memref<16384x50x32xf32, #tpu.memory_space<hbm>> -> memref<1x50x32xf32, #tpu.memory_space<hbm>>
    %dma_wait3A_916 = tpu.memref_squeeze %dma_wait3A_915 : memref<1x50x32xf32, #tpu.memory_space<hbm>> -> memref<50x32xf32, #tpu.memory_space<hbm>>
    %dma_wait3A_917 = arith.constant 0 : i32
    %dma_wait3A_918 = arith.constant 0 : i32
    %dma_wait3A_919 = tpu.memref_slice %arg7[%dma_wait3A_917, %dma_wait3A_918] : memref<1600x32xf32, #tpu.memory_space<vmem>> -> memref<50x32xf32, #tpu.memory_space<vmem>>
    tpu.wait_dma2 semaphore(%arg11 : memref<!tpu.dma_semaphore, #tpu.memory_space<semaphore_mem>>) src(%dma_wait3A_919 : memref<50x32xf32, #tpu.memory_space<vmem>>) dst(%dma_wait3A_916 : memref<50x32xf32, #tpu.memory_space<hbm>>)
    %dma_wait3A_920 = arith.constant 0 : i32
    %dma_wait3A_921 = arith.constant 0 : i32
    %dma_wait3A_922 = arith.constant 0 : i32
    %dma_wait3A_923 = tpu.memref_slice %arg7[%dma_wait3A_921, %dma_wait3A_922] : memref<1600x32xf32, #tpu.memory_space<vmem>> -> memref<50x32xf32, #tpu.memory_space<vmem>>
    %dma_wait3A_924 = arith.constant 0 : i32
    %dma_wait3A_925 = arith.constant 0 : i32
    %dma_wait3A_926 = tpu.memref_slice %arg4[%dma_wait3A_920, %dma_wait3A_924, %dma_wait3A_925] : memref<16384x50x32xf32, #tpu.memory_space<hbm>> -> memref<1x50x32xf32, #tpu.memory_space<hbm>>
    %dma_wait3A_927 = tpu.memref_squeeze %dma_wait3A_926 : memref<1x50x32xf32, #tpu.memory_space<hbm>> -> memref<50x32xf32, #tpu.memory_space<hbm>>
    %dma_wait3A_928 = arith.constant 0 : i32
    %dma_wait3A_929 = arith.constant 0 : i32
    %dma_wait3A_930 = tpu.memref_slice %arg4[%dma_wait3A_920, %dma_wait3A_928, %dma_wait3A_929] : memref<16384x50x32xf32, #tpu.memory_space<hbm>> -> memref<1x50x32xf32, #tpu.memory_space<hbm>>
    %dma_wait3A_931 = tpu.memref_squeeze %dma_wait3A_930 : memref<1x50x32xf32, #tpu.memory_space<hbm>> -> memref<50x32xf32, #tpu.memory_space<hbm>>
    %dma_wait3A_932 = arith.constant 0 : i32
    %dma_wait3A_933 = arith.constant 0 : i32
    %dma_wait3A_934 = tpu.memref_slice %arg7[%dma_wait3A_932, %dma_wait3A_933] : memref<1600x32xf32, #tpu.memory_space<vmem>> -> memref<50x32xf32, #tpu.memory_space<vmem>>
    tpu.wait_dma2 semaphore(%arg11 : memref<!tpu.dma_semaphore, #tpu.memory_space<semaphore_mem>>) src(%dma_wait3A_934 : memref<50x32xf32, #tpu.memory_space<vmem>>) dst(%dma_wait3A_931 : memref<50x32xf32, #tpu.memory_space<hbm>>)
    %dma_wait3A_935 = arith.constant 0 : i32
    %dma_wait3A_936 = arith.constant 0 : i32
    %dma_wait3A_937 = arith.constant 0 : i32
    %dma_wait3A_938 = tpu.memref_slice %arg7[%dma_wait3A_936, %dma_wait3A_937] : memref<1600x32xf32, #tpu.memory_space<vmem>> -> memref<50x32xf32, #tpu.memory_space<vmem>>
    %dma_wait3A_939 = arith.constant 0 : i32
    %dma_wait3A_940 = arith.constant 0 : i32
    %dma_wait3A_941 = tpu.memref_slice %arg4[%dma_wait3A_935, %dma_wait3A_939, %dma_wait3A_940] : memref<16384x50x32xf32, #tpu.memory_space<hbm>> -> memref<1x50x32xf32, #tpu.memory_space<hbm>>
    %dma_wait3A_942 = tpu.memref_squeeze %dma_wait3A_941 : memref<1x50x32xf32, #tpu.memory_space<hbm>> -> memref<50x32xf32, #tpu.memory_space<hbm>>
    %dma_wait3A_943 = arith.constant 0 : i32
    %dma_wait3A_944 = arith.constant 0 : i32
    %dma_wait3A_945 = tpu.memref_slice %arg4[%dma_wait3A_935, %dma_wait3A_943, %dma_wait3A_944] : memref<16384x50x32xf32, #tpu.memory_space<hbm>> -> memref<1x50x32xf32, #tpu.memory_space<hbm>>
    %dma_wait3A_946 = tpu.memref_squeeze %dma_wait3A_945 : memref<1x50x32xf32, #tpu.memory_space<hbm>> -> memref<50x32xf32, #tpu.memory_space<hbm>>
    %dma_wait3A_947 = arith.constant 0 : i32
    %dma_wait3A_948 = arith.constant 0 : i32
    %dma_wait3A_949 = tpu.memref_slice %arg7[%dma_wait3A_947, %dma_wait3A_948] : memref<1600x32xf32, #tpu.memory_space<vmem>> -> memref<50x32xf32, #tpu.memory_space<vmem>>
    tpu.wait_dma2 semaphore(%arg11 : memref<!tpu.dma_semaphore, #tpu.memory_space<semaphore_mem>>) src(%dma_wait3A_949 : memref<50x32xf32, #tpu.memory_space<vmem>>) dst(%dma_wait3A_946 : memref<50x32xf32, #tpu.memory_space<hbm>>)
    %dma_wait3A_950 = arith.constant 0 : i32
    %dma_wait3A_951 = arith.constant 0 : i32
    %dma_wait3A_952 = arith.constant 0 : i32
    %dma_wait3A_953 = tpu.memref_slice %arg7[%dma_wait3A_951, %dma_wait3A_952] : memref<1600x32xf32, #tpu.memory_space<vmem>> -> memref<50x32xf32, #tpu.memory_space<vmem>>
    %dma_wait3A_954 = arith.constant 0 : i32
    %dma_wait3A_955 = arith.constant 0 : i32
    %dma_wait3A_956 = tpu.memref_slice %arg4[%dma_wait3A_950, %dma_wait3A_954, %dma_wait3A_955] : memref<16384x50x32xf32, #tpu.memory_space<hbm>> -> memref<1x50x32xf32, #tpu.memory_space<hbm>>
    %dma_wait3A_957 = tpu.memref_squeeze %dma_wait3A_956 : memref<1x50x32xf32, #tpu.memory_space<hbm>> -> memref<50x32xf32, #tpu.memory_space<hbm>>
    %dma_wait3A_958 = arith.constant 0 : i32
    %dma_wait3A_959 = arith.constant 0 : i32
    %dma_wait3A_960 = tpu.memref_slice %arg4[%dma_wait3A_950, %dma_wait3A_958, %dma_wait3A_959] : memref<16384x50x32xf32, #tpu.memory_space<hbm>> -> memref<1x50x32xf32, #tpu.memory_space<hbm>>
    %dma_wait3A_961 = tpu.memref_squeeze %dma_wait3A_960 : memref<1x50x32xf32, #tpu.memory_space<hbm>> -> memref<50x32xf32, #tpu.memory_space<hbm>>
    %dma_wait3A_962 = arith.constant 0 : i32
    %dma_wait3A_963 = arith.constant 0 : i32
    %dma_wait3A_964 = tpu.memref_slice %arg7[%dma_wait3A_962, %dma_wait3A_963] : memref<1600x32xf32, #tpu.memory_space<vmem>> -> memref<50x32xf32, #tpu.memory_space<vmem>>
    tpu.wait_dma2 semaphore(%arg11 : memref<!tpu.dma_semaphore, #tpu.memory_space<semaphore_mem>>) src(%dma_wait3A_964 : memref<50x32xf32, #tpu.memory_space<vmem>>) dst(%dma_wait3A_961 : memref<50x32xf32, #tpu.memory_space<hbm>>)
    %dma_wait3A_965 = arith.constant 0 : i32
    %dma_wait3A_966 = arith.constant 0 : i32
    %dma_wait3A_967 = arith.constant 0 : i32
    %dma_wait3A_968 = tpu.memref_slice %arg7[%dma_wait3A_966, %dma_wait3A_967] : memref<1600x32xf32, #tpu.memory_space<vmem>> -> memref<50x32xf32, #tpu.memory_space<vmem>>
    %dma_wait3A_969 = arith.constant 0 : i32
    %dma_wait3A_970 = arith.constant 0 : i32
    %dma_wait3A_971 = tpu.memref_slice %arg4[%dma_wait3A_965, %dma_wait3A_969, %dma_wait3A_970] : memref<16384x50x32xf32, #tpu.memory_space<hbm>> -> memref<1x50x32xf32, #tpu.memory_space<hbm>>
    %dma_wait3A_972 = tpu.memref_squeeze %dma_wait3A_971 : memref<1x50x32xf32, #tpu.memory_space<hbm>> -> memref<50x32xf32, #tpu.memory_space<hbm>>
    %dma_wait3A_973 = arith.constant 0 : i32
    %dma_wait3A_974 = arith.constant 0 : i32
    %dma_wait3A_975 = tpu.memref_slice %arg4[%dma_wait3A_965, %dma_wait3A_973, %dma_wait3A_974] : memref<16384x50x32xf32, #tpu.memory_space<hbm>> -> memref<1x50x32xf32, #tpu.memory_space<hbm>>
    %dma_wait3A_976 = tpu.memref_squeeze %dma_wait3A_975 : memref<1x50x32xf32, #tpu.memory_space<hbm>> -> memref<50x32xf32, #tpu.memory_space<hbm>>
    %dma_wait3A_977 = arith.constant 0 : i32
    %dma_wait3A_978 = arith.constant 0 : i32
    %dma_wait3A_979 = tpu.memref_slice %arg7[%dma_wait3A_977, %dma_wait3A_978] : memref<1600x32xf32, #tpu.memory_space<vmem>> -> memref<50x32xf32, #tpu.memory_space<vmem>>
    tpu.wait_dma2 semaphore(%arg11 : memref<!tpu.dma_semaphore, #tpu.memory_space<semaphore_mem>>) src(%dma_wait3A_979 : memref<50x32xf32, #tpu.memory_space<vmem>>) dst(%dma_wait3A_976 : memref<50x32xf32, #tpu.memory_space<hbm>>)
    return
  }
}

</mosaic_0001>

<sc_bundles>
// kernel: kernel.3.cloned.1.call-start
scs
__scs_entry_jumppad:
0x0: {  	(pc) =	sbr.rel $0x88, $3  }
0x1: {  	(tag) =	ssettag $0x0;
	lr =	simm.s32 $0x1  }
0x2: {  	[smem:$0x3F9F] =	sst lr;
	_ =	strace $0xD0000000  }
0x3: {  	_ = 	snop  }
0x4: {  	_ = 	snop  }
0x5: {  	_ = 	snop  }
0x6: {  	_ = 	snop  }
0x7: {  	_ = 	snop  }
__scs_overlays_trampoline_lowered:
0x8: {  	[smem:$0x3FAE] =	sst s0  }
0x9: {  	[smem:$0x3FAF] =	sst s1  }
0xa: {  	[smem:$0x3FB0] =	sst s2  }
0xb: {  	[smem:$0x3FB1] =	sst s3  }
0xc: {  	[smem:$0x3FB2] =	sst s4  }
0xd: {  	[smem:$0x3FB3] =	sst s5  }
0xe: {  	[smem:$0x3FB4] =	sst s6  }
0xf: {  	[smem:$0x3FB5] =	sst s7  }
0x10: {  	[smem:$0x3FB6] =	sst s8  }
0x11: {  	[smem:$0x3FB7] =	sst s9;
	s0 =	simm.s32 @!p0 $0x0  }
0x12: {  	s1 =	sld [smem:$0x3F9D];
	s0 =	simm.s32 @p0 $0x1  }
0x13: {  	[smem:$0x3FB8] =	sst s0;
	s0 =	simm.s32 @!p1 $0x0  }
0x14: {  	s2 =	sld [smem:$0x3F9C];
	s0 =	simm.s32 @p1 $0x1  }
0x15: {  	[smem:$0x3FB9] =	sst s0;
	s0 =	simm.s32 @!p2 $0x0  }
0x16: {  	s3 =	sld [smem:$0x3FDB];
	s0 =	simm.s32 @p2 $0x1  }
0x17: {  	s4 =	simm.s32 $0x1BF5;
	[smem:$0x3FBB] =	sst s0  }
0x18: {  	s0 =	sld [smem:$0x3F9E];
	_ =	swait.ge [sflag:s4], $0x0  }
0x19: {  	s7 =	sld [smem:$0x3F9F]  }
0x1a: {  	s8 =	sadd.s32 $0xFFFFE003, lr  }
0x1b: {  	s9 =	sadd.s32 $0xFFFFFEF7, lr;
	s5 =	simm.s32 $0xFFFFFFFF;
	p2 =	slt.u32 s8, $0xFFFFF086  }
0x1c: {  	p1 =	slt.u32 s9, $0xF7A;
	s5 =	simm.s32 @!p2 $0x0  }
0x1d: {  	s5 =	simm.s32 @p1 $0x1;
	p0 =	seq.s32 s7, s2  }
0x1e: {  	s7 =	smul.u32 @!p0 $0xF7A, s2;
	p2 =	seq.s32 @!p0 s5, $0x0  }
0x1f: {  	s9 =	smul.u32 $0xF7A, s1;
	s8 =	simm.s32 @!p0 $0x1BF5;
	p2 =	por !p2, p0  }
0x20: {  	[sflag:s8] =	ssyncset.s32 @!p0 $0xFFFFF086;
	s6 =	sadd.s32 @!p0 s3, s7;
	s7 =	simm.s32 @!p0 $0x108  }
0x21: {  	s3 =	sadd.s32 s3, s9;
	s6 =	sadd.s32 @!p0 $0x88, s6;
	s7 =	simm.s32 @p2 $0x1082  }
0x22: {  	[simem:s7], [sflag:s8] =	dma.local @!p0 [hbm:s6], $0xF7A  }
0x23: {  	s9 =	sor.u32 $0xD0000000, s2;
	s6 =	simm.s32 $0x108;
	_ =	swait.ge @!p0 [sflag:s8], $0x0  }
0x24: {  	s3 =	sadd.s32 $0x88, s3;
	s6 =	simm.s32 @!p1 $0x1082;
	[sflag:s4] =	ssyncset.s32 $0xFFFFF086  }
0x25: {  	[simem:s6], [sflag:s4] =	dma.local [hbm:s3], $0xF7A  }
0x26: {  	[smem:$0x3F9F] =	sst s1;
	(tag) =	ssettag s2;
	_ =	strace s9  }
0x27: {  	s1 =	sld [smem:$0x3FAF]  }
0x28: {  	s2 =	sld [smem:$0x3FB0]  }
0x29: {  	s4 =	sld [smem:$0x3FB2]  }
0x2a: {  	p0 =	seq.s32 s5, $0x0;
	s5 =	sld [smem:$0x3FB3]  }
0x2b: {  	s6 =	sld [smem:$0x3FB4]  }
0x2c: {  	s7 =	sld [smem:$0x3FB5]  }
0x2d: {  	s3 =	simm.s32 $0x108;
	s8 =	sld [smem:$0x3FB6]  }
0x2e: {  	s3 =	simm.s32 @!p0 $0x1082;
	s9 =	sld [smem:$0x3FB7]  }
0x2f: {  	lr =	sadd.s32 s0, s3;
	s0 =	sld [smem:$0x3FAE]  }
0x30: {  	s3 =	sld [smem:$0x3FB1]  }
0x31: {  	[smem:$0x3FBA] =	sst s10  }
0x32: {  	s10 =	sld [smem:$0x3FB8];
	_ =	sdelay $0x3  }
0x33: {  	p0 =	seq.s32 s10, $0x1;
	s10 =	sld [smem:$0x3FBA];
	_ =	sdelay $0x3  }
0x34: {  	[smem:$0x3FBA] =	sst s10  }
0x35: {  	s10 =	sld [smem:$0x3FB9];
	_ =	sdelay $0x3  }
0x36: {  	p1 =	seq.s32 s10, $0x1;
	s10 =	sld [smem:$0x3FBA];
	_ =	sdelay $0x3  }
0x37: {  	[smem:$0x3FBA] =	sst s10  }
0x38: {  	s10 =	sld [smem:$0x3FBB]  }
0x39: {  	_ = 	snop;
	(pc) =	sbr.ind lr, $3  }
0x3a: {  	_ = 	snop  }
0x3b: {  	_ = 	snop  }
0x3c: {  	p2 =	seq.s32 s10, $0x1;
	s10 =	sld [smem:$0x3FBA]  }
0x3d: {  	_ =	shalt  }
0x3e: {  	_ =	shalt  }
0x3f: {  	_ =	shalt  }
0x40: {  	_ =	shalt  }
0x41: {  	_ =	shalt  }
0x42: {  	_ =	shalt  }
0x43: {  	_ =	shalt  }
0x44: {  	_ =	shalt  }
0x45: {  	_ =	shalt  }
0x46: {  	_ =	shalt  }
0x47: {  	_ =	shalt  }
0x48: {  	_ =	shalt  }
0x49: {  	_ =	shalt  }
0x4a: {  	_ =	shalt  }
0x4b: {  	_ =	shalt  }
0x4c: {  	_ =	shalt  }
0x4d: {  	_ =	shalt  }
0x4e: {  	_ =	shalt  }
0x4f: {  	_ =	shalt  }
0x50: {  	_ =	shalt  }
0x51: {  	_ =	shalt  }
0x52: {  	_ =	shalt  }
0x53: {  	_ =	shalt  }
0x54: {  	_ =	shalt  }
0x55: {  	_ =	shalt  }
0x56: {  	_ =	shalt  }
0x57: {  	_ =	shalt  }
0x58: {  	_ =	shalt  }
0x59: {  	_ =	shalt  }
0x5a: {  	_ =	shalt  }
0x5b: {  	_ =	shalt  }
0x5c: {  	_ =	shalt  }
0x5d: {  	_ =	shalt  }
0x5e: {  	_ =	shalt  }
0x5f: {  	_ =	shalt  }
0x60: {  	_ =	shalt  }
0x61: {  	_ =	shalt  }
0x62: {  	_ =	shalt  }
0x63: {  	_ =	shalt  }
0x64: {  	_ =	shalt  }
0x65: {  	_ =	shalt  }
0x66: {  	_ =	shalt  }
0x67: {  	_ =	shalt  }
0x68: {  	_ =	shalt  }
0x69: {  	_ =	shalt  }
0x6a: {  	_ =	shalt  }
0x6b: {  	_ =	shalt  }
0x6c: {  	_ =	shalt  }
0x6d: {  	_ =	shalt  }
0x6e: {  	_ =	shalt  }
0x6f: {  	_ =	shalt  }
0x70: {  	_ =	shalt  }
0x71: {  	_ =	shalt  }
0x72: {  	_ =	shalt  }
0x73: {  	_ =	shalt  }
0x74: {  	_ =	shalt  }
0x75: {  	_ =	shalt  }
0x76: {  	_ =	shalt  }
0x77: {  	_ =	shalt  }
0x78: {  	_ =	shalt  }
0x79: {  	_ =	shalt  }
0x7a: {  	_ =	shalt  }
0x7b: {  	_ =	shalt  }
0x7c: {  	_ =	shalt  }
0x7d: {  	_ =	shalt  }
0x7e: {  	_ =	shalt  }
0x7f: {  	_ =	shalt  }
0x80: {  	_ =	shalt  }
0x81: {  	_ =	shalt  }
0x82: {  	_ =	shalt  }
0x83: {  	_ =	shalt  }
0x84: {  	_ =	shalt  }
0x85: {  	_ =	shalt  }
0x86: {  	_ =	shalt  }
0x87: {  	_ =	shalt  }
.Lfunc_end0:
.L_simem_size_0:
called_computation.1_lowered:
.L_overlay_start_0:
0x88: {  	s2 =	sld [smem:$0x3FD9]  }
0x89: {  	s3 =	sld [smem:$0x3FFE];
	_ =	sdelay $0x1  }
0x8a: {  	s1 =	srdreg.scid  }
0x8b: {  	s0 =	sand.u32 $0x1, s1  }
0x8c: {  	s17 =	sshll.u32 s0, $0xA;
	s2 =	sadd.s32 s3, s2  }
0x8d: {  	s2 =	sadd.s32 s2, s17  }
0x8e: {  	[smem:$0x3FC6] =	sst s2  }
0x8f: {  	_ = 	snop  }
0x90: {  	s2 =	sld [smem:$0x3FD0];
	(tm) =	ssettm $0x1  }
0x91: {  	s18 =	sld [smem:$0x3FFB];
	_ =	sdelay $0x3  }
0x92: {  	_ =	strace s18  }
0x93: {  	s3 =	sld [smem:$0x3FFC];
	_ =	sdelay $0x3  }
0x94: {  	_ =	strace s3  }
0x95: {  	s3 =	sld [smem:$0x3FFD];
	_ =	sdelay $0x3  }
0x96: {  	_ =	strace s3  }
0x97: {  	_ =	strace $0x8FFFFFFF  }
0x98: {  	s19 =	sld [smem:$0x3FDB];
	_ =	sdelay $0x1  }
0x99: {  	s4 =	simm.s32 $_scs_section_size  }
0x9a: {  	s5 =	simm.s32 $_size__tile_overlayer_lowered;
	s6 =	simm.s32 $_tile_overlayer_lowered  }
0x9b: {  	s22 =	simm.s32 $0x1BFF;
	s21 =	sshll.u32 s6, $0x1;
	s3 =	sadd.s32 s4, s19  }
0x9c: {  	s7 =	simm.s32 $0x0;
	s20 =	sshll.u32 s5, $0x1;
	s5 =	sadd.s32 s21, s3  }
0x9d: {  	[timem:s7], [sflag:s22] =	dma.local [hbm:s5], s20  }
0x9e: {  	_ =	swait.ge [sflag:s22], s20  }
0x9f: {  	s4 =	ssub.s32 $0x0, s20;
	[sflag:s22] =	ssyncset.done $0x0  }
0xa0: {  	[sflag:s22] =	ssyncadd.s32 s4;
	_ =	sdelay $0x1  }
0xa1: {  	s23 =	simm.s32 $0x1B8B  }
0xa2: {  	_ =	swait.ge [sflag:s23], $0x1  }
0xa3: {  	[sflag:s23] =	ssyncset.done $0x0  }
0xa4: {  	s25 =	simm.s32 $0x1B8E;
	s24 =	sld [smem:$0x3FFE];
	[sflag:s23] =	ssyncadd.s32 $0xFFFFFFFF  }
0xa5: {  	s26 =	simm.s32 $execute0_lowered;
	[smem:$0x3FD2] =	sst s25  }
0xa6: {  	s5 =	sshll.u32 s26, $0x1;
	_ =	strace $0x80000046;
	[dreg:$0x1] =	wrdreg $0xFFFFFFFF  }
0xa7: {  	s28 =	simm.s32 $_size_execute0_lowered;
	s3 =	sadd.s32 s3, s5;
	[dreg:$0x0] =	wrdreg $0x0  }
0xa8: {  	s5 =	sshll.u32 s28, $0x1;
	[dreg:$0x2] =	wrdreg s3  }
0xa9: {  	[dreg:$0x3] =	wrdreg s5  }
0xaa: {  	[dreg:$0x4] =	wrdreg $0xC0  }
0xab: {  	_ =	task [dreg:s7], $0x5FFFF  }
0xac: {  	[dreg:$0x1] =	wrdreg $0xFFFFFFFF  }
0xad: {  	[dreg:$0x0] =	wrdreg $0x60  }
0xae: {  	[dreg:$0x2] =	wrdreg s24  }
0xaf: {  	[dreg:$0x3] =	wrdreg s2  }
0xb0: {  	[dreg:$0x4] =	wrdreg $0x9  }
0xb1: {  	_ =	task.clear_ibuf [dreg:s7], $0x5FFFF;
	_ =	strace $0x90000046  }
0xb2: {  	s29 =	simm.s32 $0x9;
	_ =	strace $0x80000048  }
0xb3: {  	_ =	swait.ge [sflag:s29], $0x1  }
0xb4: {  	[sflag:s29] =	ssyncadd.s32 $0xFFFFFFFF  }
0xb5: {  	_ =	strace $0x90000048  }
0xb6: {  	_ =	sfence  }
0xb7: {  	s30 =	sld [smem:$0x0];
	_ =	sdelay $0x2  }
0xb8: {  	s31 =	sshll.u32 s1, $0xD;
	s1 =	sshrl.u32 s1, $0x2  }
0xb9: {  	s3 =	sand.u32 $0x4000, s31;
	s1 =	sadd.s32 s1, s30  }
0xba: {  	s0 =	sor.u32 s3, s0;
	s1 =	sshll.u32 s1, $0x11  }
0xbb: {  	s0 =	sor.u32 s1, s0  }
0xbc: {  	s0 =	sadd.s32 $0x8F2B, s0  }
0xbd: {  	[sflag:s0] =	ssyncadd.remote.s32 $0x1  }
0xbe: {  	_ =	sfence.sel $0xFFFF  }
0xbf: {  	[dreg:$0x0] =	wrdreg $0xFFFFFFFF;
	(pc) =	sbr.abs _section_cstart, $3  }
0xc0: {  	[dreg:$0x1] =	wrdreg $0xFFFFFFFF  }
0xc1: {  	_ =	task.clear_ibuf [dreg:s7], $0x2FFFF;
	_ =	strace $0x9FFFFFFF  }
0xc2: {  	(tm) =	ssettm $0x7FFFFFFF  }
0xc3: {  	_ =	shalt  }
tec
execute0_lowered:
.L_overlay_start_1:
0x0: {  	(tag) =	ssettag $0x1  }
0x1: {  	s0 =	srdreg.scid;
	s9 =	stileid.u32;
	s1 =	simm.s32 $0x0  }
0x2: {  	s5 =	sand.u32 $0x1, s0;
	s2 =	smul.u32 $0x190000, s9;
	s0 =	rddreg [dreg:$0x1]  }
0x3: {  	[smem:$0x7FF] =	sst s1;
	s4 =	sshll.u32 s9, $0x1;
	s9 =	smul.u32 $0x32000, s9  }
0x4: {  	s3 =	smul.u32 $0xC8000, s5;
	s6 =	ssub.s32 $0x2, s5;
	s7 =	sor.u32 s5, s4  }
0x5: {  	s5 =	smul.u32 $0x19000, s5;
	s8 =	sshrl.u32 s6, $0x1;
	s9 =	sadd.s32 s9, s0  }
0x6: {  	s4 =	sadd.s32 s3, s2;
	s2 =	smul.u32 $0x6400, s7;
	s3 =	ssub.s32 s6, s8  }
0x7: {  	s30 =	sadd.s32 s5, s9;
	s7 =	sadd.s32 $0x189C0, s4;
	s8 =	sadd.s32 $0x18380, s4  }
0x8: {  	s11 =	sadd.s32 $0x17D40, s4;
	s14 =	sadd.s32 $0x17700, s4;
	s15 =	sadd.s32 $0x170C0, s4  }
0x9: {  	s16 =	sadd.s32 $0x16A80, s4;
	s19 =	sadd.s32 $0x16440, s4;
	s20 =	sadd.s32 $0x15E00, s4  }
0xa: {  	s21 =	sadd.s32 $0x157C0, s4;
	s24 =	sadd.s32 $0x15180, s4;
	s25 =	sadd.s32 $0x14B40, s4  }
0xb: {  	s26 =	sadd.s32 $0x14500, s4;
	s9 =	sadd.s32 $0x11300, s4;
	s3 =	smax.u32 s3, $0x1  }
0xc: {  	s6 =	sshrl.u32 s7, $0x3;
	s12 =	sshrl.u32 s8, $0x3;
	s13 =	sshrl.u32 s11, $0x3  }
0xd: {  	s17 =	sshrl.u32 s15, $0x3;
	s18 =	sshrl.u32 s16, $0x3;
	s22 =	sshrl.u32 s20, $0x3  }
0xe: {  	s23 =	sshrl.u32 s21, $0x3;
	s20 =	sshrl.u32 s25, $0x3;
	s21 =	sshrl.u32 s26, $0x3  }
0xf: {  	s7 =	sadd.s32 $0x12C00, s4;
	s8 =	sadd.s32 $0x125C0, s4;
	s2 =	sshrl.u32 s2, $0x3  }
0x10: {  	s10 =	sadd.s32 s6, s0;
	s11 =	sadd.s32 s12, s0;
	s12 =	sadd.s32 s13, s0  }
0x11: {  	s6 =	sshrl.u32 s14, $0x3;
	s14 =	sadd.s32 s17, s0;
	s15 =	sadd.s32 s18, s0  }
0x12: {  	s17 =	sadd.s32 s22, s0;
	s18 =	sadd.s32 s23, s0;
	s20 =	sadd.s32 s20, s0  }
0x13: {  	s21 =	sadd.s32 s21, s0;
	s22 =	sadd.s32 $0x13EC0, s4;
	s23 =	sadd.s32 $0x13880, s4  }
0x14: {  	s13 =	sadd.s32 s6, s0;
	s6 =	sshrl.u32 s19, $0x3;
	s25 =	sshrl.u32 s23, $0x3  }
0x15: {  	s16 =	sadd.s32 s6, s0;
	s6 =	sshrl.u32 s24, $0x3;
	s24 =	sadd.s32 $0x13240, s4  }
0x16: {  	s19 =	sadd.s32 s6, s0;
	s6 =	sshrl.u32 s22, $0x3;
	s26 =	sshrl.u32 s24, $0x3  }
0x17: {  	s23 =	sadd.s32 s25, s0;
	s22 =	sadd.s32 s6, s0;
	s24 =	sadd.s32 s26, s0  }
0x18: {  	s6 =	sshrl.u32 s7, $0x3;
	s26 =	sshrl.u32 s8, $0x3;
	s7 =	sadd.s32 $0x11F80, s4  }
0x19: {  	s8 =	sadd.s32 $0x11940, s4;
	s25 =	sadd.s32 s6, s0;
	s26 =	sadd.s32 s26, s0  }
0x1a: {  	s6 =	sshrl.u32 s7, $0x3;
	s5 =	sshrl.u32 s8, $0x3;
	s7 =	sadd.s32 $0x10CC0, s4  }
0x1b: {  	s28 =	sadd.s32 s6, s0;
	s29 =	sadd.s32 s5, s0;
	s6 =	sshrl.u32 s9, $0x3  }
0x1c: {  	s8 =	sshrl.u32 s7, $0x3;
	s9 =	sadd.s32 $0x10680, s4;
	s7 =	sadd.s32 $0x10040, s4  }
0x1d: {  	s31 =	sadd.s32 s6, s0;
	s5 =	sadd.s32 s8, s0;
	s6 =	sshrl.u32 s9, $0x3  }
0x1e: {  	s8 =	sshrl.u32 s7, $0x3;
	s9 =	sadd.s32 $0xFA00, s4;
	s7 =	sadd.s32 $0xF3C0, s4  }
0x1f: {  	[dreg:$0x3] =	wrdreg s5;
	s5 =	sadd.s32 s6, s0;
	s6 =	sshrl.u32 s9, $0x3  }
0x20: {  	s9 =	sadd.s32 $0xED80, s4;
	[dreg:$0x4] =	wrdreg s5;
	s5 =	sadd.s32 s8, s0  }
0x21: {  	s8 =	sshrl.u32 s7, $0x3;
	s7 =	sadd.s32 $0xE740, s4;
	[dreg:$0x5] =	wrdreg s5  }
0x22: {  	s5 =	sadd.s32 s6, s0;
	s6 =	sshrl.u32 s9, $0x3;
	s9 =	sadd.s32 $0xE100, s4  }
0x23: {  	[dreg:$0x6] =	wrdreg s5;
	s5 =	sadd.s32 s8, s0;
	s8 =	sshrl.u32 s7, $0x3  }
0x24: {  	s7 =	sadd.s32 $0xDAC0, s4;
	[dreg:$0x7] =	wrdreg s5;
	s5 =	sadd.s32 s6, s0  }
0x25: {  	s6 =	sshrl.u32 s9, $0x3;
	s9 =	sadd.s32 $0xD480, s4;
	[dreg:$0x8] =	wrdreg s5  }
0x26: {  	s5 =	sadd.s32 s8, s0;
	s8 =	sshrl.u32 s7, $0x3;
	s7 =	sadd.s32 $0xC1C0, s4  }
0x27: {  	[dreg:$0x9] =	wrdreg s5;
	s5 =	sadd.s32 s6, s0;
	s6 =	sshrl.u32 s9, $0x3  }
0x28: {  	s9 =	sadd.s32 $0xBB80, s4;
	[dreg:$0xa] =	wrdreg s5;
	s5 =	sadd.s32 s8, s0  }
0x29: {  	s8 =	sshrl.u32 s7, $0x3;
	s7 =	sadd.s32 $0xB540, s4;
	[dreg:$0xb] =	wrdreg s5  }
0x2a: {  	s5 =	sadd.s32 s6, s0;
	s6 =	sshrl.u32 s9, $0x3;
	s9 =	sadd.s32 $0xAF00, s4  }
0x2b: {  	[dreg:$0xc] =	wrdreg s5;
	s5 =	sadd.s32 s8, s0;
	s8 =	sshrl.u32 s7, $0x3  }
0x2c: {  	s7 =	sadd.s32 $0xA8C0, s4;
	[dreg:$0xd] =	wrdreg s5;
	s5 =	sadd.s32 s6, s0  }
0x2d: {  	s6 =	sshrl.u32 s9, $0x3;
	s9 =	sadd.s32 $0xA280, s4;
	[dreg:$0xe] =	wrdreg s5  }
0x2e: {  	s5 =	sadd.s32 s8, s0;
	s8 =	sshrl.u32 s7, $0x3;
	s7 =	sadd.s32 $0x9C40, s4  }
0x2f: {  	[dreg:$0xf] =	wrdreg s5;
	s5 =	sadd.s32 s6, s0;
	s6 =	sshrl.u32 s9, $0x3  }
0x30: {  	s9 =	sadd.s32 $0x9600, s4;
	[dreg:$0x10] =	wrdreg s5;
	s5 =	sadd.s32 s8, s0  }
0x31: {  	s8 =	sshrl.u32 s7, $0x3;
	s7 =	sadd.s32 $0x8FC0, s4;
	[dreg:$0x11] =	wrdreg s5  }
0x32: {  	s5 =	sadd.s32 s6, s0;
	s6 =	sshrl.u32 s9, $0x3;
	s9 =	sadd.s32 $0x8980, s4  }
0x33: {  	[dreg:$0x12] =	wrdreg s5;
	s5 =	sadd.s32 s8, s0;
	s8 =	sshrl.u32 s7, $0x3  }
0x34: {  	s7 =	sadd.s32 $0x8340, s4;
	[dreg:$0x13] =	wrdreg s5;
	s5 =	sadd.s32 s6, s0  }
0x35: {  	s6 =	sshrl.u32 s9, $0x3;
	s9 =	sor.u32 $0x7D00, s4;
	[dreg:$0x14] =	wrdreg s5  }
0x36: {  	s5 =	sadd.s32 s8, s0;
	s8 =	sshrl.u32 s7, $0x3;
	s7 =	sor.u32 $0x76C0, s4  }
0x37: {  	[dreg:$0x15] =	wrdreg s5;
	s5 =	sadd.s32 s6, s0;
	s6 =	sshrl.u32 s9, $0x3  }
0x38: {  	s9 =	sor.u32 $0x7080, s4;
	[dreg:$0x16] =	wrdreg s5;
	s5 =	sadd.s32 s8, s0  }
0x39: {  	s8 =	sshrl.u32 s7, $0x3;
	s7 =	sor.u32 $0x6A40, s4;
	[dreg:$0x17] =	wrdreg s5  }
0x3a: {  	s5 =	sadd.s32 s6, s0;
	s6 =	sshrl.u32 s9, $0x3;
	s9 =	sor.u32 $0x6400, s4  }
0x3b: {  	[dreg:$0x18] =	wrdreg s5;
	s5 =	sadd.s32 s8, s0;
	s8 =	sshrl.u32 s7, $0x3  }
0x3c: {  	s7 =	sor.u32 $0x5DC0, s4;
	[dreg:$0x19] =	wrdreg s5;
	s5 =	sadd.s32 s6, s0  }
0x3d: {  	s6 =	sshrl.u32 s9, $0x3;
	s9 =	sor.u32 $0x5780, s4;
	[dreg:$0x1a] =	wrdreg s5  }
0x3e: {  	s5 =	sadd.s32 s8, s0;
	s8 =	sshrl.u32 s7, $0x3;
	s7 =	sor.u32 $0x5140, s4  }
0x3f: {  	[dreg:$0x1b] =	wrdreg s5;
	s5 =	sadd.s32 s6, s0;
	s6 =	sshrl.u32 s9, $0x3  }
0x40: {  	s9 =	sor.u32 $0x4B00, s4;
	[dreg:$0x1c] =	wrdreg s5;
	s5 =	sadd.s32 s8, s0  }
0x41: {  	s8 =	sshrl.u32 s7, $0x3;
	s7 =	sor.u32 $0x44C0, s4;
	[dreg:$0x1d] =	wrdreg s5  }
0x42: {  	s5 =	sadd.s32 s6, s0;
	s6 =	sshrl.u32 s9, $0x3;
	s9 =	sor.u32 $0x3E80, s4  }
0x43: {  	[dreg:$0x1e] =	wrdreg s5;
	s5 =	sadd.s32 s8, s0;
	s8 =	sshrl.u32 s7, $0x3  }
0x44: {  	s7 =	sor.u32 $0x3840, s4;
	[dreg:$0x1f] =	wrdreg s5;
	s5 =	sadd.s32 s6, s0  }
0x45: {  	s6 =	sshrl.u32 s9, $0x3;
	s9 =	sor.u32 $0x3200, s4;
	[smem:$0x7F2] =	sst s5  }
0x46: {  	s5 =	sadd.s32 s8, s0;
	s8 =	sshrl.u32 s7, $0x3;
	s7 =	sor.u32 $0x2BC0, s4  }
0x47: {  	[smem:$0x7F3] =	sst s5;
	s5 =	sadd.s32 s6, s0;
	s6 =	sshrl.u32 s9, $0x3  }
0x48: {  	s9 =	sor.u32 $0x2580, s4;
	[smem:$0x7F4] =	sst s5;
	s5 =	sadd.s32 s8, s0  }
0x49: {  	s8 =	sshrl.u32 s7, $0x3;
	s7 =	sor.u32 $0x1F40, s4;
	[smem:$0x7F5] =	sst s5  }
0x4a: {  	s5 =	sadd.s32 s6, s0;
	s6 =	sshrl.u32 s9, $0x3;
	s9 =	sor.u32 $0x1900, s4  }
0x4b: {  	s4 =	sor.u32 $0x12C0, s4;
	[smem:$0x7F6] =	sst s5;
	s5 =	sadd.s32 s8, s0  }
0x4c: {  	s8 =	sshrl.u32 s7, $0x3;
	s4 =	sshrl.u32 s4, $0x3;
	s7 =	rddreg [dreg:$0x0]  }
0x4d: {  	[smem:$0x7F7] =	sst s5;
	s5 =	sadd.s32 s6, s0;
	s6 =	sshrl.u32 s9, $0x3  }
0x4e: {  	[smem:$0x7F8] =	sst s5;
	s5 =	sadd.s32 s8, s0;
	s8 =	sadd.s32 s2, s7  }
0x4f: {  	s2 =	sadd.s32 $0xF42E00, s7;
	[smem:$0x7F9] =	sst s5;
	s5 =	sadd.s32 s6, s0  }
0x50: {  	s0 =	sadd.s32 s4, s0;
	s9 =	sadd.s32 $0xA00, s8;
	[smem:$0x7FA] =	sst s5  }
0x51: {  	s4 =	sadd.s32 $0xB90, s8;
	_ =	strace $0x80000047;
	[smem:$0x7FB] =	sst s9  }
0x52: {  	s7 =	simm.s32 $0x0;
	s6 =	simm.s32 $0x6400;
	[smem:$0x7FC] =	sst s4  }
0x53: {  	s5 =	simm.s32 $0x12C00;
	[smem:$0x7FD] =	sst s3;
	s9 =	simm.s32 $0x1  }
.LBB2_1:
0x54: {  	s3 =	sld [smem:$0x7FB];
	_ =	sdelay $0x1  }
0x55: {  	[smem:$0x7F1] =	sst s7;
	s4 =	simm.s32 $0x5  }
0x56: {  	[tilespmem:s1], [sflag:$0x5] =	stream.linear.gather [hbm4b:s3+s1], $0xC80, $0x38;
	[tilespmem:$0x1F400] =	vst v63  }
0x57: {  	_ =	swait.ge [sflag:s4], $0xC80  }
0x58: {  	[sflag:s4] =	ssyncset.done $0x0  }
0x59: {  	s8 =	simm.s32 $0x640;
	[sflag:s4] =	ssyncadd.s32 $0xFFFFF380  }
0x5a: {  	[tilespmem:s6], [sflag:$0x1] =	stream.indirect.gather [hbm4b:s2+s8], $0x20, s1, s8, $0xb8;
	[tilespmem:$0x1F400] =	vst v63  }
0x5b: {  	s7 =	sld [smem:$0x7FC]  }
0x5c: {  	[tilespmem:s5], [sflag:$0x2] =	stream.indirect.gather [hbm4b:s2+s8], $0x20, s8, s8, $0xb8;
	[tilespmem:$0x1F400] =	vst v63  }
0x5d: {  	s8 =	simm.s32 $0xC80  }
0x5e: {  	[tilespmem:s8], [sflag:$0x5] =	stream.linear.gather [hbm4b:s7+s1], $0x5780, $0x38;
	[tilespmem:$0x1F400] =	vst v63  }
0x5f: {  	_ =	swait.ge [sflag:s4], $0x5780  }
0x60: {  	s7 =	simm.s32 $0x0;
	[sflag:s4] =	ssyncset.done $0x0  }
0x61: {  	s5 =	sld [smem:$0x7FA];
	[sflag:s4] =	ssyncadd.s32 $0xFFFFA880;
	s4 =	simm.s32 $0x2  }
.LBB2_2:
0x62: {  	_ =	swait.ge [sflag:s9], $0xC800  }
0x63: {  	[sflag:s9] =	ssyncset.done $0x0  }
0x64: {  	s8 =	sadd.s32 s7, s30;
	[sflag:s9] =	ssyncadd.s32 $0xFFFF3800  }
0x65: {  	[hbm4b:s8+s1] =	stream.linear.scatter [tilespmem:s6], [sflag:$0x3], $0x640, $0x38;
	[tilespmem:$0x1F400] =	vst v63  }
0x66: {  	s3 =	simm.s32 $0x6A40;
	s6 =	sadd.s32 $0xC8, s8  }
0x67: {  	[hbm4b:s6+s1] =	stream.linear.scatter [tilespmem:s3], [sflag:$0x3], $0x640, $0x38;
	[tilespmem:$0x1F400] =	vst v63  }
0x68: {  	s3 =	sadd.s32 $0x190, s8;
	s6 =	simm.s32 $0x7080  }
0x69: {  	[hbm4b:s3+s1] =	stream.linear.scatter [tilespmem:s6], [sflag:$0x3], $0x640, $0x38;
	[tilespmem:$0x1F400] =	vst v63  }
0x6a: {  	s9 =	sld [smem:$0x7F9];
	s3 =	sadd.s32 s7, s0;
	s6 =	simm.s32 $0x76C0  }
0x6b: {  	[hbm4b:s3+s1] =	stream.linear.scatter [tilespmem:s6], [sflag:$0x3], $0x640, $0x38;
	[tilespmem:$0x1F400] =	vst v63  }
0x6c: {  	s3 =	sadd.s32 s7, s5;
	s6 =	simm.s32 $0x7D00  }
0x6d: {  	[hbm4b:s3+s1] =	stream.linear.scatter [tilespmem:s6], [sflag:$0x3], $0x640, $0x38;
	[tilespmem:$0x1F400] =	vst v63  }
0x6e: {  	s3 =	sadd.s32 s7, s9;
	s9 =	sld [smem:$0x7F8]  }
0x6f: {  	s6 =	simm.s32 $0x8340  }
0x70: {  	[hbm4b:s3+s1] =	stream.linear.scatter [tilespmem:s6], [sflag:$0x3], $0x640, $0x38;
	[tilespmem:$0x1F400] =	vst v63  }
0x71: {  	s3 =	sadd.s32 s7, s9;
	s9 =	sld [smem:$0x7F7]  }
0x72: {  	s6 =	simm.s32 $0x8980  }
0x73: {  	[hbm4b:s3+s1] =	stream.linear.scatter [tilespmem:s6], [sflag:$0x3], $0x640, $0x38;
	[tilespmem:$0x1F400] =	vst v63  }
0x74: {  	s3 =	sadd.s32 s7, s9;
	s9 =	sld [smem:$0x7F6]  }
0x75: {  	s6 =	simm.s32 $0x8FC0  }
0x76: {  	[hbm4b:s3+s1] =	stream.linear.scatter [tilespmem:s6], [sflag:$0x3], $0x640, $0x38;
	[tilespmem:$0x1F400] =	vst v63  }
0x77: {  	s3 =	sadd.s32 s7, s9;
	s9 =	sld [smem:$0x7F5]  }
0x78: {  	s6 =	simm.s32 $0x9600  }
0x79: {  	[hbm4b:s3+s1] =	stream.linear.scatter [tilespmem:s6], [sflag:$0x3], $0x640, $0x38;
	[tilespmem:$0x1F400] =	vst v63  }
0x7a: {  	s3 =	sadd.s32 s7, s9;
	s9 =	sld [smem:$0x7F4]  }
0x7b: {  	s6 =	simm.s32 $0x9C40  }
0x7c: {  	[hbm4b:s3+s1] =	stream.linear.scatter [tilespmem:s6], [sflag:$0x3], $0x640, $0x38;
	[tilespmem:$0x1F400] =	vst v63  }
0x7d: {  	s3 =	sadd.s32 s7, s9;
	s9 =	sld [smem:$0x7F3]  }
0x7e: {  	s6 =	simm.s32 $0xA280  }
0x7f: {  	[hbm4b:s3+s1] =	stream.linear.scatter [tilespmem:s6], [sflag:$0x3], $0x640, $0x38;
	[tilespmem:$0x1F400] =	vst v63  }
0x80: {  	s3 =	sadd.s32 s7, s9;
	s9 =	sld [smem:$0x7F2]  }
0x81: {  	s6 =	simm.s32 $0xA8C0  }
0x82: {  	[hbm4b:s3+s1] =	stream.linear.scatter [tilespmem:s6], [sflag:$0x3], $0x640, $0x38;
	[tilespmem:$0x1F400] =	vst v63  }
0x83: {  	s6 =	simm.s32 $0xAF00;
	s3 =	sadd.s32 s7, s9;
	s9 =	rddreg [dreg:$0x1f]  }
0x84: {  	[hbm4b:s3+s1] =	stream.linear.scatter [tilespmem:s6], [sflag:$0x3], $0x640, $0x38;
	[tilespmem:$0x1F400] =	vst v63  }
0x85: {  	s3 =	sadd.s32 s7, s9;
	s6 =	simm.s32 $0xB540;
	s9 =	rddreg [dreg:$0x1e]  }
0x86: {  	[hbm4b:s3+s1] =	stream.linear.scatter [tilespmem:s6], [sflag:$0x3], $0x640, $0x38;
	[tilespmem:$0x1F400] =	vst v63  }
0x87: {  	s3 =	sadd.s32 s7, s9;
	s6 =	simm.s32 $0xBB80;
	s9 =	rddreg [dreg:$0x1d]  }
0x88: {  	[hbm4b:s3+s1] =	stream.linear.scatter [tilespmem:s6], [sflag:$0x3], $0x640, $0x38;
	[tilespmem:$0x1F400] =	vst v63  }
0x89: {  	s3 =	sadd.s32 s7, s9;
	s6 =	simm.s32 $0xC1C0;
	s9 =	rddreg [dreg:$0x1c]  }
0x8a: {  	[hbm4b:s3+s1] =	stream.linear.scatter [tilespmem:s6], [sflag:$0x3], $0x640, $0x38;
	[tilespmem:$0x1F400] =	vst v63  }
0x8b: {  	s3 =	sadd.s32 s7, s9;
	s6 =	simm.s32 $0xC800;
	s9 =	rddreg [dreg:$0x1b]  }
0x8c: {  	[hbm4b:s3+s1] =	stream.linear.scatter [tilespmem:s6], [sflag:$0x3], $0x640, $0x38;
	[tilespmem:$0x1F400] =	vst v63  }
0x8d: {  	s3 =	sadd.s32 s7, s9;
	s6 =	simm.s32 $0xCE40;
	s9 =	rddreg [dreg:$0x1a]  }
0x8e: {  	[hbm4b:s3+s1] =	stream.linear.scatter [tilespmem:s6], [sflag:$0x3], $0x640, $0x38;
	[tilespmem:$0x1F400] =	vst v63  }
0x8f: {  	s3 =	sadd.s32 s7, s9;
	s6 =	simm.s32 $0xD480;
	s9 =	rddreg [dreg:$0x19]  }
0x90: {  	[hbm4b:s3+s1] =	stream.linear.scatter [tilespmem:s6], [sflag:$0x3], $0x640, $0x38;
	[tilespmem:$0x1F400] =	vst v63  }
0x91: {  	s3 =	sadd.s32 s7, s9;
	s6 =	simm.s32 $0xDAC0;
	s9 =	rddreg [dreg:$0x18]  }
0x92: {  	[hbm4b:s3+s1] =	stream.linear.scatter [tilespmem:s6], [sflag:$0x3], $0x640, $0x38;
	[tilespmem:$0x1F400] =	vst v63  }
0x93: {  	s3 =	sadd.s32 s7, s9;
	s6 =	simm.s32 $0xE100;
	s9 =	rddreg [dreg:$0x17]  }
0x94: {  	[hbm4b:s3+s1] =	stream.linear.scatter [tilespmem:s6], [sflag:$0x3], $0x640, $0x38;
	[tilespmem:$0x1F400] =	vst v63  }
0x95: {  	s3 =	sadd.s32 s7, s9;
	s6 =	simm.s32 $0xE740;
	s9 =	rddreg [dreg:$0x16]  }
0x96: {  	[hbm4b:s3+s1] =	stream.linear.scatter [tilespmem:s6], [sflag:$0x3], $0x640, $0x38;
	[tilespmem:$0x1F400] =	vst v63  }
0x97: {  	s3 =	sadd.s32 s7, s9;
	s6 =	simm.s32 $0xED80;
	s9 =	rddreg [dreg:$0x15]  }
0x98: {  	[hbm4b:s3+s1] =	stream.linear.scatter [tilespmem:s6], [sflag:$0x3], $0x640, $0x38;
	[tilespmem:$0x1F400] =	vst v63  }
0x99: {  	s3 =	sadd.s32 s7, s9;
	s6 =	simm.s32 $0xF3C0;
	s9 =	rddreg [dreg:$0x14]  }
0x9a: {  	[hbm4b:s3+s1] =	stream.linear.scatter [tilespmem:s6], [sflag:$0x3], $0x640, $0x38;
	[tilespmem:$0x1F400] =	vst v63  }
0x9b: {  	s3 =	sadd.s32 s7, s9;
	s6 =	simm.s32 $0xFA00;
	s9 =	rddreg [dreg:$0x13]  }
0x9c: {  	[hbm4b:s3+s1] =	stream.linear.scatter [tilespmem:s6], [sflag:$0x3], $0x640, $0x38;
	[tilespmem:$0x1F400] =	vst v63  }
0x9d: {  	s3 =	sadd.s32 s7, s9;
	s6 =	simm.s32 $0x10040;
	s9 =	rddreg [dreg:$0x12]  }
0x9e: {  	[hbm4b:s3+s1] =	stream.linear.scatter [tilespmem:s6], [sflag:$0x3], $0x640, $0x38;
	[tilespmem:$0x1F400] =	vst v63  }
0x9f: {  	s3 =	sadd.s32 s7, s9;
	s6 =	simm.s32 $0x10680;
	s9 =	rddreg [dreg:$0x11]  }
0xa0: {  	[hbm4b:s3+s1] =	stream.linear.scatter [tilespmem:s6], [sflag:$0x3], $0x640, $0x38;
	[tilespmem:$0x1F400] =	vst v63  }
0xa1: {  	s3 =	sadd.s32 s7, s9;
	s6 =	simm.s32 $0x10CC0;
	s9 =	rddreg [dreg:$0x10]  }
0xa2: {  	[hbm4b:s3+s1] =	stream.linear.scatter [tilespmem:s6], [sflag:$0x3], $0x640, $0x38;
	[tilespmem:$0x1F400] =	vst v63  }
0xa3: {  	s3 =	sadd.s32 s7, s9;
	s6 =	simm.s32 $0x11300;
	s9 =	rddreg [dreg:$0xf]  }
0xa4: {  	[hbm4b:s3+s1] =	stream.linear.scatter [tilespmem:s6], [sflag:$0x3], $0x640, $0x38;
	[tilespmem:$0x1F400] =	vst v63  }
0xa5: {  	s3 =	sadd.s32 s7, s9;
	s6 =	simm.s32 $0x11940;
	s9 =	rddreg [dreg:$0xe]  }
0xa6: {  	[hbm4b:s3+s1] =	stream.linear.scatter [tilespmem:s6], [sflag:$0x3], $0x640, $0x38;
	[tilespmem:$0x1F400] =	vst v63  }
0xa7: {  	s3 =	sadd.s32 s7, s9;
	s6 =	simm.s32 $0x11F80;
	s9 =	rddreg [dreg:$0xd]  }
0xa8: {  	[hbm4b:s3+s1] =	stream.linear.scatter [tilespmem:s6], [sflag:$0x3], $0x640, $0x38;
	[tilespmem:$0x1F400] =	vst v63  }
0xa9: {  	s3 =	sadd.s32 s7, s9;
	s6 =	simm.s32 $0x125C0  }
0xaa: {  	[hbm4b:s3+s1] =	stream.linear.scatter [tilespmem:s6], [sflag:$0x3], $0x640, $0x38;
	[tilespmem:$0x1F400] =	vst v63  }
0xab: {  	_ =	swait.ge [sflag:s4], $0xC800  }
0xac: {  	[sflag:s4] =	ssyncset.done $0x0  }
0xad: {  	s3 =	sadd.s32 $0x1900, s8;
	s6 =	simm.s32 $0x12C00;
	[sflag:s4] =	ssyncadd.s32 $0xFFFF3800  }
0xae: {  	[hbm4b:s3+s1] =	stream.linear.scatter [tilespmem:s6], [sflag:$0x4], $0x640, $0x38;
	[tilespmem:$0x1F400] =	vst v63  }
0xaf: {  	s8 =	sadd.s32 $0x19C8, s8;
	s9 =	rddreg [dreg:$0xc];
	s6 =	simm.s32 $0x13240  }
0xb0: {  	[hbm4b:s8+s1] =	stream.linear.scatter [tilespmem:s6], [sflag:$0x4], $0x640, $0x38;
	[tilespmem:$0x1F400] =	vst v63  }
0xb1: {  	s3 =	sadd.s32 s7, s9;
	s9 =	rddreg [dreg:$0xb];
	s6 =	simm.s32 $0x13880  }
0xb2: {  	[hbm4b:s3+s1] =	stream.linear.scatter [tilespmem:s6], [sflag:$0x4], $0x640, $0x38;
	[tilespmem:$0x1F400] =	vst v63  }
0xb3: {  	s3 =	sadd.s32 s7, s9;
	s6 =	simm.s32 $0x13EC0;
	s9 =	rddreg [dreg:$0xa]  }
0xb4: {  	[hbm4b:s3+s1] =	stream.linear.scatter [tilespmem:s6], [sflag:$0x4], $0x640, $0x38;
	[tilespmem:$0x1F400] =	vst v63  }
0xb5: {  	s3 =	sadd.s32 s7, s9;
	s6 =	simm.s32 $0x14500;
	s9 =	rddreg [dreg:$0x9]  }
0xb6: {  	[hbm4b:s3+s1] =	stream.linear.scatter [tilespmem:s6], [sflag:$0x4], $0x640, $0x38;
	[tilespmem:$0x1F400] =	vst v63  }
0xb7: {  	s3 =	sadd.s32 s7, s9;
	s6 =	simm.s32 $0x14B40;
	s9 =	rddreg [dreg:$0x8]  }
0xb8: {  	[hbm4b:s3+s1] =	stream.linear.scatter [tilespmem:s6], [sflag:$0x4], $0x640, $0x38;
	[tilespmem:$0x1F400] =	vst v63  }
0xb9: {  	s3 =	sadd.s32 s7, s9;
	s6 =	simm.s32 $0x15180;
	s9 =	rddreg [dreg:$0x7]  }
0xba: {  	[hbm4b:s3+s1] =	stream.linear.scatter [tilespmem:s6], [sflag:$0x4], $0x640, $0x38;
	[tilespmem:$0x1F400] =	vst v63  }
0xbb: {  	s3 =	sadd.s32 s7, s9;
	s6 =	simm.s32 $0x157C0;
	s9 =	rddreg [dreg:$0x6]  }
0xbc: {  	[hbm4b:s3+s1] =	stream.linear.scatter [tilespmem:s6], [sflag:$0x4], $0x640, $0x38;
	[tilespmem:$0x1F400] =	vst v63  }
0xbd: {  	s3 =	sadd.s32 s7, s9;
	s6 =	simm.s32 $0x15E00;
	s9 =	rddreg [dreg:$0x5]  }
0xbe: {  	[hbm4b:s3+s1] =	stream.linear.scatter [tilespmem:s6], [sflag:$0x4], $0x640, $0x38;
	[tilespmem:$0x1F400] =	vst v63  }
0xbf: {  	s3 =	sadd.s32 s7, s9;
	s6 =	simm.s32 $0x16440;
	s9 =	rddreg [dreg:$0x4]  }
0xc0: {  	[hbm4b:s3+s1] =	stream.linear.scatter [tilespmem:s6], [sflag:$0x4], $0x640, $0x38;
	[tilespmem:$0x1F400] =	vst v63  }
0xc1: {  	s3 =	sadd.s32 s7, s9;
	s6 =	simm.s32 $0x16A80;
	s9 =	rddreg [dreg:$0x3]  }
0xc2: {  	[hbm4b:s3+s1] =	stream.linear.scatter [tilespmem:s6], [sflag:$0x4], $0x640, $0x38;
	[tilespmem:$0x1F400] =	vst v63  }
0xc3: {  	s6 =	sadd.s32 s7, s9;
	s9 =	simm.s32 $0x170C0  }
0xc4: {  	[hbm4b:s6+s1] =	stream.linear.scatter [tilespmem:s9], [sflag:$0x4], $0x640, $0x38;
	[tilespmem:$0x1F400] =	vst v63  }
0xc5: {  	s6 =	sadd.s32 s7, s31;
	s9 =	simm.s32 $0x17700  }
0xc6: {  	[hbm4b:s6+s1] =	stream.linear.scatter [tilespmem:s9], [sflag:$0x4], $0x640, $0x38;
	[tilespmem:$0x1F400] =	vst v63  }
0xc7: {  	s6 =	sadd.s32 s7, s29;
	s9 =	simm.s32 $0x17D40  }
0xc8: {  	[hbm4b:s6+s1] =	stream.linear.scatter [tilespmem:s9], [sflag:$0x4], $0x640, $0x38;
	[tilespmem:$0x1F400] =	vst v63  }
0xc9: {  	s6 =	sadd.s32 s7, s28;
	s9 =	simm.s32 $0x18380  }
0xca: {  	[hbm4b:s6+s1] =	stream.linear.scatter [tilespmem:s9], [sflag:$0x4], $0x640, $0x38;
	[tilespmem:$0x1F400] =	vst v63  }
0xcb: {  	s6 =	sadd.s32 s7, s26;
	s9 =	simm.s32 $0x189C0  }
0xcc: {  	[hbm4b:s6+s1] =	stream.linear.scatter [tilespmem:s9], [sflag:$0x4], $0x640, $0x38;
	[tilespmem:$0x1F400] =	vst v63  }
0xcd: {  	s6 =	sadd.s32 s7, s25;
	s9 =	simm.s32 $0x19000  }
0xce: {  	[hbm4b:s6+s1] =	stream.linear.scatter [tilespmem:s9], [sflag:$0x4], $0x640, $0x38;
	[tilespmem:$0x1F400] =	vst v63  }
0xcf: {  	s6 =	sadd.s32 s7, s24;
	s9 =	simm.s32 $0x19640  }
0xd0: {  	[hbm4b:s6+s1] =	stream.linear.scatter [tilespmem:s9], [sflag:$0x4], $0x640, $0x38;
	[tilespmem:$0x1F400] =	vst v63  }
0xd1: {  	s6 =	sadd.s32 s7, s23;
	s9 =	simm.s32 $0x19C80  }
0xd2: {  	[hbm4b:s6+s1] =	stream.linear.scatter [tilespmem:s9], [sflag:$0x4], $0x640, $0x38;
	[tilespmem:$0x1F400] =	vst v63  }
0xd3: {  	s6 =	sadd.s32 s7, s22;
	s9 =	simm.s32 $0x1A2C0  }
0xd4: {  	[hbm4b:s6+s1] =	stream.linear.scatter [tilespmem:s9], [sflag:$0x4], $0x640, $0x38;
	[tilespmem:$0x1F400] =	vst v63  }
0xd5: {  	s6 =	sadd.s32 s7, s21;
	s9 =	simm.s32 $0x1A900  }
0xd6: {  	[hbm4b:s6+s1] =	stream.linear.scatter [tilespmem:s9], [sflag:$0x4], $0x640, $0x38;
	[tilespmem:$0x1F400] =	vst v63  }
0xd7: {  	s6 =	sadd.s32 s7, s20;
	s9 =	simm.s32 $0x1AF40  }
0xd8: {  	[hbm4b:s6+s1] =	stream.linear.scatter [tilespmem:s9], [sflag:$0x4], $0x640, $0x38;
	[tilespmem:$0x1F400] =	vst v63  }
0xd9: {  	s6 =	sadd.s32 s7, s19;
	s9 =	simm.s32 $0x1B580  }
0xda: {  	[hbm4b:s6+s1] =	stream.linear.scatter [tilespmem:s9], [sflag:$0x4], $0x640, $0x38;
	[tilespmem:$0x1F400] =	vst v63  }
0xdb: {  	s6 =	sadd.s32 s7, s18;
	s9 =	simm.s32 $0x1BBC0  }
0xdc: {  	[hbm4b:s6+s1] =	stream.linear.scatter [tilespmem:s9], [sflag:$0x4], $0x640, $0x38;
	[tilespmem:$0x1F400] =	vst v63  }
0xdd: {  	s6 =	sadd.s32 s7, s17;
	s9 =	simm.s32 $0x1C200  }
0xde: {  	[hbm4b:s6+s1] =	stream.linear.scatter [tilespmem:s9], [sflag:$0x4], $0x640, $0x38;
	[tilespmem:$0x1F400] =	vst v63  }
0xdf: {  	s6 =	sadd.s32 s7, s16;
	s9 =	simm.s32 $0x1C840  }
0xe0: {  	[hbm4b:s6+s1] =	stream.linear.scatter [tilespmem:s9], [sflag:$0x4], $0x640, $0x38;
	[tilespmem:$0x1F400] =	vst v63  }
0xe1: {  	s6 =	sadd.s32 s7, s15;
	s9 =	simm.s32 $0x1CE80  }
0xe2: {  	[hbm4b:s6+s1] =	stream.linear.scatter [tilespmem:s9], [sflag:$0x4], $0x640, $0x38;
	[tilespmem:$0x1F400] =	vst v63  }
0xe3: {  	s6 =	sadd.s32 s7, s14;
	s9 =	simm.s32 $0x1D4C0  }
0xe4: {  	[hbm4b:s6+s1] =	stream.linear.scatter [tilespmem:s9], [sflag:$0x4], $0x640, $0x38;
	[tilespmem:$0x1F400] =	vst v63  }
0xe5: {  	s6 =	sadd.s32 s7, s13;
	s9 =	simm.s32 $0x1DB00  }
0xe6: {  	[hbm4b:s6+s1] =	stream.linear.scatter [tilespmem:s9], [sflag:$0x4], $0x640, $0x38;
	[tilespmem:$0x1F400] =	vst v63  }
0xe7: {  	s6 =	sadd.s32 s7, s12;
	s9 =	simm.s32 $0x1E140  }
0xe8: {  	[hbm4b:s6+s1] =	stream.linear.scatter [tilespmem:s9], [sflag:$0x4], $0x640, $0x38;
	[tilespmem:$0x1F400] =	vst v63  }
0xe9: {  	p0 =	seq.s32 s7, $0x15E00;
	s6 =	sadd.s32 s7, s11;
	s9 =	simm.s32 $0x1E780  }
0xea: {  	[hbm4b:s6+s1] =	stream.linear.scatter [tilespmem:s9], [sflag:$0x4], $0x640, $0x38;
	[tilespmem:$0x1F400] =	vst v63  }
0xeb: {  	s8 =	simm.s32 @!p0 $0x3;
	s6 =	sadd.s32 s7, s10;
	s9 =	simm.s32 $0x1EDC0  }
0xec: {  	[hbm4b:s6+s1] =	stream.linear.scatter [tilespmem:s9], [sflag:$0x4], $0x640, $0x38;
	[tilespmem:$0x1F400] =	vst v63  }
0xed: {  	_ =	swait.ge @!p0 [sflag:s8], $0x640  }
0xee: {  	[sflag:s8] =	ssyncset.done @!p0 $0x0  }
0xef: {  	[sflag:s8] =	ssyncadd.s32 @!p0 $0xFFFFF9C0  }
0xf0: {  	_ =	swait.ge @!p0 [sflag:s8], $0x640  }
0xf1: {  	[sflag:s8] =	ssyncset.done @!p0 $0x0  }
0xf2: {  	[sflag:s8] =	ssyncadd.s32 @!p0 $0xFFFFF9C0  }
0xf3: {  	_ =	swait.ge @!p0 [sflag:s8], $0x640  }
0xf4: {  	[sflag:s8] =	ssyncset.done @!p0 $0x0  }
0xf5: {  	[sflag:s8] =	ssyncadd.s32 @!p0 $0xFFFFF9C0  }
0xf6: {  	_ =	swait.ge @!p0 [sflag:s8], $0x640  }
0xf7: {  	[sflag:s8] =	ssyncset.done @!p0 $0x0  }
0xf8: {  	[sflag:s8] =	ssyncadd.s32 @!p0 $0xFFFFF9C0  }
0xf9: {  	_ =	swait.ge @!p0 [sflag:s8], $0x640  }
0xfa: {  	[sflag:s8] =	ssyncset.done @!p0 $0x0  }
0xfb: {  	[sflag:s8] =	ssyncadd.s32 @!p0 $0xFFFFF9C0  }
0xfc: {  	_ =	swait.ge @!p0 [sflag:s8], $0x640  }
0xfd: {  	[sflag:s8] =	ssyncset.done @!p0 $0x0  }
0xfe: {  	[sflag:s8] =	ssyncadd.s32 @!p0 $0xFFFFF9C0  }
0xff: {  	_ =	swait.ge @!p0 [sflag:s8], $0x640  }
0x100: {  	[sflag:s8] =	ssyncset.done @!p0 $0x0  }
0x101: {  	[sflag:s8] =	ssyncadd.s32 @!p0 $0xFFFFF9C0  }
0x102: {  	_ =	swait.ge @!p0 [sflag:s8], $0x640  }
0x103: {  	[sflag:s8] =	ssyncset.done @!p0 $0x0  }
0x104: {  	[sflag:s8] =	ssyncadd.s32 @!p0 $0xFFFFF9C0  }
0x105: {  	_ =	swait.ge @!p0 [sflag:s8], $0x640  }
0x106: {  	[sflag:s8] =	ssyncset.done @!p0 $0x0  }
0x107: {  	[sflag:s8] =	ssyncadd.s32 @!p0 $0xFFFFF9C0  }
0x108: {  	_ =	swait.ge @!p0 [sflag:s8], $0x640  }
0x109: {  	[sflag:s8] =	ssyncset.done @!p0 $0x0  }
0x10a: {  	[sflag:s8] =	ssyncadd.s32 @!p0 $0xFFFFF9C0  }
0x10b: {  	_ =	swait.ge @!p0 [sflag:s8], $0x640  }
0x10c: {  	[sflag:s8] =	ssyncset.done @!p0 $0x0  }
0x10d: {  	[sflag:s8] =	ssyncadd.s32 @!p0 $0xFFFFF9C0  }
0x10e: {  	_ =	swait.ge @!p0 [sflag:s8], $0x640  }
0x10f: {  	[sflag:s8] =	ssyncset.done @!p0 $0x0  }
0x110: {  	[sflag:s8] =	ssyncadd.s32 @!p0 $0xFFFFF9C0  }
0x111: {  	_ =	swait.ge @!p0 [sflag:s8], $0x640  }
0x112: {  	[sflag:s8] =	ssyncset.done @!p0 $0x0  }
0x113: {  	[sflag:s8] =	ssyncadd.s32 @!p0 $0xFFFFF9C0  }
0x114: {  	_ =	swait.ge @!p0 [sflag:s8], $0x640  }
0x115: {  	[sflag:s8] =	ssyncset.done @!p0 $0x0  }
0x116: {  	[sflag:s8] =	ssyncadd.s32 @!p0 $0xFFFFF9C0  }
0x117: {  	_ =	swait.ge @!p0 [sflag:s8], $0x640  }
0x118: {  	[sflag:s8] =	ssyncset.done @!p0 $0x0  }
0x119: {  	[sflag:s8] =	ssyncadd.s32 @!p0 $0xFFFFF9C0  }
0x11a: {  	_ =	swait.ge @!p0 [sflag:s8], $0x640  }
0x11b: {  	[sflag:s8] =	ssyncset.done @!p0 $0x0  }
0x11c: {  	[sflag:s8] =	ssyncadd.s32 @!p0 $0xFFFFF9C0  }
0x11d: {  	_ =	swait.ge @!p0 [sflag:s8], $0x640  }
0x11e: {  	[sflag:s8] =	ssyncset.done @!p0 $0x0  }
0x11f: {  	[sflag:s8] =	ssyncadd.s32 @!p0 $0xFFFFF9C0  }
0x120: {  	_ =	swait.ge @!p0 [sflag:s8], $0x640  }
0x121: {  	[sflag:s8] =	ssyncset.done @!p0 $0x0  }
0x122: {  	[sflag:s8] =	ssyncadd.s32 @!p0 $0xFFFFF9C0  }
0x123: {  	_ =	swait.ge @!p0 [sflag:s8], $0x640  }
0x124: {  	[sflag:s8] =	ssyncset.done @!p0 $0x0  }
0x125: {  	[sflag:s8] =	ssyncadd.s32 @!p0 $0xFFFFF9C0  }
0x126: {  	_ =	swait.ge @!p0 [sflag:s8], $0x640  }
0x127: {  	[sflag:s8] =	ssyncset.done @!p0 $0x0  }
0x128: {  	[sflag:s8] =	ssyncadd.s32 @!p0 $0xFFFFF9C0  }
0x129: {  	_ =	swait.ge @!p0 [sflag:s8], $0x640  }
0x12a: {  	[sflag:s8] =	ssyncset.done @!p0 $0x0  }
0x12b: {  	[sflag:s8] =	ssyncadd.s32 @!p0 $0xFFFFF9C0  }
0x12c: {  	_ =	swait.ge @!p0 [sflag:s8], $0x640  }
0x12d: {  	[sflag:s8] =	ssyncset.done @!p0 $0x0  }
0x12e: {  	[sflag:s8] =	ssyncadd.s32 @!p0 $0xFFFFF9C0  }
0x12f: {  	_ =	swait.ge @!p0 [sflag:s8], $0x640  }
0x130: {  	[sflag:s8] =	ssyncset.done @!p0 $0x0  }
0x131: {  	[sflag:s8] =	ssyncadd.s32 @!p0 $0xFFFFF9C0  }
0x132: {  	_ =	swait.ge @!p0 [sflag:s8], $0x640  }
0x133: {  	[sflag:s8] =	ssyncset.done @!p0 $0x0  }
0x134: {  	[sflag:s8] =	ssyncadd.s32 @!p0 $0xFFFFF9C0  }
0x135: {  	_ =	swait.ge @!p0 [sflag:s8], $0x640  }
0x136: {  	[sflag:s8] =	ssyncset.done @!p0 $0x0  }
0x137: {  	[sflag:s8] =	ssyncadd.s32 @!p0 $0xFFFFF9C0  }
0x138: {  	_ =	swait.ge @!p0 [sflag:s8], $0x640  }
0x139: {  	[sflag:s8] =	ssyncset.done @!p0 $0x0  }
0x13a: {  	[sflag:s8] =	ssyncadd.s32 @!p0 $0xFFFFF9C0  }
0x13b: {  	_ =	swait.ge @!p0 [sflag:s8], $0x640  }
0x13c: {  	[sflag:s8] =	ssyncset.done @!p0 $0x0  }
0x13d: {  	[sflag:s8] =	ssyncadd.s32 @!p0 $0xFFFFF9C0  }
0x13e: {  	_ =	swait.ge @!p0 [sflag:s8], $0x640  }
0x13f: {  	[sflag:s8] =	ssyncset.done @!p0 $0x0  }
0x140: {  	[sflag:s8] =	ssyncadd.s32 @!p0 $0xFFFFF9C0  }
0x141: {  	_ =	swait.ge @!p0 [sflag:s8], $0x640  }
0x142: {  	s3 =	smov.u32 s31;
	s31 =	smov.u32 s28;
	[sflag:s8] =	ssyncset.done @!p0 $0x0  }
0x143: {  	s28 =	smov.u32 s25;
	s25 =	smov.u32 s23;
	[sflag:s8] =	ssyncadd.s32 @!p0 $0xFFFFF9C0  }
0x144: {  	s23 =	smov.u32 s21;
	s21 =	smov.u32 s19;
	_ =	swait.ge @!p0 [sflag:s8], $0x640  }
0x145: {  	s19 =	smov.u32 s17;
	s17 =	smov.u32 s15;
	[sflag:s8] =	ssyncset.done @!p0 $0x0  }
0x146: {  	s15 =	smov.u32 s13;
	s13 =	smov.u32 s11;
	[sflag:s8] =	ssyncadd.s32 @!p0 $0xFFFFF9C0  }
0x147: {  	s11 =	simm.s32 @!p0 $0x6400;
	s6 =	smov.u32 s0;
	_ =	swait.ge @!p0 [sflag:s8], $0x640  }
0x148: {  	s0 =	smov.u32 s29;
	s29 =	smov.u32 s26;
	[sflag:s8] =	ssyncset.done @!p0 $0x0  }
0x149: {  	s26 =	smov.u32 s24;
	s24 =	smov.u32 s22;
	[sflag:s8] =	ssyncadd.s32 @!p0 $0xFFFFF9C0  }
0x14a: {  	s22 =	smov.u32 s20;
	s20 =	smov.u32 s18;
	_ =	swait.ge @!p0 [sflag:s8], $0x640  }
0x14b: {  	s18 =	smov.u32 s16;
	s16 =	smov.u32 s14;
	[sflag:s8] =	ssyncset.done @!p0 $0x0  }
0x14c: {  	s14 =	smov.u32 s12;
	[sflag:s8] =	ssyncadd.s32 @!p0 $0xFFFFF9C0;
	s8 =	sshra.s32 @!p0 s7, $0x2  }
0x14d: {  	s12 =	smov.u32 s10;
	s9 =	simm.s32 @!p0 $0x640;
	s10 =	sadd.s32 @!p0 $0xC80, s8  }
0x14e: {  	[tilespmem:s11], [sflag:$0x1] =	stream.indirect.gather @!p0 [hbm4b:s2+s9], $0x20, s10, s9, $0xb8;
	[tilespmem:$0x1F400] =	vst v63  }
0x14f: {  	s10 =	simm.s32 @!p0 $0x4  }
0x150: {  	_ =	swait.ge @!p0 [sflag:s10], $0x640  }
0x151: {  	[sflag:s10] =	ssyncset.done @!p0 $0x0  }
0x152: {  	[sflag:s10] =	ssyncadd.s32 @!p0 $0xFFFFF9C0  }
0x153: {  	_ =	swait.ge @!p0 [sflag:s10], $0x640  }
0x154: {  	[sflag:s10] =	ssyncset.done @!p0 $0x0  }
0x155: {  	[sflag:s10] =	ssyncadd.s32 @!p0 $0xFFFFF9C0  }
0x156: {  	_ =	swait.ge @!p0 [sflag:s10], $0x640  }
0x157: {  	[sflag:s10] =	ssyncset.done @!p0 $0x0  }
0x158: {  	[sflag:s10] =	ssyncadd.s32 @!p0 $0xFFFFF9C0  }
0x159: {  	_ =	swait.ge @!p0 [sflag:s10], $0x640  }
0x15a: {  	[sflag:s10] =	ssyncset.done @!p0 $0x0  }
0x15b: {  	[sflag:s10] =	ssyncadd.s32 @!p0 $0xFFFFF9C0  }
0x15c: {  	_ =	swait.ge @!p0 [sflag:s10], $0x640  }
0x15d: {  	[sflag:s10] =	ssyncset.done @!p0 $0x0  }
0x15e: {  	[sflag:s10] =	ssyncadd.s32 @!p0 $0xFFFFF9C0  }
0x15f: {  	_ =	swait.ge @!p0 [sflag:s10], $0x640  }
0x160: {  	[sflag:s10] =	ssyncset.done @!p0 $0x0  }
0x161: {  	[sflag:s10] =	ssyncadd.s32 @!p0 $0xFFFFF9C0  }
0x162: {  	_ =	swait.ge @!p0 [sflag:s10], $0x640  }
0x163: {  	[sflag:s10] =	ssyncset.done @!p0 $0x0  }
0x164: {  	[sflag:s10] =	ssyncadd.s32 @!p0 $0xFFFFF9C0  }
0x165: {  	_ =	swait.ge @!p0 [sflag:s10], $0x640  }
0x166: {  	[sflag:s10] =	ssyncset.done @!p0 $0x0  }
0x167: {  	[sflag:s10] =	ssyncadd.s32 @!p0 $0xFFFFF9C0  }
0x168: {  	_ =	swait.ge @!p0 [sflag:s10], $0x640  }
0x169: {  	[sflag:s10] =	ssyncset.done @!p0 $0x0  }
0x16a: {  	[sflag:s10] =	ssyncadd.s32 @!p0 $0xFFFFF9C0  }
0x16b: {  	_ =	swait.ge @!p0 [sflag:s10], $0x640  }
0x16c: {  	[sflag:s10] =	ssyncset.done @!p0 $0x0  }
0x16d: {  	[sflag:s10] =	ssyncadd.s32 @!p0 $0xFFFFF9C0  }
0x16e: {  	_ =	swait.ge @!p0 [sflag:s10], $0x640  }
0x16f: {  	[sflag:s10] =	ssyncset.done @!p0 $0x0  }
0x170: {  	[sflag:s10] =	ssyncadd.s32 @!p0 $0xFFFFF9C0  }
0x171: {  	_ =	swait.ge @!p0 [sflag:s10], $0x640  }
0x172: {  	[sflag:s10] =	ssyncset.done @!p0 $0x0  }
0x173: {  	[sflag:s10] =	ssyncadd.s32 @!p0 $0xFFFFF9C0  }
0x174: {  	_ =	swait.ge @!p0 [sflag:s10], $0x640  }
0x175: {  	[sflag:s10] =	ssyncset.done @!p0 $0x0  }
0x176: {  	[sflag:s10] =	ssyncadd.s32 @!p0 $0xFFFFF9C0  }
0x177: {  	_ =	swait.ge @!p0 [sflag:s10], $0x640  }
0x178: {  	[sflag:s10] =	ssyncset.done @!p0 $0x0  }
0x179: {  	[sflag:s10] =	ssyncadd.s32 @!p0 $0xFFFFF9C0  }
0x17a: {  	_ =	swait.ge @!p0 [sflag:s10], $0x640  }
0x17b: {  	[sflag:s10] =	ssyncset.done @!p0 $0x0  }
0x17c: {  	[sflag:s10] =	ssyncadd.s32 @!p0 $0xFFFFF9C0  }
0x17d: {  	_ =	swait.ge @!p0 [sflag:s10], $0x640  }
0x17e: {  	[sflag:s10] =	ssyncset.done @!p0 $0x0  }
0x17f: {  	[sflag:s10] =	ssyncadd.s32 @!p0 $0xFFFFF9C0  }
0x180: {  	_ =	swait.ge @!p0 [sflag:s10], $0x640  }
0x181: {  	[sflag:s10] =	ssyncset.done @!p0 $0x0  }
0x182: {  	[sflag:s10] =	ssyncadd.s32 @!p0 $0xFFFFF9C0  }
0x183: {  	_ =	swait.ge @!p0 [sflag:s10], $0x640  }
0x184: {  	[sflag:s10] =	ssyncset.done @!p0 $0x0  }
0x185: {  	[sflag:s10] =	ssyncadd.s32 @!p0 $0xFFFFF9C0  }
0x186: {  	_ =	swait.ge @!p0 [sflag:s10], $0x640  }
0x187: {  	[sflag:s10] =	ssyncset.done @!p0 $0x0  }
0x188: {  	[sflag:s10] =	ssyncadd.s32 @!p0 $0xFFFFF9C0  }
0x189: {  	_ =	swait.ge @!p0 [sflag:s10], $0x640  }
0x18a: {  	[sflag:s10] =	ssyncset.done @!p0 $0x0  }
0x18b: {  	[sflag:s10] =	ssyncadd.s32 @!p0 $0xFFFFF9C0  }
0x18c: {  	_ =	swait.ge @!p0 [sflag:s10], $0x640  }
0x18d: {  	[sflag:s10] =	ssyncset.done @!p0 $0x0  }
0x18e: {  	[sflag:s10] =	ssyncadd.s32 @!p0 $0xFFFFF9C0  }
0x18f: {  	_ =	swait.ge @!p0 [sflag:s10], $0x640  }
0x190: {  	[sflag:s10] =	ssyncset.done @!p0 $0x0  }
0x191: {  	[sflag:s10] =	ssyncadd.s32 @!p0 $0xFFFFF9C0  }
0x192: {  	_ =	swait.ge @!p0 [sflag:s10], $0x640  }
0x193: {  	[sflag:s10] =	ssyncset.done @!p0 $0x0  }
0x194: {  	[sflag:s10] =	ssyncadd.s32 @!p0 $0xFFFFF9C0  }
0x195: {  	_ =	swait.ge @!p0 [sflag:s10], $0x640  }
0x196: {  	[sflag:s10] =	ssyncset.done @!p0 $0x0  }
0x197: {  	[sflag:s10] =	ssyncadd.s32 @!p0 $0xFFFFF9C0  }
0x198: {  	_ =	swait.ge @!p0 [sflag:s10], $0x640  }
0x199: {  	[sflag:s10] =	ssyncset.done @!p0 $0x0  }
0x19a: {  	[sflag:s10] =	ssyncadd.s32 @!p0 $0xFFFFF9C0  }
0x19b: {  	_ =	swait.ge @!p0 [sflag:s10], $0x640  }
0x19c: {  	[sflag:s10] =	ssyncset.done @!p0 $0x0  }
0x19d: {  	[sflag:s10] =	ssyncadd.s32 @!p0 $0xFFFFF9C0  }
0x19e: {  	_ =	swait.ge @!p0 [sflag:s10], $0x640  }
0x19f: {  	[sflag:s10] =	ssyncset.done @!p0 $0x0  }
0x1a0: {  	[sflag:s10] =	ssyncadd.s32 @!p0 $0xFFFFF9C0  }
0x1a1: {  	_ =	swait.ge @!p0 [sflag:s10], $0x640  }
0x1a2: {  	[sflag:s10] =	ssyncset.done @!p0 $0x0  }
0x1a3: {  	[sflag:s10] =	ssyncadd.s32 @!p0 $0xFFFFF9C0  }
0x1a4: {  	_ =	swait.ge @!p0 [sflag:s10], $0x640  }
0x1a5: {  	[sflag:s10] =	ssyncset.done @!p0 $0x0  }
0x1a6: {  	[sflag:s10] =	ssyncadd.s32 @!p0 $0xFFFFF9C0  }
0x1a7: {  	_ =	swait.ge @!p0 [sflag:s10], $0x640  }
0x1a8: {  	[sflag:s10] =	ssyncset.done @!p0 $0x0  }
0x1a9: {  	[sflag:s10] =	ssyncadd.s32 @!p0 $0xFFFFF9C0  }
0x1aa: {  	s7 =	sadd.s32 @!p0 $0x3200, s7;
	_ =	swait.ge @!p0 [sflag:s10], $0x640  }
0x1ab: {  	s8 =	sadd.s32 @!p0 $0x12C0, s8;
	p1 =	sne.s32 @!p0 s7, $0x19000;
	[sflag:s10] =	ssyncset.done @!p0 $0x0  }
0x1ac: {  	s11 =	smov.u32 s13;
	s13 =	smov.u32 s15;
	[sflag:s10] =	ssyncadd.s32 @!p0 $0xFFFFF9C0  }
0x1ad: {  	s15 =	smov.u32 s17;
	s17 =	smov.u32 s19;
	_ =	swait.ge @!p0 [sflag:s10], $0x640  }
0x1ae: {  	s19 =	smov.u32 s21;
	s21 =	smov.u32 s23;
	[sflag:s10] =	ssyncset.done @!p0 $0x0  }
0x1af: {  	s23 =	smov.u32 s25;
	[sflag:s10] =	ssyncadd.s32 @!p0 $0xFFFFF9C0;
	s10 =	simm.s32 @!p0 $0x12C00  }
0x1b0: {  	[tilespmem:s10], [sflag:$0x2] =	stream.indirect.gather @!p0 [hbm4b:s2+s9], $0x20, s8, s9, $0xb8;
	[tilespmem:$0x1F400] =	vst v63  }
0x1b1: {  	s25 =	smov.u32 s28;
	s28 =	smov.u32 s31;
	p0 =	por p0, !p1  }
.Ltmp0:
0x1b2: {  	s31 =	smov.u32 s3;
	s9 =	simm.s32 $0x1;
	(pc) =	sbr.rel @!p0 .LBB2_2-.Ltmp0, $4  }
0x1b3: {  	s10 =	smov.u32 s12;
	s12 =	smov.u32 s14;
	s14 =	smov.u32 s16  }
0x1b4: {  	s16 =	smov.u32 s18;
	s18 =	smov.u32 s20;
	s20 =	smov.u32 s22  }
0x1b5: {  	s22 =	smov.u32 s24;
	s24 =	smov.u32 s26;
	s26 =	smov.u32 s29  }
0x1b6: {  	s29 =	smov.u32 s0;
	s0 =	smov.u32 s6;
	s6 =	simm.s32 $0x6400  }
0x1b7: {  	s3 =	simm.s32 $0x3  }
0x1b8: {  	_ =	swait.ge [sflag:s3], $0x640  }
0x1b9: {  	[sflag:s3] =	ssyncset.done $0x0  }
0x1ba: {  	[sflag:s3] =	ssyncadd.s32 $0xFFFFF9C0  }
0x1bb: {  	_ =	swait.ge [sflag:s3], $0x640  }
0x1bc: {  	[sflag:s3] =	ssyncset.done $0x0  }
0x1bd: {  	[sflag:s3] =	ssyncadd.s32 $0xFFFFF9C0  }
0x1be: {  	_ =	swait.ge [sflag:s3], $0x640  }
0x1bf: {  	[sflag:s3] =	ssyncset.done $0x0  }
0x1c0: {  	[sflag:s3] =	ssyncadd.s32 $0xFFFFF9C0  }
0x1c1: {  	_ =	swait.ge [sflag:s3], $0x640  }
0x1c2: {  	[sflag:s3] =	ssyncset.done $0x0  }
0x1c3: {  	[sflag:s3] =	ssyncadd.s32 $0xFFFFF9C0  }
0x1c4: {  	_ =	swait.ge [sflag:s3], $0x640  }
0x1c5: {  	[sflag:s3] =	ssyncset.done $0x0  }
0x1c6: {  	[sflag:s3] =	ssyncadd.s32 $0xFFFFF9C0  }
0x1c7: {  	_ =	swait.ge [sflag:s3], $0x640  }
0x1c8: {  	[sflag:s3] =	ssyncset.done $0x0  }
0x1c9: {  	[sflag:s3] =	ssyncadd.s32 $0xFFFFF9C0  }
0x1ca: {  	_ =	swait.ge [sflag:s3], $0x640  }
0x1cb: {  	[sflag:s3] =	ssyncset.done $0x0  }
0x1cc: {  	[sflag:s3] =	ssyncadd.s32 $0xFFFFF9C0  }
0x1cd: {  	_ =	swait.ge [sflag:s3], $0x640  }
0x1ce: {  	[sflag:s3] =	ssyncset.done $0x0  }
0x1cf: {  	[sflag:s3] =	ssyncadd.s32 $0xFFFFF9C0  }
0x1d0: {  	_ =	swait.ge [sflag:s3], $0x640  }
0x1d1: {  	[sflag:s3] =	ssyncset.done $0x0  }
0x1d2: {  	[sflag:s3] =	ssyncadd.s32 $0xFFFFF9C0  }
0x1d3: {  	_ =	swait.ge [sflag:s3], $0x640  }
0x1d4: {  	[sflag:s3] =	ssyncset.done $0x0  }
0x1d5: {  	[sflag:s3] =	ssyncadd.s32 $0xFFFFF9C0  }
0x1d6: {  	_ =	swait.ge [sflag:s3], $0x640  }
0x1d7: {  	[sflag:s3] =	ssyncset.done $0x0  }
0x1d8: {  	[sflag:s3] =	ssyncadd.s32 $0xFFFFF9C0  }
0x1d9: {  	_ =	swait.ge [sflag:s3], $0x640  }
0x1da: {  	[sflag:s3] =	ssyncset.done $0x0  }
0x1db: {  	[sflag:s3] =	ssyncadd.s32 $0xFFFFF9C0  }
0x1dc: {  	_ =	swait.ge [sflag:s3], $0x640  }
0x1dd: {  	[sflag:s3] =	ssyncset.done $0x0  }
0x1de: {  	[sflag:s3] =	ssyncadd.s32 $0xFFFFF9C0  }
0x1df: {  	_ =	swait.ge [sflag:s3], $0x640  }
0x1e0: {  	[sflag:s3] =	ssyncset.done $0x0  }
0x1e1: {  	[sflag:s3] =	ssyncadd.s32 $0xFFFFF9C0  }
0x1e2: {  	_ =	swait.ge [sflag:s3], $0x640  }
0x1e3: {  	[sflag:s3] =	ssyncset.done $0x0  }
0x1e4: {  	[sflag:s3] =	ssyncadd.s32 $0xFFFFF9C0  }
0x1e5: {  	_ =	swait.ge [sflag:s3], $0x640  }
0x1e6: {  	[sflag:s3] =	ssyncset.done $0x0  }
0x1e7: {  	[sflag:s3] =	ssyncadd.s32 $0xFFFFF9C0  }
0x1e8: {  	_ =	swait.ge [sflag:s3], $0x640  }
0x1e9: {  	[sflag:s3] =	ssyncset.done $0x0  }
0x1ea: {  	[sflag:s3] =	ssyncadd.s32 $0xFFFFF9C0  }
0x1eb: {  	_ =	swait.ge [sflag:s3], $0x640  }
0x1ec: {  	[sflag:s3] =	ssyncset.done $0x0  }
0x1ed: {  	[sflag:s3] =	ssyncadd.s32 $0xFFFFF9C0  }
0x1ee: {  	_ =	swait.ge [sflag:s3], $0x640  }
0x1ef: {  	[sflag:s3] =	ssyncset.done $0x0  }
0x1f0: {  	[sflag:s3] =	ssyncadd.s32 $0xFFFFF9C0  }
0x1f1: {  	_ =	swait.ge [sflag:s3], $0x640  }
0x1f2: {  	[sflag:s3] =	ssyncset.done $0x0  }
0x1f3: {  	[sflag:s3] =	ssyncadd.s32 $0xFFFFF9C0  }
0x1f4: {  	_ =	swait.ge [sflag:s3], $0x640  }
0x1f5: {  	[sflag:s3] =	ssyncset.done $0x0  }
0x1f6: {  	[sflag:s3] =	ssyncadd.s32 $0xFFFFF9C0  }
0x1f7: {  	_ =	swait.ge [sflag:s3], $0x640  }
0x1f8: {  	[sflag:s3] =	ssyncset.done $0x0  }
0x1f9: {  	[sflag:s3] =	ssyncadd.s32 $0xFFFFF9C0  }
0x1fa: {  	_ =	swait.ge [sflag:s3], $0x640  }
0x1fb: {  	[sflag:s3] =	ssyncset.done $0x0  }
0x1fc: {  	[sflag:s3] =	ssyncadd.s32 $0xFFFFF9C0  }
0x1fd: {  	_ =	swait.ge [sflag:s3], $0x640  }
0x1fe: {  	[sflag:s3] =	ssyncset.done $0x0  }
0x1ff: {  	[sflag:s3] =	ssyncadd.s32 $0xFFFFF9C0  }
0x200: {  	_ =	swait.ge [sflag:s3], $0x640  }
0x201: {  	[sflag:s3] =	ssyncset.done $0x0  }
0x202: {  	[sflag:s3] =	ssyncadd.s32 $0xFFFFF9C0  }
0x203: {  	_ =	swait.ge [sflag:s3], $0x640  }
0x204: {  	[sflag:s3] =	ssyncset.done $0x0  }
0x205: {  	[sflag:s3] =	ssyncadd.s32 $0xFFFFF9C0  }
0x206: {  	_ =	swait.ge [sflag:s3], $0x640  }
0x207: {  	[sflag:s3] =	ssyncset.done $0x0  }
0x208: {  	[sflag:s3] =	ssyncadd.s32 $0xFFFFF9C0  }
0x209: {  	_ =	swait.ge [sflag:s3], $0x640  }
0x20a: {  	[sflag:s3] =	ssyncset.done $0x0  }
0x20b: {  	[sflag:s3] =	ssyncadd.s32 $0xFFFFF9C0  }
0x20c: {  	_ =	swait.ge [sflag:s3], $0x640  }
0x20d: {  	[sflag:s3] =	ssyncset.done $0x0  }
0x20e: {  	[sflag:s3] =	ssyncadd.s32 $0xFFFFF9C0  }
0x20f: {  	_ =	swait.ge [sflag:s3], $0x640  }
0x210: {  	[sflag:s3] =	ssyncset.done $0x0  }
0x211: {  	[sflag:s3] =	ssyncadd.s32 $0xFFFFF9C0  }
0x212: {  	_ =	swait.ge [sflag:s3], $0x640  }
0x213: {  	[sflag:s3] =	ssyncset.done $0x0  }
0x214: {  	[sflag:s3] =	ssyncadd.s32 $0xFFFFF9C0  }
0x215: {  	_ =	swait.ge [sflag:s3], $0x640  }
0x216: {  	[sflag:s3] =	ssyncset.done $0x0  }
0x217: {  	s4 =	simm.s32 $0x4;
	[sflag:s3] =	ssyncadd.s32 $0xFFFFF9C0  }
0x218: {  	_ =	swait.ge [sflag:s4], $0x640  }
0x219: {  	[sflag:s4] =	ssyncset.done $0x0  }
0x21a: {  	[sflag:s4] =	ssyncadd.s32 $0xFFFFF9C0  }
0x21b: {  	_ =	swait.ge [sflag:s4], $0x640  }
0x21c: {  	[sflag:s4] =	ssyncset.done $0x0  }
0x21d: {  	[sflag:s4] =	ssyncadd.s32 $0xFFFFF9C0  }
0x21e: {  	_ =	swait.ge [sflag:s4], $0x640  }
0x21f: {  	[sflag:s4] =	ssyncset.done $0x0  }
0x220: {  	[sflag:s4] =	ssyncadd.s32 $0xFFFFF9C0  }
0x221: {  	_ =	swait.ge [sflag:s4], $0x640  }
0x222: {  	[sflag:s4] =	ssyncset.done $0x0  }
0x223: {  	[sflag:s4] =	ssyncadd.s32 $0xFFFFF9C0  }
0x224: {  	_ =	swait.ge [sflag:s4], $0x640  }
0x225: {  	[sflag:s4] =	ssyncset.done $0x0  }
0x226: {  	[sflag:s4] =	ssyncadd.s32 $0xFFFFF9C0  }
0x227: {  	_ =	swait.ge [sflag:s4], $0x640  }
0x228: {  	[sflag:s4] =	ssyncset.done $0x0  }
0x229: {  	[sflag:s4] =	ssyncadd.s32 $0xFFFFF9C0  }
0x22a: {  	_ =	swait.ge [sflag:s4], $0x640  }
0x22b: {  	[sflag:s4] =	ssyncset.done $0x0  }
0x22c: {  	[sflag:s4] =	ssyncadd.s32 $0xFFFFF9C0  }
0x22d: {  	_ =	swait.ge [sflag:s4], $0x640  }
0x22e: {  	[sflag:s4] =	ssyncset.done $0x0  }
0x22f: {  	[sflag:s4] =	ssyncadd.s32 $0xFFFFF9C0  }
0x230: {  	_ =	swait.ge [sflag:s4], $0x640  }
0x231: {  	[sflag:s4] =	ssyncset.done $0x0  }
0x232: {  	[sflag:s4] =	ssyncadd.s32 $0xFFFFF9C0  }
0x233: {  	_ =	swait.ge [sflag:s4], $0x640  }
0x234: {  	[sflag:s4] =	ssyncset.done $0x0  }
0x235: {  	[sflag:s4] =	ssyncadd.s32 $0xFFFFF9C0  }
0x236: {  	_ =	swait.ge [sflag:s4], $0x640  }
0x237: {  	[sflag:s4] =	ssyncset.done $0x0  }
0x238: {  	[sflag:s4] =	ssyncadd.s32 $0xFFFFF9C0  }
0x239: {  	_ =	swait.ge [sflag:s4], $0x640  }
0x23a: {  	[sflag:s4] =	ssyncset.done $0x0  }
0x23b: {  	[sflag:s4] =	ssyncadd.s32 $0xFFFFF9C0  }
0x23c: {  	_ =	swait.ge [sflag:s4], $0x640  }
0x23d: {  	[sflag:s4] =	ssyncset.done $0x0  }
0x23e: {  	[sflag:s4] =	ssyncadd.s32 $0xFFFFF9C0  }
0x23f: {  	_ =	swait.ge [sflag:s4], $0x640  }
0x240: {  	[sflag:s4] =	ssyncset.done $0x0  }
0x241: {  	[sflag:s4] =	ssyncadd.s32 $0xFFFFF9C0  }
0x242: {  	_ =	swait.ge [sflag:s4], $0x640  }
0x243: {  	[sflag:s4] =	ssyncset.done $0x0  }
0x244: {  	[sflag:s4] =	ssyncadd.s32 $0xFFFFF9C0  }
0x245: {  	_ =	swait.ge [sflag:s4], $0x640  }
0x246: {  	[sflag:s4] =	ssyncset.done $0x0  }
0x247: {  	[sflag:s4] =	ssyncadd.s32 $0xFFFFF9C0  }
0x248: {  	_ =	swait.ge [sflag:s4], $0x640  }
0x249: {  	[sflag:s4] =	ssyncset.done $0x0  }
0x24a: {  	[sflag:s4] =	ssyncadd.s32 $0xFFFFF9C0  }
0x24b: {  	_ =	swait.ge [sflag:s4], $0x640  }
0x24c: {  	[sflag:s4] =	ssyncset.done $0x0  }
0x24d: {  	[sflag:s4] =	ssyncadd.s32 $0xFFFFF9C0  }
0x24e: {  	_ =	swait.ge [sflag:s4], $0x640  }
0x24f: {  	[sflag:s4] =	ssyncset.done $0x0  }
0x250: {  	[sflag:s4] =	ssyncadd.s32 $0xFFFFF9C0  }
0x251: {  	_ =	swait.ge [sflag:s4], $0x640  }
0x252: {  	[sflag:s4] =	ssyncset.done $0x0  }
0x253: {  	[sflag:s4] =	ssyncadd.s32 $0xFFFFF9C0  }
0x254: {  	_ =	swait.ge [sflag:s4], $0x640  }
0x255: {  	[sflag:s4] =	ssyncset.done $0x0  }
0x256: {  	[sflag:s4] =	ssyncadd.s32 $0xFFFFF9C0  }
0x257: {  	_ =	swait.ge [sflag:s4], $0x640  }
0x258: {  	[sflag:s4] =	ssyncset.done $0x0  }
0x259: {  	[sflag:s4] =	ssyncadd.s32 $0xFFFFF9C0  }
0x25a: {  	_ =	swait.ge [sflag:s4], $0x640  }
0x25b: {  	[sflag:s4] =	ssyncset.done $0x0  }
0x25c: {  	[sflag:s4] =	ssyncadd.s32 $0xFFFFF9C0  }
0x25d: {  	_ =	swait.ge [sflag:s4], $0x640  }
0x25e: {  	[sflag:s4] =	ssyncset.done $0x0  }
0x25f: {  	[sflag:s4] =	ssyncadd.s32 $0xFFFFF9C0  }
0x260: {  	_ =	swait.ge [sflag:s4], $0x640  }
0x261: {  	[sflag:s4] =	ssyncset.done $0x0  }
0x262: {  	[sflag:s4] =	ssyncadd.s32 $0xFFFFF9C0  }
0x263: {  	_ =	swait.ge [sflag:s4], $0x640  }
0x264: {  	[sflag:s4] =	ssyncset.done $0x0  }
0x265: {  	[sflag:s4] =	ssyncadd.s32 $0xFFFFF9C0  }
0x266: {  	_ =	swait.ge [sflag:s4], $0x640  }
0x267: {  	[sflag:s4] =	ssyncset.done $0x0  }
0x268: {  	[sflag:s4] =	ssyncadd.s32 $0xFFFFF9C0  }
0x269: {  	_ =	swait.ge [sflag:s4], $0x640  }
0x26a: {  	[sflag:s4] =	ssyncset.done $0x0  }
0x26b: {  	[sflag:s4] =	ssyncadd.s32 $0xFFFFF9C0  }
0x26c: {  	_ =	swait.ge [sflag:s4], $0x640  }
0x26d: {  	[sflag:s4] =	ssyncset.done $0x0  }
0x26e: {  	[sflag:s4] =	ssyncadd.s32 $0xFFFFF9C0  }
0x26f: {  	_ =	swait.ge [sflag:s4], $0x640  }
0x270: {  	[sflag:s4] =	ssyncset.done $0x0  }
0x271: {  	[sflag:s4] =	ssyncadd.s32 $0xFFFFF9C0  }
0x272: {  	_ =	swait.ge [sflag:s4], $0x640  }
0x273: {  	[sflag:s4] =	ssyncset.done $0x0  }
0x274: {  	[sflag:s4] =	ssyncadd.s32 $0xFFFFF9C0  }
0x275: {  	_ =	swait.ge [sflag:s4], $0x640  }
0x276: {  	s7 =	sld [smem:$0x7F1]  }
0x277: {  	s8 =	sld [smem:$0x7FD];
	_ =	sdelay $0x1  }
0x278: {  	s7 =	sadd.s32 $0x1, s7  }
0x279: {  	p0 =	sne.s32 s7, s8  }
.Ltmp1:
0x27a: {  	_ = 	snop;
	(pc) =	sbr.rel @p0 .LBB2_1-.Ltmp1, $3  }
0x27b: {  	_ =	sdelay $0x1  }
0x27c: {  	[sflag:s4] =	ssyncset.done $0x0  }
0x27d: {  	s5 =	simm.s32 $0x12C00;
	[sflag:s4] =	ssyncadd.s32 $0xFFFFF9C0  }
0x27e: {  	_ =	sfence.sel $0x180000  }
0x27f: {  	[bflag:$0x0] =	sbarrier.arrive $0xFFFF  }
0x280: {  	_ =	strace $0x90000047  }
0x281: {  	s0 =	stileid.u32;
	[bflag:$0x2] =	sbarrier.arrive $0xFFFF  }
0x282: {  	p0 =	sne.s32 s0, $0x0;
	s0 =	rddreg [dreg:$0x2]  }
0x283: {  	s0 =	sadd.s32 @!p0 $0x100000, s0  }
0x284: {  	[sflag:s0] =	ssyncadd.tile.s32 @!p0 $0x1;
	_ =	shalt  }
.Lfunc_end2:
_tile_overlayer_lowered:
.L_overlay_start_2:
0x285: {  	(tag) =	ssettag $0x2  }
0x286: {  	s0 =	rddreg [dreg:$0x0];
	s2 =	stileid.u32  }
0x287: {  	s1 =	rddreg [dreg:$0x1];
	p0 =	sne.s32 s2, $0x0  }
0x288: {  	s3 =	rddreg [dreg:$0x2];
	[bflag:$0x3] =	sbarrier.arrive $0xFFFF;
	s2 =	simm.s32 @!p0 $0x1C05  }
0x289: {  	[timem:s3], [sflag:s2] =	dma.local @!p0 [hbm:s0], s1  }
0x28a: {  	s0 =	simm.s32 @!p0 $0x5  }
0x28b: {  	_ =	swait.ge @!p0 [sflag:s0], s1  }
0x28c: {  	s1 =	ssub.s32 @!p0 $0x0, s1;
	[sflag:s0] =	ssyncset.done @!p0 $0x0  }
0x28d: {  	[sflag:s0] =	ssyncadd.s32 @!p0 s1  }
0x28e: {  	[bflag:$0x3] =	sbarrier.arrive $0xFFFF  }
0x28f: {  	_ =	shalt  }

// kernel: sparse-core-data-format-call.cloned.1.call-start
scs
called_computation_lowered:
.L_overlay_start_0:
0x0: {  	s2 =	sld [smem:$0x3FD9]  }
0x1: {  	s3 =	sld [smem:$0x3FFE];
	_ =	sdelay $0x1  }
0x2: {  	s1 =	srdreg.scid  }
0x3: {  	s0 =	sand.u32 $0x1, s1  }
0x4: {  	s18 =	sshll.u32 s0, $0xA;
	s2 =	sadd.s32 s3, s2  }
0x5: {  	s2 =	sadd.s32 s2, s18  }
0x6: {  	[smem:$0x3FC6] =	sst s2  }
0x7: {  	_ = 	snop  }
0x8: {  	s2 =	sld [smem:$0x3FD0];
	(tm) =	ssettm $0x1  }
0x9: {  	s19 =	sld [smem:$0x3FFB];
	_ =	sdelay $0x3  }
0xa: {  	_ =	strace s19  }
0xb: {  	s3 =	sld [smem:$0x3FFC];
	_ =	sdelay $0x3  }
0xc: {  	_ =	strace s3  }
0xd: {  	s3 =	sld [smem:$0x3FFD];
	_ =	sdelay $0x3  }
0xe: {  	_ =	strace s3  }
0xf: {  	_ =	strace $0x8FFFFFFF  }
0x10: {  	s20 =	sld [smem:$0x3FDB];
	_ =	sdelay $0x1  }
0x11: {  	s4 =	simm.s32 $_scs_section_size  }
0x12: {  	s5 =	simm.s32 $_size__tile_overlayer_lowered;
	s6 =	simm.s32 $_tile_overlayer_lowered  }
0x13: {  	s23 =	simm.s32 $0x1BFF;
	s22 =	sshll.u32 s6, $0x1;
	s3 =	sadd.s32 s4, s20  }
0x14: {  	s7 =	simm.s32 $0x0;
	s21 =	sshll.u32 s5, $0x1;
	s5 =	sadd.s32 s22, s3  }
0x15: {  	[timem:s7], [sflag:s23] =	dma.local [hbm:s5], s21  }
0x16: {  	_ =	swait.ge [sflag:s23], s21  }
0x17: {  	s4 =	ssub.s32 $0x0, s21;
	[sflag:s23] =	ssyncset.done $0x0  }
0x18: {  	[sflag:s23] =	ssyncadd.s32 s4;
	_ =	sdelay $0x1  }
0x19: {  	s24 =	simm.s32 $0x1B8B  }
0x1a: {  	_ =	swait.ge [sflag:s24], $0x1  }
0x1b: {  	[sflag:s24] =	ssyncset.done $0x0  }
0x1c: {  	s26 =	simm.s32 $0x1B8E;
	s25 =	sld [smem:$0x3FFE];
	[sflag:s24] =	ssyncadd.s32 $0xFFFFFFFF  }
0x1d: {  	s27 =	simm.s32 $execute0_lowered;
	[smem:$0x3FD2] =	sst s26  }
0x1e: {  	s5 =	sshll.u32 s27, $0x1;
	_ =	strace $0x80000049;
	[dreg:$0x1] =	wrdreg $0xFFFFFFFF  }
0x1f: {  	s28 =	simm.s32 $_size_execute0_lowered;
	s3 =	sadd.s32 s3, s5;
	[dreg:$0x0] =	wrdreg $0x0  }
0x20: {  	s5 =	sshll.u32 s28, $0x1;
	[dreg:$0x2] =	wrdreg s3  }
0x21: {  	[dreg:$0x3] =	wrdreg s5  }
0x22: {  	[dreg:$0x4] =	wrdreg $0xC0  }
0x23: {  	_ =	task [dreg:s7], $0x5FFFF  }
0x24: {  	[dreg:$0x1] =	wrdreg $0xFFFFFFFF  }
0x25: {  	[dreg:$0x0] =	wrdreg $0x60  }
0x26: {  	[dreg:$0x2] =	wrdreg s25  }
0x27: {  	[dreg:$0x3] =	wrdreg s2  }
0x28: {  	[dreg:$0x4] =	wrdreg $0x9  }
0x29: {  	_ =	task.clear_ibuf [dreg:s7], $0x5FFFF;
	_ =	strace $0x90000049  }
0x2a: {  	s29 =	simm.s32 $0x9;
	_ =	strace $0x8000004B  }
0x2b: {  	_ =	swait.ge [sflag:s29], $0x1  }
0x2c: {  	[sflag:s29] =	ssyncadd.s32 $0xFFFFFFFF  }
0x2d: {  	_ =	strace $0x9000004B  }
0x2e: {  	_ =	sfence  }
0x2f: {  	s30 =	sld [smem:$0x0];
	_ =	sdelay $0x2  }
0x30: {  	s31 =	sshll.u32 s1, $0xD;
	s1 =	sshrl.u32 s1, $0x2  }
0x31: {  	s3 =	sand.u32 $0x4000, s31;
	s1 =	sadd.s32 s1, s30  }
0x32: {  	s0 =	sor.u32 s3, s0;
	s1 =	sshll.u32 s1, $0x11  }
0x33: {  	s0 =	sor.u32 s1, s0  }
0x34: {  	s0 =	sadd.s32 $0x8F2B, s0  }
0x35: {  	[sflag:s0] =	ssyncadd.remote.s32 $0x1  }
0x36: {  	_ =	sfence.sel $0xFFFF  }
0x37: {  	[dreg:$0x0] =	wrdreg $0xFFFFFFFF;
	(pc) =	sbr.abs _section_cstart, $3  }
0x38: {  	[dreg:$0x1] =	wrdreg $0xFFFFFFFF  }
0x39: {  	_ =	task.clear_ibuf [dreg:s7], $0x2FFFF;
	_ =	strace $0x9FFFFFFF  }
0x3a: {  	(tm) =	ssettm $0x7FFFFFFF  }
0x3b: {  	_ =	shalt  }
tec
execute0_lowered:
.L_overlay_start_1:
0x0: {  	(tag) =	ssettag $0x1  }
0x1: {  	s0 =	srdreg.scid  }
0x2: {  	s1 =	sshll.u32 s0, $0x4  }
0x3: {  	s0 =	stileid.u32;
	s1 =	sand.u32 $0x10, s1  }
0x4: {  	s1 =	sor.u32 s0, s1  }
0x5: {  	s6 =	rddreg [dreg:$0x0];
	s4 =	simm.s32 $0x1;
	s2 =	sshll.u32 s1, $0x7  }
0x6: {  	s7 =	simm.s32 $0x2;
	s12 =	simm.s32 $0x0;
	s1 =	ssub.s32 $0x4000, s2  }
0x7: {  	s8 =	simm.s32 $0x20000;
	s13 =	simm.s32 $0x0;
	s3 =	sand.u32 $0xF80, s1  }
0x8: {  	s9 =	simm.s32 $0x0;
	s5 =	sshrl.u32 s1, $0xC;
	p0 =	sne.s32 s3, $0x0  }
.Ltmp0:
0x9: {  	s1 =	rddreg [dreg:$0x2];
	s4 =	simm.s32 @!p0 $0x0;
	(pc) =	sbr.rel .LBB1_1-.Ltmp0, $4  }
0xa: {  	s11 =	simm.s32 $0x0;
	s3 =	rddreg [dreg:$0x1];
	s5 =	sadd.s32 s4, s5  }
0xb: {  	_ =	strace $0x8000004A;
	s4 =	simm.s32 $0x1;
	s5 =	smul.u32 $0x32, s5  }
0xc: {  	s6 =	sadd.s32 $0xA00, s6;
	s10 =	smov.u32 s2;
	[sflag:s4] =	ssyncpa.u1 $0x0  }
0xd: {  	p0 =	por $0x0, $0x0;
	[sflag:s7] =	ssyncpa.u1 $0x0;
	s7 =	sor.u32 $0x1, s5  }
.LBB1_4:
0xe: {  	s16 =	sshll.u32 s13, $0x3;
	s17 =	sand.u32 $0x78, s13  }
0xf: {  	s30 =	sand.u32 $0xF800, s13;
	s12 =	sshll.u32 s12, $0x10;
	s16 =	sand.u32 $0x3C00, s16  }
0x10: {  	s31 =	sand.u32 $0x7, s13;
	s16 =	sor.u32 s17, s16;
	s17 =	sadd.s32 s3, s30  }
0x11: {  	s13 =	sshll.u32 s31, $0x12;
	s16 =	sshrl.u32 s16, $0x3;
	s12 =	sadd.s32 s12, s17  }
0x12: {  	[tilespmem:s15+$0x0 ss:$0x81] =	vst.msk $0xffff, v0;
	s13 =	sor.u32 $0x400, s13;
	s12 =	sadd.s32 s16, s12  }
0x13: {  	[hbm4b:s12+s13] =	stream.strided.scatter [tilespmem:s14], [sflag:$0x2], $0x1000, s8, s13, $0x20;
	[tilespmem:$0x4040] =	vst v63  }
.LBB1_5:
0x14: {  	s14 =	sadd.s32 $0x1, s9  }
0x15: {  	s12 =	sadd.s32 $0x1000, s10;
	s16 =	smov.u32 s10;
	p2 =	sgt.s32 s14, $0x31  }
0x16: {  	s16 =	smov.u32 @p2 s12  }
0x17: {  	s14 =	simm.s32 @p2 $0x0;
	p2 =	sgt.s32 s16, $0x3FFF  }
0x18: {  	s16 =	smov.u32 @p2 s2;
	p2 =	sne.s32 s11, s7  }
.Ltmp1:
0x19: {  	p1 =	slt.u32 s11, $0x2;
	(pc) =	sbr.rel @!p2 .LBB1_6-.Ltmp1, $4  }
0x1a: {  	s15 =	simm.s32 @!p1 $0x2  }
0x1b: {  	s13 =	smov.u32 s10;
	p0 =	por !p0, !p0;
	_ =	swait.ge @!p1 [sflag:s15], $0x1000  }
0x1c: {  	s12 =	smov.u32 s9;
	[sflag:s15] =	ssyncset.done @!p1 $0x0;
	s9 =	smov.u32 s14  }
0x1d: {  	s11 =	sadd.s32 $0x1, s11;
	[sflag:s15] =	ssyncadd.s32 @!p1 $0xFFFFF000;
	s10 =	smov.u32 s16  }
.LBB1_1:
0x1e: {  	p1 =	sge.u32 s11, s5  }
0x1f: {  	s14 =	sand.u32 @!p1 $0x1FFFFFF, s9  }
0x20: {  	s15 =	smulhi.u32 @!p1 $0x4924925, s14;
	_ =	sdelay $0x1  }
0x21: {  	s15 =	smul.u32 @!p1 $0x38, s15  }
0x22: {  	s16 =	sxor.u32 @!p1 $0xFFFFFFFF, s11;
	s17 =	smul.u32 @!p1 $0x380, s10  }
0x23: {  	s31 =	sadd.s32 $0xFFFFFFFF, s11;
	s16 =	sshll.u32 @!p1 s16, $0xC;
	s14 =	ssub.s32 @!p1 s14, s15  }
0x24: {  	s15 =	sand.u32 @!p1 $0x1000, s16;
	s16 =	sadd.s32 @!p1 s6, s17;
	s14 =	sshll.u32 @!p1 s14, $0x4  }
0x25: {  	s17 =	simm.s32 @!p1 $0x1C00;
	s14 =	sadd.s32 @!p1 s14, s16;
	s16 =	simm.s32 @!p1 $0x20  }
0x26: {  	[tilespmem:s15], [sflag:$0x1] =	stream.strided.gather @!p1 [hbm4b:s14+s16], $0x1000, s17, s16, $0x38;
	[tilespmem:$0x4040] =	vst v63  }
0x27: {  	p1 =	sge.u32 s31, s5  }
.Ltmp2:
0x28: {  	_ = 	snop;
	(pc) =	sbr.rel @p1 .LBB1_5-.Ltmp2, $1  }
0x29: {  	_ =	sdelay $0x3  }
0x2a: {  	s14 =	simm.s32 $0x1  }
0x2b: {  	_ =	swait.ge [sflag:s4], $0x1000;
	s14 =	simm.s32 @!p0 $0x0  }
0x2c: {  	[sflag:s4] =	ssyncset.done $0x0;
	s15 =	sshll.u32 s14, $0xC  }
0x2d: {  	[sflag:s4] =	ssyncadd.s32 $0xFFFFF000;
	s18 =	sor.u32 $0x10, s15  }
0x2e: {  	s14 =	smul.u32 $0x4080, s14;
	v1 =	vld [tilespmem:s18+$0x0]  }
0x2f: {  	s30 =	sand.u32 $0x1, s11;
	v0 =	vld [tilespmem:s18+$0xFFFFFFF0]  }
0x30: {  	s15 =	smul.u32 $0x4080, s30;
	s14 =	sshrl.u32 s14, $0x2  }
0x31: {  	s16 =	sor.u32 $0x2000, s14  }
0x32: {  	s31 =	sshrl.u32 s15, $0x2;
	s15 =	sadd.s32 $0x0, s16  }
0x33: {  	s17 =	simm.s32 $0x4;
	s18 =	sadd.s32 $0x20, s18;
	s14 =	sor.u32 $0x2000, s31;
	[tilespmem:s15+$0x810 ss:$0x81] =	vst.msk $0xffff, v1  }
.LBB1_3:
0x34: {  	v1 =	vld [tilespmem:s18+$0x0];
	p1 =	sne.s32 s17, $0x1FC;
	[tilespmem:s15+$0x0 ss:$0x81] =	vst.msk $0xffff, v0;
	s15 =	smov.u32 s17;
	s17 =	sadd.s32 $0x4, s17  }
.Ltmp3:
0x35: {  	v0 =	vld [tilespmem:s18+$0xFFFFFFF0];
	(pc) =	sbr.rel @p1 .LBB1_3-.Ltmp3, $4  }
0x36: {  	_ = 	snop  }
0x37: {  	s15 =	sshra.s32 s15, $0x2  }
0x38: {  	s15 =	sadd.s32 s15, s16  }
0x39: {  	s18 =	sadd.s32 $0x20, s18;
	[tilespmem:s15+$0x810 ss:$0x81] =	vst.msk $0xffff, v1  }
.Ltmp4:
0x3a: {  	_ = 	snop;
	(pc) =	sbr.rel .LBB1_4-.Ltmp4, $1  }
0x3b: {  	_ =	sdelay $0x3  }
.LBB1_6:
0x3c: {  	_ =	sfence.sel $0x180000  }
0x3d: {  	s2 =	simm.s32 $0x1;
	[bflag:$0x0] =	sbarrier.arrive $0xFFFF  }
0x3e: {  	s31 =	simm.s32 $0x2;
	[sflag:s2] =	ssyncpa.u1 $0x1  }
0x3f: {  	[sflag:s31] =	ssyncpa.u1 $0x1  }
0x40: {  	p0 =	sne.s32 s0, $0x0;
	_ =	strace $0x9000004A  }
0x41: {  	s0 =	sadd.s32 @!p0 $0x100000, s1;
	[bflag:$0x2] =	sbarrier.arrive $0xFFFF  }
0x42: {  	[sflag:s0] =	ssyncadd.tile.s32 @!p0 $0x1;
	_ =	shalt  }
.Lfunc_end1:
_tile_overlayer_lowered:
.L_overlay_start_2:
0x43: {  	(tag) =	ssettag $0x2  }
0x44: {  	s0 =	rddreg [dreg:$0x0];
	s2 =	stileid.u32  }
0x45: {  	s1 =	rddreg [dreg:$0x1];
	p0 =	sne.s32 s2, $0x0  }
0x46: {  	s3 =	rddreg [dreg:$0x2];
	[bflag:$0x3] =	sbarrier.arrive $0xFFFF;
	s2 =	simm.s32 @!p0 $0x1C01  }
0x47: {  	[timem:s3], [sflag:s2] =	dma.local @!p0 [hbm:s0], s1  }
0x48: {  	s0 =	simm.s32 @!p0 $0x1  }
0x49: {  	_ =	swait.ge @!p0 [sflag:s0], s1  }
0x4a: {  	s1 =	ssub.s32 @!p0 $0x0, s1;
	[sflag:s0] =	ssyncset.done @!p0 $0x0  }
0x4b: {  	[sflag:s0] =	ssyncadd.s32 @!p0 s1  }
0x4c: {  	[bflag:$0x3] =	sbarrier.arrive $0xFFFF  }
0x4d: {  	_ =	shalt  }

</sc_bundles>
